<compile_context>
chip_gen: v7x
topology: tpu7x:2x2x1
jax: 0.10.2.dev20260603
libtpu: 0.0.44.dev20260713+nightly
codegen_flags: <defaults>
</compile_context>

<pallas_src>
import jax
import jax.numpy as jnp
from jax import lax
from jax.experimental import pallas as pl
from jax.experimental.pallas import tpu as pltpu
from jax.experimental.pallas import tpu_sc as plsc

_N = 320000
_D = 128
_K = 1000
_KP = 1008
_MARGIN = 0.0
_L = 16
_NC = 2
_NS = 16
_NW = _NC * _NS
_RPW = _N // _NW
_R = 80
_NCHUNK = _RPW // _R


def _lane_rotate(x, k):
    idx = (lax.iota(jnp.int32, _L) + k) & (_L - 1)
    dnums = lax.GatherDimensionNumbers(
        offset_dims=(), collapsed_slice_dims=(0,), start_index_map=(0,))
    return lax.gather(x, idx[:, None], dnums, slice_sizes=(1,),
                      mode=lax.GatherScatterMode.PROMISE_IN_BOUNDS)


def _rsqrt_vec(x):
    i = lax.bitcast_convert_type(x, jnp.int32)
    i = jnp.int32(0x5F3759DF) - lax.shift_right_arithmetic(i, 1)
    y = lax.bitcast_convert_type(i, jnp.float32)
    xh = jnp.float32(0.5) * x
    for _ in range(2):
        y = y * (jnp.float32(1.5) - xh * y * y)
    return y


def _norm_row(buf, r):
    vs = [buf[r, pl.ds(k * _L, _L)] for k in range(_D // _L)]
    sq = [v * v for v in vs]
    while len(sq) > 1:
        sq = [sq[j] + sq[j + 1] for j in range(0, len(sq), 2)]
    t = sq[0]
    for sh in (8, 4, 2, 1):
        t = t + _lane_rotate(t, sh)
    scale = _rsqrt_vec(t)
    for k, v in enumerate(vs):
        buf[r, pl.ds(k * _L, _L)] = v * scale


def _sc_body(f1, f2, lab, zrow,
             o1, o2, oc,
             acc1, acc2, accc,
             b1a, b2a, laba, b1b, b2b, labb, b1c, b2c, labc,
             b1d, b2d, labd, onev, cbuf,
             sem_la, sem_lb, sem_lc, sem_ld,
             sem_sa, sem_sb, sem_sc, sem_sd):
    c = lax.axis_index("c")
    s = lax.axis_index("s")
    wid = s * _NC + c
    base = wid * _RPW

    ones16 = jnp.full((_L,), 1.0, jnp.float32)
    zeros16 = jnp.zeros((_L,), jnp.float32)

    @pl.loop(0, _R)
    def _(r):
        onev[r, :] = ones16

    @pl.when(s == 0)
    def _():
        pltpu.sync_copy(zrow, acc1)

    @pl.when(s == 1)
    def _():
        pltpu.sync_copy(zrow, acc2)

    @pl.when(s == 2)
    def _():
        @pl.loop(0, _K)
        def _(r):
            cbuf[r, :] = zeros16
        pltpu.sync_copy(cbuf, accc)

    plsc.subcore_barrier()

    def start_loads(j, bb1, bb2, lb, sem):
        row0 = base + j * _R
        pltpu.make_async_copy(f1.at[pl.ds(row0, _R)], bb1, sem).start()
        pltpu.make_async_copy(f2.at[pl.ds(row0, _R)], bb2, sem).start()
        pltpu.make_async_copy(lab.at[pl.ds(row0, _R)], lb, sem).start()

    def wait_loads(j, bb1, bb2, lb, sem):
        row0 = base + j * _R
        pltpu.make_async_copy(f1.at[pl.ds(row0, _R)], bb1, sem).wait()
        pltpu.make_async_copy(f2.at[pl.ds(row0, _R)], bb2, sem).wait()
        pltpu.make_async_copy(lab.at[pl.ds(row0, _R)], lb, sem).wait()

    def start_scatters(bb1, bb2, lb, sem):
        pltpu.async_copy(bb1, acc1.at[lb], sem, add=True)
        pltpu.async_copy(bb2, acc2.at[lb], sem, add=True)
        pltpu.async_copy(onev, accc.at[lb], sem, add=True)

    def wait_scatters(bb1, bb2, lb, sem):
        pltpu.make_async_copy(bb1, acc1.at[lb], sem).wait()
        pltpu.make_async_copy(bb2, acc2.at[lb], sem).wait()
        pltpu.make_async_copy(onev, accc.at[lb], sem).wait()

    def normalize(bb1, bb2):
        @plsc.parallel_loop(0, _R, unroll=2)
        def _(r):
            _norm_row(bb1, r)
            _norm_row(bb2, r)

    bufs = [
        (b1a, b2a, laba, sem_la, sem_sa),
        (b1b, b2b, labb, sem_lb, sem_sb),
        (b1c, b2c, labc, sem_lc, sem_sc),
        (b1d, b2d, labd, sem_ld, sem_sd),
    ]

    def process(j, cur, tgt):
        cb1, cb2, clb, csl, css = cur
        tb1, tb2, tlb, tsl, tss = tgt

        @pl.when(j > 1)
        def _():
            wait_scatters(tb1, tb2, tlb, tss)

        @pl.when(j + 2 < _NCHUNK)
        def _():
            start_loads(j + 2, tb1, tb2, tlb, tsl)

        wait_loads(j, cb1, cb2, clb, csl)
        normalize(cb1, cb2)
        start_scatters(cb1, cb2, clb, css)

    start_loads(0, b1a, b2a, laba, sem_la)
    start_loads(1, b1b, b2b, labb, sem_lb)

    @pl.loop(0, _NCHUNK - 1, step=4)
    def _(j):
        process(j, bufs[0], bufs[2])
        process(j + 1, bufs[1], bufs[3])
        process(j + 2, bufs[2], bufs[0])
        process(j + 3, bufs[3], bufs[1])

    process(jnp.int32(_NCHUNK - 1), bufs[0], bufs[2])
    wait_scatters(b1d, b2d, labd, sem_sd)
    wait_scatters(b1a, b2a, laba, sem_sa)

    plsc.subcore_barrier()

    @pl.when(s == 0)
    def _():
        pltpu.sync_copy(acc1, o1.at[c])

    @pl.when(s == 1)
    def _():
        pltpu.sync_copy(acc2, o2.at[c])

    @pl.when(s == 2)
    def _():
        pltpu.sync_copy(accc, cbuf)
        for blk in range(13):
            rows0 = blk * _R
            size = _R if blk < 12 else _K - 12 * _R

            @pl.loop(0, size)
            def _(r):
                b1c[r, pl.ds(0, _L)] = cbuf[rows0 + r, :]

            pltpu.sync_copy(b1c.at[pl.ds(0, size)],
                            oc.at[c, pl.ds(rows0, size)])


_sc_accumulate = pl.kernel(
    _sc_body,
    out_type=(
        jax.ShapeDtypeStruct((_NC, _K, _D), jnp.float32),
        jax.ShapeDtypeStruct((_NC, _K, _D), jnp.float32),
        jax.ShapeDtypeStruct((_NC, _K, _D), jnp.float32),
    ),
    mesh=plsc.VectorSubcoreMesh(
        core_axis_name="c", subcore_axis_name="s",
        num_cores=_NC, num_subcores=_NS,
    ),
    scratch_types=[
        pltpu.VMEM_SHARED((_K, _D), jnp.float32),
        pltpu.VMEM_SHARED((_K, _D), jnp.float32),
        pltpu.VMEM_SHARED((_K, _L), jnp.float32),
        pltpu.VMEM((_R, _D), jnp.float32),
        pltpu.VMEM((_R, _D), jnp.float32),
        pltpu.VMEM((_R,), jnp.int32),
        pltpu.VMEM((_R, _D), jnp.float32),
        pltpu.VMEM((_R, _D), jnp.float32),
        pltpu.VMEM((_R,), jnp.int32),
        pltpu.VMEM((_R, _D), jnp.float32),
        pltpu.VMEM((_R, _D), jnp.float32),
        pltpu.VMEM((_R,), jnp.int32),
        pltpu.VMEM((_R, _D), jnp.float32),
        pltpu.VMEM((_R, _D), jnp.float32),
        pltpu.VMEM((_R,), jnp.int32),
        pltpu.VMEM((_R, _L), jnp.float32),
        pltpu.VMEM((_K, _L), jnp.float32),
        pltpu.SemaphoreType.DMA,
        pltpu.SemaphoreType.DMA,
        pltpu.SemaphoreType.DMA,
        pltpu.SemaphoreType.DMA,
        pltpu.SemaphoreType.DMA,
        pltpu.SemaphoreType.DMA,
        pltpu.SemaphoreType.DMA,
        pltpu.SemaphoreType.DMA,
    ],
    compiler_params=pltpu.CompilerParams(use_tc_tiling_on_sc=False),
)


def _tc_reduce_body(p1_ref, p2_ref, cc_ref, out_ref):
    s1 = p1_ref[0] + p1_ref[1]
    s2 = p2_ref[0] + p2_ref[1]
    cnt = cc_ref[0, :, 0:1] + cc_ref[1, :, 0:1]
    diff = s1 - s2
    d = jnp.sum(diff * diff, axis=1, keepdims=True)
    safe = jnp.where(cnt > 0, cnt, jnp.float32(1.0))
    per = d / (safe * safe)
    val = jnp.where(cnt > 0, jnp.maximum(per - jnp.float32(_MARGIN), 0.0), 0.0)
    out_ref[0, 0] = jnp.sum(val)


_tc_reduce = pl.pallas_call(
    _tc_reduce_body,
    out_shape=jax.ShapeDtypeStruct((1, 1), jnp.float32),
    in_specs=[
        pl.BlockSpec(memory_space=pltpu.VMEM),
        pl.BlockSpec(memory_space=pltpu.VMEM),
        pl.BlockSpec(memory_space=pltpu.VMEM),
    ],
    out_specs=pl.BlockSpec(memory_space=pltpu.SMEM),
)


def kernel(feat1, feat2, label1):
    lab = label1.astype(jnp.int32)
    zrow = jnp.zeros((_K, _D), jnp.float32)
    o1, o2, oc = _sc_accumulate(feat1, feat2, lab, zrow)
    out = _tc_reduce(o1, o2, oc)
    return out.reshape(())

# --- scband reference (transcript-rebuilt; emitter-appended) ---
"""Pipeline reference for scband-cluster-loss-two-view-91276644974681 (READ-ONLY COPY).

The authoritative reference and input builder live on the scoring server;
editing this copy changes nothing except your own understanding.
"""

import jax, jax.numpy as jnp
import numpy as np

N = 320000
D = 128
NUM_CLASSES = 1000
MARGIN = 0.0


def setup_inputs(seed: int = 0) -> dict:
    key = jax.random.key(seed)
    k1, k2, k3 = jax.random.split(key, 3)
    feat1 = jax.random.normal(k1, (N, D), dtype=jnp.float32)
    feat2 = jax.random.normal(k2, (N, D), dtype=jnp.float32)
    label1 = jax.random.randint(k3, (N,), 0, NUM_CLASSES)
    return {"feat1": feat1, "feat2": feat2, "label1": label1}


def _normalize(x, power=2):
    # norm = x.pow(power).sum(1, keepdim=True).pow(1/power); out = x / norm
    norm = jnp.power(jnp.sum(jnp.power(x, power), axis=1, keepdims=True), 1.0 / power)
    return x / norm


def reference(feat1, feat2, label1):
    f1 = _normalize(feat1)
    f2 = _normalize(feat2)
    # label_unique = label1.unique(); group rows by class and take per-class means
    K = NUM_CLASSES
    ones = jnp.ones((f1.shape[0], 1), dtype=f1.dtype)
    cnt = jax.ops.segment_sum(ones, label1, num_segments=K)
    present = cnt > 0
    safe_cnt = jnp.where(present, cnt, jnp.ones_like(cnt))
    center1 = jax.ops.segment_sum(f1, label1, num_segments=K) / safe_cnt
    center2 = jax.ops.segment_sum(f2, label1, num_segments=K) / safe_cnt
    # MSELoss(reduction='sum') between per-class centers, hinged at margin, summed
    per_class = jnp.sum((center1 - center2) ** 2, axis=1)
    hinged = jnp.maximum(0.0, per_class - MARGIN)
    dist = jnp.sum(jnp.where(present[:, 0], hinged, jnp.zeros_like(hinged)))
    return dist

if __name__ == "__main__":
    import jax
    _d = setup_inputs()
    print(jax.jit(kernel)(*tuple(_d.values())))

</pallas_src>

<mosaic_0001>
#map = affine_map<(d0, d1) -> (0, 0)>
#map1 = affine_map<(d0, d1) -> (0)>
#map2 = affine_map<(d0, d1) -> (0, 0, 0)>
module attributes {stable_mosaic.version = 14 : i64} {
  func.func @_sc_body(%arg0: i32, %arg1: i32, %arg2: memref<320000x128xf32, #tpu.memory_space<hbm>>, %arg3: memref<320000x128xf32, #tpu.memory_space<hbm>>, %arg4: memref<320000xi32, #tpu.memory_space<hbm>>, %arg5: memref<1000x128xf32, #tpu.memory_space<hbm>>, %arg6: memref<2x1000x128xf32, #tpu.memory_space<hbm>>, %arg7: memref<2x1000x128xf32, #tpu.memory_space<hbm>>, %arg8: memref<2x1000x128xf32, #tpu.memory_space<hbm>>, %arg9: memref<1000x128xf32, #tpu.memory_space<vmem_shared>>, %arg10: memref<1000x128xf32, #tpu.memory_space<vmem_shared>>, %arg11: memref<1000x16xf32, #tpu.memory_space<vmem_shared>>, %arg12: memref<80x128xf32, #tpu.memory_space<vmem>>, %arg13: memref<80x128xf32, #tpu.memory_space<vmem>>, %arg14: memref<80xi32, #tpu.memory_space<vmem>>, %arg15: memref<80x128xf32, #tpu.memory_space<vmem>>, %arg16: memref<80x128xf32, #tpu.memory_space<vmem>>, %arg17: memref<80xi32, #tpu.memory_space<vmem>>, %arg18: memref<80x128xf32, #tpu.memory_space<vmem>>, %arg19: memref<80x128xf32, #tpu.memory_space<vmem>>, %arg20: memref<80xi32, #tpu.memory_space<vmem>>, %arg21: memref<80x128xf32, #tpu.memory_space<vmem>>, %arg22: memref<80x128xf32, #tpu.memory_space<vmem>>, %arg23: memref<80xi32, #tpu.memory_space<vmem>>, %arg24: memref<80x16xf32, #tpu.memory_space<vmem>>, %arg25: memref<1000x16xf32, #tpu.memory_space<vmem>>, %arg26: memref<!tpu.dma_semaphore, #tpu.memory_space<semaphore_mem>>, %arg27: memref<!tpu.dma_semaphore, #tpu.memory_space<semaphore_mem>>, %arg28: memref<!tpu.dma_semaphore, #tpu.memory_space<semaphore_mem>>, %arg29: memref<!tpu.dma_semaphore, #tpu.memory_space<semaphore_mem>>, %arg30: memref<!tpu.dma_semaphore, #tpu.memory_space<semaphore_mem>>, %arg31: memref<!tpu.dma_semaphore, #tpu.memory_space<semaphore_mem>>, %arg32: memref<!tpu.dma_semaphore, #tpu.memory_space<semaphore_mem>>, %arg33: memref<!tpu.dma_semaphore, #tpu.memory_space<semaphore_mem>>) attributes {dimension_semantics = [#tpu.dimension_semantics<core_parallel>, #tpu.dimension_semantics<subcore_parallel>], iteration_bounds = array<i64: 2, 16>, scalar_prefetch = 0 : i64, scratch_operands = 25 : i64, tpu.core_type = #tpu.core_type<sc_vector_subcore>, window_params = [{transform_indices = #map}, {transform_indices = #map}, {transform_indices = #map1}, {transform_indices = #map}, {transform_indices = #map2}, {transform_indices = #map2}, {transform_indices = #map2}]} {
    %mul3A = arith.constant 2 : i32
    %mul3A_0 = arith.muli %arg1, %mul3A : i32
    %add3A = arith.addi %mul3A_0, %arg0 : i32
    %mul3A_1 = arith.constant 10000 : i32
    %mul3A_2 = arith.muli %add3A, %mul3A_1 : i32
    %broadcast_in_dim3A = arith.constant 1.000000e+00 : f32
    %broadcast_in_dim3A_3 = vector.broadcast %broadcast_in_dim3A : f32 to vector<16xf32>
    %broadcast_in_dim3A_4 = arith.constant 0.000000e+00 : f32
    %broadcast_in_dim3A_5 = vector.broadcast %broadcast_in_dim3A_4 : f32 to vector<16xf32>
    %scan3A = arith.constant 0 : i32
    %scan3A_6 = arith.constant 80 : i32
    %scan3A_7 = arith.addi %scan3A, %scan3A_6 : i32
    %scan3A_8 = arith.constant 1 : i32
    scf.for %scan3A_121 = %scan3A to %scan3A_7 step %scan3A_8  : i32 {
      %mul3A_122 = arith.constant 1 : i32
      %mul3A_123 = arith.muli %scan3A_121, %mul3A_122 : i32
      %add3A_124 = arith.constant 0 : i32
      %add3A_125 = arith.addi %add3A_124, %mul3A_123 : i32
      %swap3A = arith.index_cast %add3A_125 : i32 to index
      %swap3A_126 = arith.constant 0 : index
      %swap3A_127 = tpu.vector_load %arg24[%swap3A, %swap3A_126] {strides = array<i32>} : memref<80x16xf32, #tpu.memory_space<vmem>>, vector<1x16xf32>,
      %swap3A_128 = vector.shape_cast %swap3A_127 : vector<1x16xf32> to vector<16xf32>
      %swap3A_129 = vector.shape_cast %broadcast_in_dim3A_3 : vector<16xf32> to vector<1x16xf32>
      tpu.vector_store %arg24[%swap3A, %swap3A_126], %swap3A_129 {strides = array<i32>} : memref<80x16xf32, #tpu.memory_space<vmem>>, vector<1x16xf32>,
    }
    %scan3A_9 = arith.constant 80 : i32
    %eq3A = arith.constant 0 : i32
    %eq3A_10 = arith.cmpi eq, %arg1, %eq3A : i32
    %convert_element_type3A = arith.extui %eq3A_10 : i1 to i32
    %cond3A = arith.constant 0 : i32
    %cond3A_11 = arith.cmpi ne, %convert_element_type3A, %cond3A : i32
    scf.if %cond3A_11 {
      "tpu.region"() ({
        %run_scoped3A = tpu.sem_alloc : memref<!tpu.dma_semaphore, #tpu.memory_space<semaphore_mem>>
        tpu.enqueue_dma source(%arg5 : memref<1000x128xf32, #tpu.memory_space<hbm>>) target(%arg9 : memref<1000x128xf32, #tpu.memory_space<vmem_shared>>) target_semaphore(%run_scoped3A : memref<!tpu.dma_semaphore, #tpu.memory_space<semaphore_mem>>)
        tpu.wait_dma2 semaphore(%run_scoped3A : memref<!tpu.dma_semaphore, #tpu.memory_space<semaphore_mem>>) src(%arg5 : memref<1000x128xf32, #tpu.memory_space<hbm>>) dst(%arg9 : memref<1000x128xf32, #tpu.memory_space<vmem_shared>>)
        tpu.yield
      }) : () -> ()
    } else {
    }
    %eq3A_12 = arith.constant 1 : i32
    %eq3A_13 = arith.cmpi eq, %arg1, %eq3A_12 : i32
    %convert_element_type3A_14 = arith.extui %eq3A_13 : i1 to i32
    %cond3A_15 = arith.constant 0 : i32
    %cond3A_16 = arith.cmpi ne, %convert_element_type3A_14, %cond3A_15 : i32
    scf.if %cond3A_16 {
      "tpu.region"() ({
        %run_scoped3A = tpu.sem_alloc : memref<!tpu.dma_semaphore, #tpu.memory_space<semaphore_mem>>
        tpu.enqueue_dma source(%arg5 : memref<1000x128xf32, #tpu.memory_space<hbm>>) target(%arg10 : memref<1000x128xf32, #tpu.memory_space<vmem_shared>>) target_semaphore(%run_scoped3A : memref<!tpu.dma_semaphore, #tpu.memory_space<semaphore_mem>>)
        tpu.wait_dma2 semaphore(%run_scoped3A : memref<!tpu.dma_semaphore, #tpu.memory_space<semaphore_mem>>) src(%arg5 : memref<1000x128xf32, #tpu.memory_space<hbm>>) dst(%arg10 : memref<1000x128xf32, #tpu.memory_space<vmem_shared>>)
        tpu.yield
      }) : () -> ()
    } else {
    }
    %eq3A_17 = arith.constant 2 : i32
    %eq3A_18 = arith.cmpi eq, %arg1, %eq3A_17 : i32
    %convert_element_type3A_19 = arith.extui %eq3A_18 : i1 to i32
    %cond3A_20 = arith.constant 0 : i32
    %cond3A_21 = arith.cmpi ne, %convert_element_type3A_19, %cond3A_20 : i32
    scf.if %cond3A_21 {
      %scan3A_121 = arith.constant 0 : i32
      %scan3A_122 = arith.constant 1000 : i32
      %scan3A_123 = arith.addi %scan3A_121, %scan3A_122 : i32
      %scan3A_124 = arith.constant 1 : i32
      scf.for %scan3A_126 = %scan3A_121 to %scan3A_123 step %scan3A_124  : i32 {
        %mul3A_127 = arith.constant 1 : i32
        %mul3A_128 = arith.muli %scan3A_126, %mul3A_127 : i32
        %add3A_129 = arith.constant 0 : i32
        %add3A_130 = arith.addi %add3A_129, %mul3A_128 : i32
        %swap3A = arith.index_cast %add3A_130 : i32 to index
        %swap3A_131 = arith.constant 0 : index
        %swap3A_132 = tpu.vector_load %arg25[%swap3A, %swap3A_131] {strides = array<i32>} : memref<1000x16xf32, #tpu.memory_space<vmem>>, vector<1x16xf32>,
        %swap3A_133 = vector.shape_cast %swap3A_132 : vector<1x16xf32> to vector<16xf32>
        %swap3A_134 = vector.shape_cast %broadcast_in_dim3A_5 : vector<16xf32> to vector<1x16xf32>
        tpu.vector_store %arg25[%swap3A, %swap3A_131], %swap3A_134 {strides = array<i32>} : memref<1000x16xf32, #tpu.memory_space<vmem>>, vector<1x16xf32>,
      }
      %scan3A_125 = arith.constant 1000 : i32
      "tpu.region"() ({
        %run_scoped3A = tpu.sem_alloc : memref<!tpu.dma_semaphore, #tpu.memory_space<semaphore_mem>>
        tpu.enqueue_dma source(%arg25 : memref<1000x16xf32, #tpu.memory_space<vmem>>) target(%arg11 : memref<1000x16xf32, #tpu.memory_space<vmem_shared>>) target_semaphore(%run_scoped3A : memref<!tpu.dma_semaphore, #tpu.memory_space<semaphore_mem>>)
        tpu.wait_dma2 semaphore(%run_scoped3A : memref<!tpu.dma_semaphore, #tpu.memory_space<semaphore_mem>>) src(%arg25 : memref<1000x16xf32, #tpu.memory_space<vmem>>) dst(%arg11 : memref<1000x16xf32, #tpu.memory_space<vmem_shared>>)
        tpu.yield
      }) : () -> ()
    } else {
    }
    %barrier3A = arith.constant 0 : index
    tpu.barrier barrier_id(%barrier3A)
    %add3A_22 = arith.constant 0 : i32
    %add3A_23 = arith.addi %mul3A_2, %add3A_22 : i32
    %dma_start3A = arith.constant 0 : i32
    %dma_start3A_24 = tpu.memref_slice %arg2[%add3A_23, %dma_start3A] : memref<320000x128xf32, #tpu.memory_space<hbm>> -> memref<80x128xf32, #tpu.memory_space<hbm>>
    %dma_start3A_25 = arith.constant 0 : i32
    %dma_start3A_26 = tpu.memref_slice %arg2[%add3A_23, %dma_start3A_25] : memref<320000x128xf32, #tpu.memory_space<hbm>> -> memref<80x128xf32, #tpu.memory_space<hbm>>
    tpu.enqueue_dma source(%dma_start3A_26 : memref<80x128xf32, #tpu.memory_space<hbm>>) target(%arg12 : memref<80x128xf32, #tpu.memory_space<vmem>>) target_semaphore(%arg26 : memref<!tpu.dma_semaphore, #tpu.memory_space<semaphore_mem>>)
    %dma_start3A_27 = arith.constant 0 : i32
    %dma_start3A_28 = tpu.memref_slice %arg3[%add3A_23, %dma_start3A_27] : memref<320000x128xf32, #tpu.memory_space<hbm>> -> memref<80x128xf32, #tpu.memory_space<hbm>>
    %dma_start3A_29 = arith.constant 0 : i32
    %dma_start3A_30 = tpu.memref_slice %arg3[%add3A_23, %dma_start3A_29] : memref<320000x128xf32, #tpu.memory_space<hbm>> -> memref<80x128xf32, #tpu.memory_space<hbm>>
    tpu.enqueue_dma source(%dma_start3A_30 : memref<80x128xf32, #tpu.memory_space<hbm>>) target(%arg13 : memref<80x128xf32, #tpu.memory_space<vmem>>) target_semaphore(%arg26 : memref<!tpu.dma_semaphore, #tpu.memory_space<semaphore_mem>>)
    %dma_start3A_31 = tpu.memref_slice %arg4[%add3A_23] : memref<320000xi32, #tpu.memory_space<hbm>> -> memref<80xi32, #tpu.memory_space<hbm>>
    %dma_start3A_32 = tpu.memref_slice %arg4[%add3A_23] : memref<320000xi32, #tpu.memory_space<hbm>> -> memref<80xi32, #tpu.memory_space<hbm>>
    tpu.enqueue_dma source(%dma_start3A_32 : memref<80xi32, #tpu.memory_space<hbm>>) target(%arg14 : memref<80xi32, #tpu.memory_space<vmem>>) target_semaphore(%arg26 : memref<!tpu.dma_semaphore, #tpu.memory_space<semaphore_mem>>)
    %add3A_33 = arith.constant 80 : i32
    %add3A_34 = arith.addi %mul3A_2, %add3A_33 : i32
    %dma_start3A_35 = arith.constant 0 : i32
    %dma_start3A_36 = tpu.memref_slice %arg2[%add3A_34, %dma_start3A_35] : memref<320000x128xf32, #tpu.memory_space<hbm>> -> memref<80x128xf32, #tpu.memory_space<hbm>>
    %dma_start3A_37 = arith.constant 0 : i32
    %dma_start3A_38 = tpu.memref_slice %arg2[%add3A_34, %dma_start3A_37] : memref<320000x128xf32, #tpu.memory_space<hbm>> -> memref<80x128xf32, #tpu.memory_space<hbm>>
    tpu.enqueue_dma source(%dma_start3A_38 : memref<80x128xf32, #tpu.memory_space<hbm>>) target(%arg15 : memref<80x128xf32, #tpu.memory_space<vmem>>) target_semaphore(%arg27 : memref<!tpu.dma_semaphore, #tpu.memory_space<semaphore_mem>>)
    %dma_start3A_39 = arith.constant 0 : i32
    %dma_start3A_40 = tpu.memref_slice %arg3[%add3A_34, %dma_start3A_39] : memref<320000x128xf32, #tpu.memory_space<hbm>> -> memref<80x128xf32, #tpu.memory_space<hbm>>
    %dma_start3A_41 = arith.constant 0 : i32
    %dma_start3A_42 = tpu.memref_slice %arg3[%add3A_34, %dma_start3A_41] : memref<320000x128xf32, #tpu.memory_space<hbm>> -> memref<80x128xf32, #tpu.memory_space<hbm>>
    tpu.enqueue_dma source(%dma_start3A_42 : memref<80x128xf32, #tpu.memory_space<hbm>>) target(%arg16 : memref<80x128xf32, #tpu.memory_space<vmem>>) target_semaphore(%arg27 : memref<!tpu.dma_semaphore, #tpu.memory_space<semaphore_mem>>)
    %dma_start3A_43 = tpu.memref_slice %arg4[%add3A_34] : memref<320000xi32, #tpu.memory_space<hbm>> -> memref<80xi32, #tpu.memory_space<hbm>>
    %dma_start3A_44 = tpu.memref_slice %arg4[%add3A_34] : memref<320000xi32, #tpu.memory_space<hbm>> -> memref<80xi32, #tpu.memory_space<hbm>>
    tpu.enqueue_dma source(%dma_start3A_44 : memref<80xi32, #tpu.memory_space<hbm>>) target(%arg17 : memref<80xi32, #tpu.memory_space<vmem>>) target_semaphore(%arg27 : memref<!tpu.dma_semaphore, #tpu.memory_space<semaphore_mem>>)
    %scan3A_45 = arith.constant 0 : i32
    %scan3A_46 = arith.constant 31 : i32
    %scan3A_47 = arith.addi %scan3A_45, %scan3A_46 : i32
    %scan3A_48 = arith.constant 1 : i32
    scf.for %scan3A_121 = %scan3A_45 to %scan3A_47 step %scan3A_48  : i32 {
      %mul3A_122 = arith.constant 4 : i32
      %mul3A_123 = arith.muli %scan3A_121, %mul3A_122 : i32
      %add3A_124 = arith.constant 0 : i32
      %add3A_125 = arith.addi %add3A_124, %mul3A_123 : i32
      %gt3A_126 = arith.constant 1 : i32
      %gt3A_127 = arith.cmpi sgt, %add3A_125, %gt3A_126 : i32
      %convert_element_type3A_128 = arith.extui %gt3A_127 : i1 to i32
      %cond3A_129 = arith.constant 0 : i32
      %cond3A_130 = arith.cmpi ne, %convert_element_type3A_128, %cond3A_129 : i32
      scf.if %cond3A_130 {
        %dma_wait3A_280 = arith.constant 0 : i32
        %dma_wait3A_281 = arith.constant 0 : i32
        %dma_wait3A_282 = tpu.memref_slice %arg9[%dma_wait3A_280, %dma_wait3A_281] : memref<1000x128xf32, #tpu.memory_space<vmem_shared>> -> memref<1000x128xf32, #tpu.memory_space<vmem_shared>>
        tpu.wait_indirect_dma semaphore(%arg32 : memref<!tpu.dma_semaphore, #tpu.memory_space<semaphore_mem>>) src(%arg18 : memref<80x128xf32, #tpu.memory_space<vmem>>) dst(%dma_wait3A_282 : memref<1000x128xf32, #tpu.memory_space<vmem_shared>>)
        %dma_wait3A_283 = arith.constant 0 : i32
        %dma_wait3A_284 = arith.constant 0 : i32
        %dma_wait3A_285 = tpu.memref_slice %arg10[%dma_wait3A_283, %dma_wait3A_284] : memref<1000x128xf32, #tpu.memory_space<vmem_shared>> -> memref<1000x128xf32, #tpu.memory_space<vmem_shared>>
        tpu.wait_indirect_dma semaphore(%arg32 : memref<!tpu.dma_semaphore, #tpu.memory_space<semaphore_mem>>) src(%arg19 : memref<80x128xf32, #tpu.memory_space<vmem>>) dst(%dma_wait3A_285 : memref<1000x128xf32, #tpu.memory_space<vmem_shared>>)
        %dma_wait3A_286 = arith.constant 0 : i32
        %dma_wait3A_287 = arith.constant 0 : i32
        %dma_wait3A_288 = tpu.memref_slice %arg11[%dma_wait3A_286, %dma_wait3A_287] : memref<1000x16xf32, #tpu.memory_space<vmem_shared>> -> memref<1000x16xf32, #tpu.memory_space<vmem_shared>>
        tpu.wait_indirect_dma semaphore(%arg32 : memref<!tpu.dma_semaphore, #tpu.memory_space<semaphore_mem>>) src(%arg24 : memref<80x16xf32, #tpu.memory_space<vmem>>) dst(%dma_wait3A_288 : memref<1000x16xf32, #tpu.memory_space<vmem_shared>>)
      } else {
      }
      %add3A_131 = arith.constant 2 : i32
      %add3A_132 = arith.addi %add3A_125, %add3A_131 : i32
      %lt3A_133 = arith.constant 125 : i32
      %lt3A_134 = arith.cmpi slt, %add3A_132, %lt3A_133 : i32
      %convert_element_type3A_135 = arith.extui %lt3A_134 : i1 to i32
      %cond3A_136 = arith.constant 0 : i32
      %cond3A_137 = arith.cmpi ne, %convert_element_type3A_135, %cond3A_136 : i32
      scf.if %cond3A_137 {
        %add3A_280 = arith.constant 2 : i32
        %add3A_281 = arith.addi %add3A_125, %add3A_280 : i32
        %mul3A_282 = arith.constant 80 : i32
        %mul3A_283 = arith.muli %add3A_281, %mul3A_282 : i32
        %add3A_284 = arith.addi %mul3A_2, %mul3A_283 : i32
        %dma_start3A_285 = arith.constant 0 : i32
        %dma_start3A_286 = tpu.memref_slice %arg2[%add3A_284, %dma_start3A_285] : memref<320000x128xf32, #tpu.memory_space<hbm>> -> memref<80x128xf32, #tpu.memory_space<hbm>>
        %dma_start3A_287 = arith.constant 0 : i32
        %dma_start3A_288 = tpu.memref_slice %arg2[%add3A_284, %dma_start3A_287] : memref<320000x128xf32, #tpu.memory_space<hbm>> -> memref<80x128xf32, #tpu.memory_space<hbm>>
        tpu.enqueue_dma source(%dma_start3A_288 : memref<80x128xf32, #tpu.memory_space<hbm>>) target(%arg18 : memref<80x128xf32, #tpu.memory_space<vmem>>) target_semaphore(%arg28 : memref<!tpu.dma_semaphore, #tpu.memory_space<semaphore_mem>>)
        %dma_start3A_289 = arith.constant 0 : i32
        %dma_start3A_290 = tpu.memref_slice %arg3[%add3A_284, %dma_start3A_289] : memref<320000x128xf32, #tpu.memory_space<hbm>> -> memref<80x128xf32, #tpu.memory_space<hbm>>
        %dma_start3A_291 = arith.constant 0 : i32
        %dma_start3A_292 = tpu.memref_slice %arg3[%add3A_284, %dma_start3A_291] : memref<320000x128xf32, #tpu.memory_space<hbm>> -> memref<80x128xf32, #tpu.memory_space<hbm>>
        tpu.enqueue_dma source(%dma_start3A_292 : memref<80x128xf32, #tpu.memory_space<hbm>>) target(%arg19 : memref<80x128xf32, #tpu.memory_space<vmem>>) target_semaphore(%arg28 : memref<!tpu.dma_semaphore, #tpu.memory_space<semaphore_mem>>)
        %dma_start3A_293 = tpu.memref_slice %arg4[%add3A_284] : memref<320000xi32, #tpu.memory_space<hbm>> -> memref<80xi32, #tpu.memory_space<hbm>>
        %dma_start3A_294 = tpu.memref_slice %arg4[%add3A_284] : memref<320000xi32, #tpu.memory_space<hbm>> -> memref<80xi32, #tpu.memory_space<hbm>>
        tpu.enqueue_dma source(%dma_start3A_294 : memref<80xi32, #tpu.memory_space<hbm>>) target(%arg20 : memref<80xi32, #tpu.memory_space<vmem>>) target_semaphore(%arg28 : memref<!tpu.dma_semaphore, #tpu.memory_space<semaphore_mem>>)
      } else {
      }
      %mul3A_138 = arith.constant 80 : i32
      %mul3A_139 = arith.muli %add3A_125, %mul3A_138 : i32
      %add3A_140 = arith.addi %mul3A_2, %mul3A_139 : i32
      %dma_wait3A_141 = arith.constant 0 : i32
      %dma_wait3A_142 = tpu.memref_slice %arg2[%add3A_140, %dma_wait3A_141] : memref<320000x128xf32, #tpu.memory_space<hbm>> -> memref<80x128xf32, #tpu.memory_space<hbm>>
      %dma_wait3A_143 = arith.constant 0 : i32
      %dma_wait3A_144 = tpu.memref_slice %arg2[%add3A_140, %dma_wait3A_143] : memref<320000x128xf32, #tpu.memory_space<hbm>> -> memref<80x128xf32, #tpu.memory_space<hbm>>
      tpu.wait_dma2 semaphore(%arg26 : memref<!tpu.dma_semaphore, #tpu.memory_space<semaphore_mem>>) src(%dma_wait3A_144 : memref<80x128xf32, #tpu.memory_space<hbm>>) dst(%arg12 : memref<80x128xf32, #tpu.memory_space<vmem>>)
      %dma_wait3A_145 = arith.constant 0 : i32
      %dma_wait3A_146 = tpu.memref_slice %arg3[%add3A_140, %dma_wait3A_145] : memref<320000x128xf32, #tpu.memory_space<hbm>> -> memref<80x128xf32, #tpu.memory_space<hbm>>
      %dma_wait3A_147 = arith.constant 0 : i32
      %dma_wait3A_148 = tpu.memref_slice %arg3[%add3A_140, %dma_wait3A_147] : memref<320000x128xf32, #tpu.memory_space<hbm>> -> memref<80x128xf32, #tpu.memory_space<hbm>>
      tpu.wait_dma2 semaphore(%arg26 : memref<!tpu.dma_semaphore, #tpu.memory_space<semaphore_mem>>) src(%dma_wait3A_148 : memref<80x128xf32, #tpu.memory_space<hbm>>) dst(%arg13 : memref<80x128xf32, #tpu.memory_space<vmem>>)
      %dma_wait3A_149 = tpu.memref_slice %arg4[%add3A_140] : memref<320000xi32, #tpu.memory_space<hbm>> -> memref<80xi32, #tpu.memory_space<hbm>>
      %dma_wait3A_150 = tpu.memref_slice %arg4[%add3A_140] : memref<320000xi32, #tpu.memory_space<hbm>> -> memref<80xi32, #tpu.memory_space<hbm>>
      tpu.wait_dma2 semaphore(%arg26 : memref<!tpu.dma_semaphore, #tpu.memory_space<semaphore_mem>>) src(%dma_wait3A_150 : memref<80xi32, #tpu.memory_space<hbm>>) dst(%arg14 : memref<80xi32, #tpu.memory_space<vmem>>)
      %parallel_loop3A_151 = arith.constant 0 : i32
      %parallel_loop3A_152 = arith.constant 80 : i32
      %parallel_loop3A_153 = arith.constant 1 : i32
      scf.for %parallel_loop3A_280 = %parallel_loop3A_151 to %parallel_loop3A_152 step %parallel_loop3A_153  : i32 {
        %parallel_loop3A_281 = arith.index_cast %parallel_loop3A_280 : i32 to index
        %parallel_loop3A_282 = arith.constant 0 : index
        %parallel_loop3A_283 = tpu.vector_load %arg12[%parallel_loop3A_281, %parallel_loop3A_282] {strides = array<i32>} : memref<80x128xf32, #tpu.memory_space<vmem>>, vector<1x16xf32>,
        %parallel_loop3A_284 = vector.shape_cast %parallel_loop3A_283 : vector<1x16xf32> to vector<16xf32>
        %parallel_loop3A_285 = arith.index_cast %parallel_loop3A_280 : i32 to index
        %parallel_loop3A_286 = arith.constant 16 : index
        %parallel_loop3A_287 = tpu.vector_load %arg12[%parallel_loop3A_285, %parallel_loop3A_286] {strides = array<i32>} : memref<80x128xf32, #tpu.memory_space<vmem>>, vector<1x16xf32>,
        %parallel_loop3A_288 = vector.shape_cast %parallel_loop3A_287 : vector<1x16xf32> to vector<16xf32>
        %parallel_loop3A_289 = arith.index_cast %parallel_loop3A_280 : i32 to index
        %parallel_loop3A_290 = arith.constant 32 : index
        %parallel_loop3A_291 = tpu.vector_load %arg12[%parallel_loop3A_289, %parallel_loop3A_290] {strides = array<i32>} : memref<80x128xf32, #tpu.memory_space<vmem>>, vector<1x16xf32>,
        %parallel_loop3A_292 = vector.shape_cast %parallel_loop3A_291 : vector<1x16xf32> to vector<16xf32>
        %parallel_loop3A_293 = arith.index_cast %parallel_loop3A_280 : i32 to index
        %parallel_loop3A_294 = arith.constant 48 : index
        %parallel_loop3A_295 = tpu.vector_load %arg12[%parallel_loop3A_293, %parallel_loop3A_294] {strides = array<i32>} : memref<80x128xf32, #tpu.memory_space<vmem>>, vector<1x16xf32>,
        %parallel_loop3A_296 = vector.shape_cast %parallel_loop3A_295 : vector<1x16xf32> to vector<16xf32>
        %parallel_loop3A_297 = arith.index_cast %parallel_loop3A_280 : i32 to index
        %parallel_loop3A_298 = arith.constant 64 : index
        %parallel_loop3A_299 = tpu.vector_load %arg12[%parallel_loop3A_297, %parallel_loop3A_298] {strides = array<i32>} : memref<80x128xf32, #tpu.memory_space<vmem>>, vector<1x16xf32>,
        %parallel_loop3A_300 = vector.shape_cast %parallel_loop3A_299 : vector<1x16xf32> to vector<16xf32>
        %parallel_loop3A_301 = arith.index_cast %parallel_loop3A_280 : i32 to index
        %parallel_loop3A_302 = arith.constant 80 : index
        %parallel_loop3A_303 = tpu.vector_load %arg12[%parallel_loop3A_301, %parallel_loop3A_302] {strides = array<i32>} : memref<80x128xf32, #tpu.memory_space<vmem>>, vector<1x16xf32>,
        %parallel_loop3A_304 = vector.shape_cast %parallel_loop3A_303 : vector<1x16xf32> to vector<16xf32>
        %parallel_loop3A_305 = arith.index_cast %parallel_loop3A_280 : i32 to index
        %parallel_loop3A_306 = arith.constant 96 : index
        %parallel_loop3A_307 = tpu.vector_load %arg12[%parallel_loop3A_305, %parallel_loop3A_306] {strides = array<i32>} : memref<80x128xf32, #tpu.memory_space<vmem>>, vector<1x16xf32>,
        %parallel_loop3A_308 = vector.shape_cast %parallel_loop3A_307 : vector<1x16xf32> to vector<16xf32>
        %parallel_loop3A_309 = arith.index_cast %parallel_loop3A_280 : i32 to index
        %parallel_loop3A_310 = arith.constant 112 : index
        %parallel_loop3A_311 = tpu.vector_load %arg12[%parallel_loop3A_309, %parallel_loop3A_310] {strides = array<i32>} : memref<80x128xf32, #tpu.memory_space<vmem>>, vector<1x16xf32>,
        %parallel_loop3A_312 = vector.shape_cast %parallel_loop3A_311 : vector<1x16xf32> to vector<16xf32>
        %parallel_loop3A_313 = arith.mulf %parallel_loop3A_284, %parallel_loop3A_284 : vector<16xf32>
        %parallel_loop3A_314 = arith.mulf %parallel_loop3A_288, %parallel_loop3A_288 : vector<16xf32>
        %parallel_loop3A_315 = arith.mulf %parallel_loop3A_292, %parallel_loop3A_292 : vector<16xf32>
        %parallel_loop3A_316 = arith.mulf %parallel_loop3A_296, %parallel_loop3A_296 : vector<16xf32>
        %parallel_loop3A_317 = arith.mulf %parallel_loop3A_300, %parallel_loop3A_300 : vector<16xf32>
        %parallel_loop3A_318 = arith.mulf %parallel_loop3A_304, %parallel_loop3A_304 : vector<16xf32>
        %parallel_loop3A_319 = arith.mulf %parallel_loop3A_308, %parallel_loop3A_308 : vector<16xf32>
        %parallel_loop3A_320 = arith.mulf %parallel_loop3A_312, %parallel_loop3A_312 : vector<16xf32>
        %parallel_loop3A_321 = arith.addf %parallel_loop3A_313, %parallel_loop3A_314 : vector<16xf32>
        %parallel_loop3A_322 = arith.addf %parallel_loop3A_315, %parallel_loop3A_316 : vector<16xf32>
        %parallel_loop3A_323 = arith.addf %parallel_loop3A_317, %parallel_loop3A_318 : vector<16xf32>
        %parallel_loop3A_324 = arith.addf %parallel_loop3A_319, %parallel_loop3A_320 : vector<16xf32>
        %parallel_loop3A_325 = arith.addf %parallel_loop3A_321, %parallel_loop3A_322 : vector<16xf32>
        %parallel_loop3A_326 = arith.addf %parallel_loop3A_323, %parallel_loop3A_324 : vector<16xf32>
        %parallel_loop3A_327 = arith.addf %parallel_loop3A_325, %parallel_loop3A_326 : vector<16xf32>
        %parallel_loop3A_328 = tpu.iota {dimensions = array<i32: 0>} : vector<16xi32>
        %parallel_loop3A_329 = arith.constant 8 : i32
        %parallel_loop3A_330 = vector.broadcast %parallel_loop3A_329 : i32 to vector<16xi32>
        %parallel_loop3A_331 = arith.addi %parallel_loop3A_328, %parallel_loop3A_330 : vector<16xi32>
        %parallel_loop3A_332 = arith.constant 15 : i32
        %parallel_loop3A_333 = vector.broadcast %parallel_loop3A_332 : i32 to vector<16xi32>
        %parallel_loop3A_334 = arith.andi %parallel_loop3A_331, %parallel_loop3A_333 : vector<16xi32>
        %parallel_loop3A_335 = vector.shape_cast %parallel_loop3A_334 : vector<16xi32> to vector<16x1xi32>
        %parallel_loop3A_336 = vector.shape_cast %parallel_loop3A_335 : vector<16x1xi32> to vector<16xi32>
        %parallel_loop3A_337 = tpu.dynamic_gather %parallel_loop3A_327[%parallel_loop3A_336] in [0] : vector<16xf32>, vector<16xi32> -> vector<16xf32>
        %parallel_loop3A_338 = arith.addf %parallel_loop3A_327, %parallel_loop3A_337 : vector<16xf32>
        %parallel_loop3A_339 = tpu.iota {dimensions = array<i32: 0>} : vector<16xi32>
        %parallel_loop3A_340 = arith.constant 4 : i32
        %parallel_loop3A_341 = vector.broadcast %parallel_loop3A_340 : i32 to vector<16xi32>
        %parallel_loop3A_342 = arith.addi %parallel_loop3A_339, %parallel_loop3A_341 : vector<16xi32>
        %parallel_loop3A_343 = arith.constant 15 : i32
        %parallel_loop3A_344 = vector.broadcast %parallel_loop3A_343 : i32 to vector<16xi32>
        %parallel_loop3A_345 = arith.andi %parallel_loop3A_342, %parallel_loop3A_344 : vector<16xi32>
        %parallel_loop3A_346 = vector.shape_cast %parallel_loop3A_345 : vector<16xi32> to vector<16x1xi32>
        %parallel_loop3A_347 = vector.shape_cast %parallel_loop3A_346 : vector<16x1xi32> to vector<16xi32>
        %parallel_loop3A_348 = tpu.dynamic_gather %parallel_loop3A_338[%parallel_loop3A_347] in [0] : vector<16xf32>, vector<16xi32> -> vector<16xf32>
        %parallel_loop3A_349 = arith.addf %parallel_loop3A_338, %parallel_loop3A_348 : vector<16xf32>
        %parallel_loop3A_350 = tpu.iota {dimensions = array<i32: 0>} : vector<16xi32>
        %parallel_loop3A_351 = arith.constant 2 : i32
        %parallel_loop3A_352 = vector.broadcast %parallel_loop3A_351 : i32 to vector<16xi32>
        %parallel_loop3A_353 = arith.addi %parallel_loop3A_350, %parallel_loop3A_352 : vector<16xi32>
        %parallel_loop3A_354 = arith.constant 15 : i32
        %parallel_loop3A_355 = vector.broadcast %parallel_loop3A_354 : i32 to vector<16xi32>
        %parallel_loop3A_356 = arith.andi %parallel_loop3A_353, %parallel_loop3A_355 : vector<16xi32>
        %parallel_loop3A_357 = vector.shape_cast %parallel_loop3A_356 : vector<16xi32> to vector<16x1xi32>
        %parallel_loop3A_358 = vector.shape_cast %parallel_loop3A_357 : vector<16x1xi32> to vector<16xi32>
        %parallel_loop3A_359 = tpu.dynamic_gather %parallel_loop3A_349[%parallel_loop3A_358] in [0] : vector<16xf32>, vector<16xi32> -> vector<16xf32>
        %parallel_loop3A_360 = arith.addf %parallel_loop3A_349, %parallel_loop3A_359 : vector<16xf32>
        %parallel_loop3A_361 = tpu.iota {dimensions = array<i32: 0>} : vector<16xi32>
        %parallel_loop3A_362 = arith.constant 1 : i32
        %parallel_loop3A_363 = vector.broadcast %parallel_loop3A_362 : i32 to vector<16xi32>
        %parallel_loop3A_364 = arith.addi %parallel_loop3A_361, %parallel_loop3A_363 : vector<16xi32>
        %parallel_loop3A_365 = arith.constant 15 : i32
        %parallel_loop3A_366 = vector.broadcast %parallel_loop3A_365 : i32 to vector<16xi32>
        %parallel_loop3A_367 = arith.andi %parallel_loop3A_364, %parallel_loop3A_366 : vector<16xi32>
        %parallel_loop3A_368 = vector.shape_cast %parallel_loop3A_367 : vector<16xi32> to vector<16x1xi32>
        %parallel_loop3A_369 = vector.shape_cast %parallel_loop3A_368 : vector<16x1xi32> to vector<16xi32>
        %parallel_loop3A_370 = tpu.dynamic_gather %parallel_loop3A_360[%parallel_loop3A_369] in [0] : vector<16xf32>, vector<16xi32> -> vector<16xf32>
        %parallel_loop3A_371 = arith.addf %parallel_loop3A_360, %parallel_loop3A_370 : vector<16xf32>
        %parallel_loop3A_372 = tpu.bitcast %parallel_loop3A_371 : vector<16xf32> -> vector<16xi32>
        %parallel_loop3A_373 = arith.constant 1 : i32
        %parallel_loop3A_374 = vector.broadcast %parallel_loop3A_373 : i32 to vector<16xi32>
        %parallel_loop3A_375 = arith.shrsi %parallel_loop3A_372, %parallel_loop3A_374 : vector<16xi32>
        %parallel_loop3A_376 = arith.constant 1597463007 : i32
        %parallel_loop3A_377 = vector.broadcast %parallel_loop3A_376 : i32 to vector<16xi32>
        %parallel_loop3A_378 = arith.subi %parallel_loop3A_377, %parallel_loop3A_375 : vector<16xi32>
        %parallel_loop3A_379 = tpu.bitcast %parallel_loop3A_378 : vector<16xi32> -> vector<16xf32>
        %parallel_loop3A_380 = arith.constant 5.000000e-01 : f32
        %parallel_loop3A_381 = vector.broadcast %parallel_loop3A_380 : f32 to vector<16xf32>
        %parallel_loop3A_382 = arith.mulf %parallel_loop3A_381, %parallel_loop3A_371 : vector<16xf32>
        %parallel_loop3A_383 = arith.mulf %parallel_loop3A_382, %parallel_loop3A_379 : vector<16xf32>
        %parallel_loop3A_384 = arith.mulf %parallel_loop3A_383, %parallel_loop3A_379 : vector<16xf32>
        %parallel_loop3A_385 = arith.constant 1.500000e+00 : f32
        %parallel_loop3A_386 = vector.broadcast %parallel_loop3A_385 : f32 to vector<16xf32>
        %parallel_loop3A_387 = arith.subf %parallel_loop3A_386, %parallel_loop3A_384 : vector<16xf32>
        %parallel_loop3A_388 = arith.mulf %parallel_loop3A_379, %parallel_loop3A_387 : vector<16xf32>
        %parallel_loop3A_389 = arith.mulf %parallel_loop3A_382, %parallel_loop3A_388 : vector<16xf32>
        %parallel_loop3A_390 = arith.mulf %parallel_loop3A_389, %parallel_loop3A_388 : vector<16xf32>
        %parallel_loop3A_391 = arith.constant 1.500000e+00 : f32
        %parallel_loop3A_392 = vector.broadcast %parallel_loop3A_391 : f32 to vector<16xf32>
        %parallel_loop3A_393 = arith.subf %parallel_loop3A_392, %parallel_loop3A_390 : vector<16xf32>
        %parallel_loop3A_394 = arith.mulf %parallel_loop3A_388, %parallel_loop3A_393 : vector<16xf32>
        %parallel_loop3A_395 = arith.mulf %parallel_loop3A_284, %parallel_loop3A_394 : vector<16xf32>
        %parallel_loop3A_396 = arith.index_cast %parallel_loop3A_280 : i32 to index
        %parallel_loop3A_397 = arith.constant 0 : index
        %parallel_loop3A_398 = tpu.vector_load %arg12[%parallel_loop3A_396, %parallel_loop3A_397] {strides = array<i32>} : memref<80x128xf32, #tpu.memory_space<vmem>>, vector<1x16xf32>,
        %parallel_loop3A_399 = vector.shape_cast %parallel_loop3A_398 : vector<1x16xf32> to vector<16xf32>
        %parallel_loop3A_400 = vector.shape_cast %parallel_loop3A_395 : vector<16xf32> to vector<1x16xf32>
        tpu.vector_store %arg12[%parallel_loop3A_396, %parallel_loop3A_397], %parallel_loop3A_400 {strides = array<i32>} : memref<80x128xf32, #tpu.memory_space<vmem>>, vector<1x16xf32>,
        %parallel_loop3A_401 = arith.mulf %parallel_loop3A_288, %parallel_loop3A_394 : vector<16xf32>
        %parallel_loop3A_402 = arith.index_cast %parallel_loop3A_280 : i32 to index
        %parallel_loop3A_403 = arith.constant 16 : index
        %parallel_loop3A_404 = tpu.vector_load %arg12[%parallel_loop3A_402, %parallel_loop3A_403] {strides = array<i32>} : memref<80x128xf32, #tpu.memory_space<vmem>>, vector<1x16xf32>,
        %parallel_loop3A_405 = vector.shape_cast %parallel_loop3A_404 : vector<1x16xf32> to vector<16xf32>
        %parallel_loop3A_406 = vector.shape_cast %parallel_loop3A_401 : vector<16xf32> to vector<1x16xf32>
        tpu.vector_store %arg12[%parallel_loop3A_402, %parallel_loop3A_403], %parallel_loop3A_406 {strides = array<i32>} : memref<80x128xf32, #tpu.memory_space<vmem>>, vector<1x16xf32>,
        %parallel_loop3A_407 = arith.mulf %parallel_loop3A_292, %parallel_loop3A_394 : vector<16xf32>
        %parallel_loop3A_408 = arith.index_cast %parallel_loop3A_280 : i32 to index
        %parallel_loop3A_409 = arith.constant 32 : index
        %parallel_loop3A_410 = tpu.vector_load %arg12[%parallel_loop3A_408, %parallel_loop3A_409] {strides = array<i32>} : memref<80x128xf32, #tpu.memory_space<vmem>>, vector<1x16xf32>,
        %parallel_loop3A_411 = vector.shape_cast %parallel_loop3A_410 : vector<1x16xf32> to vector<16xf32>
        %parallel_loop3A_412 = vector.shape_cast %parallel_loop3A_407 : vector<16xf32> to vector<1x16xf32>
        tpu.vector_store %arg12[%parallel_loop3A_408, %parallel_loop3A_409], %parallel_loop3A_412 {strides = array<i32>} : memref<80x128xf32, #tpu.memory_space<vmem>>, vector<1x16xf32>,
        %parallel_loop3A_413 = arith.mulf %parallel_loop3A_296, %parallel_loop3A_394 : vector<16xf32>
        %parallel_loop3A_414 = arith.index_cast %parallel_loop3A_280 : i32 to index
        %parallel_loop3A_415 = arith.constant 48 : index
        %parallel_loop3A_416 = tpu.vector_load %arg12[%parallel_loop3A_414, %parallel_loop3A_415] {strides = array<i32>} : memref<80x128xf32, #tpu.memory_space<vmem>>, vector<1x16xf32>,
        %parallel_loop3A_417 = vector.shape_cast %parallel_loop3A_416 : vector<1x16xf32> to vector<16xf32>
        %parallel_loop3A_418 = vector.shape_cast %parallel_loop3A_413 : vector<16xf32> to vector<1x16xf32>
        tpu.vector_store %arg12[%parallel_loop3A_414, %parallel_loop3A_415], %parallel_loop3A_418 {strides = array<i32>} : memref<80x128xf32, #tpu.memory_space<vmem>>, vector<1x16xf32>,
        %parallel_loop3A_419 = arith.mulf %parallel_loop3A_300, %parallel_loop3A_394 : vector<16xf32>
        %parallel_loop3A_420 = arith.index_cast %parallel_loop3A_280 : i32 to index
        %parallel_loop3A_421 = arith.constant 64 : index
        %parallel_loop3A_422 = tpu.vector_load %arg12[%parallel_loop3A_420, %parallel_loop3A_421] {strides = array<i32>} : memref<80x128xf32, #tpu.memory_space<vmem>>, vector<1x16xf32>,
        %parallel_loop3A_423 = vector.shape_cast %parallel_loop3A_422 : vector<1x16xf32> to vector<16xf32>
        %parallel_loop3A_424 = vector.shape_cast %parallel_loop3A_419 : vector<16xf32> to vector<1x16xf32>
        tpu.vector_store %arg12[%parallel_loop3A_420, %parallel_loop3A_421], %parallel_loop3A_424 {strides = array<i32>} : memref<80x128xf32, #tpu.memory_space<vmem>>, vector<1x16xf32>,
        %parallel_loop3A_425 = arith.mulf %parallel_loop3A_304, %parallel_loop3A_394 : vector<16xf32>
        %parallel_loop3A_426 = arith.index_cast %parallel_loop3A_280 : i32 to index
        %parallel_loop3A_427 = arith.constant 80 : index
        %parallel_loop3A_428 = tpu.vector_load %arg12[%parallel_loop3A_426, %parallel_loop3A_427] {strides = array<i32>} : memref<80x128xf32, #tpu.memory_space<vmem>>, vector<1x16xf32>,
        %parallel_loop3A_429 = vector.shape_cast %parallel_loop3A_428 : vector<1x16xf32> to vector<16xf32>
        %parallel_loop3A_430 = vector.shape_cast %parallel_loop3A_425 : vector<16xf32> to vector<1x16xf32>
        tpu.vector_store %arg12[%parallel_loop3A_426, %parallel_loop3A_427], %parallel_loop3A_430 {strides = array<i32>} : memref<80x128xf32, #tpu.memory_space<vmem>>, vector<1x16xf32>,
        %parallel_loop3A_431 = arith.mulf %parallel_loop3A_308, %parallel_loop3A_394 : vector<16xf32>
        %parallel_loop3A_432 = arith.index_cast %parallel_loop3A_280 : i32 to index
        %parallel_loop3A_433 = arith.constant 96 : index
        %parallel_loop3A_434 = tpu.vector_load %arg12[%parallel_loop3A_432, %parallel_loop3A_433] {strides = array<i32>} : memref<80x128xf32, #tpu.memory_space<vmem>>, vector<1x16xf32>,
        %parallel_loop3A_435 = vector.shape_cast %parallel_loop3A_434 : vector<1x16xf32> to vector<16xf32>
        %parallel_loop3A_436 = vector.shape_cast %parallel_loop3A_431 : vector<16xf32> to vector<1x16xf32>
        tpu.vector_store %arg12[%parallel_loop3A_432, %parallel_loop3A_433], %parallel_loop3A_436 {strides = array<i32>} : memref<80x128xf32, #tpu.memory_space<vmem>>, vector<1x16xf32>,
        %parallel_loop3A_437 = arith.mulf %parallel_loop3A_312, %parallel_loop3A_394 : vector<16xf32>
        %parallel_loop3A_438 = arith.index_cast %parallel_loop3A_280 : i32 to index
        %parallel_loop3A_439 = arith.constant 112 : index
        %parallel_loop3A_440 = tpu.vector_load %arg12[%parallel_loop3A_438, %parallel_loop3A_439] {strides = array<i32>} : memref<80x128xf32, #tpu.memory_space<vmem>>, vector<1x16xf32>,
        %parallel_loop3A_441 = vector.shape_cast %parallel_loop3A_440 : vector<1x16xf32> to vector<16xf32>
        %parallel_loop3A_442 = vector.shape_cast %parallel_loop3A_437 : vector<16xf32> to vector<1x16xf32>
        tpu.vector_store %arg12[%parallel_loop3A_438, %parallel_loop3A_439], %parallel_loop3A_442 {strides = array<i32>} : memref<80x128xf32, #tpu.memory_space<vmem>>, vector<1x16xf32>,
        %parallel_loop3A_443 = arith.index_cast %parallel_loop3A_280 : i32 to index
        %parallel_loop3A_444 = arith.constant 0 : index
        %parallel_loop3A_445 = tpu.vector_load %arg13[%parallel_loop3A_443, %parallel_loop3A_444] {strides = array<i32>} : memref<80x128xf32, #tpu.memory_space<vmem>>, vector<1x16xf32>,
        %parallel_loop3A_446 = vector.shape_cast %parallel_loop3A_445 : vector<1x16xf32> to vector<16xf32>
        %parallel_loop3A_447 = arith.index_cast %parallel_loop3A_280 : i32 to index
        %parallel_loop3A_448 = arith.constant 16 : index
        %parallel_loop3A_449 = tpu.vector_load %arg13[%parallel_loop3A_447, %parallel_loop3A_448] {strides = array<i32>} : memref<80x128xf32, #tpu.memory_space<vmem>>, vector<1x16xf32>,
        %parallel_loop3A_450 = vector.shape_cast %parallel_loop3A_449 : vector<1x16xf32> to vector<16xf32>
        %parallel_loop3A_451 = arith.index_cast %parallel_loop3A_280 : i32 to index
        %parallel_loop3A_452 = arith.constant 32 : index
        %parallel_loop3A_453 = tpu.vector_load %arg13[%parallel_loop3A_451, %parallel_loop3A_452] {strides = array<i32>} : memref<80x128xf32, #tpu.memory_space<vmem>>, vector<1x16xf32>,
        %parallel_loop3A_454 = vector.shape_cast %parallel_loop3A_453 : vector<1x16xf32> to vector<16xf32>
        %parallel_loop3A_455 = arith.index_cast %parallel_loop3A_280 : i32 to index
        %parallel_loop3A_456 = arith.constant 48 : index
        %parallel_loop3A_457 = tpu.vector_load %arg13[%parallel_loop3A_455, %parallel_loop3A_456] {strides = array<i32>} : memref<80x128xf32, #tpu.memory_space<vmem>>, vector<1x16xf32>,
        %parallel_loop3A_458 = vector.shape_cast %parallel_loop3A_457 : vector<1x16xf32> to vector<16xf32>
        %parallel_loop3A_459 = arith.index_cast %parallel_loop3A_280 : i32 to index
        %parallel_loop3A_460 = arith.constant 64 : index
        %parallel_loop3A_461 = tpu.vector_load %arg13[%parallel_loop3A_459, %parallel_loop3A_460] {strides = array<i32>} : memref<80x128xf32, #tpu.memory_space<vmem>>, vector<1x16xf32>,
        %parallel_loop3A_462 = vector.shape_cast %parallel_loop3A_461 : vector<1x16xf32> to vector<16xf32>
        %parallel_loop3A_463 = arith.index_cast %parallel_loop3A_280 : i32 to index
        %parallel_loop3A_464 = arith.constant 80 : index
        %parallel_loop3A_465 = tpu.vector_load %arg13[%parallel_loop3A_463, %parallel_loop3A_464] {strides = array<i32>} : memref<80x128xf32, #tpu.memory_space<vmem>>, vector<1x16xf32>,
        %parallel_loop3A_466 = vector.shape_cast %parallel_loop3A_465 : vector<1x16xf32> to vector<16xf32>
        %parallel_loop3A_467 = arith.index_cast %parallel_loop3A_280 : i32 to index
        %parallel_loop3A_468 = arith.constant 96 : index
        %parallel_loop3A_469 = tpu.vector_load %arg13[%parallel_loop3A_467, %parallel_loop3A_468] {strides = array<i32>} : memref<80x128xf32, #tpu.memory_space<vmem>>, vector<1x16xf32>,
        %parallel_loop3A_470 = vector.shape_cast %parallel_loop3A_469 : vector<1x16xf32> to vector<16xf32>
        %parallel_loop3A_471 = arith.index_cast %parallel_loop3A_280 : i32 to index
        %parallel_loop3A_472 = arith.constant 112 : index
        %parallel_loop3A_473 = tpu.vector_load %arg13[%parallel_loop3A_471, %parallel_loop3A_472] {strides = array<i32>} : memref<80x128xf32, #tpu.memory_space<vmem>>, vector<1x16xf32>,
        %parallel_loop3A_474 = vector.shape_cast %parallel_loop3A_473 : vector<1x16xf32> to vector<16xf32>
        %parallel_loop3A_475 = arith.mulf %parallel_loop3A_446, %parallel_loop3A_446 : vector<16xf32>
        %parallel_loop3A_476 = arith.mulf %parallel_loop3A_450, %parallel_loop3A_450 : vector<16xf32>
        %parallel_loop3A_477 = arith.mulf %parallel_loop3A_454, %parallel_loop3A_454 : vector<16xf32>
        %parallel_loop3A_478 = arith.mulf %parallel_loop3A_458, %parallel_loop3A_458 : vector<16xf32>
        %parallel_loop3A_479 = arith.mulf %parallel_loop3A_462, %parallel_loop3A_462 : vector<16xf32>
        %parallel_loop3A_480 = arith.mulf %parallel_loop3A_466, %parallel_loop3A_466 : vector<16xf32>
        %parallel_loop3A_481 = arith.mulf %parallel_loop3A_470, %parallel_loop3A_470 : vector<16xf32>
        %parallel_loop3A_482 = arith.mulf %parallel_loop3A_474, %parallel_loop3A_474 : vector<16xf32>
        %parallel_loop3A_483 = arith.addf %parallel_loop3A_475, %parallel_loop3A_476 : vector<16xf32>
        %parallel_loop3A_484 = arith.addf %parallel_loop3A_477, %parallel_loop3A_478 : vector<16xf32>
        %parallel_loop3A_485 = arith.addf %parallel_loop3A_479, %parallel_loop3A_480 : vector<16xf32>
        %parallel_loop3A_486 = arith.addf %parallel_loop3A_481, %parallel_loop3A_482 : vector<16xf32>
        %parallel_loop3A_487 = arith.addf %parallel_loop3A_483, %parallel_loop3A_484 : vector<16xf32>
        %parallel_loop3A_488 = arith.addf %parallel_loop3A_485, %parallel_loop3A_486 : vector<16xf32>
        %parallel_loop3A_489 = arith.addf %parallel_loop3A_487, %parallel_loop3A_488 : vector<16xf32>
        %parallel_loop3A_490 = tpu.iota {dimensions = array<i32: 0>} : vector<16xi32>
        %parallel_loop3A_491 = arith.constant 8 : i32
        %parallel_loop3A_492 = vector.broadcast %parallel_loop3A_491 : i32 to vector<16xi32>
        %parallel_loop3A_493 = arith.addi %parallel_loop3A_490, %parallel_loop3A_492 : vector<16xi32>
        %parallel_loop3A_494 = arith.constant 15 : i32
        %parallel_loop3A_495 = vector.broadcast %parallel_loop3A_494 : i32 to vector<16xi32>
        %parallel_loop3A_496 = arith.andi %parallel_loop3A_493, %parallel_loop3A_495 : vector<16xi32>
        %parallel_loop3A_497 = vector.shape_cast %parallel_loop3A_496 : vector<16xi32> to vector<16x1xi32>
        %parallel_loop3A_498 = vector.shape_cast %parallel_loop3A_497 : vector<16x1xi32> to vector<16xi32>
        %parallel_loop3A_499 = tpu.dynamic_gather %parallel_loop3A_489[%parallel_loop3A_498] in [0] : vector<16xf32>, vector<16xi32> -> vector<16xf32>
        %parallel_loop3A_500 = arith.addf %parallel_loop3A_489, %parallel_loop3A_499 : vector<16xf32>
        %parallel_loop3A_501 = tpu.iota {dimensions = array<i32: 0>} : vector<16xi32>
        %parallel_loop3A_502 = arith.constant 4 : i32
        %parallel_loop3A_503 = vector.broadcast %parallel_loop3A_502 : i32 to vector<16xi32>
        %parallel_loop3A_504 = arith.addi %parallel_loop3A_501, %parallel_loop3A_503 : vector<16xi32>
        %parallel_loop3A_505 = arith.constant 15 : i32
        %parallel_loop3A_506 = vector.broadcast %parallel_loop3A_505 : i32 to vector<16xi32>
        %parallel_loop3A_507 = arith.andi %parallel_loop3A_504, %parallel_loop3A_506 : vector<16xi32>
        %parallel_loop3A_508 = vector.shape_cast %parallel_loop3A_507 : vector<16xi32> to vector<16x1xi32>
        %parallel_loop3A_509 = vector.shape_cast %parallel_loop3A_508 : vector<16x1xi32> to vector<16xi32>
        %parallel_loop3A_510 = tpu.dynamic_gather %parallel_loop3A_500[%parallel_loop3A_509] in [0] : vector<16xf32>, vector<16xi32> -> vector<16xf32>
        %parallel_loop3A_511 = arith.addf %parallel_loop3A_500, %parallel_loop3A_510 : vector<16xf32>
        %parallel_loop3A_512 = tpu.iota {dimensions = array<i32: 0>} : vector<16xi32>
        %parallel_loop3A_513 = arith.constant 2 : i32
        %parallel_loop3A_514 = vector.broadcast %parallel_loop3A_513 : i32 to vector<16xi32>
        %parallel_loop3A_515 = arith.addi %parallel_loop3A_512, %parallel_loop3A_514 : vector<16xi32>
        %parallel_loop3A_516 = arith.constant 15 : i32
        %parallel_loop3A_517 = vector.broadcast %parallel_loop3A_516 : i32 to vector<16xi32>
        %parallel_loop3A_518 = arith.andi %parallel_loop3A_515, %parallel_loop3A_517 : vector<16xi32>
        %parallel_loop3A_519 = vector.shape_cast %parallel_loop3A_518 : vector<16xi32> to vector<16x1xi32>
        %parallel_loop3A_520 = vector.shape_cast %parallel_loop3A_519 : vector<16x1xi32> to vector<16xi32>
        %parallel_loop3A_521 = tpu.dynamic_gather %parallel_loop3A_511[%parallel_loop3A_520] in [0] : vector<16xf32>, vector<16xi32> -> vector<16xf32>
        %parallel_loop3A_522 = arith.addf %parallel_loop3A_511, %parallel_loop3A_521 : vector<16xf32>
        %parallel_loop3A_523 = tpu.iota {dimensions = array<i32: 0>} : vector<16xi32>
        %parallel_loop3A_524 = arith.constant 1 : i32
        %parallel_loop3A_525 = vector.broadcast %parallel_loop3A_524 : i32 to vector<16xi32>
        %parallel_loop3A_526 = arith.addi %parallel_loop3A_523, %parallel_loop3A_525 : vector<16xi32>
        %parallel_loop3A_527 = arith.constant 15 : i32
        %parallel_loop3A_528 = vector.broadcast %parallel_loop3A_527 : i32 to vector<16xi32>
        %parallel_loop3A_529 = arith.andi %parallel_loop3A_526, %parallel_loop3A_528 : vector<16xi32>
        %parallel_loop3A_530 = vector.shape_cast %parallel_loop3A_529 : vector<16xi32> to vector<16x1xi32>
        %parallel_loop3A_531 = vector.shape_cast %parallel_loop3A_530 : vector<16x1xi32> to vector<16xi32>
        %parallel_loop3A_532 = tpu.dynamic_gather %parallel_loop3A_522[%parallel_loop3A_531] in [0] : vector<16xf32>, vector<16xi32> -> vector<16xf32>
        %parallel_loop3A_533 = arith.addf %parallel_loop3A_522, %parallel_loop3A_532 : vector<16xf32>
        %parallel_loop3A_534 = tpu.bitcast %parallel_loop3A_533 : vector<16xf32> -> vector<16xi32>
        %parallel_loop3A_535 = arith.constant 1 : i32
        %parallel_loop3A_536 = vector.broadcast %parallel_loop3A_535 : i32 to vector<16xi32>
        %parallel_loop3A_537 = arith.shrsi %parallel_loop3A_534, %parallel_loop3A_536 : vector<16xi32>
        %parallel_loop3A_538 = arith.constant 1597463007 : i32
        %parallel_loop3A_539 = vector.broadcast %parallel_loop3A_538 : i32 to vector<16xi32>
        %parallel_loop3A_540 = arith.subi %parallel_loop3A_539, %parallel_loop3A_537 : vector<16xi32>
        %parallel_loop3A_541 = tpu.bitcast %parallel_loop3A_540 : vector<16xi32> -> vector<16xf32>
        %parallel_loop3A_542 = arith.constant 5.000000e-01 : f32
        %parallel_loop3A_543 = vector.broadcast %parallel_loop3A_542 : f32 to vector<16xf32>
        %parallel_loop3A_544 = arith.mulf %parallel_loop3A_543, %parallel_loop3A_533 : vector<16xf32>
        %parallel_loop3A_545 = arith.mulf %parallel_loop3A_544, %parallel_loop3A_541 : vector<16xf32>
        %parallel_loop3A_546 = arith.mulf %parallel_loop3A_545, %parallel_loop3A_541 : vector<16xf32>
        %parallel_loop3A_547 = arith.constant 1.500000e+00 : f32
        %parallel_loop3A_548 = vector.broadcast %parallel_loop3A_547 : f32 to vector<16xf32>
        %parallel_loop3A_549 = arith.subf %parallel_loop3A_548, %parallel_loop3A_546 : vector<16xf32>
        %parallel_loop3A_550 = arith.mulf %parallel_loop3A_541, %parallel_loop3A_549 : vector<16xf32>
        %parallel_loop3A_551 = arith.mulf %parallel_loop3A_544, %parallel_loop3A_550 : vector<16xf32>
        %parallel_loop3A_552 = arith.mulf %parallel_loop3A_551, %parallel_loop3A_550 : vector<16xf32>
        %parallel_loop3A_553 = arith.constant 1.500000e+00 : f32
        %parallel_loop3A_554 = vector.broadcast %parallel_loop3A_553 : f32 to vector<16xf32>
        %parallel_loop3A_555 = arith.subf %parallel_loop3A_554, %parallel_loop3A_552 : vector<16xf32>
        %parallel_loop3A_556 = arith.mulf %parallel_loop3A_550, %parallel_loop3A_555 : vector<16xf32>
        %parallel_loop3A_557 = arith.mulf %parallel_loop3A_446, %parallel_loop3A_556 : vector<16xf32>
        %parallel_loop3A_558 = arith.index_cast %parallel_loop3A_280 : i32 to index
        %parallel_loop3A_559 = arith.constant 0 : index
        %parallel_loop3A_560 = tpu.vector_load %arg13[%parallel_loop3A_558, %parallel_loop3A_559] {strides = array<i32>} : memref<80x128xf32, #tpu.memory_space<vmem>>, vector<1x16xf32>,
        %parallel_loop3A_561 = vector.shape_cast %parallel_loop3A_560 : vector<1x16xf32> to vector<16xf32>
        %parallel_loop3A_562 = vector.shape_cast %parallel_loop3A_557 : vector<16xf32> to vector<1x16xf32>
        tpu.vector_store %arg13[%parallel_loop3A_558, %parallel_loop3A_559], %parallel_loop3A_562 {strides = array<i32>} : memref<80x128xf32, #tpu.memory_space<vmem>>, vector<1x16xf32>,
        %parallel_loop3A_563 = arith.mulf %parallel_loop3A_450, %parallel_loop3A_556 : vector<16xf32>
        %parallel_loop3A_564 = arith.index_cast %parallel_loop3A_280 : i32 to index
        %parallel_loop3A_565 = arith.constant 16 : index
        %parallel_loop3A_566 = tpu.vector_load %arg13[%parallel_loop3A_564, %parallel_loop3A_565] {strides = array<i32>} : memref<80x128xf32, #tpu.memory_space<vmem>>, vector<1x16xf32>,
        %parallel_loop3A_567 = vector.shape_cast %parallel_loop3A_566 : vector<1x16xf32> to vector<16xf32>
        %parallel_loop3A_568 = vector.shape_cast %parallel_loop3A_563 : vector<16xf32> to vector<1x16xf32>
        tpu.vector_store %arg13[%parallel_loop3A_564, %parallel_loop3A_565], %parallel_loop3A_568 {strides = array<i32>} : memref<80x128xf32, #tpu.memory_space<vmem>>, vector<1x16xf32>,
        %parallel_loop3A_569 = arith.mulf %parallel_loop3A_454, %parallel_loop3A_556 : vector<16xf32>
        %parallel_loop3A_570 = arith.index_cast %parallel_loop3A_280 : i32 to index
        %parallel_loop3A_571 = arith.constant 32 : index
        %parallel_loop3A_572 = tpu.vector_load %arg13[%parallel_loop3A_570, %parallel_loop3A_571] {strides = array<i32>} : memref<80x128xf32, #tpu.memory_space<vmem>>, vector<1x16xf32>,
        %parallel_loop3A_573 = vector.shape_cast %parallel_loop3A_572 : vector<1x16xf32> to vector<16xf32>
        %parallel_loop3A_574 = vector.shape_cast %parallel_loop3A_569 : vector<16xf32> to vector<1x16xf32>
        tpu.vector_store %arg13[%parallel_loop3A_570, %parallel_loop3A_571], %parallel_loop3A_574 {strides = array<i32>} : memref<80x128xf32, #tpu.memory_space<vmem>>, vector<1x16xf32>,
        %parallel_loop3A_575 = arith.mulf %parallel_loop3A_458, %parallel_loop3A_556 : vector<16xf32>
        %parallel_loop3A_576 = arith.index_cast %parallel_loop3A_280 : i32 to index
        %parallel_loop3A_577 = arith.constant 48 : index
        %parallel_loop3A_578 = tpu.vector_load %arg13[%parallel_loop3A_576, %parallel_loop3A_577] {strides = array<i32>} : memref<80x128xf32, #tpu.memory_space<vmem>>, vector<1x16xf32>,
        %parallel_loop3A_579 = vector.shape_cast %parallel_loop3A_578 : vector<1x16xf32> to vector<16xf32>
        %parallel_loop3A_580 = vector.shape_cast %parallel_loop3A_575 : vector<16xf32> to vector<1x16xf32>
        tpu.vector_store %arg13[%parallel_loop3A_576, %parallel_loop3A_577], %parallel_loop3A_580 {strides = array<i32>} : memref<80x128xf32, #tpu.memory_space<vmem>>, vector<1x16xf32>,
        %parallel_loop3A_581 = arith.mulf %parallel_loop3A_462, %parallel_loop3A_556 : vector<16xf32>
        %parallel_loop3A_582 = arith.index_cast %parallel_loop3A_280 : i32 to index
        %parallel_loop3A_583 = arith.constant 64 : index
        %parallel_loop3A_584 = tpu.vector_load %arg13[%parallel_loop3A_582, %parallel_loop3A_583] {strides = array<i32>} : memref<80x128xf32, #tpu.memory_space<vmem>>, vector<1x16xf32>,
        %parallel_loop3A_585 = vector.shape_cast %parallel_loop3A_584 : vector<1x16xf32> to vector<16xf32>
        %parallel_loop3A_586 = vector.shape_cast %parallel_loop3A_581 : vector<16xf32> to vector<1x16xf32>
        tpu.vector_store %arg13[%parallel_loop3A_582, %parallel_loop3A_583], %parallel_loop3A_586 {strides = array<i32>} : memref<80x128xf32, #tpu.memory_space<vmem>>, vector<1x16xf32>,
        %parallel_loop3A_587 = arith.mulf %parallel_loop3A_466, %parallel_loop3A_556 : vector<16xf32>
        %parallel_loop3A_588 = arith.index_cast %parallel_loop3A_280 : i32 to index
        %parallel_loop3A_589 = arith.constant 80 : index
        %parallel_loop3A_590 = tpu.vector_load %arg13[%parallel_loop3A_588, %parallel_loop3A_589] {strides = array<i32>} : memref<80x128xf32, #tpu.memory_space<vmem>>, vector<1x16xf32>,
        %parallel_loop3A_591 = vector.shape_cast %parallel_loop3A_590 : vector<1x16xf32> to vector<16xf32>
        %parallel_loop3A_592 = vector.shape_cast %parallel_loop3A_587 : vector<16xf32> to vector<1x16xf32>
        tpu.vector_store %arg13[%parallel_loop3A_588, %parallel_loop3A_589], %parallel_loop3A_592 {strides = array<i32>} : memref<80x128xf32, #tpu.memory_space<vmem>>, vector<1x16xf32>,
        %parallel_loop3A_593 = arith.mulf %parallel_loop3A_470, %parallel_loop3A_556 : vector<16xf32>
        %parallel_loop3A_594 = arith.index_cast %parallel_loop3A_280 : i32 to index
        %parallel_loop3A_595 = arith.constant 96 : index
        %parallel_loop3A_596 = tpu.vector_load %arg13[%parallel_loop3A_594, %parallel_loop3A_595] {strides = array<i32>} : memref<80x128xf32, #tpu.memory_space<vmem>>, vector<1x16xf32>,
        %parallel_loop3A_597 = vector.shape_cast %parallel_loop3A_596 : vector<1x16xf32> to vector<16xf32>
        %parallel_loop3A_598 = vector.shape_cast %parallel_loop3A_593 : vector<16xf32> to vector<1x16xf32>
        tpu.vector_store %arg13[%parallel_loop3A_594, %parallel_loop3A_595], %parallel_loop3A_598 {strides = array<i32>} : memref<80x128xf32, #tpu.memory_space<vmem>>, vector<1x16xf32>,
        %parallel_loop3A_599 = arith.mulf %parallel_loop3A_474, %parallel_loop3A_556 : vector<16xf32>
        %parallel_loop3A_600 = arith.index_cast %parallel_loop3A_280 : i32 to index
        %parallel_loop3A_601 = arith.constant 112 : index
        %parallel_loop3A_602 = tpu.vector_load %arg13[%parallel_loop3A_600, %parallel_loop3A_601] {strides = array<i32>} : memref<80x128xf32, #tpu.memory_space<vmem>>, vector<1x16xf32>,
        %parallel_loop3A_603 = vector.shape_cast %parallel_loop3A_602 : vector<1x16xf32> to vector<16xf32>
        %parallel_loop3A_604 = vector.shape_cast %parallel_loop3A_599 : vector<16xf32> to vector<1x16xf32>
        tpu.vector_store %arg13[%parallel_loop3A_600, %parallel_loop3A_601], %parallel_loop3A_604 {strides = array<i32>} : memref<80x128xf32, #tpu.memory_space<vmem>>, vector<1x16xf32>,
      } {sc.loop_unroll_factor = 2 : i64, sc.parallel_access}
      %dma_start3A_154 = arith.constant 0 : i32
      %dma_start3A_155 = arith.constant 0 : i32
      %dma_start3A_156 = tpu.memref_slice %arg9[%dma_start3A_154, %dma_start3A_155] : memref<1000x128xf32, #tpu.memory_space<vmem_shared>> -> memref<1000x128xf32, #tpu.memory_space<vmem_shared>>
      tpu.enqueue_indirect_dma source(%arg12 : memref<80x128xf32, #tpu.memory_space<vmem>>) target(%dma_start3A_156 : memref<1000x128xf32, #tpu.memory_space<vmem_shared>>) offsets(%arg14 : memref<80xi32, #tpu.memory_space<vmem>>) semaphore(%arg30 : memref<!tpu.dma_semaphore, #tpu.memory_space<semaphore_mem>>) {add = true}
      %dma_start3A_157 = arith.constant 0 : i32
      %dma_start3A_158 = arith.constant 0 : i32
      %dma_start3A_159 = tpu.memref_slice %arg10[%dma_start3A_157, %dma_start3A_158] : memref<1000x128xf32, #tpu.memory_space<vmem_shared>> -> memref<1000x128xf32, #tpu.memory_space<vmem_shared>>
      tpu.enqueue_indirect_dma source(%arg13 : memref<80x128xf32, #tpu.memory_space<vmem>>) target(%dma_start3A_159 : memref<1000x128xf32, #tpu.memory_space<vmem_shared>>) offsets(%arg14 : memref<80xi32, #tpu.memory_space<vmem>>) semaphore(%arg30 : memref<!tpu.dma_semaphore, #tpu.memory_space<semaphore_mem>>) {add = true}
      %dma_start3A_160 = arith.constant 0 : i32
      %dma_start3A_161 = arith.constant 0 : i32
      %dma_start3A_162 = tpu.memref_slice %arg11[%dma_start3A_160, %dma_start3A_161] : memref<1000x16xf32, #tpu.memory_space<vmem_shared>> -> memref<1000x16xf32, #tpu.memory_space<vmem_shared>>
      tpu.enqueue_indirect_dma source(%arg24 : memref<80x16xf32, #tpu.memory_space<vmem>>) target(%dma_start3A_162 : memref<1000x16xf32, #tpu.memory_space<vmem_shared>>) offsets(%arg14 : memref<80xi32, #tpu.memory_space<vmem>>) semaphore(%arg30 : memref<!tpu.dma_semaphore, #tpu.memory_space<semaphore_mem>>) {add = true}
      %add3A_163 = arith.constant 1 : i32
      %add3A_164 = arith.addi %add3A_125, %add3A_163 : i32
      %gt3A_165 = arith.constant 1 : i32
      %gt3A_166 = arith.cmpi sgt, %add3A_164, %gt3A_165 : i32
      %convert_element_type3A_167 = arith.extui %gt3A_166 : i1 to i32
      %cond3A_168 = arith.constant 0 : i32
      %cond3A_169 = arith.cmpi ne, %convert_element_type3A_167, %cond3A_168 : i32
      scf.if %cond3A_169 {
        %dma_wait3A_280 = arith.constant 0 : i32
        %dma_wait3A_281 = arith.constant 0 : i32
        %dma_wait3A_282 = tpu.memref_slice %arg9[%dma_wait3A_280, %dma_wait3A_281] : memref<1000x128xf32, #tpu.memory_space<vmem_shared>> -> memref<1000x128xf32, #tpu.memory_space<vmem_shared>>
        tpu.wait_indirect_dma semaphore(%arg33 : memref<!tpu.dma_semaphore, #tpu.memory_space<semaphore_mem>>) src(%arg21 : memref<80x128xf32, #tpu.memory_space<vmem>>) dst(%dma_wait3A_282 : memref<1000x128xf32, #tpu.memory_space<vmem_shared>>)
        %dma_wait3A_283 = arith.constant 0 : i32
        %dma_wait3A_284 = arith.constant 0 : i32
        %dma_wait3A_285 = tpu.memref_slice %arg10[%dma_wait3A_283, %dma_wait3A_284] : memref<1000x128xf32, #tpu.memory_space<vmem_shared>> -> memref<1000x128xf32, #tpu.memory_space<vmem_shared>>
        tpu.wait_indirect_dma semaphore(%arg33 : memref<!tpu.dma_semaphore, #tpu.memory_space<semaphore_mem>>) src(%arg22 : memref<80x128xf32, #tpu.memory_space<vmem>>) dst(%dma_wait3A_285 : memref<1000x128xf32, #tpu.memory_space<vmem_shared>>)
        %dma_wait3A_286 = arith.constant 0 : i32
        %dma_wait3A_287 = arith.constant 0 : i32
        %dma_wait3A_288 = tpu.memref_slice %arg11[%dma_wait3A_286, %dma_wait3A_287] : memref<1000x16xf32, #tpu.memory_space<vmem_shared>> -> memref<1000x16xf32, #tpu.memory_space<vmem_shared>>
        tpu.wait_indirect_dma semaphore(%arg33 : memref<!tpu.dma_semaphore, #tpu.memory_space<semaphore_mem>>) src(%arg24 : memref<80x16xf32, #tpu.memory_space<vmem>>) dst(%dma_wait3A_288 : memref<1000x16xf32, #tpu.memory_space<vmem_shared>>)
      } else {
      }
      %add3A_170 = arith.constant 2 : i32
      %add3A_171 = arith.addi %add3A_164, %add3A_170 : i32
      %lt3A_172 = arith.constant 125 : i32
      %lt3A_173 = arith.cmpi slt, %add3A_171, %lt3A_172 : i32
      %convert_element_type3A_174 = arith.extui %lt3A_173 : i1 to i32
      %cond3A_175 = arith.constant 0 : i32
      %cond3A_176 = arith.cmpi ne, %convert_element_type3A_174, %cond3A_175 : i32
      scf.if %cond3A_176 {
        %add3A_280 = arith.constant 2 : i32
        %add3A_281 = arith.addi %add3A_164, %add3A_280 : i32
        %mul3A_282 = arith.constant 80 : i32
        %mul3A_283 = arith.muli %add3A_281, %mul3A_282 : i32
        %add3A_284 = arith.addi %mul3A_2, %mul3A_283 : i32
        %dma_start3A_285 = arith.constant 0 : i32
        %dma_start3A_286 = tpu.memref_slice %arg2[%add3A_284, %dma_start3A_285] : memref<320000x128xf32, #tpu.memory_space<hbm>> -> memref<80x128xf32, #tpu.memory_space<hbm>>
        %dma_start3A_287 = arith.constant 0 : i32
        %dma_start3A_288 = tpu.memref_slice %arg2[%add3A_284, %dma_start3A_287] : memref<320000x128xf32, #tpu.memory_space<hbm>> -> memref<80x128xf32, #tpu.memory_space<hbm>>
        tpu.enqueue_dma source(%dma_start3A_288 : memref<80x128xf32, #tpu.memory_space<hbm>>) target(%arg21 : memref<80x128xf32, #tpu.memory_space<vmem>>) target_semaphore(%arg29 : memref<!tpu.dma_semaphore, #tpu.memory_space<semaphore_mem>>)
        %dma_start3A_289 = arith.constant 0 : i32
        %dma_start3A_290 = tpu.memref_slice %arg3[%add3A_284, %dma_start3A_289] : memref<320000x128xf32, #tpu.memory_space<hbm>> -> memref<80x128xf32, #tpu.memory_space<hbm>>
        %dma_start3A_291 = arith.constant 0 : i32
        %dma_start3A_292 = tpu.memref_slice %arg3[%add3A_284, %dma_start3A_291] : memref<320000x128xf32, #tpu.memory_space<hbm>> -> memref<80x128xf32, #tpu.memory_space<hbm>>
        tpu.enqueue_dma source(%dma_start3A_292 : memref<80x128xf32, #tpu.memory_space<hbm>>) target(%arg22 : memref<80x128xf32, #tpu.memory_space<vmem>>) target_semaphore(%arg29 : memref<!tpu.dma_semaphore, #tpu.memory_space<semaphore_mem>>)
        %dma_start3A_293 = tpu.memref_slice %arg4[%add3A_284] : memref<320000xi32, #tpu.memory_space<hbm>> -> memref<80xi32, #tpu.memory_space<hbm>>
        %dma_start3A_294 = tpu.memref_slice %arg4[%add3A_284] : memref<320000xi32, #tpu.memory_space<hbm>> -> memref<80xi32, #tpu.memory_space<hbm>>
        tpu.enqueue_dma source(%dma_start3A_294 : memref<80xi32, #tpu.memory_space<hbm>>) target(%arg23 : memref<80xi32, #tpu.memory_space<vmem>>) target_semaphore(%arg29 : memref<!tpu.dma_semaphore, #tpu.memory_space<semaphore_mem>>)
      } else {
      }
      %mul3A_177 = arith.constant 80 : i32
      %mul3A_178 = arith.muli %add3A_164, %mul3A_177 : i32
      %add3A_179 = arith.addi %mul3A_2, %mul3A_178 : i32
      %dma_wait3A_180 = arith.constant 0 : i32
      %dma_wait3A_181 = tpu.memref_slice %arg2[%add3A_179, %dma_wait3A_180] : memref<320000x128xf32, #tpu.memory_space<hbm>> -> memref<80x128xf32, #tpu.memory_space<hbm>>
      %dma_wait3A_182 = arith.constant 0 : i32
      %dma_wait3A_183 = tpu.memref_slice %arg2[%add3A_179, %dma_wait3A_182] : memref<320000x128xf32, #tpu.memory_space<hbm>> -> memref<80x128xf32, #tpu.memory_space<hbm>>
      tpu.wait_dma2 semaphore(%arg27 : memref<!tpu.dma_semaphore, #tpu.memory_space<semaphore_mem>>) src(%dma_wait3A_183 : memref<80x128xf32, #tpu.memory_space<hbm>>) dst(%arg15 : memref<80x128xf32, #tpu.memory_space<vmem>>)
      %dma_wait3A_184 = arith.constant 0 : i32
      %dma_wait3A_185 = tpu.memref_slice %arg3[%add3A_179, %dma_wait3A_184] : memref<320000x128xf32, #tpu.memory_space<hbm>> -> memref<80x128xf32, #tpu.memory_space<hbm>>
      %dma_wait3A_186 = arith.constant 0 : i32
      %dma_wait3A_187 = tpu.memref_slice %arg3[%add3A_179, %dma_wait3A_186] : memref<320000x128xf32, #tpu.memory_space<hbm>> -> memref<80x128xf32, #tpu.memory_space<hbm>>
      tpu.wait_dma2 semaphore(%arg27 : memref<!tpu.dma_semaphore, #tpu.memory_space<semaphore_mem>>) src(%dma_wait3A_187 : memref<80x128xf32, #tpu.memory_space<hbm>>) dst(%arg16 : memref<80x128xf32, #tpu.memory_space<vmem>>)
      %dma_wait3A_188 = tpu.memref_slice %arg4[%add3A_179] : memref<320000xi32, #tpu.memory_space<hbm>> -> memref<80xi32, #tpu.memory_space<hbm>>
      %dma_wait3A_189 = tpu.memref_slice %arg4[%add3A_179] : memref<320000xi32, #tpu.memory_space<hbm>> -> memref<80xi32, #tpu.memory_space<hbm>>
      tpu.wait_dma2 semaphore(%arg27 : memref<!tpu.dma_semaphore, #tpu.memory_space<semaphore_mem>>) src(%dma_wait3A_189 : memref<80xi32, #tpu.memory_space<hbm>>) dst(%arg17 : memref<80xi32, #tpu.memory_space<vmem>>)
      %parallel_loop3A_190 = arith.constant 0 : i32
      %parallel_loop3A_191 = arith.constant 80 : i32
      %parallel_loop3A_192 = arith.constant 1 : i32
      scf.for %parallel_loop3A_280 = %parallel_loop3A_190 to %parallel_loop3A_191 step %parallel_loop3A_192  : i32 {
        %parallel_loop3A_281 = arith.index_cast %parallel_loop3A_280 : i32 to index
        %parallel_loop3A_282 = arith.constant 0 : index
        %parallel_loop3A_283 = tpu.vector_load %arg15[%parallel_loop3A_281, %parallel_loop3A_282] {strides = array<i32>} : memref<80x128xf32, #tpu.memory_space<vmem>>, vector<1x16xf32>,
        %parallel_loop3A_284 = vector.shape_cast %parallel_loop3A_283 : vector<1x16xf32> to vector<16xf32>
        %parallel_loop3A_285 = arith.index_cast %parallel_loop3A_280 : i32 to index
        %parallel_loop3A_286 = arith.constant 16 : index
        %parallel_loop3A_287 = tpu.vector_load %arg15[%parallel_loop3A_285, %parallel_loop3A_286] {strides = array<i32>} : memref<80x128xf32, #tpu.memory_space<vmem>>, vector<1x16xf32>,
        %parallel_loop3A_288 = vector.shape_cast %parallel_loop3A_287 : vector<1x16xf32> to vector<16xf32>
        %parallel_loop3A_289 = arith.index_cast %parallel_loop3A_280 : i32 to index
        %parallel_loop3A_290 = arith.constant 32 : index
        %parallel_loop3A_291 = tpu.vector_load %arg15[%parallel_loop3A_289, %parallel_loop3A_290] {strides = array<i32>} : memref<80x128xf32, #tpu.memory_space<vmem>>, vector<1x16xf32>,
        %parallel_loop3A_292 = vector.shape_cast %parallel_loop3A_291 : vector<1x16xf32> to vector<16xf32>
        %parallel_loop3A_293 = arith.index_cast %parallel_loop3A_280 : i32 to index
        %parallel_loop3A_294 = arith.constant 48 : index
        %parallel_loop3A_295 = tpu.vector_load %arg15[%parallel_loop3A_293, %parallel_loop3A_294] {strides = array<i32>} : memref<80x128xf32, #tpu.memory_space<vmem>>, vector<1x16xf32>,
        %parallel_loop3A_296 = vector.shape_cast %parallel_loop3A_295 : vector<1x16xf32> to vector<16xf32>
        %parallel_loop3A_297 = arith.index_cast %parallel_loop3A_280 : i32 to index
        %parallel_loop3A_298 = arith.constant 64 : index
        %parallel_loop3A_299 = tpu.vector_load %arg15[%parallel_loop3A_297, %parallel_loop3A_298] {strides = array<i32>} : memref<80x128xf32, #tpu.memory_space<vmem>>, vector<1x16xf32>,
        %parallel_loop3A_300 = vector.shape_cast %parallel_loop3A_299 : vector<1x16xf32> to vector<16xf32>
        %parallel_loop3A_301 = arith.index_cast %parallel_loop3A_280 : i32 to index
        %parallel_loop3A_302 = arith.constant 80 : index
        %parallel_loop3A_303 = tpu.vector_load %arg15[%parallel_loop3A_301, %parallel_loop3A_302] {strides = array<i32>} : memref<80x128xf32, #tpu.memory_space<vmem>>, vector<1x16xf32>,
        %parallel_loop3A_304 = vector.shape_cast %parallel_loop3A_303 : vector<1x16xf32> to vector<16xf32>
        %parallel_loop3A_305 = arith.index_cast %parallel_loop3A_280 : i32 to index
        %parallel_loop3A_306 = arith.constant 96 : index
        %parallel_loop3A_307 = tpu.vector_load %arg15[%parallel_loop3A_305, %parallel_loop3A_306] {strides = array<i32>} : memref<80x128xf32, #tpu.memory_space<vmem>>, vector<1x16xf32>,
        %parallel_loop3A_308 = vector.shape_cast %parallel_loop3A_307 : vector<1x16xf32> to vector<16xf32>
        %parallel_loop3A_309 = arith.index_cast %parallel_loop3A_280 : i32 to index
        %parallel_loop3A_310 = arith.constant 112 : index
        %parallel_loop3A_311 = tpu.vector_load %arg15[%parallel_loop3A_309, %parallel_loop3A_310] {strides = array<i32>} : memref<80x128xf32, #tpu.memory_space<vmem>>, vector<1x16xf32>,
        %parallel_loop3A_312 = vector.shape_cast %parallel_loop3A_311 : vector<1x16xf32> to vector<16xf32>
        %parallel_loop3A_313 = arith.mulf %parallel_loop3A_284, %parallel_loop3A_284 : vector<16xf32>
        %parallel_loop3A_314 = arith.mulf %parallel_loop3A_288, %parallel_loop3A_288 : vector<16xf32>
        %parallel_loop3A_315 = arith.mulf %parallel_loop3A_292, %parallel_loop3A_292 : vector<16xf32>
        %parallel_loop3A_316 = arith.mulf %parallel_loop3A_296, %parallel_loop3A_296 : vector<16xf32>
        %parallel_loop3A_317 = arith.mulf %parallel_loop3A_300, %parallel_loop3A_300 : vector<16xf32>
        %parallel_loop3A_318 = arith.mulf %parallel_loop3A_304, %parallel_loop3A_304 : vector<16xf32>
        %parallel_loop3A_319 = arith.mulf %parallel_loop3A_308, %parallel_loop3A_308 : vector<16xf32>
        %parallel_loop3A_320 = arith.mulf %parallel_loop3A_312, %parallel_loop3A_312 : vector<16xf32>
        %parallel_loop3A_321 = arith.addf %parallel_loop3A_313, %parallel_loop3A_314 : vector<16xf32>
        %parallel_loop3A_322 = arith.addf %parallel_loop3A_315, %parallel_loop3A_316 : vector<16xf32>
        %parallel_loop3A_323 = arith.addf %parallel_loop3A_317, %parallel_loop3A_318 : vector<16xf32>
        %parallel_loop3A_324 = arith.addf %parallel_loop3A_319, %parallel_loop3A_320 : vector<16xf32>
        %parallel_loop3A_325 = arith.addf %parallel_loop3A_321, %parallel_loop3A_322 : vector<16xf32>
        %parallel_loop3A_326 = arith.addf %parallel_loop3A_323, %parallel_loop3A_324 : vector<16xf32>
        %parallel_loop3A_327 = arith.addf %parallel_loop3A_325, %parallel_loop3A_326 : vector<16xf32>
        %parallel_loop3A_328 = tpu.iota {dimensions = array<i32: 0>} : vector<16xi32>
        %parallel_loop3A_329 = arith.constant 8 : i32
        %parallel_loop3A_330 = vector.broadcast %parallel_loop3A_329 : i32 to vector<16xi32>
        %parallel_loop3A_331 = arith.addi %parallel_loop3A_328, %parallel_loop3A_330 : vector<16xi32>
        %parallel_loop3A_332 = arith.constant 15 : i32
        %parallel_loop3A_333 = vector.broadcast %parallel_loop3A_332 : i32 to vector<16xi32>
        %parallel_loop3A_334 = arith.andi %parallel_loop3A_331, %parallel_loop3A_333 : vector<16xi32>
        %parallel_loop3A_335 = vector.shape_cast %parallel_loop3A_334 : vector<16xi32> to vector<16x1xi32>
        %parallel_loop3A_336 = vector.shape_cast %parallel_loop3A_335 : vector<16x1xi32> to vector<16xi32>
        %parallel_loop3A_337 = tpu.dynamic_gather %parallel_loop3A_327[%parallel_loop3A_336] in [0] : vector<16xf32>, vector<16xi32> -> vector<16xf32>
        %parallel_loop3A_338 = arith.addf %parallel_loop3A_327, %parallel_loop3A_337 : vector<16xf32>
        %parallel_loop3A_339 = tpu.iota {dimensions = array<i32: 0>} : vector<16xi32>
        %parallel_loop3A_340 = arith.constant 4 : i32
        %parallel_loop3A_341 = vector.broadcast %parallel_loop3A_340 : i32 to vector<16xi32>
        %parallel_loop3A_342 = arith.addi %parallel_loop3A_339, %parallel_loop3A_341 : vector<16xi32>
        %parallel_loop3A_343 = arith.constant 15 : i32
        %parallel_loop3A_344 = vector.broadcast %parallel_loop3A_343 : i32 to vector<16xi32>
        %parallel_loop3A_345 = arith.andi %parallel_loop3A_342, %parallel_loop3A_344 : vector<16xi32>
        %parallel_loop3A_346 = vector.shape_cast %parallel_loop3A_345 : vector<16xi32> to vector<16x1xi32>
        %parallel_loop3A_347 = vector.shape_cast %parallel_loop3A_346 : vector<16x1xi32> to vector<16xi32>
        %parallel_loop3A_348 = tpu.dynamic_gather %parallel_loop3A_338[%parallel_loop3A_347] in [0] : vector<16xf32>, vector<16xi32> -> vector<16xf32>
        %parallel_loop3A_349 = arith.addf %parallel_loop3A_338, %parallel_loop3A_348 : vector<16xf32>
        %parallel_loop3A_350 = tpu.iota {dimensions = array<i32: 0>} : vector<16xi32>
        %parallel_loop3A_351 = arith.constant 2 : i32
        %parallel_loop3A_352 = vector.broadcast %parallel_loop3A_351 : i32 to vector<16xi32>
        %parallel_loop3A_353 = arith.addi %parallel_loop3A_350, %parallel_loop3A_352 : vector<16xi32>
        %parallel_loop3A_354 = arith.constant 15 : i32
        %parallel_loop3A_355 = vector.broadcast %parallel_loop3A_354 : i32 to vector<16xi32>
        %parallel_loop3A_356 = arith.andi %parallel_loop3A_353, %parallel_loop3A_355 : vector<16xi32>
        %parallel_loop3A_357 = vector.shape_cast %parallel_loop3A_356 : vector<16xi32> to vector<16x1xi32>
        %parallel_loop3A_358 = vector.shape_cast %parallel_loop3A_357 : vector<16x1xi32> to vector<16xi32>
        %parallel_loop3A_359 = tpu.dynamic_gather %parallel_loop3A_349[%parallel_loop3A_358] in [0] : vector<16xf32>, vector<16xi32> -> vector<16xf32>
        %parallel_loop3A_360 = arith.addf %parallel_loop3A_349, %parallel_loop3A_359 : vector<16xf32>
        %parallel_loop3A_361 = tpu.iota {dimensions = array<i32: 0>} : vector<16xi32>
        %parallel_loop3A_362 = arith.constant 1 : i32
        %parallel_loop3A_363 = vector.broadcast %parallel_loop3A_362 : i32 to vector<16xi32>
        %parallel_loop3A_364 = arith.addi %parallel_loop3A_361, %parallel_loop3A_363 : vector<16xi32>
        %parallel_loop3A_365 = arith.constant 15 : i32
        %parallel_loop3A_366 = vector.broadcast %parallel_loop3A_365 : i32 to vector<16xi32>
        %parallel_loop3A_367 = arith.andi %parallel_loop3A_364, %parallel_loop3A_366 : vector<16xi32>
        %parallel_loop3A_368 = vector.shape_cast %parallel_loop3A_367 : vector<16xi32> to vector<16x1xi32>
        %parallel_loop3A_369 = vector.shape_cast %parallel_loop3A_368 : vector<16x1xi32> to vector<16xi32>
        %parallel_loop3A_370 = tpu.dynamic_gather %parallel_loop3A_360[%parallel_loop3A_369] in [0] : vector<16xf32>, vector<16xi32> -> vector<16xf32>
        %parallel_loop3A_371 = arith.addf %parallel_loop3A_360, %parallel_loop3A_370 : vector<16xf32>
        %parallel_loop3A_372 = tpu.bitcast %parallel_loop3A_371 : vector<16xf32> -> vector<16xi32>
        %parallel_loop3A_373 = arith.constant 1 : i32
        %parallel_loop3A_374 = vector.broadcast %parallel_loop3A_373 : i32 to vector<16xi32>
        %parallel_loop3A_375 = arith.shrsi %parallel_loop3A_372, %parallel_loop3A_374 : vector<16xi32>
        %parallel_loop3A_376 = arith.constant 1597463007 : i32
        %parallel_loop3A_377 = vector.broadcast %parallel_loop3A_376 : i32 to vector<16xi32>
        %parallel_loop3A_378 = arith.subi %parallel_loop3A_377, %parallel_loop3A_375 : vector<16xi32>
        %parallel_loop3A_379 = tpu.bitcast %parallel_loop3A_378 : vector<16xi32> -> vector<16xf32>
        %parallel_loop3A_380 = arith.constant 5.000000e-01 : f32
        %parallel_loop3A_381 = vector.broadcast %parallel_loop3A_380 : f32 to vector<16xf32>
        %parallel_loop3A_382 = arith.mulf %parallel_loop3A_381, %parallel_loop3A_371 : vector<16xf32>
        %parallel_loop3A_383 = arith.mulf %parallel_loop3A_382, %parallel_loop3A_379 : vector<16xf32>
        %parallel_loop3A_384 = arith.mulf %parallel_loop3A_383, %parallel_loop3A_379 : vector<16xf32>
        %parallel_loop3A_385 = arith.constant 1.500000e+00 : f32
        %parallel_loop3A_386 = vector.broadcast %parallel_loop3A_385 : f32 to vector<16xf32>
        %parallel_loop3A_387 = arith.subf %parallel_loop3A_386, %parallel_loop3A_384 : vector<16xf32>
        %parallel_loop3A_388 = arith.mulf %parallel_loop3A_379, %parallel_loop3A_387 : vector<16xf32>
        %parallel_loop3A_389 = arith.mulf %parallel_loop3A_382, %parallel_loop3A_388 : vector<16xf32>
        %parallel_loop3A_390 = arith.mulf %parallel_loop3A_389, %parallel_loop3A_388 : vector<16xf32>
        %parallel_loop3A_391 = arith.constant 1.500000e+00 : f32
        %parallel_loop3A_392 = vector.broadcast %parallel_loop3A_391 : f32 to vector<16xf32>
        %parallel_loop3A_393 = arith.subf %parallel_loop3A_392, %parallel_loop3A_390 : vector<16xf32>
        %parallel_loop3A_394 = arith.mulf %parallel_loop3A_388, %parallel_loop3A_393 : vector<16xf32>
        %parallel_loop3A_395 = arith.mulf %parallel_loop3A_284, %parallel_loop3A_394 : vector<16xf32>
        %parallel_loop3A_396 = arith.index_cast %parallel_loop3A_280 : i32 to index
        %parallel_loop3A_397 = arith.constant 0 : index
        %parallel_loop3A_398 = tpu.vector_load %arg15[%parallel_loop3A_396, %parallel_loop3A_397] {strides = array<i32>} : memref<80x128xf32, #tpu.memory_space<vmem>>, vector<1x16xf32>,
        %parallel_loop3A_399 = vector.shape_cast %parallel_loop3A_398 : vector<1x16xf32> to vector<16xf32>
        %parallel_loop3A_400 = vector.shape_cast %parallel_loop3A_395 : vector<16xf32> to vector<1x16xf32>
        tpu.vector_store %arg15[%parallel_loop3A_396, %parallel_loop3A_397], %parallel_loop3A_400 {strides = array<i32>} : memref<80x128xf32, #tpu.memory_space<vmem>>, vector<1x16xf32>,
        %parallel_loop3A_401 = arith.mulf %parallel_loop3A_288, %parallel_loop3A_394 : vector<16xf32>
        %parallel_loop3A_402 = arith.index_cast %parallel_loop3A_280 : i32 to index
        %parallel_loop3A_403 = arith.constant 16 : index
        %parallel_loop3A_404 = tpu.vector_load %arg15[%parallel_loop3A_402, %parallel_loop3A_403] {strides = array<i32>} : memref<80x128xf32, #tpu.memory_space<vmem>>, vector<1x16xf32>,
        %parallel_loop3A_405 = vector.shape_cast %parallel_loop3A_404 : vector<1x16xf32> to vector<16xf32>
        %parallel_loop3A_406 = vector.shape_cast %parallel_loop3A_401 : vector<16xf32> to vector<1x16xf32>
        tpu.vector_store %arg15[%parallel_loop3A_402, %parallel_loop3A_403], %parallel_loop3A_406 {strides = array<i32>} : memref<80x128xf32, #tpu.memory_space<vmem>>, vector<1x16xf32>,
        %parallel_loop3A_407 = arith.mulf %parallel_loop3A_292, %parallel_loop3A_394 : vector<16xf32>
        %parallel_loop3A_408 = arith.index_cast %parallel_loop3A_280 : i32 to index
        %parallel_loop3A_409 = arith.constant 32 : index
        %parallel_loop3A_410 = tpu.vector_load %arg15[%parallel_loop3A_408, %parallel_loop3A_409] {strides = array<i32>} : memref<80x128xf32, #tpu.memory_space<vmem>>, vector<1x16xf32>,
        %parallel_loop3A_411 = vector.shape_cast %parallel_loop3A_410 : vector<1x16xf32> to vector<16xf32>
        %parallel_loop3A_412 = vector.shape_cast %parallel_loop3A_407 : vector<16xf32> to vector<1x16xf32>
        tpu.vector_store %arg15[%parallel_loop3A_408, %parallel_loop3A_409], %parallel_loop3A_412 {strides = array<i32>} : memref<80x128xf32, #tpu.memory_space<vmem>>, vector<1x16xf32>,
        %parallel_loop3A_413 = arith.mulf %parallel_loop3A_296, %parallel_loop3A_394 : vector<16xf32>
        %parallel_loop3A_414 = arith.index_cast %parallel_loop3A_280 : i32 to index
        %parallel_loop3A_415 = arith.constant 48 : index
        %parallel_loop3A_416 = tpu.vector_load %arg15[%parallel_loop3A_414, %parallel_loop3A_415] {strides = array<i32>} : memref<80x128xf32, #tpu.memory_space<vmem>>, vector<1x16xf32>,
        %parallel_loop3A_417 = vector.shape_cast %parallel_loop3A_416 : vector<1x16xf32> to vector<16xf32>
        %parallel_loop3A_418 = vector.shape_cast %parallel_loop3A_413 : vector<16xf32> to vector<1x16xf32>
        tpu.vector_store %arg15[%parallel_loop3A_414, %parallel_loop3A_415], %parallel_loop3A_418 {strides = array<i32>} : memref<80x128xf32, #tpu.memory_space<vmem>>, vector<1x16xf32>,
        %parallel_loop3A_419 = arith.mulf %parallel_loop3A_300, %parallel_loop3A_394 : vector<16xf32>
        %parallel_loop3A_420 = arith.index_cast %parallel_loop3A_280 : i32 to index
        %parallel_loop3A_421 = arith.constant 64 : index
        %parallel_loop3A_422 = tpu.vector_load %arg15[%parallel_loop3A_420, %parallel_loop3A_421] {strides = array<i32>} : memref<80x128xf32, #tpu.memory_space<vmem>>, vector<1x16xf32>,
        %parallel_loop3A_423 = vector.shape_cast %parallel_loop3A_422 : vector<1x16xf32> to vector<16xf32>
        %parallel_loop3A_424 = vector.shape_cast %parallel_loop3A_419 : vector<16xf32> to vector<1x16xf32>
        tpu.vector_store %arg15[%parallel_loop3A_420, %parallel_loop3A_421], %parallel_loop3A_424 {strides = array<i32>} : memref<80x128xf32, #tpu.memory_space<vmem>>, vector<1x16xf32>,
        %parallel_loop3A_425 = arith.mulf %parallel_loop3A_304, %parallel_loop3A_394 : vector<16xf32>
        %parallel_loop3A_426 = arith.index_cast %parallel_loop3A_280 : i32 to index
        %parallel_loop3A_427 = arith.constant 80 : index
        %parallel_loop3A_428 = tpu.vector_load %arg15[%parallel_loop3A_426, %parallel_loop3A_427] {strides = array<i32>} : memref<80x128xf32, #tpu.memory_space<vmem>>, vector<1x16xf32>,
        %parallel_loop3A_429 = vector.shape_cast %parallel_loop3A_428 : vector<1x16xf32> to vector<16xf32>
        %parallel_loop3A_430 = vector.shape_cast %parallel_loop3A_425 : vector<16xf32> to vector<1x16xf32>
        tpu.vector_store %arg15[%parallel_loop3A_426, %parallel_loop3A_427], %parallel_loop3A_430 {strides = array<i32>} : memref<80x128xf32, #tpu.memory_space<vmem>>, vector<1x16xf32>,
        %parallel_loop3A_431 = arith.mulf %parallel_loop3A_308, %parallel_loop3A_394 : vector<16xf32>
        %parallel_loop3A_432 = arith.index_cast %parallel_loop3A_280 : i32 to index
        %parallel_loop3A_433 = arith.constant 96 : index
        %parallel_loop3A_434 = tpu.vector_load %arg15[%parallel_loop3A_432, %parallel_loop3A_433] {strides = array<i32>} : memref<80x128xf32, #tpu.memory_space<vmem>>, vector<1x16xf32>,
        %parallel_loop3A_435 = vector.shape_cast %parallel_loop3A_434 : vector<1x16xf32> to vector<16xf32>
        %parallel_loop3A_436 = vector.shape_cast %parallel_loop3A_431 : vector<16xf32> to vector<1x16xf32>
        tpu.vector_store %arg15[%parallel_loop3A_432, %parallel_loop3A_433], %parallel_loop3A_436 {strides = array<i32>} : memref<80x128xf32, #tpu.memory_space<vmem>>, vector<1x16xf32>,
        %parallel_loop3A_437 = arith.mulf %parallel_loop3A_312, %parallel_loop3A_394 : vector<16xf32>
        %parallel_loop3A_438 = arith.index_cast %parallel_loop3A_280 : i32 to index
        %parallel_loop3A_439 = arith.constant 112 : index
        %parallel_loop3A_440 = tpu.vector_load %arg15[%parallel_loop3A_438, %parallel_loop3A_439] {strides = array<i32>} : memref<80x128xf32, #tpu.memory_space<vmem>>, vector<1x16xf32>,
        %parallel_loop3A_441 = vector.shape_cast %parallel_loop3A_440 : vector<1x16xf32> to vector<16xf32>
        %parallel_loop3A_442 = vector.shape_cast %parallel_loop3A_437 : vector<16xf32> to vector<1x16xf32>
        tpu.vector_store %arg15[%parallel_loop3A_438, %parallel_loop3A_439], %parallel_loop3A_442 {strides = array<i32>} : memref<80x128xf32, #tpu.memory_space<vmem>>, vector<1x16xf32>,
        %parallel_loop3A_443 = arith.index_cast %parallel_loop3A_280 : i32 to index
        %parallel_loop3A_444 = arith.constant 0 : index
        %parallel_loop3A_445 = tpu.vector_load %arg16[%parallel_loop3A_443, %parallel_loop3A_444] {strides = array<i32>} : memref<80x128xf32, #tpu.memory_space<vmem>>, vector<1x16xf32>,
        %parallel_loop3A_446 = vector.shape_cast %parallel_loop3A_445 : vector<1x16xf32> to vector<16xf32>
        %parallel_loop3A_447 = arith.index_cast %parallel_loop3A_280 : i32 to index
        %parallel_loop3A_448 = arith.constant 16 : index
        %parallel_loop3A_449 = tpu.vector_load %arg16[%parallel_loop3A_447, %parallel_loop3A_448] {strides = array<i32>} : memref<80x128xf32, #tpu.memory_space<vmem>>, vector<1x16xf32>,
        %parallel_loop3A_450 = vector.shape_cast %parallel_loop3A_449 : vector<1x16xf32> to vector<16xf32>
        %parallel_loop3A_451 = arith.index_cast %parallel_loop3A_280 : i32 to index
        %parallel_loop3A_452 = arith.constant 32 : index
        %parallel_loop3A_453 = tpu.vector_load %arg16[%parallel_loop3A_451, %parallel_loop3A_452] {strides = array<i32>} : memref<80x128xf32, #tpu.memory_space<vmem>>, vector<1x16xf32>,
        %parallel_loop3A_454 = vector.shape_cast %parallel_loop3A_453 : vector<1x16xf32> to vector<16xf32>
        %parallel_loop3A_455 = arith.index_cast %parallel_loop3A_280 : i32 to index
        %parallel_loop3A_456 = arith.constant 48 : index
        %parallel_loop3A_457 = tpu.vector_load %arg16[%parallel_loop3A_455, %parallel_loop3A_456] {strides = array<i32>} : memref<80x128xf32, #tpu.memory_space<vmem>>, vector<1x16xf32>,
        %parallel_loop3A_458 = vector.shape_cast %parallel_loop3A_457 : vector<1x16xf32> to vector<16xf32>
        %parallel_loop3A_459 = arith.index_cast %parallel_loop3A_280 : i32 to index
        %parallel_loop3A_460 = arith.constant 64 : index
        %parallel_loop3A_461 = tpu.vector_load %arg16[%parallel_loop3A_459, %parallel_loop3A_460] {strides = array<i32>} : memref<80x128xf32, #tpu.memory_space<vmem>>, vector<1x16xf32>,
        %parallel_loop3A_462 = vector.shape_cast %parallel_loop3A_461 : vector<1x16xf32> to vector<16xf32>
        %parallel_loop3A_463 = arith.index_cast %parallel_loop3A_280 : i32 to index
        %parallel_loop3A_464 = arith.constant 80 : index
        %parallel_loop3A_465 = tpu.vector_load %arg16[%parallel_loop3A_463, %parallel_loop3A_464] {strides = array<i32>} : memref<80x128xf32, #tpu.memory_space<vmem>>, vector<1x16xf32>,
        %parallel_loop3A_466 = vector.shape_cast %parallel_loop3A_465 : vector<1x16xf32> to vector<16xf32>
        %parallel_loop3A_467 = arith.index_cast %parallel_loop3A_280 : i32 to index
        %parallel_loop3A_468 = arith.constant 96 : index
        %parallel_loop3A_469 = tpu.vector_load %arg16[%parallel_loop3A_467, %parallel_loop3A_468] {strides = array<i32>} : memref<80x128xf32, #tpu.memory_space<vmem>>, vector<1x16xf32>,
        %parallel_loop3A_470 = vector.shape_cast %parallel_loop3A_469 : vector<1x16xf32> to vector<16xf32>
        %parallel_loop3A_471 = arith.index_cast %parallel_loop3A_280 : i32 to index
        %parallel_loop3A_472 = arith.constant 112 : index
        %parallel_loop3A_473 = tpu.vector_load %arg16[%parallel_loop3A_471, %parallel_loop3A_472] {strides = array<i32>} : memref<80x128xf32, #tpu.memory_space<vmem>>, vector<1x16xf32>,
        %parallel_loop3A_474 = vector.shape_cast %parallel_loop3A_473 : vector<1x16xf32> to vector<16xf32>
        %parallel_loop3A_475 = arith.mulf %parallel_loop3A_446, %parallel_loop3A_446 : vector<16xf32>
        %parallel_loop3A_476 = arith.mulf %parallel_loop3A_450, %parallel_loop3A_450 : vector<16xf32>
        %parallel_loop3A_477 = arith.mulf %parallel_loop3A_454, %parallel_loop3A_454 : vector<16xf32>
        %parallel_loop3A_478 = arith.mulf %parallel_loop3A_458, %parallel_loop3A_458 : vector<16xf32>
        %parallel_loop3A_479 = arith.mulf %parallel_loop3A_462, %parallel_loop3A_462 : vector<16xf32>
        %parallel_loop3A_480 = arith.mulf %parallel_loop3A_466, %parallel_loop3A_466 : vector<16xf32>
        %parallel_loop3A_481 = arith.mulf %parallel_loop3A_470, %parallel_loop3A_470 : vector<16xf32>
        %parallel_loop3A_482 = arith.mulf %parallel_loop3A_474, %parallel_loop3A_474 : vector<16xf32>
        %parallel_loop3A_483 = arith.addf %parallel_loop3A_475, %parallel_loop3A_476 : vector<16xf32>
        %parallel_loop3A_484 = arith.addf %parallel_loop3A_477, %parallel_loop3A_478 : vector<16xf32>
        %parallel_loop3A_485 = arith.addf %parallel_loop3A_479, %parallel_loop3A_480 : vector<16xf32>
        %parallel_loop3A_486 = arith.addf %parallel_loop3A_481, %parallel_loop3A_482 : vector<16xf32>
        %parallel_loop3A_487 = arith.addf %parallel_loop3A_483, %parallel_loop3A_484 : vector<16xf32>
        %parallel_loop3A_488 = arith.addf %parallel_loop3A_485, %parallel_loop3A_486 : vector<16xf32>
        %parallel_loop3A_489 = arith.addf %parallel_loop3A_487, %parallel_loop3A_488 : vector<16xf32>
        %parallel_loop3A_490 = tpu.iota {dimensions = array<i32: 0>} : vector<16xi32>
        %parallel_loop3A_491 = arith.constant 8 : i32
        %parallel_loop3A_492 = vector.broadcast %parallel_loop3A_491 : i32 to vector<16xi32>
        %parallel_loop3A_493 = arith.addi %parallel_loop3A_490, %parallel_loop3A_492 : vector<16xi32>
        %parallel_loop3A_494 = arith.constant 15 : i32
        %parallel_loop3A_495 = vector.broadcast %parallel_loop3A_494 : i32 to vector<16xi32>
        %parallel_loop3A_496 = arith.andi %parallel_loop3A_493, %parallel_loop3A_495 : vector<16xi32>
        %parallel_loop3A_497 = vector.shape_cast %parallel_loop3A_496 : vector<16xi32> to vector<16x1xi32>
        %parallel_loop3A_498 = vector.shape_cast %parallel_loop3A_497 : vector<16x1xi32> to vector<16xi32>
        %parallel_loop3A_499 = tpu.dynamic_gather %parallel_loop3A_489[%parallel_loop3A_498] in [0] : vector<16xf32>, vector<16xi32> -> vector<16xf32>
        %parallel_loop3A_500 = arith.addf %parallel_loop3A_489, %parallel_loop3A_499 : vector<16xf32>
        %parallel_loop3A_501 = tpu.iota {dimensions = array<i32: 0>} : vector<16xi32>
        %parallel_loop3A_502 = arith.constant 4 : i32
        %parallel_loop3A_503 = vector.broadcast %parallel_loop3A_502 : i32 to vector<16xi32>
        %parallel_loop3A_504 = arith.addi %parallel_loop3A_501, %parallel_loop3A_503 : vector<16xi32>
        %parallel_loop3A_505 = arith.constant 15 : i32
        %parallel_loop3A_506 = vector.broadcast %parallel_loop3A_505 : i32 to vector<16xi32>
        %parallel_loop3A_507 = arith.andi %parallel_loop3A_504, %parallel_loop3A_506 : vector<16xi32>
        %parallel_loop3A_508 = vector.shape_cast %parallel_loop3A_507 : vector<16xi32> to vector<16x1xi32>
        %parallel_loop3A_509 = vector.shape_cast %parallel_loop3A_508 : vector<16x1xi32> to vector<16xi32>
        %parallel_loop3A_510 = tpu.dynamic_gather %parallel_loop3A_500[%parallel_loop3A_509] in [0] : vector<16xf32>, vector<16xi32> -> vector<16xf32>
        %parallel_loop3A_511 = arith.addf %parallel_loop3A_500, %parallel_loop3A_510 : vector<16xf32>
        %parallel_loop3A_512 = tpu.iota {dimensions = array<i32: 0>} : vector<16xi32>
        %parallel_loop3A_513 = arith.constant 2 : i32
        %parallel_loop3A_514 = vector.broadcast %parallel_loop3A_513 : i32 to vector<16xi32>
        %parallel_loop3A_515 = arith.addi %parallel_loop3A_512, %parallel_loop3A_514 : vector<16xi32>
        %parallel_loop3A_516 = arith.constant 15 : i32
        %parallel_loop3A_517 = vector.broadcast %parallel_loop3A_516 : i32 to vector<16xi32>
        %parallel_loop3A_518 = arith.andi %parallel_loop3A_515, %parallel_loop3A_517 : vector<16xi32>
        %parallel_loop3A_519 = vector.shape_cast %parallel_loop3A_518 : vector<16xi32> to vector<16x1xi32>
        %parallel_loop3A_520 = vector.shape_cast %parallel_loop3A_519 : vector<16x1xi32> to vector<16xi32>
        %parallel_loop3A_521 = tpu.dynamic_gather %parallel_loop3A_511[%parallel_loop3A_520] in [0] : vector<16xf32>, vector<16xi32> -> vector<16xf32>
        %parallel_loop3A_522 = arith.addf %parallel_loop3A_511, %parallel_loop3A_521 : vector<16xf32>
        %parallel_loop3A_523 = tpu.iota {dimensions = array<i32: 0>} : vector<16xi32>
        %parallel_loop3A_524 = arith.constant 1 : i32
        %parallel_loop3A_525 = vector.broadcast %parallel_loop3A_524 : i32 to vector<16xi32>
        %parallel_loop3A_526 = arith.addi %parallel_loop3A_523, %parallel_loop3A_525 : vector<16xi32>
        %parallel_loop3A_527 = arith.constant 15 : i32
        %parallel_loop3A_528 = vector.broadcast %parallel_loop3A_527 : i32 to vector<16xi32>
        %parallel_loop3A_529 = arith.andi %parallel_loop3A_526, %parallel_loop3A_528 : vector<16xi32>
        %parallel_loop3A_530 = vector.shape_cast %parallel_loop3A_529 : vector<16xi32> to vector<16x1xi32>
        %parallel_loop3A_531 = vector.shape_cast %parallel_loop3A_530 : vector<16x1xi32> to vector<16xi32>
        %parallel_loop3A_532 = tpu.dynamic_gather %parallel_loop3A_522[%parallel_loop3A_531] in [0] : vector<16xf32>, vector<16xi32> -> vector<16xf32>
        %parallel_loop3A_533 = arith.addf %parallel_loop3A_522, %parallel_loop3A_532 : vector<16xf32>
        %parallel_loop3A_534 = tpu.bitcast %parallel_loop3A_533 : vector<16xf32> -> vector<16xi32>
        %parallel_loop3A_535 = arith.constant 1 : i32
        %parallel_loop3A_536 = vector.broadcast %parallel_loop3A_535 : i32 to vector<16xi32>
        %parallel_loop3A_537 = arith.shrsi %parallel_loop3A_534, %parallel_loop3A_536 : vector<16xi32>
        %parallel_loop3A_538 = arith.constant 1597463007 : i32
        %parallel_loop3A_539 = vector.broadcast %parallel_loop3A_538 : i32 to vector<16xi32>
        %parallel_loop3A_540 = arith.subi %parallel_loop3A_539, %parallel_loop3A_537 : vector<16xi32>
        %parallel_loop3A_541 = tpu.bitcast %parallel_loop3A_540 : vector<16xi32> -> vector<16xf32>
        %parallel_loop3A_542 = arith.constant 5.000000e-01 : f32
        %parallel_loop3A_543 = vector.broadcast %parallel_loop3A_542 : f32 to vector<16xf32>
        %parallel_loop3A_544 = arith.mulf %parallel_loop3A_543, %parallel_loop3A_533 : vector<16xf32>
        %parallel_loop3A_545 = arith.mulf %parallel_loop3A_544, %parallel_loop3A_541 : vector<16xf32>
        %parallel_loop3A_546 = arith.mulf %parallel_loop3A_545, %parallel_loop3A_541 : vector<16xf32>
        %parallel_loop3A_547 = arith.constant 1.500000e+00 : f32
        %parallel_loop3A_548 = vector.broadcast %parallel_loop3A_547 : f32 to vector<16xf32>
        %parallel_loop3A_549 = arith.subf %parallel_loop3A_548, %parallel_loop3A_546 : vector<16xf32>
        %parallel_loop3A_550 = arith.mulf %parallel_loop3A_541, %parallel_loop3A_549 : vector<16xf32>
        %parallel_loop3A_551 = arith.mulf %parallel_loop3A_544, %parallel_loop3A_550 : vector<16xf32>
        %parallel_loop3A_552 = arith.mulf %parallel_loop3A_551, %parallel_loop3A_550 : vector<16xf32>
        %parallel_loop3A_553 = arith.constant 1.500000e+00 : f32
        %parallel_loop3A_554 = vector.broadcast %parallel_loop3A_553 : f32 to vector<16xf32>
        %parallel_loop3A_555 = arith.subf %parallel_loop3A_554, %parallel_loop3A_552 : vector<16xf32>
        %parallel_loop3A_556 = arith.mulf %parallel_loop3A_550, %parallel_loop3A_555 : vector<16xf32>
        %parallel_loop3A_557 = arith.mulf %parallel_loop3A_446, %parallel_loop3A_556 : vector<16xf32>
        %parallel_loop3A_558 = arith.index_cast %parallel_loop3A_280 : i32 to index
        %parallel_loop3A_559 = arith.constant 0 : index
        %parallel_loop3A_560 = tpu.vector_load %arg16[%parallel_loop3A_558, %parallel_loop3A_559] {strides = array<i32>} : memref<80x128xf32, #tpu.memory_space<vmem>>, vector<1x16xf32>,
        %parallel_loop3A_561 = vector.shape_cast %parallel_loop3A_560 : vector<1x16xf32> to vector<16xf32>
        %parallel_loop3A_562 = vector.shape_cast %parallel_loop3A_557 : vector<16xf32> to vector<1x16xf32>
        tpu.vector_store %arg16[%parallel_loop3A_558, %parallel_loop3A_559], %parallel_loop3A_562 {strides = array<i32>} : memref<80x128xf32, #tpu.memory_space<vmem>>, vector<1x16xf32>,
        %parallel_loop3A_563 = arith.mulf %parallel_loop3A_450, %parallel_loop3A_556 : vector<16xf32>
        %parallel_loop3A_564 = arith.index_cast %parallel_loop3A_280 : i32 to index
        %parallel_loop3A_565 = arith.constant 16 : index
        %parallel_loop3A_566 = tpu.vector_load %arg16[%parallel_loop3A_564, %parallel_loop3A_565] {strides = array<i32>} : memref<80x128xf32, #tpu.memory_space<vmem>>, vector<1x16xf32>,
        %parallel_loop3A_567 = vector.shape_cast %parallel_loop3A_566 : vector<1x16xf32> to vector<16xf32>
        %parallel_loop3A_568 = vector.shape_cast %parallel_loop3A_563 : vector<16xf32> to vector<1x16xf32>
        tpu.vector_store %arg16[%parallel_loop3A_564, %parallel_loop3A_565], %parallel_loop3A_568 {strides = array<i32>} : memref<80x128xf32, #tpu.memory_space<vmem>>, vector<1x16xf32>,
        %parallel_loop3A_569 = arith.mulf %parallel_loop3A_454, %parallel_loop3A_556 : vector<16xf32>
        %parallel_loop3A_570 = arith.index_cast %parallel_loop3A_280 : i32 to index
        %parallel_loop3A_571 = arith.constant 32 : index
        %parallel_loop3A_572 = tpu.vector_load %arg16[%parallel_loop3A_570, %parallel_loop3A_571] {strides = array<i32>} : memref<80x128xf32, #tpu.memory_space<vmem>>, vector<1x16xf32>,
        %parallel_loop3A_573 = vector.shape_cast %parallel_loop3A_572 : vector<1x16xf32> to vector<16xf32>
        %parallel_loop3A_574 = vector.shape_cast %parallel_loop3A_569 : vector<16xf32> to vector<1x16xf32>
        tpu.vector_store %arg16[%parallel_loop3A_570, %parallel_loop3A_571], %parallel_loop3A_574 {strides = array<i32>} : memref<80x128xf32, #tpu.memory_space<vmem>>, vector<1x16xf32>,
        %parallel_loop3A_575 = arith.mulf %parallel_loop3A_458, %parallel_loop3A_556 : vector<16xf32>
        %parallel_loop3A_576 = arith.index_cast %parallel_loop3A_280 : i32 to index
        %parallel_loop3A_577 = arith.constant 48 : index
        %parallel_loop3A_578 = tpu.vector_load %arg16[%parallel_loop3A_576, %parallel_loop3A_577] {strides = array<i32>} : memref<80x128xf32, #tpu.memory_space<vmem>>, vector<1x16xf32>,
        %parallel_loop3A_579 = vector.shape_cast %parallel_loop3A_578 : vector<1x16xf32> to vector<16xf32>
        %parallel_loop3A_580 = vector.shape_cast %parallel_loop3A_575 : vector<16xf32> to vector<1x16xf32>
        tpu.vector_store %arg16[%parallel_loop3A_576, %parallel_loop3A_577], %parallel_loop3A_580 {strides = array<i32>} : memref<80x128xf32, #tpu.memory_space<vmem>>, vector<1x16xf32>,
        %parallel_loop3A_581 = arith.mulf %parallel_loop3A_462, %parallel_loop3A_556 : vector<16xf32>
        %parallel_loop3A_582 = arith.index_cast %parallel_loop3A_280 : i32 to index
        %parallel_loop3A_583 = arith.constant 64 : index
        %parallel_loop3A_584 = tpu.vector_load %arg16[%parallel_loop3A_582, %parallel_loop3A_583] {strides = array<i32>} : memref<80x128xf32, #tpu.memory_space<vmem>>, vector<1x16xf32>,
        %parallel_loop3A_585 = vector.shape_cast %parallel_loop3A_584 : vector<1x16xf32> to vector<16xf32>
        %parallel_loop3A_586 = vector.shape_cast %parallel_loop3A_581 : vector<16xf32> to vector<1x16xf32>
        tpu.vector_store %arg16[%parallel_loop3A_582, %parallel_loop3A_583], %parallel_loop3A_586 {strides = array<i32>} : memref<80x128xf32, #tpu.memory_space<vmem>>, vector<1x16xf32>,
        %parallel_loop3A_587 = arith.mulf %parallel_loop3A_466, %parallel_loop3A_556 : vector<16xf32>
        %parallel_loop3A_588 = arith.index_cast %parallel_loop3A_280 : i32 to index
        %parallel_loop3A_589 = arith.constant 80 : index
        %parallel_loop3A_590 = tpu.vector_load %arg16[%parallel_loop3A_588, %parallel_loop3A_589] {strides = array<i32>} : memref<80x128xf32, #tpu.memory_space<vmem>>, vector<1x16xf32>,
        %parallel_loop3A_591 = vector.shape_cast %parallel_loop3A_590 : vector<1x16xf32> to vector<16xf32>
        %parallel_loop3A_592 = vector.shape_cast %parallel_loop3A_587 : vector<16xf32> to vector<1x16xf32>
        tpu.vector_store %arg16[%parallel_loop3A_588, %parallel_loop3A_589], %parallel_loop3A_592 {strides = array<i32>} : memref<80x128xf32, #tpu.memory_space<vmem>>, vector<1x16xf32>,
        %parallel_loop3A_593 = arith.mulf %parallel_loop3A_470, %parallel_loop3A_556 : vector<16xf32>
        %parallel_loop3A_594 = arith.index_cast %parallel_loop3A_280 : i32 to index
        %parallel_loop3A_595 = arith.constant 96 : index
        %parallel_loop3A_596 = tpu.vector_load %arg16[%parallel_loop3A_594, %parallel_loop3A_595] {strides = array<i32>} : memref<80x128xf32, #tpu.memory_space<vmem>>, vector<1x16xf32>,
        %parallel_loop3A_597 = vector.shape_cast %parallel_loop3A_596 : vector<1x16xf32> to vector<16xf32>
        %parallel_loop3A_598 = vector.shape_cast %parallel_loop3A_593 : vector<16xf32> to vector<1x16xf32>
        tpu.vector_store %arg16[%parallel_loop3A_594, %parallel_loop3A_595], %parallel_loop3A_598 {strides = array<i32>} : memref<80x128xf32, #tpu.memory_space<vmem>>, vector<1x16xf32>,
        %parallel_loop3A_599 = arith.mulf %parallel_loop3A_474, %parallel_loop3A_556 : vector<16xf32>
        %parallel_loop3A_600 = arith.index_cast %parallel_loop3A_280 : i32 to index
        %parallel_loop3A_601 = arith.constant 112 : index
        %parallel_loop3A_602 = tpu.vector_load %arg16[%parallel_loop3A_600, %parallel_loop3A_601] {strides = array<i32>} : memref<80x128xf32, #tpu.memory_space<vmem>>, vector<1x16xf32>,
        %parallel_loop3A_603 = vector.shape_cast %parallel_loop3A_602 : vector<1x16xf32> to vector<16xf32>
        %parallel_loop3A_604 = vector.shape_cast %parallel_loop3A_599 : vector<16xf32> to vector<1x16xf32>
        tpu.vector_store %arg16[%parallel_loop3A_600, %parallel_loop3A_601], %parallel_loop3A_604 {strides = array<i32>} : memref<80x128xf32, #tpu.memory_space<vmem>>, vector<1x16xf32>,
      } {sc.loop_unroll_factor = 2 : i64, sc.parallel_access}
      %dma_start3A_193 = arith.constant 0 : i32
      %dma_start3A_194 = arith.constant 0 : i32
      %dma_start3A_195 = tpu.memref_slice %arg9[%dma_start3A_193, %dma_start3A_194] : memref<1000x128xf32, #tpu.memory_space<vmem_shared>> -> memref<1000x128xf32, #tpu.memory_space<vmem_shared>>
      tpu.enqueue_indirect_dma source(%arg15 : memref<80x128xf32, #tpu.memory_space<vmem>>) target(%dma_start3A_195 : memref<1000x128xf32, #tpu.memory_space<vmem_shared>>) offsets(%arg17 : memref<80xi32, #tpu.memory_space<vmem>>) semaphore(%arg31 : memref<!tpu.dma_semaphore, #tpu.memory_space<semaphore_mem>>) {add = true}
      %dma_start3A_196 = arith.constant 0 : i32
      %dma_start3A_197 = arith.constant 0 : i32
      %dma_start3A_198 = tpu.memref_slice %arg10[%dma_start3A_196, %dma_start3A_197] : memref<1000x128xf32, #tpu.memory_space<vmem_shared>> -> memref<1000x128xf32, #tpu.memory_space<vmem_shared>>
      tpu.enqueue_indirect_dma source(%arg16 : memref<80x128xf32, #tpu.memory_space<vmem>>) target(%dma_start3A_198 : memref<1000x128xf32, #tpu.memory_space<vmem_shared>>) offsets(%arg17 : memref<80xi32, #tpu.memory_space<vmem>>) semaphore(%arg31 : memref<!tpu.dma_semaphore, #tpu.memory_space<semaphore_mem>>) {add = true}
      %dma_start3A_199 = arith.constant 0 : i32
      %dma_start3A_200 = arith.constant 0 : i32
      %dma_start3A_201 = tpu.memref_slice %arg11[%dma_start3A_199, %dma_start3A_200] : memref<1000x16xf32, #tpu.memory_space<vmem_shared>> -> memref<1000x16xf32, #tpu.memory_space<vmem_shared>>
      tpu.enqueue_indirect_dma source(%arg24 : memref<80x16xf32, #tpu.memory_space<vmem>>) target(%dma_start3A_201 : memref<1000x16xf32, #tpu.memory_space<vmem_shared>>) offsets(%arg17 : memref<80xi32, #tpu.memory_space<vmem>>) semaphore(%arg31 : memref<!tpu.dma_semaphore, #tpu.memory_space<semaphore_mem>>) {add = true}
      %add3A_202 = arith.constant 2 : i32
      %add3A_203 = arith.addi %add3A_125, %add3A_202 : i32
      %gt3A_204 = arith.constant 1 : i32
      %gt3A_205 = arith.cmpi sgt, %add3A_203, %gt3A_204 : i32
      %convert_element_type3A_206 = arith.extui %gt3A_205 : i1 to i32
      %cond3A_207 = arith.constant 0 : i32
      %cond3A_208 = arith.cmpi ne, %convert_element_type3A_206, %cond3A_207 : i32
      scf.if %cond3A_208 {
        %dma_wait3A_280 = arith.constant 0 : i32
        %dma_wait3A_281 = arith.constant 0 : i32
        %dma_wait3A_282 = tpu.memref_slice %arg9[%dma_wait3A_280, %dma_wait3A_281] : memref<1000x128xf32, #tpu.memory_space<vmem_shared>> -> memref<1000x128xf32, #tpu.memory_space<vmem_shared>>
        tpu.wait_indirect_dma semaphore(%arg30 : memref<!tpu.dma_semaphore, #tpu.memory_space<semaphore_mem>>) src(%arg12 : memref<80x128xf32, #tpu.memory_space<vmem>>) dst(%dma_wait3A_282 : memref<1000x128xf32, #tpu.memory_space<vmem_shared>>)
        %dma_wait3A_283 = arith.constant 0 : i32
        %dma_wait3A_284 = arith.constant 0 : i32
        %dma_wait3A_285 = tpu.memref_slice %arg10[%dma_wait3A_283, %dma_wait3A_284] : memref<1000x128xf32, #tpu.memory_space<vmem_shared>> -> memref<1000x128xf32, #tpu.memory_space<vmem_shared>>
        tpu.wait_indirect_dma semaphore(%arg30 : memref<!tpu.dma_semaphore, #tpu.memory_space<semaphore_mem>>) src(%arg13 : memref<80x128xf32, #tpu.memory_space<vmem>>) dst(%dma_wait3A_285 : memref<1000x128xf32, #tpu.memory_space<vmem_shared>>)
        %dma_wait3A_286 = arith.constant 0 : i32
        %dma_wait3A_287 = arith.constant 0 : i32
        %dma_wait3A_288 = tpu.memref_slice %arg11[%dma_wait3A_286, %dma_wait3A_287] : memref<1000x16xf32, #tpu.memory_space<vmem_shared>> -> memref<1000x16xf32, #tpu.memory_space<vmem_shared>>
        tpu.wait_indirect_dma semaphore(%arg30 : memref<!tpu.dma_semaphore, #tpu.memory_space<semaphore_mem>>) src(%arg24 : memref<80x16xf32, #tpu.memory_space<vmem>>) dst(%dma_wait3A_288 : memref<1000x16xf32, #tpu.memory_space<vmem_shared>>)
      } else {
      }
      %add3A_209 = arith.constant 2 : i32
      %add3A_210 = arith.addi %add3A_203, %add3A_209 : i32
      %lt3A_211 = arith.constant 125 : i32
      %lt3A_212 = arith.cmpi slt, %add3A_210, %lt3A_211 : i32
      %convert_element_type3A_213 = arith.extui %lt3A_212 : i1 to i32
      %cond3A_214 = arith.constant 0 : i32
      %cond3A_215 = arith.cmpi ne, %convert_element_type3A_213, %cond3A_214 : i32
      scf.if %cond3A_215 {
        %add3A_280 = arith.constant 2 : i32
        %add3A_281 = arith.addi %add3A_203, %add3A_280 : i32
        %mul3A_282 = arith.constant 80 : i32
        %mul3A_283 = arith.muli %add3A_281, %mul3A_282 : i32
        %add3A_284 = arith.addi %mul3A_2, %mul3A_283 : i32
        %dma_start3A_285 = arith.constant 0 : i32
        %dma_start3A_286 = tpu.memref_slice %arg2[%add3A_284, %dma_start3A_285] : memref<320000x128xf32, #tpu.memory_space<hbm>> -> memref<80x128xf32, #tpu.memory_space<hbm>>
        %dma_start3A_287 = arith.constant 0 : i32
        %dma_start3A_288 = tpu.memref_slice %arg2[%add3A_284, %dma_start3A_287] : memref<320000x128xf32, #tpu.memory_space<hbm>> -> memref<80x128xf32, #tpu.memory_space<hbm>>
        tpu.enqueue_dma source(%dma_start3A_288 : memref<80x128xf32, #tpu.memory_space<hbm>>) target(%arg12 : memref<80x128xf32, #tpu.memory_space<vmem>>) target_semaphore(%arg26 : memref<!tpu.dma_semaphore, #tpu.memory_space<semaphore_mem>>)
        %dma_start3A_289 = arith.constant 0 : i32
        %dma_start3A_290 = tpu.memref_slice %arg3[%add3A_284, %dma_start3A_289] : memref<320000x128xf32, #tpu.memory_space<hbm>> -> memref<80x128xf32, #tpu.memory_space<hbm>>
        %dma_start3A_291 = arith.constant 0 : i32
        %dma_start3A_292 = tpu.memref_slice %arg3[%add3A_284, %dma_start3A_291] : memref<320000x128xf32, #tpu.memory_space<hbm>> -> memref<80x128xf32, #tpu.memory_space<hbm>>
        tpu.enqueue_dma source(%dma_start3A_292 : memref<80x128xf32, #tpu.memory_space<hbm>>) target(%arg13 : memref<80x128xf32, #tpu.memory_space<vmem>>) target_semaphore(%arg26 : memref<!tpu.dma_semaphore, #tpu.memory_space<semaphore_mem>>)
        %dma_start3A_293 = tpu.memref_slice %arg4[%add3A_284] : memref<320000xi32, #tpu.memory_space<hbm>> -> memref<80xi32, #tpu.memory_space<hbm>>
        %dma_start3A_294 = tpu.memref_slice %arg4[%add3A_284] : memref<320000xi32, #tpu.memory_space<hbm>> -> memref<80xi32, #tpu.memory_space<hbm>>
        tpu.enqueue_dma source(%dma_start3A_294 : memref<80xi32, #tpu.memory_space<hbm>>) target(%arg14 : memref<80xi32, #tpu.memory_space<vmem>>) target_semaphore(%arg26 : memref<!tpu.dma_semaphore, #tpu.memory_space<semaphore_mem>>)
      } else {
      }
      %mul3A_216 = arith.constant 80 : i32
      %mul3A_217 = arith.muli %add3A_203, %mul3A_216 : i32
      %add3A_218 = arith.addi %mul3A_2, %mul3A_217 : i32
      %dma_wait3A_219 = arith.constant 0 : i32
      %dma_wait3A_220 = tpu.memref_slice %arg2[%add3A_218, %dma_wait3A_219] : memref<320000x128xf32, #tpu.memory_space<hbm>> -> memref<80x128xf32, #tpu.memory_space<hbm>>
      %dma_wait3A_221 = arith.constant 0 : i32
      %dma_wait3A_222 = tpu.memref_slice %arg2[%add3A_218, %dma_wait3A_221] : memref<320000x128xf32, #tpu.memory_space<hbm>> -> memref<80x128xf32, #tpu.memory_space<hbm>>
      tpu.wait_dma2 semaphore(%arg28 : memref<!tpu.dma_semaphore, #tpu.memory_space<semaphore_mem>>) src(%dma_wait3A_222 : memref<80x128xf32, #tpu.memory_space<hbm>>) dst(%arg18 : memref<80x128xf32, #tpu.memory_space<vmem>>)
      %dma_wait3A_223 = arith.constant 0 : i32
      %dma_wait3A_224 = tpu.memref_slice %arg3[%add3A_218, %dma_wait3A_223] : memref<320000x128xf32, #tpu.memory_space<hbm>> -> memref<80x128xf32, #tpu.memory_space<hbm>>
      %dma_wait3A_225 = arith.constant 0 : i32
      %dma_wait3A_226 = tpu.memref_slice %arg3[%add3A_218, %dma_wait3A_225] : memref<320000x128xf32, #tpu.memory_space<hbm>> -> memref<80x128xf32, #tpu.memory_space<hbm>>
      tpu.wait_dma2 semaphore(%arg28 : memref<!tpu.dma_semaphore, #tpu.memory_space<semaphore_mem>>) src(%dma_wait3A_226 : memref<80x128xf32, #tpu.memory_space<hbm>>) dst(%arg19 : memref<80x128xf32, #tpu.memory_space<vmem>>)
      %dma_wait3A_227 = tpu.memref_slice %arg4[%add3A_218] : memref<320000xi32, #tpu.memory_space<hbm>> -> memref<80xi32, #tpu.memory_space<hbm>>
      %dma_wait3A_228 = tpu.memref_slice %arg4[%add3A_218] : memref<320000xi32, #tpu.memory_space<hbm>> -> memref<80xi32, #tpu.memory_space<hbm>>
      tpu.wait_dma2 semaphore(%arg28 : memref<!tpu.dma_semaphore, #tpu.memory_space<semaphore_mem>>) src(%dma_wait3A_228 : memref<80xi32, #tpu.memory_space<hbm>>) dst(%arg20 : memref<80xi32, #tpu.memory_space<vmem>>)
      %parallel_loop3A_229 = arith.constant 0 : i32
      %parallel_loop3A_230 = arith.constant 80 : i32
      %parallel_loop3A_231 = arith.constant 1 : i32
      scf.for %parallel_loop3A_280 = %parallel_loop3A_229 to %parallel_loop3A_230 step %parallel_loop3A_231  : i32 {
        %parallel_loop3A_281 = arith.index_cast %parallel_loop3A_280 : i32 to index
        %parallel_loop3A_282 = arith.constant 0 : index
        %parallel_loop3A_283 = tpu.vector_load %arg18[%parallel_loop3A_281, %parallel_loop3A_282] {strides = array<i32>} : memref<80x128xf32, #tpu.memory_space<vmem>>, vector<1x16xf32>,
        %parallel_loop3A_284 = vector.shape_cast %parallel_loop3A_283 : vector<1x16xf32> to vector<16xf32>
        %parallel_loop3A_285 = arith.index_cast %parallel_loop3A_280 : i32 to index
        %parallel_loop3A_286 = arith.constant 16 : index
        %parallel_loop3A_287 = tpu.vector_load %arg18[%parallel_loop3A_285, %parallel_loop3A_286] {strides = array<i32>} : memref<80x128xf32, #tpu.memory_space<vmem>>, vector<1x16xf32>,
        %parallel_loop3A_288 = vector.shape_cast %parallel_loop3A_287 : vector<1x16xf32> to vector<16xf32>
        %parallel_loop3A_289 = arith.index_cast %parallel_loop3A_280 : i32 to index
        %parallel_loop3A_290 = arith.constant 32 : index
        %parallel_loop3A_291 = tpu.vector_load %arg18[%parallel_loop3A_289, %parallel_loop3A_290] {strides = array<i32>} : memref<80x128xf32, #tpu.memory_space<vmem>>, vector<1x16xf32>,
        %parallel_loop3A_292 = vector.shape_cast %parallel_loop3A_291 : vector<1x16xf32> to vector<16xf32>
        %parallel_loop3A_293 = arith.index_cast %parallel_loop3A_280 : i32 to index
        %parallel_loop3A_294 = arith.constant 48 : index
        %parallel_loop3A_295 = tpu.vector_load %arg18[%parallel_loop3A_293, %parallel_loop3A_294] {strides = array<i32>} : memref<80x128xf32, #tpu.memory_space<vmem>>, vector<1x16xf32>,
        %parallel_loop3A_296 = vector.shape_cast %parallel_loop3A_295 : vector<1x16xf32> to vector<16xf32>
        %parallel_loop3A_297 = arith.index_cast %parallel_loop3A_280 : i32 to index
        %parallel_loop3A_298 = arith.constant 64 : index
        %parallel_loop3A_299 = tpu.vector_load %arg18[%parallel_loop3A_297, %parallel_loop3A_298] {strides = array<i32>} : memref<80x128xf32, #tpu.memory_space<vmem>>, vector<1x16xf32>,
        %parallel_loop3A_300 = vector.shape_cast %parallel_loop3A_299 : vector<1x16xf32> to vector<16xf32>
        %parallel_loop3A_301 = arith.index_cast %parallel_loop3A_280 : i32 to index
        %parallel_loop3A_302 = arith.constant 80 : index
        %parallel_loop3A_303 = tpu.vector_load %arg18[%parallel_loop3A_301, %parallel_loop3A_302] {strides = array<i32>} : memref<80x128xf32, #tpu.memory_space<vmem>>, vector<1x16xf32>,
        %parallel_loop3A_304 = vector.shape_cast %parallel_loop3A_303 : vector<1x16xf32> to vector<16xf32>
        %parallel_loop3A_305 = arith.index_cast %parallel_loop3A_280 : i32 to index
        %parallel_loop3A_306 = arith.constant 96 : index
        %parallel_loop3A_307 = tpu.vector_load %arg18[%parallel_loop3A_305, %parallel_loop3A_306] {strides = array<i32>} : memref<80x128xf32, #tpu.memory_space<vmem>>, vector<1x16xf32>,
        %parallel_loop3A_308 = vector.shape_cast %parallel_loop3A_307 : vector<1x16xf32> to vector<16xf32>
        %parallel_loop3A_309 = arith.index_cast %parallel_loop3A_280 : i32 to index
        %parallel_loop3A_310 = arith.constant 112 : index
        %parallel_loop3A_311 = tpu.vector_load %arg18[%parallel_loop3A_309, %parallel_loop3A_310] {strides = array<i32>} : memref<80x128xf32, #tpu.memory_space<vmem>>, vector<1x16xf32>,
        %parallel_loop3A_312 = vector.shape_cast %parallel_loop3A_311 : vector<1x16xf32> to vector<16xf32>
        %parallel_loop3A_313 = arith.mulf %parallel_loop3A_284, %parallel_loop3A_284 : vector<16xf32>
        %parallel_loop3A_314 = arith.mulf %parallel_loop3A_288, %parallel_loop3A_288 : vector<16xf32>
        %parallel_loop3A_315 = arith.mulf %parallel_loop3A_292, %parallel_loop3A_292 : vector<16xf32>
        %parallel_loop3A_316 = arith.mulf %parallel_loop3A_296, %parallel_loop3A_296 : vector<16xf32>
        %parallel_loop3A_317 = arith.mulf %parallel_loop3A_300, %parallel_loop3A_300 : vector<16xf32>
        %parallel_loop3A_318 = arith.mulf %parallel_loop3A_304, %parallel_loop3A_304 : vector<16xf32>
        %parallel_loop3A_319 = arith.mulf %parallel_loop3A_308, %parallel_loop3A_308 : vector<16xf32>
        %parallel_loop3A_320 = arith.mulf %parallel_loop3A_312, %parallel_loop3A_312 : vector<16xf32>
        %parallel_loop3A_321 = arith.addf %parallel_loop3A_313, %parallel_loop3A_314 : vector<16xf32>
        %parallel_loop3A_322 = arith.addf %parallel_loop3A_315, %parallel_loop3A_316 : vector<16xf32>
        %parallel_loop3A_323 = arith.addf %parallel_loop3A_317, %parallel_loop3A_318 : vector<16xf32>
        %parallel_loop3A_324 = arith.addf %parallel_loop3A_319, %parallel_loop3A_320 : vector<16xf32>
        %parallel_loop3A_325 = arith.addf %parallel_loop3A_321, %parallel_loop3A_322 : vector<16xf32>
        %parallel_loop3A_326 = arith.addf %parallel_loop3A_323, %parallel_loop3A_324 : vector<16xf32>
        %parallel_loop3A_327 = arith.addf %parallel_loop3A_325, %parallel_loop3A_326 : vector<16xf32>
        %parallel_loop3A_328 = tpu.iota {dimensions = array<i32: 0>} : vector<16xi32>
        %parallel_loop3A_329 = arith.constant 8 : i32
        %parallel_loop3A_330 = vector.broadcast %parallel_loop3A_329 : i32 to vector<16xi32>
        %parallel_loop3A_331 = arith.addi %parallel_loop3A_328, %parallel_loop3A_330 : vector<16xi32>
        %parallel_loop3A_332 = arith.constant 15 : i32
        %parallel_loop3A_333 = vector.broadcast %parallel_loop3A_332 : i32 to vector<16xi32>
        %parallel_loop3A_334 = arith.andi %parallel_loop3A_331, %parallel_loop3A_333 : vector<16xi32>
        %parallel_loop3A_335 = vector.shape_cast %parallel_loop3A_334 : vector<16xi32> to vector<16x1xi32>
        %parallel_loop3A_336 = vector.shape_cast %parallel_loop3A_335 : vector<16x1xi32> to vector<16xi32>
        %parallel_loop3A_337 = tpu.dynamic_gather %parallel_loop3A_327[%parallel_loop3A_336] in [0] : vector<16xf32>, vector<16xi32> -> vector<16xf32>
        %parallel_loop3A_338 = arith.addf %parallel_loop3A_327, %parallel_loop3A_337 : vector<16xf32>
        %parallel_loop3A_339 = tpu.iota {dimensions = array<i32: 0>} : vector<16xi32>
        %parallel_loop3A_340 = arith.constant 4 : i32
        %parallel_loop3A_341 = vector.broadcast %parallel_loop3A_340 : i32 to vector<16xi32>
        %parallel_loop3A_342 = arith.addi %parallel_loop3A_339, %parallel_loop3A_341 : vector<16xi32>
        %parallel_loop3A_343 = arith.constant 15 : i32
        %parallel_loop3A_344 = vector.broadcast %parallel_loop3A_343 : i32 to vector<16xi32>
        %parallel_loop3A_345 = arith.andi %parallel_loop3A_342, %parallel_loop3A_344 : vector<16xi32>
        %parallel_loop3A_346 = vector.shape_cast %parallel_loop3A_345 : vector<16xi32> to vector<16x1xi32>
        %parallel_loop3A_347 = vector.shape_cast %parallel_loop3A_346 : vector<16x1xi32> to vector<16xi32>
        %parallel_loop3A_348 = tpu.dynamic_gather %parallel_loop3A_338[%parallel_loop3A_347] in [0] : vector<16xf32>, vector<16xi32> -> vector<16xf32>
        %parallel_loop3A_349 = arith.addf %parallel_loop3A_338, %parallel_loop3A_348 : vector<16xf32>
        %parallel_loop3A_350 = tpu.iota {dimensions = array<i32: 0>} : vector<16xi32>
        %parallel_loop3A_351 = arith.constant 2 : i32
        %parallel_loop3A_352 = vector.broadcast %parallel_loop3A_351 : i32 to vector<16xi32>
        %parallel_loop3A_353 = arith.addi %parallel_loop3A_350, %parallel_loop3A_352 : vector<16xi32>
        %parallel_loop3A_354 = arith.constant 15 : i32
        %parallel_loop3A_355 = vector.broadcast %parallel_loop3A_354 : i32 to vector<16xi32>
        %parallel_loop3A_356 = arith.andi %parallel_loop3A_353, %parallel_loop3A_355 : vector<16xi32>
        %parallel_loop3A_357 = vector.shape_cast %parallel_loop3A_356 : vector<16xi32> to vector<16x1xi32>
        %parallel_loop3A_358 = vector.shape_cast %parallel_loop3A_357 : vector<16x1xi32> to vector<16xi32>
        %parallel_loop3A_359 = tpu.dynamic_gather %parallel_loop3A_349[%parallel_loop3A_358] in [0] : vector<16xf32>, vector<16xi32> -> vector<16xf32>
        %parallel_loop3A_360 = arith.addf %parallel_loop3A_349, %parallel_loop3A_359 : vector<16xf32>
        %parallel_loop3A_361 = tpu.iota {dimensions = array<i32: 0>} : vector<16xi32>
        %parallel_loop3A_362 = arith.constant 1 : i32
        %parallel_loop3A_363 = vector.broadcast %parallel_loop3A_362 : i32 to vector<16xi32>
        %parallel_loop3A_364 = arith.addi %parallel_loop3A_361, %parallel_loop3A_363 : vector<16xi32>
        %parallel_loop3A_365 = arith.constant 15 : i32
        %parallel_loop3A_366 = vector.broadcast %parallel_loop3A_365 : i32 to vector<16xi32>
        %parallel_loop3A_367 = arith.andi %parallel_loop3A_364, %parallel_loop3A_366 : vector<16xi32>
        %parallel_loop3A_368 = vector.shape_cast %parallel_loop3A_367 : vector<16xi32> to vector<16x1xi32>
        %parallel_loop3A_369 = vector.shape_cast %parallel_loop3A_368 : vector<16x1xi32> to vector<16xi32>
        %parallel_loop3A_370 = tpu.dynamic_gather %parallel_loop3A_360[%parallel_loop3A_369] in [0] : vector<16xf32>, vector<16xi32> -> vector<16xf32>
        %parallel_loop3A_371 = arith.addf %parallel_loop3A_360, %parallel_loop3A_370 : vector<16xf32>
        %parallel_loop3A_372 = tpu.bitcast %parallel_loop3A_371 : vector<16xf32> -> vector<16xi32>
        %parallel_loop3A_373 = arith.constant 1 : i32
        %parallel_loop3A_374 = vector.broadcast %parallel_loop3A_373 : i32 to vector<16xi32>
        %parallel_loop3A_375 = arith.shrsi %parallel_loop3A_372, %parallel_loop3A_374 : vector<16xi32>
        %parallel_loop3A_376 = arith.constant 1597463007 : i32
        %parallel_loop3A_377 = vector.broadcast %parallel_loop3A_376 : i32 to vector<16xi32>
        %parallel_loop3A_378 = arith.subi %parallel_loop3A_377, %parallel_loop3A_375 : vector<16xi32>
        %parallel_loop3A_379 = tpu.bitcast %parallel_loop3A_378 : vector<16xi32> -> vector<16xf32>
        %parallel_loop3A_380 = arith.constant 5.000000e-01 : f32
        %parallel_loop3A_381 = vector.broadcast %parallel_loop3A_380 : f32 to vector<16xf32>
        %parallel_loop3A_382 = arith.mulf %parallel_loop3A_381, %parallel_loop3A_371 : vector<16xf32>
        %parallel_loop3A_383 = arith.mulf %parallel_loop3A_382, %parallel_loop3A_379 : vector<16xf32>
        %parallel_loop3A_384 = arith.mulf %parallel_loop3A_383, %parallel_loop3A_379 : vector<16xf32>
        %parallel_loop3A_385 = arith.constant 1.500000e+00 : f32
        %parallel_loop3A_386 = vector.broadcast %parallel_loop3A_385 : f32 to vector<16xf32>
        %parallel_loop3A_387 = arith.subf %parallel_loop3A_386, %parallel_loop3A_384 : vector<16xf32>
        %parallel_loop3A_388 = arith.mulf %parallel_loop3A_379, %parallel_loop3A_387 : vector<16xf32>
        %parallel_loop3A_389 = arith.mulf %parallel_loop3A_382, %parallel_loop3A_388 : vector<16xf32>
        %parallel_loop3A_390 = arith.mulf %parallel_loop3A_389, %parallel_loop3A_388 : vector<16xf32>
        %parallel_loop3A_391 = arith.constant 1.500000e+00 : f32
        %parallel_loop3A_392 = vector.broadcast %parallel_loop3A_391 : f32 to vector<16xf32>
        %parallel_loop3A_393 = arith.subf %parallel_loop3A_392, %parallel_loop3A_390 : vector<16xf32>
        %parallel_loop3A_394 = arith.mulf %parallel_loop3A_388, %parallel_loop3A_393 : vector<16xf32>
        %parallel_loop3A_395 = arith.mulf %parallel_loop3A_284, %parallel_loop3A_394 : vector<16xf32>
        %parallel_loop3A_396 = arith.index_cast %parallel_loop3A_280 : i32 to index
        %parallel_loop3A_397 = arith.constant 0 : index
        %parallel_loop3A_398 = tpu.vector_load %arg18[%parallel_loop3A_396, %parallel_loop3A_397] {strides = array<i32>} : memref<80x128xf32, #tpu.memory_space<vmem>>, vector<1x16xf32>,
        %parallel_loop3A_399 = vector.shape_cast %parallel_loop3A_398 : vector<1x16xf32> to vector<16xf32>
        %parallel_loop3A_400 = vector.shape_cast %parallel_loop3A_395 : vector<16xf32> to vector<1x16xf32>
        tpu.vector_store %arg18[%parallel_loop3A_396, %parallel_loop3A_397], %parallel_loop3A_400 {strides = array<i32>} : memref<80x128xf32, #tpu.memory_space<vmem>>, vector<1x16xf32>,
        %parallel_loop3A_401 = arith.mulf %parallel_loop3A_288, %parallel_loop3A_394 : vector<16xf32>
        %parallel_loop3A_402 = arith.index_cast %parallel_loop3A_280 : i32 to index
        %parallel_loop3A_403 = arith.constant 16 : index
        %parallel_loop3A_404 = tpu.vector_load %arg18[%parallel_loop3A_402, %parallel_loop3A_403] {strides = array<i32>} : memref<80x128xf32, #tpu.memory_space<vmem>>, vector<1x16xf32>,
        %parallel_loop3A_405 = vector.shape_cast %parallel_loop3A_404 : vector<1x16xf32> to vector<16xf32>
        %parallel_loop3A_406 = vector.shape_cast %parallel_loop3A_401 : vector<16xf32> to vector<1x16xf32>
        tpu.vector_store %arg18[%parallel_loop3A_402, %parallel_loop3A_403], %parallel_loop3A_406 {strides = array<i32>} : memref<80x128xf32, #tpu.memory_space<vmem>>, vector<1x16xf32>,
        %parallel_loop3A_407 = arith.mulf %parallel_loop3A_292, %parallel_loop3A_394 : vector<16xf32>
        %parallel_loop3A_408 = arith.index_cast %parallel_loop3A_280 : i32 to index
        %parallel_loop3A_409 = arith.constant 32 : index
        %parallel_loop3A_410 = tpu.vector_load %arg18[%parallel_loop3A_408, %parallel_loop3A_409] {strides = array<i32>} : memref<80x128xf32, #tpu.memory_space<vmem>>, vector<1x16xf32>,
        %parallel_loop3A_411 = vector.shape_cast %parallel_loop3A_410 : vector<1x16xf32> to vector<16xf32>
        %parallel_loop3A_412 = vector.shape_cast %parallel_loop3A_407 : vector<16xf32> to vector<1x16xf32>
        tpu.vector_store %arg18[%parallel_loop3A_408, %parallel_loop3A_409], %parallel_loop3A_412 {strides = array<i32>} : memref<80x128xf32, #tpu.memory_space<vmem>>, vector<1x16xf32>,
        %parallel_loop3A_413 = arith.mulf %parallel_loop3A_296, %parallel_loop3A_394 : vector<16xf32>
        %parallel_loop3A_414 = arith.index_cast %parallel_loop3A_280 : i32 to index
        %parallel_loop3A_415 = arith.constant 48 : index
        %parallel_loop3A_416 = tpu.vector_load %arg18[%parallel_loop3A_414, %parallel_loop3A_415] {strides = array<i32>} : memref<80x128xf32, #tpu.memory_space<vmem>>, vector<1x16xf32>,
        %parallel_loop3A_417 = vector.shape_cast %parallel_loop3A_416 : vector<1x16xf32> to vector<16xf32>
        %parallel_loop3A_418 = vector.shape_cast %parallel_loop3A_413 : vector<16xf32> to vector<1x16xf32>
        tpu.vector_store %arg18[%parallel_loop3A_414, %parallel_loop3A_415], %parallel_loop3A_418 {strides = array<i32>} : memref<80x128xf32, #tpu.memory_space<vmem>>, vector<1x16xf32>,
        %parallel_loop3A_419 = arith.mulf %parallel_loop3A_300, %parallel_loop3A_394 : vector<16xf32>
        %parallel_loop3A_420 = arith.index_cast %parallel_loop3A_280 : i32 to index
        %parallel_loop3A_421 = arith.constant 64 : index
        %parallel_loop3A_422 = tpu.vector_load %arg18[%parallel_loop3A_420, %parallel_loop3A_421] {strides = array<i32>} : memref<80x128xf32, #tpu.memory_space<vmem>>, vector<1x16xf32>,
        %parallel_loop3A_423 = vector.shape_cast %parallel_loop3A_422 : vector<1x16xf32> to vector<16xf32>
        %parallel_loop3A_424 = vector.shape_cast %parallel_loop3A_419 : vector<16xf32> to vector<1x16xf32>
        tpu.vector_store %arg18[%parallel_loop3A_420, %parallel_loop3A_421], %parallel_loop3A_424 {strides = array<i32>} : memref<80x128xf32, #tpu.memory_space<vmem>>, vector<1x16xf32>,
        %parallel_loop3A_425 = arith.mulf %parallel_loop3A_304, %parallel_loop3A_394 : vector<16xf32>
        %parallel_loop3A_426 = arith.index_cast %parallel_loop3A_280 : i32 to index
        %parallel_loop3A_427 = arith.constant 80 : index
        %parallel_loop3A_428 = tpu.vector_load %arg18[%parallel_loop3A_426, %parallel_loop3A_427] {strides = array<i32>} : memref<80x128xf32, #tpu.memory_space<vmem>>, vector<1x16xf32>,
        %parallel_loop3A_429 = vector.shape_cast %parallel_loop3A_428 : vector<1x16xf32> to vector<16xf32>
        %parallel_loop3A_430 = vector.shape_cast %parallel_loop3A_425 : vector<16xf32> to vector<1x16xf32>
        tpu.vector_store %arg18[%parallel_loop3A_426, %parallel_loop3A_427], %parallel_loop3A_430 {strides = array<i32>} : memref<80x128xf32, #tpu.memory_space<vmem>>, vector<1x16xf32>,
        %parallel_loop3A_431 = arith.mulf %parallel_loop3A_308, %parallel_loop3A_394 : vector<16xf32>
        %parallel_loop3A_432 = arith.index_cast %parallel_loop3A_280 : i32 to index
        %parallel_loop3A_433 = arith.constant 96 : index
        %parallel_loop3A_434 = tpu.vector_load %arg18[%parallel_loop3A_432, %parallel_loop3A_433] {strides = array<i32>} : memref<80x128xf32, #tpu.memory_space<vmem>>, vector<1x16xf32>,
        %parallel_loop3A_435 = vector.shape_cast %parallel_loop3A_434 : vector<1x16xf32> to vector<16xf32>
        %parallel_loop3A_436 = vector.shape_cast %parallel_loop3A_431 : vector<16xf32> to vector<1x16xf32>
        tpu.vector_store %arg18[%parallel_loop3A_432, %parallel_loop3A_433], %parallel_loop3A_436 {strides = array<i32>} : memref<80x128xf32, #tpu.memory_space<vmem>>, vector<1x16xf32>,
        %parallel_loop3A_437 = arith.mulf %parallel_loop3A_312, %parallel_loop3A_394 : vector<16xf32>
        %parallel_loop3A_438 = arith.index_cast %parallel_loop3A_280 : i32 to index
        %parallel_loop3A_439 = arith.constant 112 : index
        %parallel_loop3A_440 = tpu.vector_load %arg18[%parallel_loop3A_438, %parallel_loop3A_439] {strides = array<i32>} : memref<80x128xf32, #tpu.memory_space<vmem>>, vector<1x16xf32>,
        %parallel_loop3A_441 = vector.shape_cast %parallel_loop3A_440 : vector<1x16xf32> to vector<16xf32>
        %parallel_loop3A_442 = vector.shape_cast %parallel_loop3A_437 : vector<16xf32> to vector<1x16xf32>
        tpu.vector_store %arg18[%parallel_loop3A_438, %parallel_loop3A_439], %parallel_loop3A_442 {strides = array<i32>} : memref<80x128xf32, #tpu.memory_space<vmem>>, vector<1x16xf32>,
        %parallel_loop3A_443 = arith.index_cast %parallel_loop3A_280 : i32 to index
        %parallel_loop3A_444 = arith.constant 0 : index
        %parallel_loop3A_445 = tpu.vector_load %arg19[%parallel_loop3A_443, %parallel_loop3A_444] {strides = array<i32>} : memref<80x128xf32, #tpu.memory_space<vmem>>, vector<1x16xf32>,
        %parallel_loop3A_446 = vector.shape_cast %parallel_loop3A_445 : vector<1x16xf32> to vector<16xf32>
        %parallel_loop3A_447 = arith.index_cast %parallel_loop3A_280 : i32 to index
        %parallel_loop3A_448 = arith.constant 16 : index
        %parallel_loop3A_449 = tpu.vector_load %arg19[%parallel_loop3A_447, %parallel_loop3A_448] {strides = array<i32>} : memref<80x128xf32, #tpu.memory_space<vmem>>, vector<1x16xf32>,
        %parallel_loop3A_450 = vector.shape_cast %parallel_loop3A_449 : vector<1x16xf32> to vector<16xf32>
        %parallel_loop3A_451 = arith.index_cast %parallel_loop3A_280 : i32 to index
        %parallel_loop3A_452 = arith.constant 32 : index
        %parallel_loop3A_453 = tpu.vector_load %arg19[%parallel_loop3A_451, %parallel_loop3A_452] {strides = array<i32>} : memref<80x128xf32, #tpu.memory_space<vmem>>, vector<1x16xf32>,
        %parallel_loop3A_454 = vector.shape_cast %parallel_loop3A_453 : vector<1x16xf32> to vector<16xf32>
        %parallel_loop3A_455 = arith.index_cast %parallel_loop3A_280 : i32 to index
        %parallel_loop3A_456 = arith.constant 48 : index
        %parallel_loop3A_457 = tpu.vector_load %arg19[%parallel_loop3A_455, %parallel_loop3A_456] {strides = array<i32>} : memref<80x128xf32, #tpu.memory_space<vmem>>, vector<1x16xf32>,
        %parallel_loop3A_458 = vector.shape_cast %parallel_loop3A_457 : vector<1x16xf32> to vector<16xf32>
        %parallel_loop3A_459 = arith.index_cast %parallel_loop3A_280 : i32 to index
        %parallel_loop3A_460 = arith.constant 64 : index
        %parallel_loop3A_461 = tpu.vector_load %arg19[%parallel_loop3A_459, %parallel_loop3A_460] {strides = array<i32>} : memref<80x128xf32, #tpu.memory_space<vmem>>, vector<1x16xf32>,
        %parallel_loop3A_462 = vector.shape_cast %parallel_loop3A_461 : vector<1x16xf32> to vector<16xf32>
        %parallel_loop3A_463 = arith.index_cast %parallel_loop3A_280 : i32 to index
        %parallel_loop3A_464 = arith.constant 80 : index
        %parallel_loop3A_465 = tpu.vector_load %arg19[%parallel_loop3A_463, %parallel_loop3A_464] {strides = array<i32>} : memref<80x128xf32, #tpu.memory_space<vmem>>, vector<1x16xf32>,
        %parallel_loop3A_466 = vector.shape_cast %parallel_loop3A_465 : vector<1x16xf32> to vector<16xf32>
        %parallel_loop3A_467 = arith.index_cast %parallel_loop3A_280 : i32 to index
        %parallel_loop3A_468 = arith.constant 96 : index
        %parallel_loop3A_469 = tpu.vector_load %arg19[%parallel_loop3A_467, %parallel_loop3A_468] {strides = array<i32>} : memref<80x128xf32, #tpu.memory_space<vmem>>, vector<1x16xf32>,
        %parallel_loop3A_470 = vector.shape_cast %parallel_loop3A_469 : vector<1x16xf32> to vector<16xf32>
        %parallel_loop3A_471 = arith.index_cast %parallel_loop3A_280 : i32 to index
        %parallel_loop3A_472 = arith.constant 112 : index
        %parallel_loop3A_473 = tpu.vector_load %arg19[%parallel_loop3A_471, %parallel_loop3A_472] {strides = array<i32>} : memref<80x128xf32, #tpu.memory_space<vmem>>, vector<1x16xf32>,
        %parallel_loop3A_474 = vector.shape_cast %parallel_loop3A_473 : vector<1x16xf32> to vector<16xf32>
        %parallel_loop3A_475 = arith.mulf %parallel_loop3A_446, %parallel_loop3A_446 : vector<16xf32>
        %parallel_loop3A_476 = arith.mulf %parallel_loop3A_450, %parallel_loop3A_450 : vector<16xf32>
        %parallel_loop3A_477 = arith.mulf %parallel_loop3A_454, %parallel_loop3A_454 : vector<16xf32>
        %parallel_loop3A_478 = arith.mulf %parallel_loop3A_458, %parallel_loop3A_458 : vector<16xf32>
        %parallel_loop3A_479 = arith.mulf %parallel_loop3A_462, %parallel_loop3A_462 : vector<16xf32>
        %parallel_loop3A_480 = arith.mulf %parallel_loop3A_466, %parallel_loop3A_466 : vector<16xf32>
        %parallel_loop3A_481 = arith.mulf %parallel_loop3A_470, %parallel_loop3A_470 : vector<16xf32>
        %parallel_loop3A_482 = arith.mulf %parallel_loop3A_474, %parallel_loop3A_474 : vector<16xf32>
        %parallel_loop3A_483 = arith.addf %parallel_loop3A_475, %parallel_loop3A_476 : vector<16xf32>
        %parallel_loop3A_484 = arith.addf %parallel_loop3A_477, %parallel_loop3A_478 : vector<16xf32>
        %parallel_loop3A_485 = arith.addf %parallel_loop3A_479, %parallel_loop3A_480 : vector<16xf32>
        %parallel_loop3A_486 = arith.addf %parallel_loop3A_481, %parallel_loop3A_482 : vector<16xf32>
        %parallel_loop3A_487 = arith.addf %parallel_loop3A_483, %parallel_loop3A_484 : vector<16xf32>
        %parallel_loop3A_488 = arith.addf %parallel_loop3A_485, %parallel_loop3A_486 : vector<16xf32>
        %parallel_loop3A_489 = arith.addf %parallel_loop3A_487, %parallel_loop3A_488 : vector<16xf32>
        %parallel_loop3A_490 = tpu.iota {dimensions = array<i32: 0>} : vector<16xi32>
        %parallel_loop3A_491 = arith.constant 8 : i32
        %parallel_loop3A_492 = vector.broadcast %parallel_loop3A_491 : i32 to vector<16xi32>
        %parallel_loop3A_493 = arith.addi %parallel_loop3A_490, %parallel_loop3A_492 : vector<16xi32>
        %parallel_loop3A_494 = arith.constant 15 : i32
        %parallel_loop3A_495 = vector.broadcast %parallel_loop3A_494 : i32 to vector<16xi32>
        %parallel_loop3A_496 = arith.andi %parallel_loop3A_493, %parallel_loop3A_495 : vector<16xi32>
        %parallel_loop3A_497 = vector.shape_cast %parallel_loop3A_496 : vector<16xi32> to vector<16x1xi32>
        %parallel_loop3A_498 = vector.shape_cast %parallel_loop3A_497 : vector<16x1xi32> to vector<16xi32>
        %parallel_loop3A_499 = tpu.dynamic_gather %parallel_loop3A_489[%parallel_loop3A_498] in [0] : vector<16xf32>, vector<16xi32> -> vector<16xf32>
        %parallel_loop3A_500 = arith.addf %parallel_loop3A_489, %parallel_loop3A_499 : vector<16xf32>
        %parallel_loop3A_501 = tpu.iota {dimensions = array<i32: 0>} : vector<16xi32>
        %parallel_loop3A_502 = arith.constant 4 : i32
        %parallel_loop3A_503 = vector.broadcast %parallel_loop3A_502 : i32 to vector<16xi32>
        %parallel_loop3A_504 = arith.addi %parallel_loop3A_501, %parallel_loop3A_503 : vector<16xi32>
        %parallel_loop3A_505 = arith.constant 15 : i32
        %parallel_loop3A_506 = vector.broadcast %parallel_loop3A_505 : i32 to vector<16xi32>
        %parallel_loop3A_507 = arith.andi %parallel_loop3A_504, %parallel_loop3A_506 : vector<16xi32>
        %parallel_loop3A_508 = vector.shape_cast %parallel_loop3A_507 : vector<16xi32> to vector<16x1xi32>
        %parallel_loop3A_509 = vector.shape_cast %parallel_loop3A_508 : vector<16x1xi32> to vector<16xi32>
        %parallel_loop3A_510 = tpu.dynamic_gather %parallel_loop3A_500[%parallel_loop3A_509] in [0] : vector<16xf32>, vector<16xi32> -> vector<16xf32>
        %parallel_loop3A_511 = arith.addf %parallel_loop3A_500, %parallel_loop3A_510 : vector<16xf32>
        %parallel_loop3A_512 = tpu.iota {dimensions = array<i32: 0>} : vector<16xi32>
        %parallel_loop3A_513 = arith.constant 2 : i32
        %parallel_loop3A_514 = vector.broadcast %parallel_loop3A_513 : i32 to vector<16xi32>
        %parallel_loop3A_515 = arith.addi %parallel_loop3A_512, %parallel_loop3A_514 : vector<16xi32>
        %parallel_loop3A_516 = arith.constant 15 : i32
        %parallel_loop3A_517 = vector.broadcast %parallel_loop3A_516 : i32 to vector<16xi32>
        %parallel_loop3A_518 = arith.andi %parallel_loop3A_515, %parallel_loop3A_517 : vector<16xi32>
        %parallel_loop3A_519 = vector.shape_cast %parallel_loop3A_518 : vector<16xi32> to vector<16x1xi32>
        %parallel_loop3A_520 = vector.shape_cast %parallel_loop3A_519 : vector<16x1xi32> to vector<16xi32>
        %parallel_loop3A_521 = tpu.dynamic_gather %parallel_loop3A_511[%parallel_loop3A_520] in [0] : vector<16xf32>, vector<16xi32> -> vector<16xf32>
        %parallel_loop3A_522 = arith.addf %parallel_loop3A_511, %parallel_loop3A_521 : vector<16xf32>
        %parallel_loop3A_523 = tpu.iota {dimensions = array<i32: 0>} : vector<16xi32>
        %parallel_loop3A_524 = arith.constant 1 : i32
        %parallel_loop3A_525 = vector.broadcast %parallel_loop3A_524 : i32 to vector<16xi32>
        %parallel_loop3A_526 = arith.addi %parallel_loop3A_523, %parallel_loop3A_525 : vector<16xi32>
        %parallel_loop3A_527 = arith.constant 15 : i32
        %parallel_loop3A_528 = vector.broadcast %parallel_loop3A_527 : i32 to vector<16xi32>
        %parallel_loop3A_529 = arith.andi %parallel_loop3A_526, %parallel_loop3A_528 : vector<16xi32>
        %parallel_loop3A_530 = vector.shape_cast %parallel_loop3A_529 : vector<16xi32> to vector<16x1xi32>
        %parallel_loop3A_531 = vector.shape_cast %parallel_loop3A_530 : vector<16x1xi32> to vector<16xi32>
        %parallel_loop3A_532 = tpu.dynamic_gather %parallel_loop3A_522[%parallel_loop3A_531] in [0] : vector<16xf32>, vector<16xi32> -> vector<16xf32>
        %parallel_loop3A_533 = arith.addf %parallel_loop3A_522, %parallel_loop3A_532 : vector<16xf32>
        %parallel_loop3A_534 = tpu.bitcast %parallel_loop3A_533 : vector<16xf32> -> vector<16xi32>
        %parallel_loop3A_535 = arith.constant 1 : i32
        %parallel_loop3A_536 = vector.broadcast %parallel_loop3A_535 : i32 to vector<16xi32>
        %parallel_loop3A_537 = arith.shrsi %parallel_loop3A_534, %parallel_loop3A_536 : vector<16xi32>
        %parallel_loop3A_538 = arith.constant 1597463007 : i32
        %parallel_loop3A_539 = vector.broadcast %parallel_loop3A_538 : i32 to vector<16xi32>
        %parallel_loop3A_540 = arith.subi %parallel_loop3A_539, %parallel_loop3A_537 : vector<16xi32>
        %parallel_loop3A_541 = tpu.bitcast %parallel_loop3A_540 : vector<16xi32> -> vector<16xf32>
        %parallel_loop3A_542 = arith.constant 5.000000e-01 : f32
        %parallel_loop3A_543 = vector.broadcast %parallel_loop3A_542 : f32 to vector<16xf32>
        %parallel_loop3A_544 = arith.mulf %parallel_loop3A_543, %parallel_loop3A_533 : vector<16xf32>
        %parallel_loop3A_545 = arith.mulf %parallel_loop3A_544, %parallel_loop3A_541 : vector<16xf32>
        %parallel_loop3A_546 = arith.mulf %parallel_loop3A_545, %parallel_loop3A_541 : vector<16xf32>
        %parallel_loop3A_547 = arith.constant 1.500000e+00 : f32
        %parallel_loop3A_548 = vector.broadcast %parallel_loop3A_547 : f32 to vector<16xf32>
        %parallel_loop3A_549 = arith.subf %parallel_loop3A_548, %parallel_loop3A_546 : vector<16xf32>
        %parallel_loop3A_550 = arith.mulf %parallel_loop3A_541, %parallel_loop3A_549 : vector<16xf32>
        %parallel_loop3A_551 = arith.mulf %parallel_loop3A_544, %parallel_loop3A_550 : vector<16xf32>
        %parallel_loop3A_552 = arith.mulf %parallel_loop3A_551, %parallel_loop3A_550 : vector<16xf32>
        %parallel_loop3A_553 = arith.constant 1.500000e+00 : f32
        %parallel_loop3A_554 = vector.broadcast %parallel_loop3A_553 : f32 to vector<16xf32>
        %parallel_loop3A_555 = arith.subf %parallel_loop3A_554, %parallel_loop3A_552 : vector<16xf32>
        %parallel_loop3A_556 = arith.mulf %parallel_loop3A_550, %parallel_loop3A_555 : vector<16xf32>
        %parallel_loop3A_557 = arith.mulf %parallel_loop3A_446, %parallel_loop3A_556 : vector<16xf32>
        %parallel_loop3A_558 = arith.index_cast %parallel_loop3A_280 : i32 to index
        %parallel_loop3A_559 = arith.constant 0 : index
        %parallel_loop3A_560 = tpu.vector_load %arg19[%parallel_loop3A_558, %parallel_loop3A_559] {strides = array<i32>} : memref<80x128xf32, #tpu.memory_space<vmem>>, vector<1x16xf32>,
        %parallel_loop3A_561 = vector.shape_cast %parallel_loop3A_560 : vector<1x16xf32> to vector<16xf32>
        %parallel_loop3A_562 = vector.shape_cast %parallel_loop3A_557 : vector<16xf32> to vector<1x16xf32>
        tpu.vector_store %arg19[%parallel_loop3A_558, %parallel_loop3A_559], %parallel_loop3A_562 {strides = array<i32>} : memref<80x128xf32, #tpu.memory_space<vmem>>, vector<1x16xf32>,
        %parallel_loop3A_563 = arith.mulf %parallel_loop3A_450, %parallel_loop3A_556 : vector<16xf32>
        %parallel_loop3A_564 = arith.index_cast %parallel_loop3A_280 : i32 to index
        %parallel_loop3A_565 = arith.constant 16 : index
        %parallel_loop3A_566 = tpu.vector_load %arg19[%parallel_loop3A_564, %parallel_loop3A_565] {strides = array<i32>} : memref<80x128xf32, #tpu.memory_space<vmem>>, vector<1x16xf32>,
        %parallel_loop3A_567 = vector.shape_cast %parallel_loop3A_566 : vector<1x16xf32> to vector<16xf32>
        %parallel_loop3A_568 = vector.shape_cast %parallel_loop3A_563 : vector<16xf32> to vector<1x16xf32>
        tpu.vector_store %arg19[%parallel_loop3A_564, %parallel_loop3A_565], %parallel_loop3A_568 {strides = array<i32>} : memref<80x128xf32, #tpu.memory_space<vmem>>, vector<1x16xf32>,
        %parallel_loop3A_569 = arith.mulf %parallel_loop3A_454, %parallel_loop3A_556 : vector<16xf32>
        %parallel_loop3A_570 = arith.index_cast %parallel_loop3A_280 : i32 to index
        %parallel_loop3A_571 = arith.constant 32 : index
        %parallel_loop3A_572 = tpu.vector_load %arg19[%parallel_loop3A_570, %parallel_loop3A_571] {strides = array<i32>} : memref<80x128xf32, #tpu.memory_space<vmem>>, vector<1x16xf32>,
        %parallel_loop3A_573 = vector.shape_cast %parallel_loop3A_572 : vector<1x16xf32> to vector<16xf32>
        %parallel_loop3A_574 = vector.shape_cast %parallel_loop3A_569 : vector<16xf32> to vector<1x16xf32>
        tpu.vector_store %arg19[%parallel_loop3A_570, %parallel_loop3A_571], %parallel_loop3A_574 {strides = array<i32>} : memref<80x128xf32, #tpu.memory_space<vmem>>, vector<1x16xf32>,
        %parallel_loop3A_575 = arith.mulf %parallel_loop3A_458, %parallel_loop3A_556 : vector<16xf32>
        %parallel_loop3A_576 = arith.index_cast %parallel_loop3A_280 : i32 to index
        %parallel_loop3A_577 = arith.constant 48 : index
        %parallel_loop3A_578 = tpu.vector_load %arg19[%parallel_loop3A_576, %parallel_loop3A_577] {strides = array<i32>} : memref<80x128xf32, #tpu.memory_space<vmem>>, vector<1x16xf32>,
        %parallel_loop3A_579 = vector.shape_cast %parallel_loop3A_578 : vector<1x16xf32> to vector<16xf32>
        %parallel_loop3A_580 = vector.shape_cast %parallel_loop3A_575 : vector<16xf32> to vector<1x16xf32>
        tpu.vector_store %arg19[%parallel_loop3A_576, %parallel_loop3A_577], %parallel_loop3A_580 {strides = array<i32>} : memref<80x128xf32, #tpu.memory_space<vmem>>, vector<1x16xf32>,
        %parallel_loop3A_581 = arith.mulf %parallel_loop3A_462, %parallel_loop3A_556 : vector<16xf32>
        %parallel_loop3A_582 = arith.index_cast %parallel_loop3A_280 : i32 to index
        %parallel_loop3A_583 = arith.constant 64 : index
        %parallel_loop3A_584 = tpu.vector_load %arg19[%parallel_loop3A_582, %parallel_loop3A_583] {strides = array<i32>} : memref<80x128xf32, #tpu.memory_space<vmem>>, vector<1x16xf32>,
        %parallel_loop3A_585 = vector.shape_cast %parallel_loop3A_584 : vector<1x16xf32> to vector<16xf32>
        %parallel_loop3A_586 = vector.shape_cast %parallel_loop3A_581 : vector<16xf32> to vector<1x16xf32>
        tpu.vector_store %arg19[%parallel_loop3A_582, %parallel_loop3A_583], %parallel_loop3A_586 {strides = array<i32>} : memref<80x128xf32, #tpu.memory_space<vmem>>, vector<1x16xf32>,
        %parallel_loop3A_587 = arith.mulf %parallel_loop3A_466, %parallel_loop3A_556 : vector<16xf32>
        %parallel_loop3A_588 = arith.index_cast %parallel_loop3A_280 : i32 to index
        %parallel_loop3A_589 = arith.constant 80 : index
        %parallel_loop3A_590 = tpu.vector_load %arg19[%parallel_loop3A_588, %parallel_loop3A_589] {strides = array<i32>} : memref<80x128xf32, #tpu.memory_space<vmem>>, vector<1x16xf32>,
        %parallel_loop3A_591 = vector.shape_cast %parallel_loop3A_590 : vector<1x16xf32> to vector<16xf32>
        %parallel_loop3A_592 = vector.shape_cast %parallel_loop3A_587 : vector<16xf32> to vector<1x16xf32>
        tpu.vector_store %arg19[%parallel_loop3A_588, %parallel_loop3A_589], %parallel_loop3A_592 {strides = array<i32>} : memref<80x128xf32, #tpu.memory_space<vmem>>, vector<1x16xf32>,
        %parallel_loop3A_593 = arith.mulf %parallel_loop3A_470, %parallel_loop3A_556 : vector<16xf32>
        %parallel_loop3A_594 = arith.index_cast %parallel_loop3A_280 : i32 to index
        %parallel_loop3A_595 = arith.constant 96 : index
        %parallel_loop3A_596 = tpu.vector_load %arg19[%parallel_loop3A_594, %parallel_loop3A_595] {strides = array<i32>} : memref<80x128xf32, #tpu.memory_space<vmem>>, vector<1x16xf32>,
        %parallel_loop3A_597 = vector.shape_cast %parallel_loop3A_596 : vector<1x16xf32> to vector<16xf32>
        %parallel_loop3A_598 = vector.shape_cast %parallel_loop3A_593 : vector<16xf32> to vector<1x16xf32>
        tpu.vector_store %arg19[%parallel_loop3A_594, %parallel_loop3A_595], %parallel_loop3A_598 {strides = array<i32>} : memref<80x128xf32, #tpu.memory_space<vmem>>, vector<1x16xf32>,
        %parallel_loop3A_599 = arith.mulf %parallel_loop3A_474, %parallel_loop3A_556 : vector<16xf32>
        %parallel_loop3A_600 = arith.index_cast %parallel_loop3A_280 : i32 to index
        %parallel_loop3A_601 = arith.constant 112 : index
        %parallel_loop3A_602 = tpu.vector_load %arg19[%parallel_loop3A_600, %parallel_loop3A_601] {strides = array<i32>} : memref<80x128xf32, #tpu.memory_space<vmem>>, vector<1x16xf32>,
        %parallel_loop3A_603 = vector.shape_cast %parallel_loop3A_602 : vector<1x16xf32> to vector<16xf32>
        %parallel_loop3A_604 = vector.shape_cast %parallel_loop3A_599 : vector<16xf32> to vector<1x16xf32>
        tpu.vector_store %arg19[%parallel_loop3A_600, %parallel_loop3A_601], %parallel_loop3A_604 {strides = array<i32>} : memref<80x128xf32, #tpu.memory_space<vmem>>, vector<1x16xf32>,
      } {sc.loop_unroll_factor = 2 : i64, sc.parallel_access}
      %dma_start3A_232 = arith.constant 0 : i32
      %dma_start3A_233 = arith.constant 0 : i32
      %dma_start3A_234 = tpu.memref_slice %arg9[%dma_start3A_232, %dma_start3A_233] : memref<1000x128xf32, #tpu.memory_space<vmem_shared>> -> memref<1000x128xf32, #tpu.memory_space<vmem_shared>>
      tpu.enqueue_indirect_dma source(%arg18 : memref<80x128xf32, #tpu.memory_space<vmem>>) target(%dma_start3A_234 : memref<1000x128xf32, #tpu.memory_space<vmem_shared>>) offsets(%arg20 : memref<80xi32, #tpu.memory_space<vmem>>) semaphore(%arg32 : memref<!tpu.dma_semaphore, #tpu.memory_space<semaphore_mem>>) {add = true}
      %dma_start3A_235 = arith.constant 0 : i32
      %dma_start3A_236 = arith.constant 0 : i32
      %dma_start3A_237 = tpu.memref_slice %arg10[%dma_start3A_235, %dma_start3A_236] : memref<1000x128xf32, #tpu.memory_space<vmem_shared>> -> memref<1000x128xf32, #tpu.memory_space<vmem_shared>>
      tpu.enqueue_indirect_dma source(%arg19 : memref<80x128xf32, #tpu.memory_space<vmem>>) target(%dma_start3A_237 : memref<1000x128xf32, #tpu.memory_space<vmem_shared>>) offsets(%arg20 : memref<80xi32, #tpu.memory_space<vmem>>) semaphore(%arg32 : memref<!tpu.dma_semaphore, #tpu.memory_space<semaphore_mem>>) {add = true}
      %dma_start3A_238 = arith.constant 0 : i32
      %dma_start3A_239 = arith.constant 0 : i32
      %dma_start3A_240 = tpu.memref_slice %arg11[%dma_start3A_238, %dma_start3A_239] : memref<1000x16xf32, #tpu.memory_space<vmem_shared>> -> memref<1000x16xf32, #tpu.memory_space<vmem_shared>>
      tpu.enqueue_indirect_dma source(%arg24 : memref<80x16xf32, #tpu.memory_space<vmem>>) target(%dma_start3A_240 : memref<1000x16xf32, #tpu.memory_space<vmem_shared>>) offsets(%arg20 : memref<80xi32, #tpu.memory_space<vmem>>) semaphore(%arg32 : memref<!tpu.dma_semaphore, #tpu.memory_space<semaphore_mem>>) {add = true}
      %add3A_241 = arith.constant 3 : i32
      %add3A_242 = arith.addi %add3A_125, %add3A_241 : i32
      %gt3A_243 = arith.constant 1 : i32
      %gt3A_244 = arith.cmpi sgt, %add3A_242, %gt3A_243 : i32
      %convert_element_type3A_245 = arith.extui %gt3A_244 : i1 to i32
      %cond3A_246 = arith.constant 0 : i32
      %cond3A_247 = arith.cmpi ne, %convert_element_type3A_245, %cond3A_246 : i32
      scf.if %cond3A_247 {
        %dma_wait3A_280 = arith.constant 0 : i32
        %dma_wait3A_281 = arith.constant 0 : i32
        %dma_wait3A_282 = tpu.memref_slice %arg9[%dma_wait3A_280, %dma_wait3A_281] : memref<1000x128xf32, #tpu.memory_space<vmem_shared>> -> memref<1000x128xf32, #tpu.memory_space<vmem_shared>>
        tpu.wait_indirect_dma semaphore(%arg31 : memref<!tpu.dma_semaphore, #tpu.memory_space<semaphore_mem>>) src(%arg15 : memref<80x128xf32, #tpu.memory_space<vmem>>) dst(%dma_wait3A_282 : memref<1000x128xf32, #tpu.memory_space<vmem_shared>>)
        %dma_wait3A_283 = arith.constant 0 : i32
        %dma_wait3A_284 = arith.constant 0 : i32
        %dma_wait3A_285 = tpu.memref_slice %arg10[%dma_wait3A_283, %dma_wait3A_284] : memref<1000x128xf32, #tpu.memory_space<vmem_shared>> -> memref<1000x128xf32, #tpu.memory_space<vmem_shared>>
        tpu.wait_indirect_dma semaphore(%arg31 : memref<!tpu.dma_semaphore, #tpu.memory_space<semaphore_mem>>) src(%arg16 : memref<80x128xf32, #tpu.memory_space<vmem>>) dst(%dma_wait3A_285 : memref<1000x128xf32, #tpu.memory_space<vmem_shared>>)
        %dma_wait3A_286 = arith.constant 0 : i32
        %dma_wait3A_287 = arith.constant 0 : i32
        %dma_wait3A_288 = tpu.memref_slice %arg11[%dma_wait3A_286, %dma_wait3A_287] : memref<1000x16xf32, #tpu.memory_space<vmem_shared>> -> memref<1000x16xf32, #tpu.memory_space<vmem_shared>>
        tpu.wait_indirect_dma semaphore(%arg31 : memref<!tpu.dma_semaphore, #tpu.memory_space<semaphore_mem>>) src(%arg24 : memref<80x16xf32, #tpu.memory_space<vmem>>) dst(%dma_wait3A_288 : memref<1000x16xf32, #tpu.memory_space<vmem_shared>>)
      } else {
      }
      %add3A_248 = arith.constant 2 : i32
      %add3A_249 = arith.addi %add3A_242, %add3A_248 : i32
      %lt3A_250 = arith.constant 125 : i32
      %lt3A_251 = arith.cmpi slt, %add3A_249, %lt3A_250 : i32
      %convert_element_type3A_252 = arith.extui %lt3A_251 : i1 to i32
      %cond3A_253 = arith.constant 0 : i32
      %cond3A_254 = arith.cmpi ne, %convert_element_type3A_252, %cond3A_253 : i32
      scf.if %cond3A_254 {
        %add3A_280 = arith.constant 2 : i32
        %add3A_281 = arith.addi %add3A_242, %add3A_280 : i32
        %mul3A_282 = arith.constant 80 : i32
        %mul3A_283 = arith.muli %add3A_281, %mul3A_282 : i32
        %add3A_284 = arith.addi %mul3A_2, %mul3A_283 : i32
        %dma_start3A_285 = arith.constant 0 : i32
        %dma_start3A_286 = tpu.memref_slice %arg2[%add3A_284, %dma_start3A_285] : memref<320000x128xf32, #tpu.memory_space<hbm>> -> memref<80x128xf32, #tpu.memory_space<hbm>>
        %dma_start3A_287 = arith.constant 0 : i32
        %dma_start3A_288 = tpu.memref_slice %arg2[%add3A_284, %dma_start3A_287] : memref<320000x128xf32, #tpu.memory_space<hbm>> -> memref<80x128xf32, #tpu.memory_space<hbm>>
        tpu.enqueue_dma source(%dma_start3A_288 : memref<80x128xf32, #tpu.memory_space<hbm>>) target(%arg15 : memref<80x128xf32, #tpu.memory_space<vmem>>) target_semaphore(%arg27 : memref<!tpu.dma_semaphore, #tpu.memory_space<semaphore_mem>>)
        %dma_start3A_289 = arith.constant 0 : i32
        %dma_start3A_290 = tpu.memref_slice %arg3[%add3A_284, %dma_start3A_289] : memref<320000x128xf32, #tpu.memory_space<hbm>> -> memref<80x128xf32, #tpu.memory_space<hbm>>
        %dma_start3A_291 = arith.constant 0 : i32
        %dma_start3A_292 = tpu.memref_slice %arg3[%add3A_284, %dma_start3A_291] : memref<320000x128xf32, #tpu.memory_space<hbm>> -> memref<80x128xf32, #tpu.memory_space<hbm>>
        tpu.enqueue_dma source(%dma_start3A_292 : memref<80x128xf32, #tpu.memory_space<hbm>>) target(%arg16 : memref<80x128xf32, #tpu.memory_space<vmem>>) target_semaphore(%arg27 : memref<!tpu.dma_semaphore, #tpu.memory_space<semaphore_mem>>)
        %dma_start3A_293 = tpu.memref_slice %arg4[%add3A_284] : memref<320000xi32, #tpu.memory_space<hbm>> -> memref<80xi32, #tpu.memory_space<hbm>>
        %dma_start3A_294 = tpu.memref_slice %arg4[%add3A_284] : memref<320000xi32, #tpu.memory_space<hbm>> -> memref<80xi32, #tpu.memory_space<hbm>>
        tpu.enqueue_dma source(%dma_start3A_294 : memref<80xi32, #tpu.memory_space<hbm>>) target(%arg17 : memref<80xi32, #tpu.memory_space<vmem>>) target_semaphore(%arg27 : memref<!tpu.dma_semaphore, #tpu.memory_space<semaphore_mem>>)
      } else {
      }
      %mul3A_255 = arith.constant 80 : i32
      %mul3A_256 = arith.muli %add3A_242, %mul3A_255 : i32
      %add3A_257 = arith.addi %mul3A_2, %mul3A_256 : i32
      %dma_wait3A_258 = arith.constant 0 : i32
      %dma_wait3A_259 = tpu.memref_slice %arg2[%add3A_257, %dma_wait3A_258] : memref<320000x128xf32, #tpu.memory_space<hbm>> -> memref<80x128xf32, #tpu.memory_space<hbm>>
      %dma_wait3A_260 = arith.constant 0 : i32
      %dma_wait3A_261 = tpu.memref_slice %arg2[%add3A_257, %dma_wait3A_260] : memref<320000x128xf32, #tpu.memory_space<hbm>> -> memref<80x128xf32, #tpu.memory_space<hbm>>
      tpu.wait_dma2 semaphore(%arg29 : memref<!tpu.dma_semaphore, #tpu.memory_space<semaphore_mem>>) src(%dma_wait3A_261 : memref<80x128xf32, #tpu.memory_space<hbm>>) dst(%arg21 : memref<80x128xf32, #tpu.memory_space<vmem>>)
      %dma_wait3A_262 = arith.constant 0 : i32
      %dma_wait3A_263 = tpu.memref_slice %arg3[%add3A_257, %dma_wait3A_262] : memref<320000x128xf32, #tpu.memory_space<hbm>> -> memref<80x128xf32, #tpu.memory_space<hbm>>
      %dma_wait3A_264 = arith.constant 0 : i32
      %dma_wait3A_265 = tpu.memref_slice %arg3[%add3A_257, %dma_wait3A_264] : memref<320000x128xf32, #tpu.memory_space<hbm>> -> memref<80x128xf32, #tpu.memory_space<hbm>>
      tpu.wait_dma2 semaphore(%arg29 : memref<!tpu.dma_semaphore, #tpu.memory_space<semaphore_mem>>) src(%dma_wait3A_265 : memref<80x128xf32, #tpu.memory_space<hbm>>) dst(%arg22 : memref<80x128xf32, #tpu.memory_space<vmem>>)
      %dma_wait3A_266 = tpu.memref_slice %arg4[%add3A_257] : memref<320000xi32, #tpu.memory_space<hbm>> -> memref<80xi32, #tpu.memory_space<hbm>>
      %dma_wait3A_267 = tpu.memref_slice %arg4[%add3A_257] : memref<320000xi32, #tpu.memory_space<hbm>> -> memref<80xi32, #tpu.memory_space<hbm>>
      tpu.wait_dma2 semaphore(%arg29 : memref<!tpu.dma_semaphore, #tpu.memory_space<semaphore_mem>>) src(%dma_wait3A_267 : memref<80xi32, #tpu.memory_space<hbm>>) dst(%arg23 : memref<80xi32, #tpu.memory_space<vmem>>)
      %parallel_loop3A_268 = arith.constant 0 : i32
      %parallel_loop3A_269 = arith.constant 80 : i32
      %parallel_loop3A_270 = arith.constant 1 : i32
      scf.for %parallel_loop3A_280 = %parallel_loop3A_268 to %parallel_loop3A_269 step %parallel_loop3A_270  : i32 {
        %parallel_loop3A_281 = arith.index_cast %parallel_loop3A_280 : i32 to index
        %parallel_loop3A_282 = arith.constant 0 : index
        %parallel_loop3A_283 = tpu.vector_load %arg21[%parallel_loop3A_281, %parallel_loop3A_282] {strides = array<i32>} : memref<80x128xf32, #tpu.memory_space<vmem>>, vector<1x16xf32>,
        %parallel_loop3A_284 = vector.shape_cast %parallel_loop3A_283 : vector<1x16xf32> to vector<16xf32>
        %parallel_loop3A_285 = arith.index_cast %parallel_loop3A_280 : i32 to index
        %parallel_loop3A_286 = arith.constant 16 : index
        %parallel_loop3A_287 = tpu.vector_load %arg21[%parallel_loop3A_285, %parallel_loop3A_286] {strides = array<i32>} : memref<80x128xf32, #tpu.memory_space<vmem>>, vector<1x16xf32>,
        %parallel_loop3A_288 = vector.shape_cast %parallel_loop3A_287 : vector<1x16xf32> to vector<16xf32>
        %parallel_loop3A_289 = arith.index_cast %parallel_loop3A_280 : i32 to index
        %parallel_loop3A_290 = arith.constant 32 : index
        %parallel_loop3A_291 = tpu.vector_load %arg21[%parallel_loop3A_289, %parallel_loop3A_290] {strides = array<i32>} : memref<80x128xf32, #tpu.memory_space<vmem>>, vector<1x16xf32>,
        %parallel_loop3A_292 = vector.shape_cast %parallel_loop3A_291 : vector<1x16xf32> to vector<16xf32>
        %parallel_loop3A_293 = arith.index_cast %parallel_loop3A_280 : i32 to index
        %parallel_loop3A_294 = arith.constant 48 : index
        %parallel_loop3A_295 = tpu.vector_load %arg21[%parallel_loop3A_293, %parallel_loop3A_294] {strides = array<i32>} : memref<80x128xf32, #tpu.memory_space<vmem>>, vector<1x16xf32>,
        %parallel_loop3A_296 = vector.shape_cast %parallel_loop3A_295 : vector<1x16xf32> to vector<16xf32>
        %parallel_loop3A_297 = arith.index_cast %parallel_loop3A_280 : i32 to index
        %parallel_loop3A_298 = arith.constant 64 : index
        %parallel_loop3A_299 = tpu.vector_load %arg21[%parallel_loop3A_297, %parallel_loop3A_298] {strides = array<i32>} : memref<80x128xf32, #tpu.memory_space<vmem>>, vector<1x16xf32>,
        %parallel_loop3A_300 = vector.shape_cast %parallel_loop3A_299 : vector<1x16xf32> to vector<16xf32>
        %parallel_loop3A_301 = arith.index_cast %parallel_loop3A_280 : i32 to index
        %parallel_loop3A_302 = arith.constant 80 : index
        %parallel_loop3A_303 = tpu.vector_load %arg21[%parallel_loop3A_301, %parallel_loop3A_302] {strides = array<i32>} : memref<80x128xf32, #tpu.memory_space<vmem>>, vector<1x16xf32>,
        %parallel_loop3A_304 = vector.shape_cast %parallel_loop3A_303 : vector<1x16xf32> to vector<16xf32>
        %parallel_loop3A_305 = arith.index_cast %parallel_loop3A_280 : i32 to index
        %parallel_loop3A_306 = arith.constant 96 : index
        %parallel_loop3A_307 = tpu.vector_load %arg21[%parallel_loop3A_305, %parallel_loop3A_306] {strides = array<i32>} : memref<80x128xf32, #tpu.memory_space<vmem>>, vector<1x16xf32>,
        %parallel_loop3A_308 = vector.shape_cast %parallel_loop3A_307 : vector<1x16xf32> to vector<16xf32>
        %parallel_loop3A_309 = arith.index_cast %parallel_loop3A_280 : i32 to index
        %parallel_loop3A_310 = arith.constant 112 : index
        %parallel_loop3A_311 = tpu.vector_load %arg21[%parallel_loop3A_309, %parallel_loop3A_310] {strides = array<i32>} : memref<80x128xf32, #tpu.memory_space<vmem>>, vector<1x16xf32>,
        %parallel_loop3A_312 = vector.shape_cast %parallel_loop3A_311 : vector<1x16xf32> to vector<16xf32>
        %parallel_loop3A_313 = arith.mulf %parallel_loop3A_284, %parallel_loop3A_284 : vector<16xf32>
        %parallel_loop3A_314 = arith.mulf %parallel_loop3A_288, %parallel_loop3A_288 : vector<16xf32>
        %parallel_loop3A_315 = arith.mulf %parallel_loop3A_292, %parallel_loop3A_292 : vector<16xf32>
        %parallel_loop3A_316 = arith.mulf %parallel_loop3A_296, %parallel_loop3A_296 : vector<16xf32>
        %parallel_loop3A_317 = arith.mulf %parallel_loop3A_300, %parallel_loop3A_300 : vector<16xf32>
        %parallel_loop3A_318 = arith.mulf %parallel_loop3A_304, %parallel_loop3A_304 : vector<16xf32>
        %parallel_loop3A_319 = arith.mulf %parallel_loop3A_308, %parallel_loop3A_308 : vector<16xf32>
        %parallel_loop3A_320 = arith.mulf %parallel_loop3A_312, %parallel_loop3A_312 : vector<16xf32>
        %parallel_loop3A_321 = arith.addf %parallel_loop3A_313, %parallel_loop3A_314 : vector<16xf32>
        %parallel_loop3A_322 = arith.addf %parallel_loop3A_315, %parallel_loop3A_316 : vector<16xf32>
        %parallel_loop3A_323 = arith.addf %parallel_loop3A_317, %parallel_loop3A_318 : vector<16xf32>
        %parallel_loop3A_324 = arith.addf %parallel_loop3A_319, %parallel_loop3A_320 : vector<16xf32>
        %parallel_loop3A_325 = arith.addf %parallel_loop3A_321, %parallel_loop3A_322 : vector<16xf32>
        %parallel_loop3A_326 = arith.addf %parallel_loop3A_323, %parallel_loop3A_324 : vector<16xf32>
        %parallel_loop3A_327 = arith.addf %parallel_loop3A_325, %parallel_loop3A_326 : vector<16xf32>
        %parallel_loop3A_328 = tpu.iota {dimensions = array<i32: 0>} : vector<16xi32>
        %parallel_loop3A_329 = arith.constant 8 : i32
        %parallel_loop3A_330 = vector.broadcast %parallel_loop3A_329 : i32 to vector<16xi32>
        %parallel_loop3A_331 = arith.addi %parallel_loop3A_328, %parallel_loop3A_330 : vector<16xi32>
        %parallel_loop3A_332 = arith.constant 15 : i32
        %parallel_loop3A_333 = vector.broadcast %parallel_loop3A_332 : i32 to vector<16xi32>
        %parallel_loop3A_334 = arith.andi %parallel_loop3A_331, %parallel_loop3A_333 : vector<16xi32>
        %parallel_loop3A_335 = vector.shape_cast %parallel_loop3A_334 : vector<16xi32> to vector<16x1xi32>
        %parallel_loop3A_336 = vector.shape_cast %parallel_loop3A_335 : vector<16x1xi32> to vector<16xi32>
        %parallel_loop3A_337 = tpu.dynamic_gather %parallel_loop3A_327[%parallel_loop3A_336] in [0] : vector<16xf32>, vector<16xi32> -> vector<16xf32>
        %parallel_loop3A_338 = arith.addf %parallel_loop3A_327, %parallel_loop3A_337 : vector<16xf32>
        %parallel_loop3A_339 = tpu.iota {dimensions = array<i32: 0>} : vector<16xi32>
        %parallel_loop3A_340 = arith.constant 4 : i32
        %parallel_loop3A_341 = vector.broadcast %parallel_loop3A_340 : i32 to vector<16xi32>
        %parallel_loop3A_342 = arith.addi %parallel_loop3A_339, %parallel_loop3A_341 : vector<16xi32>
        %parallel_loop3A_343 = arith.constant 15 : i32
        %parallel_loop3A_344 = vector.broadcast %parallel_loop3A_343 : i32 to vector<16xi32>
        %parallel_loop3A_345 = arith.andi %parallel_loop3A_342, %parallel_loop3A_344 : vector<16xi32>
        %parallel_loop3A_346 = vector.shape_cast %parallel_loop3A_345 : vector<16xi32> to vector<16x1xi32>
        %parallel_loop3A_347 = vector.shape_cast %parallel_loop3A_346 : vector<16x1xi32> to vector<16xi32>
        %parallel_loop3A_348 = tpu.dynamic_gather %parallel_loop3A_338[%parallel_loop3A_347] in [0] : vector<16xf32>, vector<16xi32> -> vector<16xf32>
        %parallel_loop3A_349 = arith.addf %parallel_loop3A_338, %parallel_loop3A_348 : vector<16xf32>
        %parallel_loop3A_350 = tpu.iota {dimensions = array<i32: 0>} : vector<16xi32>
        %parallel_loop3A_351 = arith.constant 2 : i32
        %parallel_loop3A_352 = vector.broadcast %parallel_loop3A_351 : i32 to vector<16xi32>
        %parallel_loop3A_353 = arith.addi %parallel_loop3A_350, %parallel_loop3A_352 : vector<16xi32>
        %parallel_loop3A_354 = arith.constant 15 : i32
        %parallel_loop3A_355 = vector.broadcast %parallel_loop3A_354 : i32 to vector<16xi32>
        %parallel_loop3A_356 = arith.andi %parallel_loop3A_353, %parallel_loop3A_355 : vector<16xi32>
        %parallel_loop3A_357 = vector.shape_cast %parallel_loop3A_356 : vector<16xi32> to vector<16x1xi32>
        %parallel_loop3A_358 = vector.shape_cast %parallel_loop3A_357 : vector<16x1xi32> to vector<16xi32>
        %parallel_loop3A_359 = tpu.dynamic_gather %parallel_loop3A_349[%parallel_loop3A_358] in [0] : vector<16xf32>, vector<16xi32> -> vector<16xf32>
        %parallel_loop3A_360 = arith.addf %parallel_loop3A_349, %parallel_loop3A_359 : vector<16xf32>
        %parallel_loop3A_361 = tpu.iota {dimensions = array<i32: 0>} : vector<16xi32>
        %parallel_loop3A_362 = arith.constant 1 : i32
        %parallel_loop3A_363 = vector.broadcast %parallel_loop3A_362 : i32 to vector<16xi32>
        %parallel_loop3A_364 = arith.addi %parallel_loop3A_361, %parallel_loop3A_363 : vector<16xi32>
        %parallel_loop3A_365 = arith.constant 15 : i32
        %parallel_loop3A_366 = vector.broadcast %parallel_loop3A_365 : i32 to vector<16xi32>
        %parallel_loop3A_367 = arith.andi %parallel_loop3A_364, %parallel_loop3A_366 : vector<16xi32>
        %parallel_loop3A_368 = vector.shape_cast %parallel_loop3A_367 : vector<16xi32> to vector<16x1xi32>
        %parallel_loop3A_369 = vector.shape_cast %parallel_loop3A_368 : vector<16x1xi32> to vector<16xi32>
        %parallel_loop3A_370 = tpu.dynamic_gather %parallel_loop3A_360[%parallel_loop3A_369] in [0] : vector<16xf32>, vector<16xi32> -> vector<16xf32>
        %parallel_loop3A_371 = arith.addf %parallel_loop3A_360, %parallel_loop3A_370 : vector<16xf32>
        %parallel_loop3A_372 = tpu.bitcast %parallel_loop3A_371 : vector<16xf32> -> vector<16xi32>
        %parallel_loop3A_373 = arith.constant 1 : i32
        %parallel_loop3A_374 = vector.broadcast %parallel_loop3A_373 : i32 to vector<16xi32>
        %parallel_loop3A_375 = arith.shrsi %parallel_loop3A_372, %parallel_loop3A_374 : vector<16xi32>
        %parallel_loop3A_376 = arith.constant 1597463007 : i32
        %parallel_loop3A_377 = vector.broadcast %parallel_loop3A_376 : i32 to vector<16xi32>
        %parallel_loop3A_378 = arith.subi %parallel_loop3A_377, %parallel_loop3A_375 : vector<16xi32>
        %parallel_loop3A_379 = tpu.bitcast %parallel_loop3A_378 : vector<16xi32> -> vector<16xf32>
        %parallel_loop3A_380 = arith.constant 5.000000e-01 : f32
        %parallel_loop3A_381 = vector.broadcast %parallel_loop3A_380 : f32 to vector<16xf32>
        %parallel_loop3A_382 = arith.mulf %parallel_loop3A_381, %parallel_loop3A_371 : vector<16xf32>
        %parallel_loop3A_383 = arith.mulf %parallel_loop3A_382, %parallel_loop3A_379 : vector<16xf32>
        %parallel_loop3A_384 = arith.mulf %parallel_loop3A_383, %parallel_loop3A_379 : vector<16xf32>
        %parallel_loop3A_385 = arith.constant 1.500000e+00 : f32
        %parallel_loop3A_386 = vector.broadcast %parallel_loop3A_385 : f32 to vector<16xf32>
        %parallel_loop3A_387 = arith.subf %parallel_loop3A_386, %parallel_loop3A_384 : vector<16xf32>
        %parallel_loop3A_388 = arith.mulf %parallel_loop3A_379, %parallel_loop3A_387 : vector<16xf32>
        %parallel_loop3A_389 = arith.mulf %parallel_loop3A_382, %parallel_loop3A_388 : vector<16xf32>
        %parallel_loop3A_390 = arith.mulf %parallel_loop3A_389, %parallel_loop3A_388 : vector<16xf32>
        %parallel_loop3A_391 = arith.constant 1.500000e+00 : f32
        %parallel_loop3A_392 = vector.broadcast %parallel_loop3A_391 : f32 to vector<16xf32>
        %parallel_loop3A_393 = arith.subf %parallel_loop3A_392, %parallel_loop3A_390 : vector<16xf32>
        %parallel_loop3A_394 = arith.mulf %parallel_loop3A_388, %parallel_loop3A_393 : vector<16xf32>
        %parallel_loop3A_395 = arith.mulf %parallel_loop3A_284, %parallel_loop3A_394 : vector<16xf32>
        %parallel_loop3A_396 = arith.index_cast %parallel_loop3A_280 : i32 to index
        %parallel_loop3A_397 = arith.constant 0 : index
        %parallel_loop3A_398 = tpu.vector_load %arg21[%parallel_loop3A_396, %parallel_loop3A_397] {strides = array<i32>} : memref<80x128xf32, #tpu.memory_space<vmem>>, vector<1x16xf32>,
        %parallel_loop3A_399 = vector.shape_cast %parallel_loop3A_398 : vector<1x16xf32> to vector<16xf32>
        %parallel_loop3A_400 = vector.shape_cast %parallel_loop3A_395 : vector<16xf32> to vector<1x16xf32>
        tpu.vector_store %arg21[%parallel_loop3A_396, %parallel_loop3A_397], %parallel_loop3A_400 {strides = array<i32>} : memref<80x128xf32, #tpu.memory_space<vmem>>, vector<1x16xf32>,
        %parallel_loop3A_401 = arith.mulf %parallel_loop3A_288, %parallel_loop3A_394 : vector<16xf32>
        %parallel_loop3A_402 = arith.index_cast %parallel_loop3A_280 : i32 to index
        %parallel_loop3A_403 = arith.constant 16 : index
        %parallel_loop3A_404 = tpu.vector_load %arg21[%parallel_loop3A_402, %parallel_loop3A_403] {strides = array<i32>} : memref<80x128xf32, #tpu.memory_space<vmem>>, vector<1x16xf32>,
        %parallel_loop3A_405 = vector.shape_cast %parallel_loop3A_404 : vector<1x16xf32> to vector<16xf32>
        %parallel_loop3A_406 = vector.shape_cast %parallel_loop3A_401 : vector<16xf32> to vector<1x16xf32>
        tpu.vector_store %arg21[%parallel_loop3A_402, %parallel_loop3A_403], %parallel_loop3A_406 {strides = array<i32>} : memref<80x128xf32, #tpu.memory_space<vmem>>, vector<1x16xf32>,
        %parallel_loop3A_407 = arith.mulf %parallel_loop3A_292, %parallel_loop3A_394 : vector<16xf32>
        %parallel_loop3A_408 = arith.index_cast %parallel_loop3A_280 : i32 to index
        %parallel_loop3A_409 = arith.constant 32 : index
        %parallel_loop3A_410 = tpu.vector_load %arg21[%parallel_loop3A_408, %parallel_loop3A_409] {strides = array<i32>} : memref<80x128xf32, #tpu.memory_space<vmem>>, vector<1x16xf32>,
        %parallel_loop3A_411 = vector.shape_cast %parallel_loop3A_410 : vector<1x16xf32> to vector<16xf32>
        %parallel_loop3A_412 = vector.shape_cast %parallel_loop3A_407 : vector<16xf32> to vector<1x16xf32>
        tpu.vector_store %arg21[%parallel_loop3A_408, %parallel_loop3A_409], %parallel_loop3A_412 {strides = array<i32>} : memref<80x128xf32, #tpu.memory_space<vmem>>, vector<1x16xf32>,
        %parallel_loop3A_413 = arith.mulf %parallel_loop3A_296, %parallel_loop3A_394 : vector<16xf32>
        %parallel_loop3A_414 = arith.index_cast %parallel_loop3A_280 : i32 to index
        %parallel_loop3A_415 = arith.constant 48 : index
        %parallel_loop3A_416 = tpu.vector_load %arg21[%parallel_loop3A_414, %parallel_loop3A_415] {strides = array<i32>} : memref<80x128xf32, #tpu.memory_space<vmem>>, vector<1x16xf32>,
        %parallel_loop3A_417 = vector.shape_cast %parallel_loop3A_416 : vector<1x16xf32> to vector<16xf32>
        %parallel_loop3A_418 = vector.shape_cast %parallel_loop3A_413 : vector<16xf32> to vector<1x16xf32>
        tpu.vector_store %arg21[%parallel_loop3A_414, %parallel_loop3A_415], %parallel_loop3A_418 {strides = array<i32>} : memref<80x128xf32, #tpu.memory_space<vmem>>, vector<1x16xf32>,
        %parallel_loop3A_419 = arith.mulf %parallel_loop3A_300, %parallel_loop3A_394 : vector<16xf32>
        %parallel_loop3A_420 = arith.index_cast %parallel_loop3A_280 : i32 to index
        %parallel_loop3A_421 = arith.constant 64 : index
        %parallel_loop3A_422 = tpu.vector_load %arg21[%parallel_loop3A_420, %parallel_loop3A_421] {strides = array<i32>} : memref<80x128xf32, #tpu.memory_space<vmem>>, vector<1x16xf32>,
        %parallel_loop3A_423 = vector.shape_cast %parallel_loop3A_422 : vector<1x16xf32> to vector<16xf32>
        %parallel_loop3A_424 = vector.shape_cast %parallel_loop3A_419 : vector<16xf32> to vector<1x16xf32>
        tpu.vector_store %arg21[%parallel_loop3A_420, %parallel_loop3A_421], %parallel_loop3A_424 {strides = array<i32>} : memref<80x128xf32, #tpu.memory_space<vmem>>, vector<1x16xf32>,
        %parallel_loop3A_425 = arith.mulf %parallel_loop3A_304, %parallel_loop3A_394 : vector<16xf32>
        %parallel_loop3A_426 = arith.index_cast %parallel_loop3A_280 : i32 to index
        %parallel_loop3A_427 = arith.constant 80 : index
        %parallel_loop3A_428 = tpu.vector_load %arg21[%parallel_loop3A_426, %parallel_loop3A_427] {strides = array<i32>} : memref<80x128xf32, #tpu.memory_space<vmem>>, vector<1x16xf32>,
        %parallel_loop3A_429 = vector.shape_cast %parallel_loop3A_428 : vector<1x16xf32> to vector<16xf32>
        %parallel_loop3A_430 = vector.shape_cast %parallel_loop3A_425 : vector<16xf32> to vector<1x16xf32>
        tpu.vector_store %arg21[%parallel_loop3A_426, %parallel_loop3A_427], %parallel_loop3A_430 {strides = array<i32>} : memref<80x128xf32, #tpu.memory_space<vmem>>, vector<1x16xf32>,
        %parallel_loop3A_431 = arith.mulf %parallel_loop3A_308, %parallel_loop3A_394 : vector<16xf32>
        %parallel_loop3A_432 = arith.index_cast %parallel_loop3A_280 : i32 to index
        %parallel_loop3A_433 = arith.constant 96 : index
        %parallel_loop3A_434 = tpu.vector_load %arg21[%parallel_loop3A_432, %parallel_loop3A_433] {strides = array<i32>} : memref<80x128xf32, #tpu.memory_space<vmem>>, vector<1x16xf32>,
        %parallel_loop3A_435 = vector.shape_cast %parallel_loop3A_434 : vector<1x16xf32> to vector<16xf32>
        %parallel_loop3A_436 = vector.shape_cast %parallel_loop3A_431 : vector<16xf32> to vector<1x16xf32>
        tpu.vector_store %arg21[%parallel_loop3A_432, %parallel_loop3A_433], %parallel_loop3A_436 {strides = array<i32>} : memref<80x128xf32, #tpu.memory_space<vmem>>, vector<1x16xf32>,
        %parallel_loop3A_437 = arith.mulf %parallel_loop3A_312, %parallel_loop3A_394 : vector<16xf32>
        %parallel_loop3A_438 = arith.index_cast %parallel_loop3A_280 : i32 to index
        %parallel_loop3A_439 = arith.constant 112 : index
        %parallel_loop3A_440 = tpu.vector_load %arg21[%parallel_loop3A_438, %parallel_loop3A_439] {strides = array<i32>} : memref<80x128xf32, #tpu.memory_space<vmem>>, vector<1x16xf32>,
        %parallel_loop3A_441 = vector.shape_cast %parallel_loop3A_440 : vector<1x16xf32> to vector<16xf32>
        %parallel_loop3A_442 = vector.shape_cast %parallel_loop3A_437 : vector<16xf32> to vector<1x16xf32>
        tpu.vector_store %arg21[%parallel_loop3A_438, %parallel_loop3A_439], %parallel_loop3A_442 {strides = array<i32>} : memref<80x128xf32, #tpu.memory_space<vmem>>, vector<1x16xf32>,
        %parallel_loop3A_443 = arith.index_cast %parallel_loop3A_280 : i32 to index
        %parallel_loop3A_444 = arith.constant 0 : index
        %parallel_loop3A_445 = tpu.vector_load %arg22[%parallel_loop3A_443, %parallel_loop3A_444] {strides = array<i32>} : memref<80x128xf32, #tpu.memory_space<vmem>>, vector<1x16xf32>,
        %parallel_loop3A_446 = vector.shape_cast %parallel_loop3A_445 : vector<1x16xf32> to vector<16xf32>
        %parallel_loop3A_447 = arith.index_cast %parallel_loop3A_280 : i32 to index
        %parallel_loop3A_448 = arith.constant 16 : index
        %parallel_loop3A_449 = tpu.vector_load %arg22[%parallel_loop3A_447, %parallel_loop3A_448] {strides = array<i32>} : memref<80x128xf32, #tpu.memory_space<vmem>>, vector<1x16xf32>,
        %parallel_loop3A_450 = vector.shape_cast %parallel_loop3A_449 : vector<1x16xf32> to vector<16xf32>
        %parallel_loop3A_451 = arith.index_cast %parallel_loop3A_280 : i32 to index
        %parallel_loop3A_452 = arith.constant 32 : index
        %parallel_loop3A_453 = tpu.vector_load %arg22[%parallel_loop3A_451, %parallel_loop3A_452] {strides = array<i32>} : memref<80x128xf32, #tpu.memory_space<vmem>>, vector<1x16xf32>,
        %parallel_loop3A_454 = vector.shape_cast %parallel_loop3A_453 : vector<1x16xf32> to vector<16xf32>
        %parallel_loop3A_455 = arith.index_cast %parallel_loop3A_280 : i32 to index
        %parallel_loop3A_456 = arith.constant 48 : index
        %parallel_loop3A_457 = tpu.vector_load %arg22[%parallel_loop3A_455, %parallel_loop3A_456] {strides = array<i32>} : memref<80x128xf32, #tpu.memory_space<vmem>>, vector<1x16xf32>,
        %parallel_loop3A_458 = vector.shape_cast %parallel_loop3A_457 : vector<1x16xf32> to vector<16xf32>
        %parallel_loop3A_459 = arith.index_cast %parallel_loop3A_280 : i32 to index
        %parallel_loop3A_460 = arith.constant 64 : index
        %parallel_loop3A_461 = tpu.vector_load %arg22[%parallel_loop3A_459, %parallel_loop3A_460] {strides = array<i32>} : memref<80x128xf32, #tpu.memory_space<vmem>>, vector<1x16xf32>,
        %parallel_loop3A_462 = vector.shape_cast %parallel_loop3A_461 : vector<1x16xf32> to vector<16xf32>
        %parallel_loop3A_463 = arith.index_cast %parallel_loop3A_280 : i32 to index
        %parallel_loop3A_464 = arith.constant 80 : index
        %parallel_loop3A_465 = tpu.vector_load %arg22[%parallel_loop3A_463, %parallel_loop3A_464] {strides = array<i32>} : memref<80x128xf32, #tpu.memory_space<vmem>>, vector<1x16xf32>,
        %parallel_loop3A_466 = vector.shape_cast %parallel_loop3A_465 : vector<1x16xf32> to vector<16xf32>
        %parallel_loop3A_467 = arith.index_cast %parallel_loop3A_280 : i32 to index
        %parallel_loop3A_468 = arith.constant 96 : index
        %parallel_loop3A_469 = tpu.vector_load %arg22[%parallel_loop3A_467, %parallel_loop3A_468] {strides = array<i32>} : memref<80x128xf32, #tpu.memory_space<vmem>>, vector<1x16xf32>,
        %parallel_loop3A_470 = vector.shape_cast %parallel_loop3A_469 : vector<1x16xf32> to vector<16xf32>
        %parallel_loop3A_471 = arith.index_cast %parallel_loop3A_280 : i32 to index
        %parallel_loop3A_472 = arith.constant 112 : index
        %parallel_loop3A_473 = tpu.vector_load %arg22[%parallel_loop3A_471, %parallel_loop3A_472] {strides = array<i32>} : memref<80x128xf32, #tpu.memory_space<vmem>>, vector<1x16xf32>,
        %parallel_loop3A_474 = vector.shape_cast %parallel_loop3A_473 : vector<1x16xf32> to vector<16xf32>
        %parallel_loop3A_475 = arith.mulf %parallel_loop3A_446, %parallel_loop3A_446 : vector<16xf32>
        %parallel_loop3A_476 = arith.mulf %parallel_loop3A_450, %parallel_loop3A_450 : vector<16xf32>
        %parallel_loop3A_477 = arith.mulf %parallel_loop3A_454, %parallel_loop3A_454 : vector<16xf32>
        %parallel_loop3A_478 = arith.mulf %parallel_loop3A_458, %parallel_loop3A_458 : vector<16xf32>
        %parallel_loop3A_479 = arith.mulf %parallel_loop3A_462, %parallel_loop3A_462 : vector<16xf32>
        %parallel_loop3A_480 = arith.mulf %parallel_loop3A_466, %parallel_loop3A_466 : vector<16xf32>
        %parallel_loop3A_481 = arith.mulf %parallel_loop3A_470, %parallel_loop3A_470 : vector<16xf32>
        %parallel_loop3A_482 = arith.mulf %parallel_loop3A_474, %parallel_loop3A_474 : vector<16xf32>
        %parallel_loop3A_483 = arith.addf %parallel_loop3A_475, %parallel_loop3A_476 : vector<16xf32>
        %parallel_loop3A_484 = arith.addf %parallel_loop3A_477, %parallel_loop3A_478 : vector<16xf32>
        %parallel_loop3A_485 = arith.addf %parallel_loop3A_479, %parallel_loop3A_480 : vector<16xf32>
        %parallel_loop3A_486 = arith.addf %parallel_loop3A_481, %parallel_loop3A_482 : vector<16xf32>
        %parallel_loop3A_487 = arith.addf %parallel_loop3A_483, %parallel_loop3A_484 : vector<16xf32>
        %parallel_loop3A_488 = arith.addf %parallel_loop3A_485, %parallel_loop3A_486 : vector<16xf32>
        %parallel_loop3A_489 = arith.addf %parallel_loop3A_487, %parallel_loop3A_488 : vector<16xf32>
        %parallel_loop3A_490 = tpu.iota {dimensions = array<i32: 0>} : vector<16xi32>
        %parallel_loop3A_491 = arith.constant 8 : i32
        %parallel_loop3A_492 = vector.broadcast %parallel_loop3A_491 : i32 to vector<16xi32>
        %parallel_loop3A_493 = arith.addi %parallel_loop3A_490, %parallel_loop3A_492 : vector<16xi32>
        %parallel_loop3A_494 = arith.constant 15 : i32
        %parallel_loop3A_495 = vector.broadcast %parallel_loop3A_494 : i32 to vector<16xi32>
        %parallel_loop3A_496 = arith.andi %parallel_loop3A_493, %parallel_loop3A_495 : vector<16xi32>
        %parallel_loop3A_497 = vector.shape_cast %parallel_loop3A_496 : vector<16xi32> to vector<16x1xi32>
        %parallel_loop3A_498 = vector.shape_cast %parallel_loop3A_497 : vector<16x1xi32> to vector<16xi32>
        %parallel_loop3A_499 = tpu.dynamic_gather %parallel_loop3A_489[%parallel_loop3A_498] in [0] : vector<16xf32>, vector<16xi32> -> vector<16xf32>
        %parallel_loop3A_500 = arith.addf %parallel_loop3A_489, %parallel_loop3A_499 : vector<16xf32>
        %parallel_loop3A_501 = tpu.iota {dimensions = array<i32: 0>} : vector<16xi32>
        %parallel_loop3A_502 = arith.constant 4 : i32
        %parallel_loop3A_503 = vector.broadcast %parallel_loop3A_502 : i32 to vector<16xi32>
        %parallel_loop3A_504 = arith.addi %parallel_loop3A_501, %parallel_loop3A_503 : vector<16xi32>
        %parallel_loop3A_505 = arith.constant 15 : i32
        %parallel_loop3A_506 = vector.broadcast %parallel_loop3A_505 : i32 to vector<16xi32>
        %parallel_loop3A_507 = arith.andi %parallel_loop3A_504, %parallel_loop3A_506 : vector<16xi32>
        %parallel_loop3A_508 = vector.shape_cast %parallel_loop3A_507 : vector<16xi32> to vector<16x1xi32>
        %parallel_loop3A_509 = vector.shape_cast %parallel_loop3A_508 : vector<16x1xi32> to vector<16xi32>
        %parallel_loop3A_510 = tpu.dynamic_gather %parallel_loop3A_500[%parallel_loop3A_509] in [0] : vector<16xf32>, vector<16xi32> -> vector<16xf32>
        %parallel_loop3A_511 = arith.addf %parallel_loop3A_500, %parallel_loop3A_510 : vector<16xf32>
        %parallel_loop3A_512 = tpu.iota {dimensions = array<i32: 0>} : vector<16xi32>
        %parallel_loop3A_513 = arith.constant 2 : i32
        %parallel_loop3A_514 = vector.broadcast %parallel_loop3A_513 : i32 to vector<16xi32>
        %parallel_loop3A_515 = arith.addi %parallel_loop3A_512, %parallel_loop3A_514 : vector<16xi32>
        %parallel_loop3A_516 = arith.constant 15 : i32
        %parallel_loop3A_517 = vector.broadcast %parallel_loop3A_516 : i32 to vector<16xi32>
        %parallel_loop3A_518 = arith.andi %parallel_loop3A_515, %parallel_loop3A_517 : vector<16xi32>
        %parallel_loop3A_519 = vector.shape_cast %parallel_loop3A_518 : vector<16xi32> to vector<16x1xi32>
        %parallel_loop3A_520 = vector.shape_cast %parallel_loop3A_519 : vector<16x1xi32> to vector<16xi32>
        %parallel_loop3A_521 = tpu.dynamic_gather %parallel_loop3A_511[%parallel_loop3A_520] in [0] : vector<16xf32>, vector<16xi32> -> vector<16xf32>
        %parallel_loop3A_522 = arith.addf %parallel_loop3A_511, %parallel_loop3A_521 : vector<16xf32>
        %parallel_loop3A_523 = tpu.iota {dimensions = array<i32: 0>} : vector<16xi32>
        %parallel_loop3A_524 = arith.constant 1 : i32
        %parallel_loop3A_525 = vector.broadcast %parallel_loop3A_524 : i32 to vector<16xi32>
        %parallel_loop3A_526 = arith.addi %parallel_loop3A_523, %parallel_loop3A_525 : vector<16xi32>
        %parallel_loop3A_527 = arith.constant 15 : i32
        %parallel_loop3A_528 = vector.broadcast %parallel_loop3A_527 : i32 to vector<16xi32>
        %parallel_loop3A_529 = arith.andi %parallel_loop3A_526, %parallel_loop3A_528 : vector<16xi32>
        %parallel_loop3A_530 = vector.shape_cast %parallel_loop3A_529 : vector<16xi32> to vector<16x1xi32>
        %parallel_loop3A_531 = vector.shape_cast %parallel_loop3A_530 : vector<16x1xi32> to vector<16xi32>
        %parallel_loop3A_532 = tpu.dynamic_gather %parallel_loop3A_522[%parallel_loop3A_531] in [0] : vector<16xf32>, vector<16xi32> -> vector<16xf32>
        %parallel_loop3A_533 = arith.addf %parallel_loop3A_522, %parallel_loop3A_532 : vector<16xf32>
        %parallel_loop3A_534 = tpu.bitcast %parallel_loop3A_533 : vector<16xf32> -> vector<16xi32>
        %parallel_loop3A_535 = arith.constant 1 : i32
        %parallel_loop3A_536 = vector.broadcast %parallel_loop3A_535 : i32 to vector<16xi32>
        %parallel_loop3A_537 = arith.shrsi %parallel_loop3A_534, %parallel_loop3A_536 : vector<16xi32>
        %parallel_loop3A_538 = arith.constant 1597463007 : i32
        %parallel_loop3A_539 = vector.broadcast %parallel_loop3A_538 : i32 to vector<16xi32>
        %parallel_loop3A_540 = arith.subi %parallel_loop3A_539, %parallel_loop3A_537 : vector<16xi32>
        %parallel_loop3A_541 = tpu.bitcast %parallel_loop3A_540 : vector<16xi32> -> vector<16xf32>
        %parallel_loop3A_542 = arith.constant 5.000000e-01 : f32
        %parallel_loop3A_543 = vector.broadcast %parallel_loop3A_542 : f32 to vector<16xf32>
        %parallel_loop3A_544 = arith.mulf %parallel_loop3A_543, %parallel_loop3A_533 : vector<16xf32>
        %parallel_loop3A_545 = arith.mulf %parallel_loop3A_544, %parallel_loop3A_541 : vector<16xf32>
        %parallel_loop3A_546 = arith.mulf %parallel_loop3A_545, %parallel_loop3A_541 : vector<16xf32>
        %parallel_loop3A_547 = arith.constant 1.500000e+00 : f32
        %parallel_loop3A_548 = vector.broadcast %parallel_loop3A_547 : f32 to vector<16xf32>
        %parallel_loop3A_549 = arith.subf %parallel_loop3A_548, %parallel_loop3A_546 : vector<16xf32>
        %parallel_loop3A_550 = arith.mulf %parallel_loop3A_541, %parallel_loop3A_549 : vector<16xf32>
        %parallel_loop3A_551 = arith.mulf %parallel_loop3A_544, %parallel_loop3A_550 : vector<16xf32>
        %parallel_loop3A_552 = arith.mulf %parallel_loop3A_551, %parallel_loop3A_550 : vector<16xf32>
        %parallel_loop3A_553 = arith.constant 1.500000e+00 : f32
        %parallel_loop3A_554 = vector.broadcast %parallel_loop3A_553 : f32 to vector<16xf32>
        %parallel_loop3A_555 = arith.subf %parallel_loop3A_554, %parallel_loop3A_552 : vector<16xf32>
        %parallel_loop3A_556 = arith.mulf %parallel_loop3A_550, %parallel_loop3A_555 : vector<16xf32>
        %parallel_loop3A_557 = arith.mulf %parallel_loop3A_446, %parallel_loop3A_556 : vector<16xf32>
        %parallel_loop3A_558 = arith.index_cast %parallel_loop3A_280 : i32 to index
        %parallel_loop3A_559 = arith.constant 0 : index
        %parallel_loop3A_560 = tpu.vector_load %arg22[%parallel_loop3A_558, %parallel_loop3A_559] {strides = array<i32>} : memref<80x128xf32, #tpu.memory_space<vmem>>, vector<1x16xf32>,
        %parallel_loop3A_561 = vector.shape_cast %parallel_loop3A_560 : vector<1x16xf32> to vector<16xf32>
        %parallel_loop3A_562 = vector.shape_cast %parallel_loop3A_557 : vector<16xf32> to vector<1x16xf32>
        tpu.vector_store %arg22[%parallel_loop3A_558, %parallel_loop3A_559], %parallel_loop3A_562 {strides = array<i32>} : memref<80x128xf32, #tpu.memory_space<vmem>>, vector<1x16xf32>,
        %parallel_loop3A_563 = arith.mulf %parallel_loop3A_450, %parallel_loop3A_556 : vector<16xf32>
        %parallel_loop3A_564 = arith.index_cast %parallel_loop3A_280 : i32 to index
        %parallel_loop3A_565 = arith.constant 16 : index
        %parallel_loop3A_566 = tpu.vector_load %arg22[%parallel_loop3A_564, %parallel_loop3A_565] {strides = array<i32>} : memref<80x128xf32, #tpu.memory_space<vmem>>, vector<1x16xf32>,
        %parallel_loop3A_567 = vector.shape_cast %parallel_loop3A_566 : vector<1x16xf32> to vector<16xf32>
        %parallel_loop3A_568 = vector.shape_cast %parallel_loop3A_563 : vector<16xf32> to vector<1x16xf32>
        tpu.vector_store %arg22[%parallel_loop3A_564, %parallel_loop3A_565], %parallel_loop3A_568 {strides = array<i32>} : memref<80x128xf32, #tpu.memory_space<vmem>>, vector<1x16xf32>,
        %parallel_loop3A_569 = arith.mulf %parallel_loop3A_454, %parallel_loop3A_556 : vector<16xf32>
        %parallel_loop3A_570 = arith.index_cast %parallel_loop3A_280 : i32 to index
        %parallel_loop3A_571 = arith.constant 32 : index
        %parallel_loop3A_572 = tpu.vector_load %arg22[%parallel_loop3A_570, %parallel_loop3A_571] {strides = array<i32>} : memref<80x128xf32, #tpu.memory_space<vmem>>, vector<1x16xf32>,
        %parallel_loop3A_573 = vector.shape_cast %parallel_loop3A_572 : vector<1x16xf32> to vector<16xf32>
        %parallel_loop3A_574 = vector.shape_cast %parallel_loop3A_569 : vector<16xf32> to vector<1x16xf32>
        tpu.vector_store %arg22[%parallel_loop3A_570, %parallel_loop3A_571], %parallel_loop3A_574 {strides = array<i32>} : memref<80x128xf32, #tpu.memory_space<vmem>>, vector<1x16xf32>,
        %parallel_loop3A_575 = arith.mulf %parallel_loop3A_458, %parallel_loop3A_556 : vector<16xf32>
        %parallel_loop3A_576 = arith.index_cast %parallel_loop3A_280 : i32 to index
        %parallel_loop3A_577 = arith.constant 48 : index
        %parallel_loop3A_578 = tpu.vector_load %arg22[%parallel_loop3A_576, %parallel_loop3A_577] {strides = array<i32>} : memref<80x128xf32, #tpu.memory_space<vmem>>, vector<1x16xf32>,
        %parallel_loop3A_579 = vector.shape_cast %parallel_loop3A_578 : vector<1x16xf32> to vector<16xf32>
        %parallel_loop3A_580 = vector.shape_cast %parallel_loop3A_575 : vector<16xf32> to vector<1x16xf32>
        tpu.vector_store %arg22[%parallel_loop3A_576, %parallel_loop3A_577], %parallel_loop3A_580 {strides = array<i32>} : memref<80x128xf32, #tpu.memory_space<vmem>>, vector<1x16xf32>,
        %parallel_loop3A_581 = arith.mulf %parallel_loop3A_462, %parallel_loop3A_556 : vector<16xf32>
        %parallel_loop3A_582 = arith.index_cast %parallel_loop3A_280 : i32 to index
        %parallel_loop3A_583 = arith.constant 64 : index
        %parallel_loop3A_584 = tpu.vector_load %arg22[%parallel_loop3A_582, %parallel_loop3A_583] {strides = array<i32>} : memref<80x128xf32, #tpu.memory_space<vmem>>, vector<1x16xf32>,
        %parallel_loop3A_585 = vector.shape_cast %parallel_loop3A_584 : vector<1x16xf32> to vector<16xf32>
        %parallel_loop3A_586 = vector.shape_cast %parallel_loop3A_581 : vector<16xf32> to vector<1x16xf32>
        tpu.vector_store %arg22[%parallel_loop3A_582, %parallel_loop3A_583], %parallel_loop3A_586 {strides = array<i32>} : memref<80x128xf32, #tpu.memory_space<vmem>>, vector<1x16xf32>,
        %parallel_loop3A_587 = arith.mulf %parallel_loop3A_466, %parallel_loop3A_556 : vector<16xf32>
        %parallel_loop3A_588 = arith.index_cast %parallel_loop3A_280 : i32 to index
        %parallel_loop3A_589 = arith.constant 80 : index
        %parallel_loop3A_590 = tpu.vector_load %arg22[%parallel_loop3A_588, %parallel_loop3A_589] {strides = array<i32>} : memref<80x128xf32, #tpu.memory_space<vmem>>, vector<1x16xf32>,
        %parallel_loop3A_591 = vector.shape_cast %parallel_loop3A_590 : vector<1x16xf32> to vector<16xf32>
        %parallel_loop3A_592 = vector.shape_cast %parallel_loop3A_587 : vector<16xf32> to vector<1x16xf32>
        tpu.vector_store %arg22[%parallel_loop3A_588, %parallel_loop3A_589], %parallel_loop3A_592 {strides = array<i32>} : memref<80x128xf32, #tpu.memory_space<vmem>>, vector<1x16xf32>,
        %parallel_loop3A_593 = arith.mulf %parallel_loop3A_470, %parallel_loop3A_556 : vector<16xf32>
        %parallel_loop3A_594 = arith.index_cast %parallel_loop3A_280 : i32 to index
        %parallel_loop3A_595 = arith.constant 96 : index
        %parallel_loop3A_596 = tpu.vector_load %arg22[%parallel_loop3A_594, %parallel_loop3A_595] {strides = array<i32>} : memref<80x128xf32, #tpu.memory_space<vmem>>, vector<1x16xf32>,
        %parallel_loop3A_597 = vector.shape_cast %parallel_loop3A_596 : vector<1x16xf32> to vector<16xf32>
        %parallel_loop3A_598 = vector.shape_cast %parallel_loop3A_593 : vector<16xf32> to vector<1x16xf32>
        tpu.vector_store %arg22[%parallel_loop3A_594, %parallel_loop3A_595], %parallel_loop3A_598 {strides = array<i32>} : memref<80x128xf32, #tpu.memory_space<vmem>>, vector<1x16xf32>,
        %parallel_loop3A_599 = arith.mulf %parallel_loop3A_474, %parallel_loop3A_556 : vector<16xf32>
        %parallel_loop3A_600 = arith.index_cast %parallel_loop3A_280 : i32 to index
        %parallel_loop3A_601 = arith.constant 112 : index
        %parallel_loop3A_602 = tpu.vector_load %arg22[%parallel_loop3A_600, %parallel_loop3A_601] {strides = array<i32>} : memref<80x128xf32, #tpu.memory_space<vmem>>, vector<1x16xf32>,
        %parallel_loop3A_603 = vector.shape_cast %parallel_loop3A_602 : vector<1x16xf32> to vector<16xf32>
        %parallel_loop3A_604 = vector.shape_cast %parallel_loop3A_599 : vector<16xf32> to vector<1x16xf32>
        tpu.vector_store %arg22[%parallel_loop3A_600, %parallel_loop3A_601], %parallel_loop3A_604 {strides = array<i32>} : memref<80x128xf32, #tpu.memory_space<vmem>>, vector<1x16xf32>,
      } {sc.loop_unroll_factor = 2 : i64, sc.parallel_access}
      %dma_start3A_271 = arith.constant 0 : i32
      %dma_start3A_272 = arith.constant 0 : i32
      %dma_start3A_273 = tpu.memref_slice %arg9[%dma_start3A_271, %dma_start3A_272] : memref<1000x128xf32, #tpu.memory_space<vmem_shared>> -> memref<1000x128xf32, #tpu.memory_space<vmem_shared>>
      tpu.enqueue_indirect_dma source(%arg21 : memref<80x128xf32, #tpu.memory_space<vmem>>) target(%dma_start3A_273 : memref<1000x128xf32, #tpu.memory_space<vmem_shared>>) offsets(%arg23 : memref<80xi32, #tpu.memory_space<vmem>>) semaphore(%arg33 : memref<!tpu.dma_semaphore, #tpu.memory_space<semaphore_mem>>) {add = true}
      %dma_start3A_274 = arith.constant 0 : i32
      %dma_start3A_275 = arith.constant 0 : i32
      %dma_start3A_276 = tpu.memref_slice %arg10[%dma_start3A_274, %dma_start3A_275] : memref<1000x128xf32, #tpu.memory_space<vmem_shared>> -> memref<1000x128xf32, #tpu.memory_space<vmem_shared>>
      tpu.enqueue_indirect_dma source(%arg22 : memref<80x128xf32, #tpu.memory_space<vmem>>) target(%dma_start3A_276 : memref<1000x128xf32, #tpu.memory_space<vmem_shared>>) offsets(%arg23 : memref<80xi32, #tpu.memory_space<vmem>>) semaphore(%arg33 : memref<!tpu.dma_semaphore, #tpu.memory_space<semaphore_mem>>) {add = true}
      %dma_start3A_277 = arith.constant 0 : i32
      %dma_start3A_278 = arith.constant 0 : i32
      %dma_start3A_279 = tpu.memref_slice %arg11[%dma_start3A_277, %dma_start3A_278] : memref<1000x16xf32, #tpu.memory_space<vmem_shared>> -> memref<1000x16xf32, #tpu.memory_space<vmem_shared>>
      tpu.enqueue_indirect_dma source(%arg24 : memref<80x16xf32, #tpu.memory_space<vmem>>) target(%dma_start3A_279 : memref<1000x16xf32, #tpu.memory_space<vmem_shared>>) offsets(%arg23 : memref<80xi32, #tpu.memory_space<vmem>>) semaphore(%arg33 : memref<!tpu.dma_semaphore, #tpu.memory_space<semaphore_mem>>) {add = true}
    }
    %scan3A_49 = arith.constant 31 : i32
    %gt3A = arith.constant 124 : i32
    %gt3A_50 = arith.constant 1 : i32
    %gt3A_51 = arith.cmpi sgt, %gt3A, %gt3A_50 : i32
    %convert_element_type3A_52 = arith.extui %gt3A_51 : i1 to i32
    %cond3A_53 = arith.constant 0 : i32
    %cond3A_54 = arith.cmpi ne, %convert_element_type3A_52, %cond3A_53 : i32
    scf.if %cond3A_54 {
      %dma_wait3A_121 = arith.constant 0 : i32
      %dma_wait3A_122 = arith.constant 0 : i32
      %dma_wait3A_123 = tpu.memref_slice %arg9[%dma_wait3A_121, %dma_wait3A_122] : memref<1000x128xf32, #tpu.memory_space<vmem_shared>> -> memref<1000x128xf32, #tpu.memory_space<vmem_shared>>
      tpu.wait_indirect_dma semaphore(%arg32 : memref<!tpu.dma_semaphore, #tpu.memory_space<semaphore_mem>>) src(%arg18 : memref<80x128xf32, #tpu.memory_space<vmem>>) dst(%dma_wait3A_123 : memref<1000x128xf32, #tpu.memory_space<vmem_shared>>)
      %dma_wait3A_124 = arith.constant 0 : i32
      %dma_wait3A_125 = arith.constant 0 : i32
      %dma_wait3A_126 = tpu.memref_slice %arg10[%dma_wait3A_124, %dma_wait3A_125] : memref<1000x128xf32, #tpu.memory_space<vmem_shared>> -> memref<1000x128xf32, #tpu.memory_space<vmem_shared>>
      tpu.wait_indirect_dma semaphore(%arg32 : memref<!tpu.dma_semaphore, #tpu.memory_space<semaphore_mem>>) src(%arg19 : memref<80x128xf32, #tpu.memory_space<vmem>>) dst(%dma_wait3A_126 : memref<1000x128xf32, #tpu.memory_space<vmem_shared>>)
      %dma_wait3A_127 = arith.constant 0 : i32
      %dma_wait3A_128 = arith.constant 0 : i32
      %dma_wait3A_129 = tpu.memref_slice %arg11[%dma_wait3A_127, %dma_wait3A_128] : memref<1000x16xf32, #tpu.memory_space<vmem_shared>> -> memref<1000x16xf32, #tpu.memory_space<vmem_shared>>
      tpu.wait_indirect_dma semaphore(%arg32 : memref<!tpu.dma_semaphore, #tpu.memory_space<semaphore_mem>>) src(%arg24 : memref<80x16xf32, #tpu.memory_space<vmem>>) dst(%dma_wait3A_129 : memref<1000x16xf32, #tpu.memory_space<vmem_shared>>)
    } else {
    }
    %add3A_55 = arith.constant 124 : i32
    %add3A_56 = arith.constant 2 : i32
    %add3A_57 = arith.addi %add3A_55, %add3A_56 : i32
    %lt3A = arith.constant 125 : i32
    %lt3A_58 = arith.cmpi slt, %add3A_57, %lt3A : i32
    %convert_element_type3A_59 = arith.extui %lt3A_58 : i1 to i32
    %cond3A_60 = arith.constant 124 : i32
    %cond3A_61 = arith.constant 0 : i32
    %cond3A_62 = arith.cmpi ne, %convert_element_type3A_59, %cond3A_61 : i32
    scf.if %cond3A_62 {
      %add3A_121 = arith.constant 2 : i32
      %add3A_122 = arith.addi %cond3A_60, %add3A_121 : i32
      %mul3A_123 = arith.constant 80 : i32
      %mul3A_124 = arith.muli %add3A_122, %mul3A_123 : i32
      %add3A_125 = arith.addi %mul3A_2, %mul3A_124 : i32
      %dma_start3A_126 = arith.constant 0 : i32
      %dma_start3A_127 = tpu.memref_slice %arg2[%add3A_125, %dma_start3A_126] : memref<320000x128xf32, #tpu.memory_space<hbm>> -> memref<80x128xf32, #tpu.memory_space<hbm>>
      %dma_start3A_128 = arith.constant 0 : i32
      %dma_start3A_129 = tpu.memref_slice %arg2[%add3A_125, %dma_start3A_128] : memref<320000x128xf32, #tpu.memory_space<hbm>> -> memref<80x128xf32, #tpu.memory_space<hbm>>
      tpu.enqueue_dma source(%dma_start3A_129 : memref<80x128xf32, #tpu.memory_space<hbm>>) target(%arg18 : memref<80x128xf32, #tpu.memory_space<vmem>>) target_semaphore(%arg28 : memref<!tpu.dma_semaphore, #tpu.memory_space<semaphore_mem>>)
      %dma_start3A_130 = arith.constant 0 : i32
      %dma_start3A_131 = tpu.memref_slice %arg3[%add3A_125, %dma_start3A_130] : memref<320000x128xf32, #tpu.memory_space<hbm>> -> memref<80x128xf32, #tpu.memory_space<hbm>>
      %dma_start3A_132 = arith.constant 0 : i32
      %dma_start3A_133 = tpu.memref_slice %arg3[%add3A_125, %dma_start3A_132] : memref<320000x128xf32, #tpu.memory_space<hbm>> -> memref<80x128xf32, #tpu.memory_space<hbm>>
      tpu.enqueue_dma source(%dma_start3A_133 : memref<80x128xf32, #tpu.memory_space<hbm>>) target(%arg19 : memref<80x128xf32, #tpu.memory_space<vmem>>) target_semaphore(%arg28 : memref<!tpu.dma_semaphore, #tpu.memory_space<semaphore_mem>>)
      %dma_start3A_134 = tpu.memref_slice %arg4[%add3A_125] : memref<320000xi32, #tpu.memory_space<hbm>> -> memref<80xi32, #tpu.memory_space<hbm>>
      %dma_start3A_135 = tpu.memref_slice %arg4[%add3A_125] : memref<320000xi32, #tpu.memory_space<hbm>> -> memref<80xi32, #tpu.memory_space<hbm>>
      tpu.enqueue_dma source(%dma_start3A_135 : memref<80xi32, #tpu.memory_space<hbm>>) target(%arg20 : memref<80xi32, #tpu.memory_space<vmem>>) target_semaphore(%arg28 : memref<!tpu.dma_semaphore, #tpu.memory_space<semaphore_mem>>)
    } else {
    }
    %mul3A_63 = arith.constant 124 : i32
    %mul3A_64 = arith.constant 80 : i32
    %mul3A_65 = arith.muli %mul3A_63, %mul3A_64 : i32
    %add3A_66 = arith.addi %mul3A_2, %mul3A_65 : i32
    %dma_wait3A = arith.constant 0 : i32
    %dma_wait3A_67 = tpu.memref_slice %arg2[%add3A_66, %dma_wait3A] : memref<320000x128xf32, #tpu.memory_space<hbm>> -> memref<80x128xf32, #tpu.memory_space<hbm>>
    %dma_wait3A_68 = arith.constant 0 : i32
    %dma_wait3A_69 = tpu.memref_slice %arg2[%add3A_66, %dma_wait3A_68] : memref<320000x128xf32, #tpu.memory_space<hbm>> -> memref<80x128xf32, #tpu.memory_space<hbm>>
    tpu.wait_dma2 semaphore(%arg26 : memref<!tpu.dma_semaphore, #tpu.memory_space<semaphore_mem>>) src(%dma_wait3A_69 : memref<80x128xf32, #tpu.memory_space<hbm>>) dst(%arg12 : memref<80x128xf32, #tpu.memory_space<vmem>>)
    %dma_wait3A_70 = arith.constant 0 : i32
    %dma_wait3A_71 = tpu.memref_slice %arg3[%add3A_66, %dma_wait3A_70] : memref<320000x128xf32, #tpu.memory_space<hbm>> -> memref<80x128xf32, #tpu.memory_space<hbm>>
    %dma_wait3A_72 = arith.constant 0 : i32
    %dma_wait3A_73 = tpu.memref_slice %arg3[%add3A_66, %dma_wait3A_72] : memref<320000x128xf32, #tpu.memory_space<hbm>> -> memref<80x128xf32, #tpu.memory_space<hbm>>
    tpu.wait_dma2 semaphore(%arg26 : memref<!tpu.dma_semaphore, #tpu.memory_space<semaphore_mem>>) src(%dma_wait3A_73 : memref<80x128xf32, #tpu.memory_space<hbm>>) dst(%arg13 : memref<80x128xf32, #tpu.memory_space<vmem>>)
    %dma_wait3A_74 = tpu.memref_slice %arg4[%add3A_66] : memref<320000xi32, #tpu.memory_space<hbm>> -> memref<80xi32, #tpu.memory_space<hbm>>
    %dma_wait3A_75 = tpu.memref_slice %arg4[%add3A_66] : memref<320000xi32, #tpu.memory_space<hbm>> -> memref<80xi32, #tpu.memory_space<hbm>>
    tpu.wait_dma2 semaphore(%arg26 : memref<!tpu.dma_semaphore, #tpu.memory_space<semaphore_mem>>) src(%dma_wait3A_75 : memref<80xi32, #tpu.memory_space<hbm>>) dst(%arg14 : memref<80xi32, #tpu.memory_space<vmem>>)
    %parallel_loop3A = arith.constant 0 : i32
    %parallel_loop3A_76 = arith.constant 80 : i32
    %parallel_loop3A_77 = arith.constant 1 : i32
    scf.for %parallel_loop3A_121 = %parallel_loop3A to %parallel_loop3A_76 step %parallel_loop3A_77  : i32 {
      %parallel_loop3A_122 = arith.index_cast %parallel_loop3A_121 : i32 to index
      %parallel_loop3A_123 = arith.constant 0 : index
      %parallel_loop3A_124 = tpu.vector_load %arg12[%parallel_loop3A_122, %parallel_loop3A_123] {strides = array<i32>} : memref<80x128xf32, #tpu.memory_space<vmem>>, vector<1x16xf32>,
      %parallel_loop3A_125 = vector.shape_cast %parallel_loop3A_124 : vector<1x16xf32> to vector<16xf32>
      %parallel_loop3A_126 = arith.index_cast %parallel_loop3A_121 : i32 to index
      %parallel_loop3A_127 = arith.constant 16 : index
      %parallel_loop3A_128 = tpu.vector_load %arg12[%parallel_loop3A_126, %parallel_loop3A_127] {strides = array<i32>} : memref<80x128xf32, #tpu.memory_space<vmem>>, vector<1x16xf32>,
      %parallel_loop3A_129 = vector.shape_cast %parallel_loop3A_128 : vector<1x16xf32> to vector<16xf32>
      %parallel_loop3A_130 = arith.index_cast %parallel_loop3A_121 : i32 to index
      %parallel_loop3A_131 = arith.constant 32 : index
      %parallel_loop3A_132 = tpu.vector_load %arg12[%parallel_loop3A_130, %parallel_loop3A_131] {strides = array<i32>} : memref<80x128xf32, #tpu.memory_space<vmem>>, vector<1x16xf32>,
      %parallel_loop3A_133 = vector.shape_cast %parallel_loop3A_132 : vector<1x16xf32> to vector<16xf32>
      %parallel_loop3A_134 = arith.index_cast %parallel_loop3A_121 : i32 to index
      %parallel_loop3A_135 = arith.constant 48 : index
      %parallel_loop3A_136 = tpu.vector_load %arg12[%parallel_loop3A_134, %parallel_loop3A_135] {strides = array<i32>} : memref<80x128xf32, #tpu.memory_space<vmem>>, vector<1x16xf32>,
      %parallel_loop3A_137 = vector.shape_cast %parallel_loop3A_136 : vector<1x16xf32> to vector<16xf32>
      %parallel_loop3A_138 = arith.index_cast %parallel_loop3A_121 : i32 to index
      %parallel_loop3A_139 = arith.constant 64 : index
      %parallel_loop3A_140 = tpu.vector_load %arg12[%parallel_loop3A_138, %parallel_loop3A_139] {strides = array<i32>} : memref<80x128xf32, #tpu.memory_space<vmem>>, vector<1x16xf32>,
      %parallel_loop3A_141 = vector.shape_cast %parallel_loop3A_140 : vector<1x16xf32> to vector<16xf32>
      %parallel_loop3A_142 = arith.index_cast %parallel_loop3A_121 : i32 to index
      %parallel_loop3A_143 = arith.constant 80 : index
      %parallel_loop3A_144 = tpu.vector_load %arg12[%parallel_loop3A_142, %parallel_loop3A_143] {strides = array<i32>} : memref<80x128xf32, #tpu.memory_space<vmem>>, vector<1x16xf32>,
      %parallel_loop3A_145 = vector.shape_cast %parallel_loop3A_144 : vector<1x16xf32> to vector<16xf32>
      %parallel_loop3A_146 = arith.index_cast %parallel_loop3A_121 : i32 to index
      %parallel_loop3A_147 = arith.constant 96 : index
      %parallel_loop3A_148 = tpu.vector_load %arg12[%parallel_loop3A_146, %parallel_loop3A_147] {strides = array<i32>} : memref<80x128xf32, #tpu.memory_space<vmem>>, vector<1x16xf32>,
      %parallel_loop3A_149 = vector.shape_cast %parallel_loop3A_148 : vector<1x16xf32> to vector<16xf32>
      %parallel_loop3A_150 = arith.index_cast %parallel_loop3A_121 : i32 to index
      %parallel_loop3A_151 = arith.constant 112 : index
      %parallel_loop3A_152 = tpu.vector_load %arg12[%parallel_loop3A_150, %parallel_loop3A_151] {strides = array<i32>} : memref<80x128xf32, #tpu.memory_space<vmem>>, vector<1x16xf32>,
      %parallel_loop3A_153 = vector.shape_cast %parallel_loop3A_152 : vector<1x16xf32> to vector<16xf32>
      %parallel_loop3A_154 = arith.mulf %parallel_loop3A_125, %parallel_loop3A_125 : vector<16xf32>
      %parallel_loop3A_155 = arith.mulf %parallel_loop3A_129, %parallel_loop3A_129 : vector<16xf32>
      %parallel_loop3A_156 = arith.mulf %parallel_loop3A_133, %parallel_loop3A_133 : vector<16xf32>
      %parallel_loop3A_157 = arith.mulf %parallel_loop3A_137, %parallel_loop3A_137 : vector<16xf32>
      %parallel_loop3A_158 = arith.mulf %parallel_loop3A_141, %parallel_loop3A_141 : vector<16xf32>
      %parallel_loop3A_159 = arith.mulf %parallel_loop3A_145, %parallel_loop3A_145 : vector<16xf32>
      %parallel_loop3A_160 = arith.mulf %parallel_loop3A_149, %parallel_loop3A_149 : vector<16xf32>
      %parallel_loop3A_161 = arith.mulf %parallel_loop3A_153, %parallel_loop3A_153 : vector<16xf32>
      %parallel_loop3A_162 = arith.addf %parallel_loop3A_154, %parallel_loop3A_155 : vector<16xf32>
      %parallel_loop3A_163 = arith.addf %parallel_loop3A_156, %parallel_loop3A_157 : vector<16xf32>
      %parallel_loop3A_164 = arith.addf %parallel_loop3A_158, %parallel_loop3A_159 : vector<16xf32>
      %parallel_loop3A_165 = arith.addf %parallel_loop3A_160, %parallel_loop3A_161 : vector<16xf32>
      %parallel_loop3A_166 = arith.addf %parallel_loop3A_162, %parallel_loop3A_163 : vector<16xf32>
      %parallel_loop3A_167 = arith.addf %parallel_loop3A_164, %parallel_loop3A_165 : vector<16xf32>
      %parallel_loop3A_168 = arith.addf %parallel_loop3A_166, %parallel_loop3A_167 : vector<16xf32>
      %parallel_loop3A_169 = tpu.iota {dimensions = array<i32: 0>} : vector<16xi32>
      %parallel_loop3A_170 = arith.constant 8 : i32
      %parallel_loop3A_171 = vector.broadcast %parallel_loop3A_170 : i32 to vector<16xi32>
      %parallel_loop3A_172 = arith.addi %parallel_loop3A_169, %parallel_loop3A_171 : vector<16xi32>
      %parallel_loop3A_173 = arith.constant 15 : i32
      %parallel_loop3A_174 = vector.broadcast %parallel_loop3A_173 : i32 to vector<16xi32>
      %parallel_loop3A_175 = arith.andi %parallel_loop3A_172, %parallel_loop3A_174 : vector<16xi32>
      %parallel_loop3A_176 = vector.shape_cast %parallel_loop3A_175 : vector<16xi32> to vector<16x1xi32>
      %parallel_loop3A_177 = vector.shape_cast %parallel_loop3A_176 : vector<16x1xi32> to vector<16xi32>
      %parallel_loop3A_178 = tpu.dynamic_gather %parallel_loop3A_168[%parallel_loop3A_177] in [0] : vector<16xf32>, vector<16xi32> -> vector<16xf32>
      %parallel_loop3A_179 = arith.addf %parallel_loop3A_168, %parallel_loop3A_178 : vector<16xf32>
      %parallel_loop3A_180 = tpu.iota {dimensions = array<i32: 0>} : vector<16xi32>
      %parallel_loop3A_181 = arith.constant 4 : i32
      %parallel_loop3A_182 = vector.broadcast %parallel_loop3A_181 : i32 to vector<16xi32>
      %parallel_loop3A_183 = arith.addi %parallel_loop3A_180, %parallel_loop3A_182 : vector<16xi32>
      %parallel_loop3A_184 = arith.constant 15 : i32
      %parallel_loop3A_185 = vector.broadcast %parallel_loop3A_184 : i32 to vector<16xi32>
      %parallel_loop3A_186 = arith.andi %parallel_loop3A_183, %parallel_loop3A_185 : vector<16xi32>
      %parallel_loop3A_187 = vector.shape_cast %parallel_loop3A_186 : vector<16xi32> to vector<16x1xi32>
      %parallel_loop3A_188 = vector.shape_cast %parallel_loop3A_187 : vector<16x1xi32> to vector<16xi32>
      %parallel_loop3A_189 = tpu.dynamic_gather %parallel_loop3A_179[%parallel_loop3A_188] in [0] : vector<16xf32>, vector<16xi32> -> vector<16xf32>
      %parallel_loop3A_190 = arith.addf %parallel_loop3A_179, %parallel_loop3A_189 : vector<16xf32>
      %parallel_loop3A_191 = tpu.iota {dimensions = array<i32: 0>} : vector<16xi32>
      %parallel_loop3A_192 = arith.constant 2 : i32
      %parallel_loop3A_193 = vector.broadcast %parallel_loop3A_192 : i32 to vector<16xi32>
      %parallel_loop3A_194 = arith.addi %parallel_loop3A_191, %parallel_loop3A_193 : vector<16xi32>
      %parallel_loop3A_195 = arith.constant 15 : i32
      %parallel_loop3A_196 = vector.broadcast %parallel_loop3A_195 : i32 to vector<16xi32>
      %parallel_loop3A_197 = arith.andi %parallel_loop3A_194, %parallel_loop3A_196 : vector<16xi32>
      %parallel_loop3A_198 = vector.shape_cast %parallel_loop3A_197 : vector<16xi32> to vector<16x1xi32>
      %parallel_loop3A_199 = vector.shape_cast %parallel_loop3A_198 : vector<16x1xi32> to vector<16xi32>
      %parallel_loop3A_200 = tpu.dynamic_gather %parallel_loop3A_190[%parallel_loop3A_199] in [0] : vector<16xf32>, vector<16xi32> -> vector<16xf32>
      %parallel_loop3A_201 = arith.addf %parallel_loop3A_190, %parallel_loop3A_200 : vector<16xf32>
      %parallel_loop3A_202 = tpu.iota {dimensions = array<i32: 0>} : vector<16xi32>
      %parallel_loop3A_203 = arith.constant 1 : i32
      %parallel_loop3A_204 = vector.broadcast %parallel_loop3A_203 : i32 to vector<16xi32>
      %parallel_loop3A_205 = arith.addi %parallel_loop3A_202, %parallel_loop3A_204 : vector<16xi32>
      %parallel_loop3A_206 = arith.constant 15 : i32
      %parallel_loop3A_207 = vector.broadcast %parallel_loop3A_206 : i32 to vector<16xi32>
      %parallel_loop3A_208 = arith.andi %parallel_loop3A_205, %parallel_loop3A_207 : vector<16xi32>
      %parallel_loop3A_209 = vector.shape_cast %parallel_loop3A_208 : vector<16xi32> to vector<16x1xi32>
      %parallel_loop3A_210 = vector.shape_cast %parallel_loop3A_209 : vector<16x1xi32> to vector<16xi32>
      %parallel_loop3A_211 = tpu.dynamic_gather %parallel_loop3A_201[%parallel_loop3A_210] in [0] : vector<16xf32>, vector<16xi32> -> vector<16xf32>
      %parallel_loop3A_212 = arith.addf %parallel_loop3A_201, %parallel_loop3A_211 : vector<16xf32>
      %parallel_loop3A_213 = tpu.bitcast %parallel_loop3A_212 : vector<16xf32> -> vector<16xi32>
      %parallel_loop3A_214 = arith.constant 1 : i32
      %parallel_loop3A_215 = vector.broadcast %parallel_loop3A_214 : i32 to vector<16xi32>
      %parallel_loop3A_216 = arith.shrsi %parallel_loop3A_213, %parallel_loop3A_215 : vector<16xi32>
      %parallel_loop3A_217 = arith.constant 1597463007 : i32
      %parallel_loop3A_218 = vector.broadcast %parallel_loop3A_217 : i32 to vector<16xi32>
      %parallel_loop3A_219 = arith.subi %parallel_loop3A_218, %parallel_loop3A_216 : vector<16xi32>
      %parallel_loop3A_220 = tpu.bitcast %parallel_loop3A_219 : vector<16xi32> -> vector<16xf32>
      %parallel_loop3A_221 = arith.constant 5.000000e-01 : f32
      %parallel_loop3A_222 = vector.broadcast %parallel_loop3A_221 : f32 to vector<16xf32>
      %parallel_loop3A_223 = arith.mulf %parallel_loop3A_222, %parallel_loop3A_212 : vector<16xf32>
      %parallel_loop3A_224 = arith.mulf %parallel_loop3A_223, %parallel_loop3A_220 : vector<16xf32>
      %parallel_loop3A_225 = arith.mulf %parallel_loop3A_224, %parallel_loop3A_220 : vector<16xf32>
      %parallel_loop3A_226 = arith.constant 1.500000e+00 : f32
      %parallel_loop3A_227 = vector.broadcast %parallel_loop3A_226 : f32 to vector<16xf32>
      %parallel_loop3A_228 = arith.subf %parallel_loop3A_227, %parallel_loop3A_225 : vector<16xf32>
      %parallel_loop3A_229 = arith.mulf %parallel_loop3A_220, %parallel_loop3A_228 : vector<16xf32>
      %parallel_loop3A_230 = arith.mulf %parallel_loop3A_223, %parallel_loop3A_229 : vector<16xf32>
      %parallel_loop3A_231 = arith.mulf %parallel_loop3A_230, %parallel_loop3A_229 : vector<16xf32>
      %parallel_loop3A_232 = arith.constant 1.500000e+00 : f32
      %parallel_loop3A_233 = vector.broadcast %parallel_loop3A_232 : f32 to vector<16xf32>
      %parallel_loop3A_234 = arith.subf %parallel_loop3A_233, %parallel_loop3A_231 : vector<16xf32>
      %parallel_loop3A_235 = arith.mulf %parallel_loop3A_229, %parallel_loop3A_234 : vector<16xf32>
      %parallel_loop3A_236 = arith.mulf %parallel_loop3A_125, %parallel_loop3A_235 : vector<16xf32>
      %parallel_loop3A_237 = arith.index_cast %parallel_loop3A_121 : i32 to index
      %parallel_loop3A_238 = arith.constant 0 : index
      %parallel_loop3A_239 = tpu.vector_load %arg12[%parallel_loop3A_237, %parallel_loop3A_238] {strides = array<i32>} : memref<80x128xf32, #tpu.memory_space<vmem>>, vector<1x16xf32>,
      %parallel_loop3A_240 = vector.shape_cast %parallel_loop3A_239 : vector<1x16xf32> to vector<16xf32>
      %parallel_loop3A_241 = vector.shape_cast %parallel_loop3A_236 : vector<16xf32> to vector<1x16xf32>
      tpu.vector_store %arg12[%parallel_loop3A_237, %parallel_loop3A_238], %parallel_loop3A_241 {strides = array<i32>} : memref<80x128xf32, #tpu.memory_space<vmem>>, vector<1x16xf32>,
      %parallel_loop3A_242 = arith.mulf %parallel_loop3A_129, %parallel_loop3A_235 : vector<16xf32>
      %parallel_loop3A_243 = arith.index_cast %parallel_loop3A_121 : i32 to index
      %parallel_loop3A_244 = arith.constant 16 : index
      %parallel_loop3A_245 = tpu.vector_load %arg12[%parallel_loop3A_243, %parallel_loop3A_244] {strides = array<i32>} : memref<80x128xf32, #tpu.memory_space<vmem>>, vector<1x16xf32>,
      %parallel_loop3A_246 = vector.shape_cast %parallel_loop3A_245 : vector<1x16xf32> to vector<16xf32>
      %parallel_loop3A_247 = vector.shape_cast %parallel_loop3A_242 : vector<16xf32> to vector<1x16xf32>
      tpu.vector_store %arg12[%parallel_loop3A_243, %parallel_loop3A_244], %parallel_loop3A_247 {strides = array<i32>} : memref<80x128xf32, #tpu.memory_space<vmem>>, vector<1x16xf32>,
      %parallel_loop3A_248 = arith.mulf %parallel_loop3A_133, %parallel_loop3A_235 : vector<16xf32>
      %parallel_loop3A_249 = arith.index_cast %parallel_loop3A_121 : i32 to index
      %parallel_loop3A_250 = arith.constant 32 : index
      %parallel_loop3A_251 = tpu.vector_load %arg12[%parallel_loop3A_249, %parallel_loop3A_250] {strides = array<i32>} : memref<80x128xf32, #tpu.memory_space<vmem>>, vector<1x16xf32>,
      %parallel_loop3A_252 = vector.shape_cast %parallel_loop3A_251 : vector<1x16xf32> to vector<16xf32>
      %parallel_loop3A_253 = vector.shape_cast %parallel_loop3A_248 : vector<16xf32> to vector<1x16xf32>
      tpu.vector_store %arg12[%parallel_loop3A_249, %parallel_loop3A_250], %parallel_loop3A_253 {strides = array<i32>} : memref<80x128xf32, #tpu.memory_space<vmem>>, vector<1x16xf32>,
      %parallel_loop3A_254 = arith.mulf %parallel_loop3A_137, %parallel_loop3A_235 : vector<16xf32>
      %parallel_loop3A_255 = arith.index_cast %parallel_loop3A_121 : i32 to index
      %parallel_loop3A_256 = arith.constant 48 : index
      %parallel_loop3A_257 = tpu.vector_load %arg12[%parallel_loop3A_255, %parallel_loop3A_256] {strides = array<i32>} : memref<80x128xf32, #tpu.memory_space<vmem>>, vector<1x16xf32>,
      %parallel_loop3A_258 = vector.shape_cast %parallel_loop3A_257 : vector<1x16xf32> to vector<16xf32>
      %parallel_loop3A_259 = vector.shape_cast %parallel_loop3A_254 : vector<16xf32> to vector<1x16xf32>
      tpu.vector_store %arg12[%parallel_loop3A_255, %parallel_loop3A_256], %parallel_loop3A_259 {strides = array<i32>} : memref<80x128xf32, #tpu.memory_space<vmem>>, vector<1x16xf32>,
      %parallel_loop3A_260 = arith.mulf %parallel_loop3A_141, %parallel_loop3A_235 : vector<16xf32>
      %parallel_loop3A_261 = arith.index_cast %parallel_loop3A_121 : i32 to index
      %parallel_loop3A_262 = arith.constant 64 : index
      %parallel_loop3A_263 = tpu.vector_load %arg12[%parallel_loop3A_261, %parallel_loop3A_262] {strides = array<i32>} : memref<80x128xf32, #tpu.memory_space<vmem>>, vector<1x16xf32>,
      %parallel_loop3A_264 = vector.shape_cast %parallel_loop3A_263 : vector<1x16xf32> to vector<16xf32>
      %parallel_loop3A_265 = vector.shape_cast %parallel_loop3A_260 : vector<16xf32> to vector<1x16xf32>
      tpu.vector_store %arg12[%parallel_loop3A_261, %parallel_loop3A_262], %parallel_loop3A_265 {strides = array<i32>} : memref<80x128xf32, #tpu.memory_space<vmem>>, vector<1x16xf32>,
      %parallel_loop3A_266 = arith.mulf %parallel_loop3A_145, %parallel_loop3A_235 : vector<16xf32>
      %parallel_loop3A_267 = arith.index_cast %parallel_loop3A_121 : i32 to index
      %parallel_loop3A_268 = arith.constant 80 : index
      %parallel_loop3A_269 = tpu.vector_load %arg12[%parallel_loop3A_267, %parallel_loop3A_268] {strides = array<i32>} : memref<80x128xf32, #tpu.memory_space<vmem>>, vector<1x16xf32>,
      %parallel_loop3A_270 = vector.shape_cast %parallel_loop3A_269 : vector<1x16xf32> to vector<16xf32>
      %parallel_loop3A_271 = vector.shape_cast %parallel_loop3A_266 : vector<16xf32> to vector<1x16xf32>
      tpu.vector_store %arg12[%parallel_loop3A_267, %parallel_loop3A_268], %parallel_loop3A_271 {strides = array<i32>} : memref<80x128xf32, #tpu.memory_space<vmem>>, vector<1x16xf32>,
      %parallel_loop3A_272 = arith.mulf %parallel_loop3A_149, %parallel_loop3A_235 : vector<16xf32>
      %parallel_loop3A_273 = arith.index_cast %parallel_loop3A_121 : i32 to index
      %parallel_loop3A_274 = arith.constant 96 : index
      %parallel_loop3A_275 = tpu.vector_load %arg12[%parallel_loop3A_273, %parallel_loop3A_274] {strides = array<i32>} : memref<80x128xf32, #tpu.memory_space<vmem>>, vector<1x16xf32>,
      %parallel_loop3A_276 = vector.shape_cast %parallel_loop3A_275 : vector<1x16xf32> to vector<16xf32>
      %parallel_loop3A_277 = vector.shape_cast %parallel_loop3A_272 : vector<16xf32> to vector<1x16xf32>
      tpu.vector_store %arg12[%parallel_loop3A_273, %parallel_loop3A_274], %parallel_loop3A_277 {strides = array<i32>} : memref<80x128xf32, #tpu.memory_space<vmem>>, vector<1x16xf32>,
      %parallel_loop3A_278 = arith.mulf %parallel_loop3A_153, %parallel_loop3A_235 : vector<16xf32>
      %parallel_loop3A_279 = arith.index_cast %parallel_loop3A_121 : i32 to index
      %parallel_loop3A_280 = arith.constant 112 : index
      %parallel_loop3A_281 = tpu.vector_load %arg12[%parallel_loop3A_279, %parallel_loop3A_280] {strides = array<i32>} : memref<80x128xf32, #tpu.memory_space<vmem>>, vector<1x16xf32>,
      %parallel_loop3A_282 = vector.shape_cast %parallel_loop3A_281 : vector<1x16xf32> to vector<16xf32>
      %parallel_loop3A_283 = vector.shape_cast %parallel_loop3A_278 : vector<16xf32> to vector<1x16xf32>
      tpu.vector_store %arg12[%parallel_loop3A_279, %parallel_loop3A_280], %parallel_loop3A_283 {strides = array<i32>} : memref<80x128xf32, #tpu.memory_space<vmem>>, vector<1x16xf32>,
      %parallel_loop3A_284 = arith.index_cast %parallel_loop3A_121 : i32 to index
      %parallel_loop3A_285 = arith.constant 0 : index
      %parallel_loop3A_286 = tpu.vector_load %arg13[%parallel_loop3A_284, %parallel_loop3A_285] {strides = array<i32>} : memref<80x128xf32, #tpu.memory_space<vmem>>, vector<1x16xf32>,
      %parallel_loop3A_287 = vector.shape_cast %parallel_loop3A_286 : vector<1x16xf32> to vector<16xf32>
      %parallel_loop3A_288 = arith.index_cast %parallel_loop3A_121 : i32 to index
      %parallel_loop3A_289 = arith.constant 16 : index
      %parallel_loop3A_290 = tpu.vector_load %arg13[%parallel_loop3A_288, %parallel_loop3A_289] {strides = array<i32>} : memref<80x128xf32, #tpu.memory_space<vmem>>, vector<1x16xf32>,
      %parallel_loop3A_291 = vector.shape_cast %parallel_loop3A_290 : vector<1x16xf32> to vector<16xf32>
      %parallel_loop3A_292 = arith.index_cast %parallel_loop3A_121 : i32 to index
      %parallel_loop3A_293 = arith.constant 32 : index
      %parallel_loop3A_294 = tpu.vector_load %arg13[%parallel_loop3A_292, %parallel_loop3A_293] {strides = array<i32>} : memref<80x128xf32, #tpu.memory_space<vmem>>, vector<1x16xf32>,
      %parallel_loop3A_295 = vector.shape_cast %parallel_loop3A_294 : vector<1x16xf32> to vector<16xf32>
      %parallel_loop3A_296 = arith.index_cast %parallel_loop3A_121 : i32 to index
      %parallel_loop3A_297 = arith.constant 48 : index
      %parallel_loop3A_298 = tpu.vector_load %arg13[%parallel_loop3A_296, %parallel_loop3A_297] {strides = array<i32>} : memref<80x128xf32, #tpu.memory_space<vmem>>, vector<1x16xf32>,
      %parallel_loop3A_299 = vector.shape_cast %parallel_loop3A_298 : vector<1x16xf32> to vector<16xf32>
      %parallel_loop3A_300 = arith.index_cast %parallel_loop3A_121 : i32 to index
      %parallel_loop3A_301 = arith.constant 64 : index
      %parallel_loop3A_302 = tpu.vector_load %arg13[%parallel_loop3A_300, %parallel_loop3A_301] {strides = array<i32>} : memref<80x128xf32, #tpu.memory_space<vmem>>, vector<1x16xf32>,
      %parallel_loop3A_303 = vector.shape_cast %parallel_loop3A_302 : vector<1x16xf32> to vector<16xf32>
      %parallel_loop3A_304 = arith.index_cast %parallel_loop3A_121 : i32 to index
      %parallel_loop3A_305 = arith.constant 80 : index
      %parallel_loop3A_306 = tpu.vector_load %arg13[%parallel_loop3A_304, %parallel_loop3A_305] {strides = array<i32>} : memref<80x128xf32, #tpu.memory_space<vmem>>, vector<1x16xf32>,
      %parallel_loop3A_307 = vector.shape_cast %parallel_loop3A_306 : vector<1x16xf32> to vector<16xf32>
      %parallel_loop3A_308 = arith.index_cast %parallel_loop3A_121 : i32 to index
      %parallel_loop3A_309 = arith.constant 96 : index
      %parallel_loop3A_310 = tpu.vector_load %arg13[%parallel_loop3A_308, %parallel_loop3A_309] {strides = array<i32>} : memref<80x128xf32, #tpu.memory_space<vmem>>, vector<1x16xf32>,
      %parallel_loop3A_311 = vector.shape_cast %parallel_loop3A_310 : vector<1x16xf32> to vector<16xf32>
      %parallel_loop3A_312 = arith.index_cast %parallel_loop3A_121 : i32 to index
      %parallel_loop3A_313 = arith.constant 112 : index
      %parallel_loop3A_314 = tpu.vector_load %arg13[%parallel_loop3A_312, %parallel_loop3A_313] {strides = array<i32>} : memref<80x128xf32, #tpu.memory_space<vmem>>, vector<1x16xf32>,
      %parallel_loop3A_315 = vector.shape_cast %parallel_loop3A_314 : vector<1x16xf32> to vector<16xf32>
      %parallel_loop3A_316 = arith.mulf %parallel_loop3A_287, %parallel_loop3A_287 : vector<16xf32>
      %parallel_loop3A_317 = arith.mulf %parallel_loop3A_291, %parallel_loop3A_291 : vector<16xf32>
      %parallel_loop3A_318 = arith.mulf %parallel_loop3A_295, %parallel_loop3A_295 : vector<16xf32>
      %parallel_loop3A_319 = arith.mulf %parallel_loop3A_299, %parallel_loop3A_299 : vector<16xf32>
      %parallel_loop3A_320 = arith.mulf %parallel_loop3A_303, %parallel_loop3A_303 : vector<16xf32>
      %parallel_loop3A_321 = arith.mulf %parallel_loop3A_307, %parallel_loop3A_307 : vector<16xf32>
      %parallel_loop3A_322 = arith.mulf %parallel_loop3A_311, %parallel_loop3A_311 : vector<16xf32>
      %parallel_loop3A_323 = arith.mulf %parallel_loop3A_315, %parallel_loop3A_315 : vector<16xf32>
      %parallel_loop3A_324 = arith.addf %parallel_loop3A_316, %parallel_loop3A_317 : vector<16xf32>
      %parallel_loop3A_325 = arith.addf %parallel_loop3A_318, %parallel_loop3A_319 : vector<16xf32>
      %parallel_loop3A_326 = arith.addf %parallel_loop3A_320, %parallel_loop3A_321 : vector<16xf32>
      %parallel_loop3A_327 = arith.addf %parallel_loop3A_322, %parallel_loop3A_323 : vector<16xf32>
      %parallel_loop3A_328 = arith.addf %parallel_loop3A_324, %parallel_loop3A_325 : vector<16xf32>
      %parallel_loop3A_329 = arith.addf %parallel_loop3A_326, %parallel_loop3A_327 : vector<16xf32>
      %parallel_loop3A_330 = arith.addf %parallel_loop3A_328, %parallel_loop3A_329 : vector<16xf32>
      %parallel_loop3A_331 = tpu.iota {dimensions = array<i32: 0>} : vector<16xi32>
      %parallel_loop3A_332 = arith.constant 8 : i32
      %parallel_loop3A_333 = vector.broadcast %parallel_loop3A_332 : i32 to vector<16xi32>
      %parallel_loop3A_334 = arith.addi %parallel_loop3A_331, %parallel_loop3A_333 : vector<16xi32>
      %parallel_loop3A_335 = arith.constant 15 : i32
      %parallel_loop3A_336 = vector.broadcast %parallel_loop3A_335 : i32 to vector<16xi32>
      %parallel_loop3A_337 = arith.andi %parallel_loop3A_334, %parallel_loop3A_336 : vector<16xi32>
      %parallel_loop3A_338 = vector.shape_cast %parallel_loop3A_337 : vector<16xi32> to vector<16x1xi32>
      %parallel_loop3A_339 = vector.shape_cast %parallel_loop3A_338 : vector<16x1xi32> to vector<16xi32>
      %parallel_loop3A_340 = tpu.dynamic_gather %parallel_loop3A_330[%parallel_loop3A_339] in [0] : vector<16xf32>, vector<16xi32> -> vector<16xf32>
      %parallel_loop3A_341 = arith.addf %parallel_loop3A_330, %parallel_loop3A_340 : vector<16xf32>
      %parallel_loop3A_342 = tpu.iota {dimensions = array<i32: 0>} : vector<16xi32>
      %parallel_loop3A_343 = arith.constant 4 : i32
      %parallel_loop3A_344 = vector.broadcast %parallel_loop3A_343 : i32 to vector<16xi32>
      %parallel_loop3A_345 = arith.addi %parallel_loop3A_342, %parallel_loop3A_344 : vector<16xi32>
      %parallel_loop3A_346 = arith.constant 15 : i32
      %parallel_loop3A_347 = vector.broadcast %parallel_loop3A_346 : i32 to vector<16xi32>
      %parallel_loop3A_348 = arith.andi %parallel_loop3A_345, %parallel_loop3A_347 : vector<16xi32>
      %parallel_loop3A_349 = vector.shape_cast %parallel_loop3A_348 : vector<16xi32> to vector<16x1xi32>
      %parallel_loop3A_350 = vector.shape_cast %parallel_loop3A_349 : vector<16x1xi32> to vector<16xi32>
      %parallel_loop3A_351 = tpu.dynamic_gather %parallel_loop3A_341[%parallel_loop3A_350] in [0] : vector<16xf32>, vector<16xi32> -> vector<16xf32>
      %parallel_loop3A_352 = arith.addf %parallel_loop3A_341, %parallel_loop3A_351 : vector<16xf32>
      %parallel_loop3A_353 = tpu.iota {dimensions = array<i32: 0>} : vector<16xi32>
      %parallel_loop3A_354 = arith.constant 2 : i32
      %parallel_loop3A_355 = vector.broadcast %parallel_loop3A_354 : i32 to vector<16xi32>
      %parallel_loop3A_356 = arith.addi %parallel_loop3A_353, %parallel_loop3A_355 : vector<16xi32>
      %parallel_loop3A_357 = arith.constant 15 : i32
      %parallel_loop3A_358 = vector.broadcast %parallel_loop3A_357 : i32 to vector<16xi32>
      %parallel_loop3A_359 = arith.andi %parallel_loop3A_356, %parallel_loop3A_358 : vector<16xi32>
      %parallel_loop3A_360 = vector.shape_cast %parallel_loop3A_359 : vector<16xi32> to vector<16x1xi32>
      %parallel_loop3A_361 = vector.shape_cast %parallel_loop3A_360 : vector<16x1xi32> to vector<16xi32>
      %parallel_loop3A_362 = tpu.dynamic_gather %parallel_loop3A_352[%parallel_loop3A_361] in [0] : vector<16xf32>, vector<16xi32> -> vector<16xf32>
      %parallel_loop3A_363 = arith.addf %parallel_loop3A_352, %parallel_loop3A_362 : vector<16xf32>
      %parallel_loop3A_364 = tpu.iota {dimensions = array<i32: 0>} : vector<16xi32>
      %parallel_loop3A_365 = arith.constant 1 : i32
      %parallel_loop3A_366 = vector.broadcast %parallel_loop3A_365 : i32 to vector<16xi32>
      %parallel_loop3A_367 = arith.addi %parallel_loop3A_364, %parallel_loop3A_366 : vector<16xi32>
      %parallel_loop3A_368 = arith.constant 15 : i32
      %parallel_loop3A_369 = vector.broadcast %parallel_loop3A_368 : i32 to vector<16xi32>
      %parallel_loop3A_370 = arith.andi %parallel_loop3A_367, %parallel_loop3A_369 : vector<16xi32>
      %parallel_loop3A_371 = vector.shape_cast %parallel_loop3A_370 : vector<16xi32> to vector<16x1xi32>
      %parallel_loop3A_372 = vector.shape_cast %parallel_loop3A_371 : vector<16x1xi32> to vector<16xi32>
      %parallel_loop3A_373 = tpu.dynamic_gather %parallel_loop3A_363[%parallel_loop3A_372] in [0] : vector<16xf32>, vector<16xi32> -> vector<16xf32>
      %parallel_loop3A_374 = arith.addf %parallel_loop3A_363, %parallel_loop3A_373 : vector<16xf32>
      %parallel_loop3A_375 = tpu.bitcast %parallel_loop3A_374 : vector<16xf32> -> vector<16xi32>
      %parallel_loop3A_376 = arith.constant 1 : i32
      %parallel_loop3A_377 = vector.broadcast %parallel_loop3A_376 : i32 to vector<16xi32>
      %parallel_loop3A_378 = arith.shrsi %parallel_loop3A_375, %parallel_loop3A_377 : vector<16xi32>
      %parallel_loop3A_379 = arith.constant 1597463007 : i32
      %parallel_loop3A_380 = vector.broadcast %parallel_loop3A_379 : i32 to vector<16xi32>
      %parallel_loop3A_381 = arith.subi %parallel_loop3A_380, %parallel_loop3A_378 : vector<16xi32>
      %parallel_loop3A_382 = tpu.bitcast %parallel_loop3A_381 : vector<16xi32> -> vector<16xf32>
      %parallel_loop3A_383 = arith.constant 5.000000e-01 : f32
      %parallel_loop3A_384 = vector.broadcast %parallel_loop3A_383 : f32 to vector<16xf32>
      %parallel_loop3A_385 = arith.mulf %parallel_loop3A_384, %parallel_loop3A_374 : vector<16xf32>
      %parallel_loop3A_386 = arith.mulf %parallel_loop3A_385, %parallel_loop3A_382 : vector<16xf32>
      %parallel_loop3A_387 = arith.mulf %parallel_loop3A_386, %parallel_loop3A_382 : vector<16xf32>
      %parallel_loop3A_388 = arith.constant 1.500000e+00 : f32
      %parallel_loop3A_389 = vector.broadcast %parallel_loop3A_388 : f32 to vector<16xf32>
      %parallel_loop3A_390 = arith.subf %parallel_loop3A_389, %parallel_loop3A_387 : vector<16xf32>
      %parallel_loop3A_391 = arith.mulf %parallel_loop3A_382, %parallel_loop3A_390 : vector<16xf32>
      %parallel_loop3A_392 = arith.mulf %parallel_loop3A_385, %parallel_loop3A_391 : vector<16xf32>
      %parallel_loop3A_393 = arith.mulf %parallel_loop3A_392, %parallel_loop3A_391 : vector<16xf32>
      %parallel_loop3A_394 = arith.constant 1.500000e+00 : f32
      %parallel_loop3A_395 = vector.broadcast %parallel_loop3A_394 : f32 to vector<16xf32>
      %parallel_loop3A_396 = arith.subf %parallel_loop3A_395, %parallel_loop3A_393 : vector<16xf32>
      %parallel_loop3A_397 = arith.mulf %parallel_loop3A_391, %parallel_loop3A_396 : vector<16xf32>
      %parallel_loop3A_398 = arith.mulf %parallel_loop3A_287, %parallel_loop3A_397 : vector<16xf32>
      %parallel_loop3A_399 = arith.index_cast %parallel_loop3A_121 : i32 to index
      %parallel_loop3A_400 = arith.constant 0 : index
      %parallel_loop3A_401 = tpu.vector_load %arg13[%parallel_loop3A_399, %parallel_loop3A_400] {strides = array<i32>} : memref<80x128xf32, #tpu.memory_space<vmem>>, vector<1x16xf32>,
      %parallel_loop3A_402 = vector.shape_cast %parallel_loop3A_401 : vector<1x16xf32> to vector<16xf32>
      %parallel_loop3A_403 = vector.shape_cast %parallel_loop3A_398 : vector<16xf32> to vector<1x16xf32>
      tpu.vector_store %arg13[%parallel_loop3A_399, %parallel_loop3A_400], %parallel_loop3A_403 {strides = array<i32>} : memref<80x128xf32, #tpu.memory_space<vmem>>, vector<1x16xf32>,
      %parallel_loop3A_404 = arith.mulf %parallel_loop3A_291, %parallel_loop3A_397 : vector<16xf32>
      %parallel_loop3A_405 = arith.index_cast %parallel_loop3A_121 : i32 to index
      %parallel_loop3A_406 = arith.constant 16 : index
      %parallel_loop3A_407 = tpu.vector_load %arg13[%parallel_loop3A_405, %parallel_loop3A_406] {strides = array<i32>} : memref<80x128xf32, #tpu.memory_space<vmem>>, vector<1x16xf32>,
      %parallel_loop3A_408 = vector.shape_cast %parallel_loop3A_407 : vector<1x16xf32> to vector<16xf32>
      %parallel_loop3A_409 = vector.shape_cast %parallel_loop3A_404 : vector<16xf32> to vector<1x16xf32>
      tpu.vector_store %arg13[%parallel_loop3A_405, %parallel_loop3A_406], %parallel_loop3A_409 {strides = array<i32>} : memref<80x128xf32, #tpu.memory_space<vmem>>, vector<1x16xf32>,
      %parallel_loop3A_410 = arith.mulf %parallel_loop3A_295, %parallel_loop3A_397 : vector<16xf32>
      %parallel_loop3A_411 = arith.index_cast %parallel_loop3A_121 : i32 to index
      %parallel_loop3A_412 = arith.constant 32 : index
      %parallel_loop3A_413 = tpu.vector_load %arg13[%parallel_loop3A_411, %parallel_loop3A_412] {strides = array<i32>} : memref<80x128xf32, #tpu.memory_space<vmem>>, vector<1x16xf32>,
      %parallel_loop3A_414 = vector.shape_cast %parallel_loop3A_413 : vector<1x16xf32> to vector<16xf32>
      %parallel_loop3A_415 = vector.shape_cast %parallel_loop3A_410 : vector<16xf32> to vector<1x16xf32>
      tpu.vector_store %arg13[%parallel_loop3A_411, %parallel_loop3A_412], %parallel_loop3A_415 {strides = array<i32>} : memref<80x128xf32, #tpu.memory_space<vmem>>, vector<1x16xf32>,
      %parallel_loop3A_416 = arith.mulf %parallel_loop3A_299, %parallel_loop3A_397 : vector<16xf32>
      %parallel_loop3A_417 = arith.index_cast %parallel_loop3A_121 : i32 to index
      %parallel_loop3A_418 = arith.constant 48 : index
      %parallel_loop3A_419 = tpu.vector_load %arg13[%parallel_loop3A_417, %parallel_loop3A_418] {strides = array<i32>} : memref<80x128xf32, #tpu.memory_space<vmem>>, vector<1x16xf32>,
      %parallel_loop3A_420 = vector.shape_cast %parallel_loop3A_419 : vector<1x16xf32> to vector<16xf32>
      %parallel_loop3A_421 = vector.shape_cast %parallel_loop3A_416 : vector<16xf32> to vector<1x16xf32>
      tpu.vector_store %arg13[%parallel_loop3A_417, %parallel_loop3A_418], %parallel_loop3A_421 {strides = array<i32>} : memref<80x128xf32, #tpu.memory_space<vmem>>, vector<1x16xf32>,
      %parallel_loop3A_422 = arith.mulf %parallel_loop3A_303, %parallel_loop3A_397 : vector<16xf32>
      %parallel_loop3A_423 = arith.index_cast %parallel_loop3A_121 : i32 to index
      %parallel_loop3A_424 = arith.constant 64 : index
      %parallel_loop3A_425 = tpu.vector_load %arg13[%parallel_loop3A_423, %parallel_loop3A_424] {strides = array<i32>} : memref<80x128xf32, #tpu.memory_space<vmem>>, vector<1x16xf32>,
      %parallel_loop3A_426 = vector.shape_cast %parallel_loop3A_425 : vector<1x16xf32> to vector<16xf32>
      %parallel_loop3A_427 = vector.shape_cast %parallel_loop3A_422 : vector<16xf32> to vector<1x16xf32>
      tpu.vector_store %arg13[%parallel_loop3A_423, %parallel_loop3A_424], %parallel_loop3A_427 {strides = array<i32>} : memref<80x128xf32, #tpu.memory_space<vmem>>, vector<1x16xf32>,
      %parallel_loop3A_428 = arith.mulf %parallel_loop3A_307, %parallel_loop3A_397 : vector<16xf32>
      %parallel_loop3A_429 = arith.index_cast %parallel_loop3A_121 : i32 to index
      %parallel_loop3A_430 = arith.constant 80 : index
      %parallel_loop3A_431 = tpu.vector_load %arg13[%parallel_loop3A_429, %parallel_loop3A_430] {strides = array<i32>} : memref<80x128xf32, #tpu.memory_space<vmem>>, vector<1x16xf32>,
      %parallel_loop3A_432 = vector.shape_cast %parallel_loop3A_431 : vector<1x16xf32> to vector<16xf32>
      %parallel_loop3A_433 = vector.shape_cast %parallel_loop3A_428 : vector<16xf32> to vector<1x16xf32>
      tpu.vector_store %arg13[%parallel_loop3A_429, %parallel_loop3A_430], %parallel_loop3A_433 {strides = array<i32>} : memref<80x128xf32, #tpu.memory_space<vmem>>, vector<1x16xf32>,
      %parallel_loop3A_434 = arith.mulf %parallel_loop3A_311, %parallel_loop3A_397 : vector<16xf32>
      %parallel_loop3A_435 = arith.index_cast %parallel_loop3A_121 : i32 to index
      %parallel_loop3A_436 = arith.constant 96 : index
      %parallel_loop3A_437 = tpu.vector_load %arg13[%parallel_loop3A_435, %parallel_loop3A_436] {strides = array<i32>} : memref<80x128xf32, #tpu.memory_space<vmem>>, vector<1x16xf32>,
      %parallel_loop3A_438 = vector.shape_cast %parallel_loop3A_437 : vector<1x16xf32> to vector<16xf32>
      %parallel_loop3A_439 = vector.shape_cast %parallel_loop3A_434 : vector<16xf32> to vector<1x16xf32>
      tpu.vector_store %arg13[%parallel_loop3A_435, %parallel_loop3A_436], %parallel_loop3A_439 {strides = array<i32>} : memref<80x128xf32, #tpu.memory_space<vmem>>, vector<1x16xf32>,
      %parallel_loop3A_440 = arith.mulf %parallel_loop3A_315, %parallel_loop3A_397 : vector<16xf32>
      %parallel_loop3A_441 = arith.index_cast %parallel_loop3A_121 : i32 to index
      %parallel_loop3A_442 = arith.constant 112 : index
      %parallel_loop3A_443 = tpu.vector_load %arg13[%parallel_loop3A_441, %parallel_loop3A_442] {strides = array<i32>} : memref<80x128xf32, #tpu.memory_space<vmem>>, vector<1x16xf32>,
      %parallel_loop3A_444 = vector.shape_cast %parallel_loop3A_443 : vector<1x16xf32> to vector<16xf32>
      %parallel_loop3A_445 = vector.shape_cast %parallel_loop3A_440 : vector<16xf32> to vector<1x16xf32>
      tpu.vector_store %arg13[%parallel_loop3A_441, %parallel_loop3A_442], %parallel_loop3A_445 {strides = array<i32>} : memref<80x128xf32, #tpu.memory_space<vmem>>, vector<1x16xf32>,
    } {sc.loop_unroll_factor = 2 : i64, sc.parallel_access}
    %dma_start3A_78 = arith.constant 0 : i32
    %dma_start3A_79 = arith.constant 0 : i32
    %dma_start3A_80 = tpu.memref_slice %arg9[%dma_start3A_78, %dma_start3A_79] : memref<1000x128xf32, #tpu.memory_space<vmem_shared>> -> memref<1000x128xf32, #tpu.memory_space<vmem_shared>>
    tpu.enqueue_indirect_dma source(%arg12 : memref<80x128xf32, #tpu.memory_space<vmem>>) target(%dma_start3A_80 : memref<1000x128xf32, #tpu.memory_space<vmem_shared>>) offsets(%arg14 : memref<80xi32, #tpu.memory_space<vmem>>) semaphore(%arg30 : memref<!tpu.dma_semaphore, #tpu.memory_space<semaphore_mem>>) {add = true}
    %dma_start3A_81 = arith.constant 0 : i32
    %dma_start3A_82 = arith.constant 0 : i32
    %dma_start3A_83 = tpu.memref_slice %arg10[%dma_start3A_81, %dma_start3A_82] : memref<1000x128xf32, #tpu.memory_space<vmem_shared>> -> memref<1000x128xf32, #tpu.memory_space<vmem_shared>>
    tpu.enqueue_indirect_dma source(%arg13 : memref<80x128xf32, #tpu.memory_space<vmem>>) target(%dma_start3A_83 : memref<1000x128xf32, #tpu.memory_space<vmem_shared>>) offsets(%arg14 : memref<80xi32, #tpu.memory_space<vmem>>) semaphore(%arg30 : memref<!tpu.dma_semaphore, #tpu.memory_space<semaphore_mem>>) {add = true}
    %dma_start3A_84 = arith.constant 0 : i32
    %dma_start3A_85 = arith.constant 0 : i32
    %dma_start3A_86 = tpu.memref_slice %arg11[%dma_start3A_84, %dma_start3A_85] : memref<1000x16xf32, #tpu.memory_space<vmem_shared>> -> memref<1000x16xf32, #tpu.memory_space<vmem_shared>>
    tpu.enqueue_indirect_dma source(%arg24 : memref<80x16xf32, #tpu.memory_space<vmem>>) target(%dma_start3A_86 : memref<1000x16xf32, #tpu.memory_space<vmem_shared>>) offsets(%arg14 : memref<80xi32, #tpu.memory_space<vmem>>) semaphore(%arg30 : memref<!tpu.dma_semaphore, #tpu.memory_space<semaphore_mem>>) {add = true}
    %dma_wait3A_87 = arith.constant 0 : i32
    %dma_wait3A_88 = arith.constant 0 : i32
    %dma_wait3A_89 = tpu.memref_slice %arg9[%dma_wait3A_87, %dma_wait3A_88] : memref<1000x128xf32, #tpu.memory_space<vmem_shared>> -> memref<1000x128xf32, #tpu.memory_space<vmem_shared>>
    tpu.wait_indirect_dma semaphore(%arg33 : memref<!tpu.dma_semaphore, #tpu.memory_space<semaphore_mem>>) src(%arg21 : memref<80x128xf32, #tpu.memory_space<vmem>>) dst(%dma_wait3A_89 : memref<1000x128xf32, #tpu.memory_space<vmem_shared>>)
    %dma_wait3A_90 = arith.constant 0 : i32
    %dma_wait3A_91 = arith.constant 0 : i32
    %dma_wait3A_92 = tpu.memref_slice %arg10[%dma_wait3A_90, %dma_wait3A_91] : memref<1000x128xf32, #tpu.memory_space<vmem_shared>> -> memref<1000x128xf32, #tpu.memory_space<vmem_shared>>
    tpu.wait_indirect_dma semaphore(%arg33 : memref<!tpu.dma_semaphore, #tpu.memory_space<semaphore_mem>>) src(%arg22 : memref<80x128xf32, #tpu.memory_space<vmem>>) dst(%dma_wait3A_92 : memref<1000x128xf32, #tpu.memory_space<vmem_shared>>)
    %dma_wait3A_93 = arith.constant 0 : i32
    %dma_wait3A_94 = arith.constant 0 : i32
    %dma_wait3A_95 = tpu.memref_slice %arg11[%dma_wait3A_93, %dma_wait3A_94] : memref<1000x16xf32, #tpu.memory_space<vmem_shared>> -> memref<1000x16xf32, #tpu.memory_space<vmem_shared>>
    tpu.wait_indirect_dma semaphore(%arg33 : memref<!tpu.dma_semaphore, #tpu.memory_space<semaphore_mem>>) src(%arg24 : memref<80x16xf32, #tpu.memory_space<vmem>>) dst(%dma_wait3A_95 : memref<1000x16xf32, #tpu.memory_space<vmem_shared>>)
    %dma_wait3A_96 = arith.constant 0 : i32
    %dma_wait3A_97 = arith.constant 0 : i32
    %dma_wait3A_98 = tpu.memref_slice %arg9[%dma_wait3A_96, %dma_wait3A_97] : memref<1000x128xf32, #tpu.memory_space<vmem_shared>> -> memref<1000x128xf32, #tpu.memory_space<vmem_shared>>
    tpu.wait_indirect_dma semaphore(%arg30 : memref<!tpu.dma_semaphore, #tpu.memory_space<semaphore_mem>>) src(%arg12 : memref<80x128xf32, #tpu.memory_space<vmem>>) dst(%dma_wait3A_98 : memref<1000x128xf32, #tpu.memory_space<vmem_shared>>)
    %dma_wait3A_99 = arith.constant 0 : i32
    %dma_wait3A_100 = arith.constant 0 : i32
    %dma_wait3A_101 = tpu.memref_slice %arg10[%dma_wait3A_99, %dma_wait3A_100] : memref<1000x128xf32, #tpu.memory_space<vmem_shared>> -> memref<1000x128xf32, #tpu.memory_space<vmem_shared>>
    tpu.wait_indirect_dma semaphore(%arg30 : memref<!tpu.dma_semaphore, #tpu.memory_space<semaphore_mem>>) src(%arg13 : memref<80x128xf32, #tpu.memory_space<vmem>>) dst(%dma_wait3A_101 : memref<1000x128xf32, #tpu.memory_space<vmem_shared>>)
    %dma_wait3A_102 = arith.constant 0 : i32
    %dma_wait3A_103 = arith.constant 0 : i32
    %dma_wait3A_104 = tpu.memref_slice %arg11[%dma_wait3A_102, %dma_wait3A_103] : memref<1000x16xf32, #tpu.memory_space<vmem_shared>> -> memref<1000x16xf32, #tpu.memory_space<vmem_shared>>
    tpu.wait_indirect_dma semaphore(%arg30 : memref<!tpu.dma_semaphore, #tpu.memory_space<semaphore_mem>>) src(%arg24 : memref<80x16xf32, #tpu.memory_space<vmem>>) dst(%dma_wait3A_104 : memref<1000x16xf32, #tpu.memory_space<vmem_shared>>)
    %barrier3A_105 = arith.constant 0 : index
    tpu.barrier barrier_id(%barrier3A_105)
    %eq3A_106 = arith.constant 0 : i32
    %eq3A_107 = arith.cmpi eq, %arg1, %eq3A_106 : i32
    %convert_element_type3A_108 = arith.extui %eq3A_107 : i1 to i32
    %cond3A_109 = arith.constant 0 : i32
    %cond3A_110 = arith.cmpi ne, %convert_element_type3A_108, %cond3A_109 : i32
    scf.if %cond3A_110 {
      "tpu.region"() ({
        %run_scoped3A = tpu.sem_alloc : memref<!tpu.dma_semaphore, #tpu.memory_space<semaphore_mem>>
        %dma_start3A_121 = arith.constant 0 : i32
        %dma_start3A_122 = arith.constant 0 : i32
        %dma_start3A_123 = tpu.memref_slice %arg6[%arg0, %dma_start3A_121, %dma_start3A_122] : memref<2x1000x128xf32, #tpu.memory_space<hbm>> -> memref<1x1000x128xf32, #tpu.memory_space<hbm>>
        %dma_start3A_124 = tpu.memref_squeeze %dma_start3A_123 : memref<1x1000x128xf32, #tpu.memory_space<hbm>> -> memref<1000x128xf32, #tpu.memory_space<hbm>>
        tpu.enqueue_dma source(%arg9 : memref<1000x128xf32, #tpu.memory_space<vmem_shared>>) target(%dma_start3A_124 : memref<1000x128xf32, #tpu.memory_space<hbm>>) target_semaphore(%run_scoped3A : memref<!tpu.dma_semaphore, #tpu.memory_space<semaphore_mem>>)
        %dma_wait3A_125 = arith.constant 0 : i32
        %dma_wait3A_126 = arith.constant 0 : i32
        %dma_wait3A_127 = tpu.memref_slice %arg6[%arg0, %dma_wait3A_125, %dma_wait3A_126] : memref<2x1000x128xf32, #tpu.memory_space<hbm>> -> memref<1x1000x128xf32, #tpu.memory_space<hbm>>
        %dma_wait3A_128 = tpu.memref_squeeze %dma_wait3A_127 : memref<1x1000x128xf32, #tpu.memory_space<hbm>> -> memref<1000x128xf32, #tpu.memory_space<hbm>>
        tpu.wait_dma2 semaphore(%run_scoped3A : memref<!tpu.dma_semaphore, #tpu.memory_space<semaphore_mem>>) src(%arg9 : memref<1000x128xf32, #tpu.memory_space<vmem_shared>>) dst(%dma_wait3A_128 : memref<1000x128xf32, #tpu.memory_space<hbm>>)
        tpu.yield
      }) : () -> ()
    } else {
    }
    %eq3A_111 = arith.constant 1 : i32
    %eq3A_112 = arith.cmpi eq, %arg1, %eq3A_111 : i32
    %convert_element_type3A_113 = arith.extui %eq3A_112 : i1 to i32
    %cond3A_114 = arith.constant 0 : i32
    %cond3A_115 = arith.cmpi ne, %convert_element_type3A_113, %cond3A_114 : i32
    scf.if %cond3A_115 {
      "tpu.region"() ({
        %run_scoped3A = tpu.sem_alloc : memref<!tpu.dma_semaphore, #tpu.memory_space<semaphore_mem>>
        %dma_start3A_121 = arith.constant 0 : i32
        %dma_start3A_122 = arith.constant 0 : i32
        %dma_start3A_123 = tpu.memref_slice %arg7[%arg0, %dma_start3A_121, %dma_start3A_122] : memref<2x1000x128xf32, #tpu.memory_space<hbm>> -> memref<1x1000x128xf32, #tpu.memory_space<hbm>>
        %dma_start3A_124 = tpu.memref_squeeze %dma_start3A_123 : memref<1x1000x128xf32, #tpu.memory_space<hbm>> -> memref<1000x128xf32, #tpu.memory_space<hbm>>
        tpu.enqueue_dma source(%arg10 : memref<1000x128xf32, #tpu.memory_space<vmem_shared>>) target(%dma_start3A_124 : memref<1000x128xf32, #tpu.memory_space<hbm>>) target_semaphore(%run_scoped3A : memref<!tpu.dma_semaphore, #tpu.memory_space<semaphore_mem>>)
        %dma_wait3A_125 = arith.constant 0 : i32
        %dma_wait3A_126 = arith.constant 0 : i32
        %dma_wait3A_127 = tpu.memref_slice %arg7[%arg0, %dma_wait3A_125, %dma_wait3A_126] : memref<2x1000x128xf32, #tpu.memory_space<hbm>> -> memref<1x1000x128xf32, #tpu.memory_space<hbm>>
        %dma_wait3A_128 = tpu.memref_squeeze %dma_wait3A_127 : memref<1x1000x128xf32, #tpu.memory_space<hbm>> -> memref<1000x128xf32, #tpu.memory_space<hbm>>
        tpu.wait_dma2 semaphore(%run_scoped3A : memref<!tpu.dma_semaphore, #tpu.memory_space<semaphore_mem>>) src(%arg10 : memref<1000x128xf32, #tpu.memory_space<vmem_shared>>) dst(%dma_wait3A_128 : memref<1000x128xf32, #tpu.memory_space<hbm>>)
        tpu.yield
      }) : () -> ()
    } else {
    }
    %eq3A_116 = arith.constant 2 : i32
    %eq3A_117 = arith.cmpi eq, %arg1, %eq3A_116 : i32
    %convert_element_type3A_118 = arith.extui %eq3A_117 : i1 to i32
    %cond3A_119 = arith.constant 0 : i32
    %cond3A_120 = arith.cmpi ne, %convert_element_type3A_118, %cond3A_119 : i32
    scf.if %cond3A_120 {
      "tpu.region"() ({
        %run_scoped3A = tpu.sem_alloc : memref<!tpu.dma_semaphore, #tpu.memory_space<semaphore_mem>>
        tpu.enqueue_dma source(%arg11 : memref<1000x16xf32, #tpu.memory_space<vmem_shared>>) target(%arg25 : memref<1000x16xf32, #tpu.memory_space<vmem>>) target_semaphore(%run_scoped3A : memref<!tpu.dma_semaphore, #tpu.memory_space<semaphore_mem>>)
        tpu.wait_dma2 semaphore(%run_scoped3A : memref<!tpu.dma_semaphore, #tpu.memory_space<semaphore_mem>>) src(%arg11 : memref<1000x16xf32, #tpu.memory_space<vmem_shared>>) dst(%arg25 : memref<1000x16xf32, #tpu.memory_space<vmem>>)
        tpu.yield
      }) : () -> ()
      %scan3A_121 = arith.constant 0 : i32
      %scan3A_122 = arith.constant 80 : i32
      %scan3A_123 = arith.addi %scan3A_121, %scan3A_122 : i32
      %scan3A_124 = arith.constant 1 : i32
      scf.for %scan3A_186 = %scan3A_121 to %scan3A_123 step %scan3A_124  : i32 {
        %mul3A_187 = arith.constant 1 : i32
        %mul3A_188 = arith.muli %scan3A_186, %mul3A_187 : i32
        %add3A_189 = arith.constant 0 : i32
        %add3A_190 = arith.addi %add3A_189, %mul3A_188 : i32
        %add3A_191 = arith.constant 0 : i32
        %add3A_192 = arith.addi %add3A_191, %add3A_190 : i32
        %get3A = arith.index_cast %add3A_192 : i32 to index
        %get3A_193 = arith.constant 0 : index
        %get3A_194 = tpu.vector_load %arg25[%get3A, %get3A_193] {strides = array<i32>} : memref<1000x16xf32, #tpu.memory_space<vmem>>, vector<1x16xf32>,
        %get3A_195 = vector.shape_cast %get3A_194 : vector<1x16xf32> to vector<16xf32>
        %swap3A = arith.index_cast %add3A_190 : i32 to index
        %swap3A_196 = arith.constant 0 : index
        %swap3A_197 = tpu.vector_load %arg18[%swap3A, %swap3A_196] {strides = array<i32>} : memref<80x128xf32, #tpu.memory_space<vmem>>, vector<1x16xf32>,
        %swap3A_198 = vector.shape_cast %swap3A_197 : vector<1x16xf32> to vector<16xf32>
        %swap3A_199 = vector.shape_cast %get3A_195 : vector<16xf32> to vector<1x16xf32>
        tpu.vector_store %arg18[%swap3A, %swap3A_196], %swap3A_199 {strides = array<i32>} : memref<80x128xf32, #tpu.memory_space<vmem>>, vector<1x16xf32>,
      }
      %scan3A_125 = arith.constant 80 : i32
      "tpu.region"() ({
        %run_scoped3A = tpu.sem_alloc : memref<!tpu.dma_semaphore, #tpu.memory_space<semaphore_mem>>
        %dma_start3A_186 = arith.constant 0 : i32
        %dma_start3A_187 = arith.constant 0 : i32
        %dma_start3A_188 = tpu.memref_slice %arg18[%dma_start3A_186, %dma_start3A_187] : memref<80x128xf32, #tpu.memory_space<vmem>> -> memref<80x128xf32, #tpu.memory_space<vmem>>
        %dma_start3A_189 = arith.constant 0 : i32
        %dma_start3A_190 = arith.constant 0 : i32
        %dma_start3A_191 = tpu.memref_slice %arg8[%arg0, %dma_start3A_189, %dma_start3A_190] : memref<2x1000x128xf32, #tpu.memory_space<hbm>> -> memref<1x80x128xf32, #tpu.memory_space<hbm>>
        %dma_start3A_192 = tpu.memref_squeeze %dma_start3A_191 : memref<1x80x128xf32, #tpu.memory_space<hbm>> -> memref<80x128xf32, #tpu.memory_space<hbm>>
        %dma_start3A_193 = arith.constant 0 : i32
        %dma_start3A_194 = arith.constant 0 : i32
        %dma_start3A_195 = tpu.memref_slice %arg8[%arg0, %dma_start3A_193, %dma_start3A_194] : memref<2x1000x128xf32, #tpu.memory_space<hbm>> -> memref<1x80x128xf32, #tpu.memory_space<hbm>>
        %dma_start3A_196 = tpu.memref_squeeze %dma_start3A_195 : memref<1x80x128xf32, #tpu.memory_space<hbm>> -> memref<80x128xf32, #tpu.memory_space<hbm>>
        %dma_start3A_197 = arith.constant 0 : i32
        %dma_start3A_198 = arith.constant 0 : i32
        %dma_start3A_199 = tpu.memref_slice %arg18[%dma_start3A_197, %dma_start3A_198] : memref<80x128xf32, #tpu.memory_space<vmem>> -> memref<80x128xf32, #tpu.memory_space<vmem>>
        tpu.enqueue_dma source(%dma_start3A_199 : memref<80x128xf32, #tpu.memory_space<vmem>>) target(%dma_start3A_196 : memref<80x128xf32, #tpu.memory_space<hbm>>) target_semaphore(%run_scoped3A : memref<!tpu.dma_semaphore, #tpu.memory_space<semaphore_mem>>)
        %dma_wait3A_200 = arith.constant 0 : i32
        %dma_wait3A_201 = arith.constant 0 : i32
        %dma_wait3A_202 = tpu.memref_slice %arg18[%dma_wait3A_200, %dma_wait3A_201] : memref<80x128xf32, #tpu.memory_space<vmem>> -> memref<80x128xf32, #tpu.memory_space<vmem>>
        %dma_wait3A_203 = arith.constant 0 : i32
        %dma_wait3A_204 = arith.constant 0 : i32
        %dma_wait3A_205 = tpu.memref_slice %arg8[%arg0, %dma_wait3A_203, %dma_wait3A_204] : memref<2x1000x128xf32, #tpu.memory_space<hbm>> -> memref<1x80x128xf32, #tpu.memory_space<hbm>>
        %dma_wait3A_206 = tpu.memref_squeeze %dma_wait3A_205 : memref<1x80x128xf32, #tpu.memory_space<hbm>> -> memref<80x128xf32, #tpu.memory_space<hbm>>
        %dma_wait3A_207 = arith.constant 0 : i32
        %dma_wait3A_208 = arith.constant 0 : i32
        %dma_wait3A_209 = tpu.memref_slice %arg8[%arg0, %dma_wait3A_207, %dma_wait3A_208] : memref<2x1000x128xf32, #tpu.memory_space<hbm>> -> memref<1x80x128xf32, #tpu.memory_space<hbm>>
        %dma_wait3A_210 = tpu.memref_squeeze %dma_wait3A_209 : memref<1x80x128xf32, #tpu.memory_space<hbm>> -> memref<80x128xf32, #tpu.memory_space<hbm>>
        %dma_wait3A_211 = arith.constant 0 : i32
        %dma_wait3A_212 = arith.constant 0 : i32
        %dma_wait3A_213 = tpu.memref_slice %arg18[%dma_wait3A_211, %dma_wait3A_212] : memref<80x128xf32, #tpu.memory_space<vmem>> -> memref<80x128xf32, #tpu.memory_space<vmem>>
        tpu.wait_dma2 semaphore(%run_scoped3A : memref<!tpu.dma_semaphore, #tpu.memory_space<semaphore_mem>>) src(%dma_wait3A_213 : memref<80x128xf32, #tpu.memory_space<vmem>>) dst(%dma_wait3A_210 : memref<80x128xf32, #tpu.memory_space<hbm>>)
        tpu.yield
      }) : () -> ()
      %scan3A_126 = arith.constant 0 : i32
      %scan3A_127 = arith.constant 80 : i32
      %scan3A_128 = arith.addi %scan3A_126, %scan3A_127 : i32
      %scan3A_129 = arith.constant 1 : i32
      scf.for %scan3A_186 = %scan3A_126 to %scan3A_128 step %scan3A_129  : i32 {
        %mul3A_187 = arith.constant 1 : i32
        %mul3A_188 = arith.muli %scan3A_186, %mul3A_187 : i32
        %add3A_189 = arith.constant 0 : i32
        %add3A_190 = arith.addi %add3A_189, %mul3A_188 : i32
        %add3A_191 = arith.constant 80 : i32
        %add3A_192 = arith.addi %add3A_191, %add3A_190 : i32
        %get3A = arith.index_cast %add3A_192 : i32 to index
        %get3A_193 = arith.constant 0 : index
        %get3A_194 = tpu.vector_load %arg25[%get3A, %get3A_193] {strides = array<i32>} : memref<1000x16xf32, #tpu.memory_space<vmem>>, vector<1x16xf32>,
        %get3A_195 = vector.shape_cast %get3A_194 : vector<1x16xf32> to vector<16xf32>
        %swap3A = arith.index_cast %add3A_190 : i32 to index
        %swap3A_196 = arith.constant 0 : index
        %swap3A_197 = tpu.vector_load %arg18[%swap3A, %swap3A_196] {strides = array<i32>} : memref<80x128xf32, #tpu.memory_space<vmem>>, vector<1x16xf32>,
        %swap3A_198 = vector.shape_cast %swap3A_197 : vector<1x16xf32> to vector<16xf32>
        %swap3A_199 = vector.shape_cast %get3A_195 : vector<16xf32> to vector<1x16xf32>
        tpu.vector_store %arg18[%swap3A, %swap3A_196], %swap3A_199 {strides = array<i32>} : memref<80x128xf32, #tpu.memory_space<vmem>>, vector<1x16xf32>,
      }
      %scan3A_130 = arith.constant 80 : i32
      "tpu.region"() ({
        %run_scoped3A = tpu.sem_alloc : memref<!tpu.dma_semaphore, #tpu.memory_space<semaphore_mem>>
        %dma_start3A_186 = arith.constant 0 : i32
        %dma_start3A_187 = arith.constant 0 : i32
        %dma_start3A_188 = tpu.memref_slice %arg18[%dma_start3A_186, %dma_start3A_187] : memref<80x128xf32, #tpu.memory_space<vmem>> -> memref<80x128xf32, #tpu.memory_space<vmem>>
        %dma_start3A_189 = arith.constant 80 : i32
        %dma_start3A_190 = arith.constant 0 : i32
        %dma_start3A_191 = tpu.memref_slice %arg8[%arg0, %dma_start3A_189, %dma_start3A_190] : memref<2x1000x128xf32, #tpu.memory_space<hbm>> -> memref<1x80x128xf32, #tpu.memory_space<hbm>>
        %dma_start3A_192 = tpu.memref_squeeze %dma_start3A_191 : memref<1x80x128xf32, #tpu.memory_space<hbm>> -> memref<80x128xf32, #tpu.memory_space<hbm>>
        %dma_start3A_193 = arith.constant 80 : i32
        %dma_start3A_194 = arith.constant 0 : i32
        %dma_start3A_195 = tpu.memref_slice %arg8[%arg0, %dma_start3A_193, %dma_start3A_194] : memref<2x1000x128xf32, #tpu.memory_space<hbm>> -> memref<1x80x128xf32, #tpu.memory_space<hbm>>
        %dma_start3A_196 = tpu.memref_squeeze %dma_start3A_195 : memref<1x80x128xf32, #tpu.memory_space<hbm>> -> memref<80x128xf32, #tpu.memory_space<hbm>>
        %dma_start3A_197 = arith.constant 0 : i32
        %dma_start3A_198 = arith.constant 0 : i32
        %dma_start3A_199 = tpu.memref_slice %arg18[%dma_start3A_197, %dma_start3A_198] : memref<80x128xf32, #tpu.memory_space<vmem>> -> memref<80x128xf32, #tpu.memory_space<vmem>>
        tpu.enqueue_dma source(%dma_start3A_199 : memref<80x128xf32, #tpu.memory_space<vmem>>) target(%dma_start3A_196 : memref<80x128xf32, #tpu.memory_space<hbm>>) target_semaphore(%run_scoped3A : memref<!tpu.dma_semaphore, #tpu.memory_space<semaphore_mem>>)
        %dma_wait3A_200 = arith.constant 0 : i32
        %dma_wait3A_201 = arith.constant 0 : i32
        %dma_wait3A_202 = tpu.memref_slice %arg18[%dma_wait3A_200, %dma_wait3A_201] : memref<80x128xf32, #tpu.memory_space<vmem>> -> memref<80x128xf32, #tpu.memory_space<vmem>>
        %dma_wait3A_203 = arith.constant 80 : i32
        %dma_wait3A_204 = arith.constant 0 : i32
        %dma_wait3A_205 = tpu.memref_slice %arg8[%arg0, %dma_wait3A_203, %dma_wait3A_204] : memref<2x1000x128xf32, #tpu.memory_space<hbm>> -> memref<1x80x128xf32, #tpu.memory_space<hbm>>
        %dma_wait3A_206 = tpu.memref_squeeze %dma_wait3A_205 : memref<1x80x128xf32, #tpu.memory_space<hbm>> -> memref<80x128xf32, #tpu.memory_space<hbm>>
        %dma_wait3A_207 = arith.constant 80 : i32
        %dma_wait3A_208 = arith.constant 0 : i32
        %dma_wait3A_209 = tpu.memref_slice %arg8[%arg0, %dma_wait3A_207, %dma_wait3A_208] : memref<2x1000x128xf32, #tpu.memory_space<hbm>> -> memref<1x80x128xf32, #tpu.memory_space<hbm>>
        %dma_wait3A_210 = tpu.memref_squeeze %dma_wait3A_209 : memref<1x80x128xf32, #tpu.memory_space<hbm>> -> memref<80x128xf32, #tpu.memory_space<hbm>>
        %dma_wait3A_211 = arith.constant 0 : i32
        %dma_wait3A_212 = arith.constant 0 : i32
        %dma_wait3A_213 = tpu.memref_slice %arg18[%dma_wait3A_211, %dma_wait3A_212] : memref<80x128xf32, #tpu.memory_space<vmem>> -> memref<80x128xf32, #tpu.memory_space<vmem>>
        tpu.wait_dma2 semaphore(%run_scoped3A : memref<!tpu.dma_semaphore, #tpu.memory_space<semaphore_mem>>) src(%dma_wait3A_213 : memref<80x128xf32, #tpu.memory_space<vmem>>) dst(%dma_wait3A_210 : memref<80x128xf32, #tpu.memory_space<hbm>>)
        tpu.yield
      }) : () -> ()
      %scan3A_131 = arith.constant 0 : i32
      %scan3A_132 = arith.constant 80 : i32
      %scan3A_133 = arith.addi %scan3A_131, %scan3A_132 : i32
      %scan3A_134 = arith.constant 1 : i32
      scf.for %scan3A_186 = %scan3A_131 to %scan3A_133 step %scan3A_134  : i32 {
        %mul3A_187 = arith.constant 1 : i32
        %mul3A_188 = arith.muli %scan3A_186, %mul3A_187 : i32
        %add3A_189 = arith.constant 0 : i32
        %add3A_190 = arith.addi %add3A_189, %mul3A_188 : i32
        %add3A_191 = arith.constant 160 : i32
        %add3A_192 = arith.addi %add3A_191, %add3A_190 : i32
        %get3A = arith.index_cast %add3A_192 : i32 to index
        %get3A_193 = arith.constant 0 : index
        %get3A_194 = tpu.vector_load %arg25[%get3A, %get3A_193] {strides = array<i32>} : memref<1000x16xf32, #tpu.memory_space<vmem>>, vector<1x16xf32>,
        %get3A_195 = vector.shape_cast %get3A_194 : vector<1x16xf32> to vector<16xf32>
        %swap3A = arith.index_cast %add3A_190 : i32 to index
        %swap3A_196 = arith.constant 0 : index
        %swap3A_197 = tpu.vector_load %arg18[%swap3A, %swap3A_196] {strides = array<i32>} : memref<80x128xf32, #tpu.memory_space<vmem>>, vector<1x16xf32>,
        %swap3A_198 = vector.shape_cast %swap3A_197 : vector<1x16xf32> to vector<16xf32>
        %swap3A_199 = vector.shape_cast %get3A_195 : vector<16xf32> to vector<1x16xf32>
        tpu.vector_store %arg18[%swap3A, %swap3A_196], %swap3A_199 {strides = array<i32>} : memref<80x128xf32, #tpu.memory_space<vmem>>, vector<1x16xf32>,
      }
      %scan3A_135 = arith.constant 80 : i32
      "tpu.region"() ({
        %run_scoped3A = tpu.sem_alloc : memref<!tpu.dma_semaphore, #tpu.memory_space<semaphore_mem>>
        %dma_start3A_186 = arith.constant 0 : i32
        %dma_start3A_187 = arith.constant 0 : i32
        %dma_start3A_188 = tpu.memref_slice %arg18[%dma_start3A_186, %dma_start3A_187] : memref<80x128xf32, #tpu.memory_space<vmem>> -> memref<80x128xf32, #tpu.memory_space<vmem>>
        %dma_start3A_189 = arith.constant 160 : i32
        %dma_start3A_190 = arith.constant 0 : i32
        %dma_start3A_191 = tpu.memref_slice %arg8[%arg0, %dma_start3A_189, %dma_start3A_190] : memref<2x1000x128xf32, #tpu.memory_space<hbm>> -> memref<1x80x128xf32, #tpu.memory_space<hbm>>
        %dma_start3A_192 = tpu.memref_squeeze %dma_start3A_191 : memref<1x80x128xf32, #tpu.memory_space<hbm>> -> memref<80x128xf32, #tpu.memory_space<hbm>>
        %dma_start3A_193 = arith.constant 160 : i32
        %dma_start3A_194 = arith.constant 0 : i32
        %dma_start3A_195 = tpu.memref_slice %arg8[%arg0, %dma_start3A_193, %dma_start3A_194] : memref<2x1000x128xf32, #tpu.memory_space<hbm>> -> memref<1x80x128xf32, #tpu.memory_space<hbm>>
        %dma_start3A_196 = tpu.memref_squeeze %dma_start3A_195 : memref<1x80x128xf32, #tpu.memory_space<hbm>> -> memref<80x128xf32, #tpu.memory_space<hbm>>
        %dma_start3A_197 = arith.constant 0 : i32
        %dma_start3A_198 = arith.constant 0 : i32
        %dma_start3A_199 = tpu.memref_slice %arg18[%dma_start3A_197, %dma_start3A_198] : memref<80x128xf32, #tpu.memory_space<vmem>> -> memref<80x128xf32, #tpu.memory_space<vmem>>
        tpu.enqueue_dma source(%dma_start3A_199 : memref<80x128xf32, #tpu.memory_space<vmem>>) target(%dma_start3A_196 : memref<80x128xf32, #tpu.memory_space<hbm>>) target_semaphore(%run_scoped3A : memref<!tpu.dma_semaphore, #tpu.memory_space<semaphore_mem>>)
        %dma_wait3A_200 = arith.constant 0 : i32
        %dma_wait3A_201 = arith.constant 0 : i32
        %dma_wait3A_202 = tpu.memref_slice %arg18[%dma_wait3A_200, %dma_wait3A_201] : memref<80x128xf32, #tpu.memory_space<vmem>> -> memref<80x128xf32, #tpu.memory_space<vmem>>
        %dma_wait3A_203 = arith.constant 160 : i32
        %dma_wait3A_204 = arith.constant 0 : i32
        %dma_wait3A_205 = tpu.memref_slice %arg8[%arg0, %dma_wait3A_203, %dma_wait3A_204] : memref<2x1000x128xf32, #tpu.memory_space<hbm>> -> memref<1x80x128xf32, #tpu.memory_space<hbm>>
        %dma_wait3A_206 = tpu.memref_squeeze %dma_wait3A_205 : memref<1x80x128xf32, #tpu.memory_space<hbm>> -> memref<80x128xf32, #tpu.memory_space<hbm>>
        %dma_wait3A_207 = arith.constant 160 : i32
        %dma_wait3A_208 = arith.constant 0 : i32
        %dma_wait3A_209 = tpu.memref_slice %arg8[%arg0, %dma_wait3A_207, %dma_wait3A_208] : memref<2x1000x128xf32, #tpu.memory_space<hbm>> -> memref<1x80x128xf32, #tpu.memory_space<hbm>>
        %dma_wait3A_210 = tpu.memref_squeeze %dma_wait3A_209 : memref<1x80x128xf32, #tpu.memory_space<hbm>> -> memref<80x128xf32, #tpu.memory_space<hbm>>
        %dma_wait3A_211 = arith.constant 0 : i32
        %dma_wait3A_212 = arith.constant 0 : i32
        %dma_wait3A_213 = tpu.memref_slice %arg18[%dma_wait3A_211, %dma_wait3A_212] : memref<80x128xf32, #tpu.memory_space<vmem>> -> memref<80x128xf32, #tpu.memory_space<vmem>>
        tpu.wait_dma2 semaphore(%run_scoped3A : memref<!tpu.dma_semaphore, #tpu.memory_space<semaphore_mem>>) src(%dma_wait3A_213 : memref<80x128xf32, #tpu.memory_space<vmem>>) dst(%dma_wait3A_210 : memref<80x128xf32, #tpu.memory_space<hbm>>)
        tpu.yield
      }) : () -> ()
      %scan3A_136 = arith.constant 0 : i32
      %scan3A_137 = arith.constant 80 : i32
      %scan3A_138 = arith.addi %scan3A_136, %scan3A_137 : i32
      %scan3A_139 = arith.constant 1 : i32
      scf.for %scan3A_186 = %scan3A_136 to %scan3A_138 step %scan3A_139  : i32 {
        %mul3A_187 = arith.constant 1 : i32
        %mul3A_188 = arith.muli %scan3A_186, %mul3A_187 : i32
        %add3A_189 = arith.constant 0 : i32
        %add3A_190 = arith.addi %add3A_189, %mul3A_188 : i32
        %add3A_191 = arith.constant 240 : i32
        %add3A_192 = arith.addi %add3A_191, %add3A_190 : i32
        %get3A = arith.index_cast %add3A_192 : i32 to index
        %get3A_193 = arith.constant 0 : index
        %get3A_194 = tpu.vector_load %arg25[%get3A, %get3A_193] {strides = array<i32>} : memref<1000x16xf32, #tpu.memory_space<vmem>>, vector<1x16xf32>,
        %get3A_195 = vector.shape_cast %get3A_194 : vector<1x16xf32> to vector<16xf32>
        %swap3A = arith.index_cast %add3A_190 : i32 to index
        %swap3A_196 = arith.constant 0 : index
        %swap3A_197 = tpu.vector_load %arg18[%swap3A, %swap3A_196] {strides = array<i32>} : memref<80x128xf32, #tpu.memory_space<vmem>>, vector<1x16xf32>,
        %swap3A_198 = vector.shape_cast %swap3A_197 : vector<1x16xf32> to vector<16xf32>
        %swap3A_199 = vector.shape_cast %get3A_195 : vector<16xf32> to vector<1x16xf32>
        tpu.vector_store %arg18[%swap3A, %swap3A_196], %swap3A_199 {strides = array<i32>} : memref<80x128xf32, #tpu.memory_space<vmem>>, vector<1x16xf32>,
      }
      %scan3A_140 = arith.constant 80 : i32
      "tpu.region"() ({
        %run_scoped3A = tpu.sem_alloc : memref<!tpu.dma_semaphore, #tpu.memory_space<semaphore_mem>>
        %dma_start3A_186 = arith.constant 0 : i32
        %dma_start3A_187 = arith.constant 0 : i32
        %dma_start3A_188 = tpu.memref_slice %arg18[%dma_start3A_186, %dma_start3A_187] : memref<80x128xf32, #tpu.memory_space<vmem>> -> memref<80x128xf32, #tpu.memory_space<vmem>>
        %dma_start3A_189 = arith.constant 240 : i32
        %dma_start3A_190 = arith.constant 0 : i32
        %dma_start3A_191 = tpu.memref_slice %arg8[%arg0, %dma_start3A_189, %dma_start3A_190] : memref<2x1000x128xf32, #tpu.memory_space<hbm>> -> memref<1x80x128xf32, #tpu.memory_space<hbm>>
        %dma_start3A_192 = tpu.memref_squeeze %dma_start3A_191 : memref<1x80x128xf32, #tpu.memory_space<hbm>> -> memref<80x128xf32, #tpu.memory_space<hbm>>
        %dma_start3A_193 = arith.constant 240 : i32
        %dma_start3A_194 = arith.constant 0 : i32
        %dma_start3A_195 = tpu.memref_slice %arg8[%arg0, %dma_start3A_193, %dma_start3A_194] : memref<2x1000x128xf32, #tpu.memory_space<hbm>> -> memref<1x80x128xf32, #tpu.memory_space<hbm>>
        %dma_start3A_196 = tpu.memref_squeeze %dma_start3A_195 : memref<1x80x128xf32, #tpu.memory_space<hbm>> -> memref<80x128xf32, #tpu.memory_space<hbm>>
        %dma_start3A_197 = arith.constant 0 : i32
        %dma_start3A_198 = arith.constant 0 : i32
        %dma_start3A_199 = tpu.memref_slice %arg18[%dma_start3A_197, %dma_start3A_198] : memref<80x128xf32, #tpu.memory_space<vmem>> -> memref<80x128xf32, #tpu.memory_space<vmem>>
        tpu.enqueue_dma source(%dma_start3A_199 : memref<80x128xf32, #tpu.memory_space<vmem>>) target(%dma_start3A_196 : memref<80x128xf32, #tpu.memory_space<hbm>>) target_semaphore(%run_scoped3A : memref<!tpu.dma_semaphore, #tpu.memory_space<semaphore_mem>>)
        %dma_wait3A_200 = arith.constant 0 : i32
        %dma_wait3A_201 = arith.constant 0 : i32
        %dma_wait3A_202 = tpu.memref_slice %arg18[%dma_wait3A_200, %dma_wait3A_201] : memref<80x128xf32, #tpu.memory_space<vmem>> -> memref<80x128xf32, #tpu.memory_space<vmem>>
        %dma_wait3A_203 = arith.constant 240 : i32
        %dma_wait3A_204 = arith.constant 0 : i32
        %dma_wait3A_205 = tpu.memref_slice %arg8[%arg0, %dma_wait3A_203, %dma_wait3A_204] : memref<2x1000x128xf32, #tpu.memory_space<hbm>> -> memref<1x80x128xf32, #tpu.memory_space<hbm>>
        %dma_wait3A_206 = tpu.memref_squeeze %dma_wait3A_205 : memref<1x80x128xf32, #tpu.memory_space<hbm>> -> memref<80x128xf32, #tpu.memory_space<hbm>>
        %dma_wait3A_207 = arith.constant 240 : i32
        %dma_wait3A_208 = arith.constant 0 : i32
        %dma_wait3A_209 = tpu.memref_slice %arg8[%arg0, %dma_wait3A_207, %dma_wait3A_208] : memref<2x1000x128xf32, #tpu.memory_space<hbm>> -> memref<1x80x128xf32, #tpu.memory_space<hbm>>
        %dma_wait3A_210 = tpu.memref_squeeze %dma_wait3A_209 : memref<1x80x128xf32, #tpu.memory_space<hbm>> -> memref<80x128xf32, #tpu.memory_space<hbm>>
        %dma_wait3A_211 = arith.constant 0 : i32
        %dma_wait3A_212 = arith.constant 0 : i32
        %dma_wait3A_213 = tpu.memref_slice %arg18[%dma_wait3A_211, %dma_wait3A_212] : memref<80x128xf32, #tpu.memory_space<vmem>> -> memref<80x128xf32, #tpu.memory_space<vmem>>
        tpu.wait_dma2 semaphore(%run_scoped3A : memref<!tpu.dma_semaphore, #tpu.memory_space<semaphore_mem>>) src(%dma_wait3A_213 : memref<80x128xf32, #tpu.memory_space<vmem>>) dst(%dma_wait3A_210 : memref<80x128xf32, #tpu.memory_space<hbm>>)
        tpu.yield
      }) : () -> ()
      %scan3A_141 = arith.constant 0 : i32
      %scan3A_142 = arith.constant 80 : i32
      %scan3A_143 = arith.addi %scan3A_141, %scan3A_142 : i32
      %scan3A_144 = arith.constant 1 : i32
      scf.for %scan3A_186 = %scan3A_141 to %scan3A_143 step %scan3A_144  : i32 {
        %mul3A_187 = arith.constant 1 : i32
        %mul3A_188 = arith.muli %scan3A_186, %mul3A_187 : i32
        %add3A_189 = arith.constant 0 : i32
        %add3A_190 = arith.addi %add3A_189, %mul3A_188 : i32
        %add3A_191 = arith.constant 320 : i32
        %add3A_192 = arith.addi %add3A_191, %add3A_190 : i32
        %get3A = arith.index_cast %add3A_192 : i32 to index
        %get3A_193 = arith.constant 0 : index
        %get3A_194 = tpu.vector_load %arg25[%get3A, %get3A_193] {strides = array<i32>} : memref<1000x16xf32, #tpu.memory_space<vmem>>, vector<1x16xf32>,
        %get3A_195 = vector.shape_cast %get3A_194 : vector<1x16xf32> to vector<16xf32>
        %swap3A = arith.index_cast %add3A_190 : i32 to index
        %swap3A_196 = arith.constant 0 : index
        %swap3A_197 = tpu.vector_load %arg18[%swap3A, %swap3A_196] {strides = array<i32>} : memref<80x128xf32, #tpu.memory_space<vmem>>, vector<1x16xf32>,
        %swap3A_198 = vector.shape_cast %swap3A_197 : vector<1x16xf32> to vector<16xf32>
        %swap3A_199 = vector.shape_cast %get3A_195 : vector<16xf32> to vector<1x16xf32>
        tpu.vector_store %arg18[%swap3A, %swap3A_196], %swap3A_199 {strides = array<i32>} : memref<80x128xf32, #tpu.memory_space<vmem>>, vector<1x16xf32>,
      }
      %scan3A_145 = arith.constant 80 : i32
      "tpu.region"() ({
        %run_scoped3A = tpu.sem_alloc : memref<!tpu.dma_semaphore, #tpu.memory_space<semaphore_mem>>
        %dma_start3A_186 = arith.constant 0 : i32
        %dma_start3A_187 = arith.constant 0 : i32
        %dma_start3A_188 = tpu.memref_slice %arg18[%dma_start3A_186, %dma_start3A_187] : memref<80x128xf32, #tpu.memory_space<vmem>> -> memref<80x128xf32, #tpu.memory_space<vmem>>
        %dma_start3A_189 = arith.constant 320 : i32
        %dma_start3A_190 = arith.constant 0 : i32
        %dma_start3A_191 = tpu.memref_slice %arg8[%arg0, %dma_start3A_189, %dma_start3A_190] : memref<2x1000x128xf32, #tpu.memory_space<hbm>> -> memref<1x80x128xf32, #tpu.memory_space<hbm>>
        %dma_start3A_192 = tpu.memref_squeeze %dma_start3A_191 : memref<1x80x128xf32, #tpu.memory_space<hbm>> -> memref<80x128xf32, #tpu.memory_space<hbm>>
        %dma_start3A_193 = arith.constant 320 : i32
        %dma_start3A_194 = arith.constant 0 : i32
        %dma_start3A_195 = tpu.memref_slice %arg8[%arg0, %dma_start3A_193, %dma_start3A_194] : memref<2x1000x128xf32, #tpu.memory_space<hbm>> -> memref<1x80x128xf32, #tpu.memory_space<hbm>>
        %dma_start3A_196 = tpu.memref_squeeze %dma_start3A_195 : memref<1x80x128xf32, #tpu.memory_space<hbm>> -> memref<80x128xf32, #tpu.memory_space<hbm>>
        %dma_start3A_197 = arith.constant 0 : i32
        %dma_start3A_198 = arith.constant 0 : i32
        %dma_start3A_199 = tpu.memref_slice %arg18[%dma_start3A_197, %dma_start3A_198] : memref<80x128xf32, #tpu.memory_space<vmem>> -> memref<80x128xf32, #tpu.memory_space<vmem>>
        tpu.enqueue_dma source(%dma_start3A_199 : memref<80x128xf32, #tpu.memory_space<vmem>>) target(%dma_start3A_196 : memref<80x128xf32, #tpu.memory_space<hbm>>) target_semaphore(%run_scoped3A : memref<!tpu.dma_semaphore, #tpu.memory_space<semaphore_mem>>)
        %dma_wait3A_200 = arith.constant 0 : i32
        %dma_wait3A_201 = arith.constant 0 : i32
        %dma_wait3A_202 = tpu.memref_slice %arg18[%dma_wait3A_200, %dma_wait3A_201] : memref<80x128xf32, #tpu.memory_space<vmem>> -> memref<80x128xf32, #tpu.memory_space<vmem>>
        %dma_wait3A_203 = arith.constant 320 : i32
        %dma_wait3A_204 = arith.constant 0 : i32
        %dma_wait3A_205 = tpu.memref_slice %arg8[%arg0, %dma_wait3A_203, %dma_wait3A_204] : memref<2x1000x128xf32, #tpu.memory_space<hbm>> -> memref<1x80x128xf32, #tpu.memory_space<hbm>>
        %dma_wait3A_206 = tpu.memref_squeeze %dma_wait3A_205 : memref<1x80x128xf32, #tpu.memory_space<hbm>> -> memref<80x128xf32, #tpu.memory_space<hbm>>
        %dma_wait3A_207 = arith.constant 320 : i32
        %dma_wait3A_208 = arith.constant 0 : i32
        %dma_wait3A_209 = tpu.memref_slice %arg8[%arg0, %dma_wait3A_207, %dma_wait3A_208] : memref<2x1000x128xf32, #tpu.memory_space<hbm>> -> memref<1x80x128xf32, #tpu.memory_space<hbm>>
        %dma_wait3A_210 = tpu.memref_squeeze %dma_wait3A_209 : memref<1x80x128xf32, #tpu.memory_space<hbm>> -> memref<80x128xf32, #tpu.memory_space<hbm>>
        %dma_wait3A_211 = arith.constant 0 : i32
        %dma_wait3A_212 = arith.constant 0 : i32
        %dma_wait3A_213 = tpu.memref_slice %arg18[%dma_wait3A_211, %dma_wait3A_212] : memref<80x128xf32, #tpu.memory_space<vmem>> -> memref<80x128xf32, #tpu.memory_space<vmem>>
        tpu.wait_dma2 semaphore(%run_scoped3A : memref<!tpu.dma_semaphore, #tpu.memory_space<semaphore_mem>>) src(%dma_wait3A_213 : memref<80x128xf32, #tpu.memory_space<vmem>>) dst(%dma_wait3A_210 : memref<80x128xf32, #tpu.memory_space<hbm>>)
        tpu.yield
      }) : () -> ()
      %scan3A_146 = arith.constant 0 : i32
      %scan3A_147 = arith.constant 80 : i32
      %scan3A_148 = arith.addi %scan3A_146, %scan3A_147 : i32
      %scan3A_149 = arith.constant 1 : i32
      scf.for %scan3A_186 = %scan3A_146 to %scan3A_148 step %scan3A_149  : i32 {
        %mul3A_187 = arith.constant 1 : i32
        %mul3A_188 = arith.muli %scan3A_186, %mul3A_187 : i32
        %add3A_189 = arith.constant 0 : i32
        %add3A_190 = arith.addi %add3A_189, %mul3A_188 : i32
        %add3A_191 = arith.constant 400 : i32
        %add3A_192 = arith.addi %add3A_191, %add3A_190 : i32
        %get3A = arith.index_cast %add3A_192 : i32 to index
        %get3A_193 = arith.constant 0 : index
        %get3A_194 = tpu.vector_load %arg25[%get3A, %get3A_193] {strides = array<i32>} : memref<1000x16xf32, #tpu.memory_space<vmem>>, vector<1x16xf32>,
        %get3A_195 = vector.shape_cast %get3A_194 : vector<1x16xf32> to vector<16xf32>
        %swap3A = arith.index_cast %add3A_190 : i32 to index
        %swap3A_196 = arith.constant 0 : index
        %swap3A_197 = tpu.vector_load %arg18[%swap3A, %swap3A_196] {strides = array<i32>} : memref<80x128xf32, #tpu.memory_space<vmem>>, vector<1x16xf32>,
        %swap3A_198 = vector.shape_cast %swap3A_197 : vector<1x16xf32> to vector<16xf32>
        %swap3A_199 = vector.shape_cast %get3A_195 : vector<16xf32> to vector<1x16xf32>
        tpu.vector_store %arg18[%swap3A, %swap3A_196], %swap3A_199 {strides = array<i32>} : memref<80x128xf32, #tpu.memory_space<vmem>>, vector<1x16xf32>,
      }
      %scan3A_150 = arith.constant 80 : i32
      "tpu.region"() ({
        %run_scoped3A = tpu.sem_alloc : memref<!tpu.dma_semaphore, #tpu.memory_space<semaphore_mem>>
        %dma_start3A_186 = arith.constant 0 : i32
        %dma_start3A_187 = arith.constant 0 : i32
        %dma_start3A_188 = tpu.memref_slice %arg18[%dma_start3A_186, %dma_start3A_187] : memref<80x128xf32, #tpu.memory_space<vmem>> -> memref<80x128xf32, #tpu.memory_space<vmem>>
        %dma_start3A_189 = arith.constant 400 : i32
        %dma_start3A_190 = arith.constant 0 : i32
        %dma_start3A_191 = tpu.memref_slice %arg8[%arg0, %dma_start3A_189, %dma_start3A_190] : memref<2x1000x128xf32, #tpu.memory_space<hbm>> -> memref<1x80x128xf32, #tpu.memory_space<hbm>>
        %dma_start3A_192 = tpu.memref_squeeze %dma_start3A_191 : memref<1x80x128xf32, #tpu.memory_space<hbm>> -> memref<80x128xf32, #tpu.memory_space<hbm>>
        %dma_start3A_193 = arith.constant 400 : i32
        %dma_start3A_194 = arith.constant 0 : i32
        %dma_start3A_195 = tpu.memref_slice %arg8[%arg0, %dma_start3A_193, %dma_start3A_194] : memref<2x1000x128xf32, #tpu.memory_space<hbm>> -> memref<1x80x128xf32, #tpu.memory_space<hbm>>
        %dma_start3A_196 = tpu.memref_squeeze %dma_start3A_195 : memref<1x80x128xf32, #tpu.memory_space<hbm>> -> memref<80x128xf32, #tpu.memory_space<hbm>>
        %dma_start3A_197 = arith.constant 0 : i32
        %dma_start3A_198 = arith.constant 0 : i32
        %dma_start3A_199 = tpu.memref_slice %arg18[%dma_start3A_197, %dma_start3A_198] : memref<80x128xf32, #tpu.memory_space<vmem>> -> memref<80x128xf32, #tpu.memory_space<vmem>>
        tpu.enqueue_dma source(%dma_start3A_199 : memref<80x128xf32, #tpu.memory_space<vmem>>) target(%dma_start3A_196 : memref<80x128xf32, #tpu.memory_space<hbm>>) target_semaphore(%run_scoped3A : memref<!tpu.dma_semaphore, #tpu.memory_space<semaphore_mem>>)
        %dma_wait3A_200 = arith.constant 0 : i32
        %dma_wait3A_201 = arith.constant 0 : i32
        %dma_wait3A_202 = tpu.memref_slice %arg18[%dma_wait3A_200, %dma_wait3A_201] : memref<80x128xf32, #tpu.memory_space<vmem>> -> memref<80x128xf32, #tpu.memory_space<vmem>>
        %dma_wait3A_203 = arith.constant 400 : i32
        %dma_wait3A_204 = arith.constant 0 : i32
        %dma_wait3A_205 = tpu.memref_slice %arg8[%arg0, %dma_wait3A_203, %dma_wait3A_204] : memref<2x1000x128xf32, #tpu.memory_space<hbm>> -> memref<1x80x128xf32, #tpu.memory_space<hbm>>
        %dma_wait3A_206 = tpu.memref_squeeze %dma_wait3A_205 : memref<1x80x128xf32, #tpu.memory_space<hbm>> -> memref<80x128xf32, #tpu.memory_space<hbm>>
        %dma_wait3A_207 = arith.constant 400 : i32
        %dma_wait3A_208 = arith.constant 0 : i32
        %dma_wait3A_209 = tpu.memref_slice %arg8[%arg0, %dma_wait3A_207, %dma_wait3A_208] : memref<2x1000x128xf32, #tpu.memory_space<hbm>> -> memref<1x80x128xf32, #tpu.memory_space<hbm>>
        %dma_wait3A_210 = tpu.memref_squeeze %dma_wait3A_209 : memref<1x80x128xf32, #tpu.memory_space<hbm>> -> memref<80x128xf32, #tpu.memory_space<hbm>>
        %dma_wait3A_211 = arith.constant 0 : i32
        %dma_wait3A_212 = arith.constant 0 : i32
        %dma_wait3A_213 = tpu.memref_slice %arg18[%dma_wait3A_211, %dma_wait3A_212] : memref<80x128xf32, #tpu.memory_space<vmem>> -> memref<80x128xf32, #tpu.memory_space<vmem>>
        tpu.wait_dma2 semaphore(%run_scoped3A : memref<!tpu.dma_semaphore, #tpu.memory_space<semaphore_mem>>) src(%dma_wait3A_213 : memref<80x128xf32, #tpu.memory_space<vmem>>) dst(%dma_wait3A_210 : memref<80x128xf32, #tpu.memory_space<hbm>>)
        tpu.yield
      }) : () -> ()
      %scan3A_151 = arith.constant 0 : i32
      %scan3A_152 = arith.constant 80 : i32
      %scan3A_153 = arith.addi %scan3A_151, %scan3A_152 : i32
      %scan3A_154 = arith.constant 1 : i32
      scf.for %scan3A_186 = %scan3A_151 to %scan3A_153 step %scan3A_154  : i32 {
        %mul3A_187 = arith.constant 1 : i32
        %mul3A_188 = arith.muli %scan3A_186, %mul3A_187 : i32
        %add3A_189 = arith.constant 0 : i32
        %add3A_190 = arith.addi %add3A_189, %mul3A_188 : i32
        %add3A_191 = arith.constant 480 : i32
        %add3A_192 = arith.addi %add3A_191, %add3A_190 : i32
        %get3A = arith.index_cast %add3A_192 : i32 to index
        %get3A_193 = arith.constant 0 : index
        %get3A_194 = tpu.vector_load %arg25[%get3A, %get3A_193] {strides = array<i32>} : memref<1000x16xf32, #tpu.memory_space<vmem>>, vector<1x16xf32>,
        %get3A_195 = vector.shape_cast %get3A_194 : vector<1x16xf32> to vector<16xf32>
        %swap3A = arith.index_cast %add3A_190 : i32 to index
        %swap3A_196 = arith.constant 0 : index
        %swap3A_197 = tpu.vector_load %arg18[%swap3A, %swap3A_196] {strides = array<i32>} : memref<80x128xf32, #tpu.memory_space<vmem>>, vector<1x16xf32>,
        %swap3A_198 = vector.shape_cast %swap3A_197 : vector<1x16xf32> to vector<16xf32>
        %swap3A_199 = vector.shape_cast %get3A_195 : vector<16xf32> to vector<1x16xf32>
        tpu.vector_store %arg18[%swap3A, %swap3A_196], %swap3A_199 {strides = array<i32>} : memref<80x128xf32, #tpu.memory_space<vmem>>, vector<1x16xf32>,
      }
      %scan3A_155 = arith.constant 80 : i32
      "tpu.region"() ({
        %run_scoped3A = tpu.sem_alloc : memref<!tpu.dma_semaphore, #tpu.memory_space<semaphore_mem>>
        %dma_start3A_186 = arith.constant 0 : i32
        %dma_start3A_187 = arith.constant 0 : i32
        %dma_start3A_188 = tpu.memref_slice %arg18[%dma_start3A_186, %dma_start3A_187] : memref<80x128xf32, #tpu.memory_space<vmem>> -> memref<80x128xf32, #tpu.memory_space<vmem>>
        %dma_start3A_189 = arith.constant 480 : i32
        %dma_start3A_190 = arith.constant 0 : i32
        %dma_start3A_191 = tpu.memref_slice %arg8[%arg0, %dma_start3A_189, %dma_start3A_190] : memref<2x1000x128xf32, #tpu.memory_space<hbm>> -> memref<1x80x128xf32, #tpu.memory_space<hbm>>
        %dma_start3A_192 = tpu.memref_squeeze %dma_start3A_191 : memref<1x80x128xf32, #tpu.memory_space<hbm>> -> memref<80x128xf32, #tpu.memory_space<hbm>>
        %dma_start3A_193 = arith.constant 480 : i32
        %dma_start3A_194 = arith.constant 0 : i32
        %dma_start3A_195 = tpu.memref_slice %arg8[%arg0, %dma_start3A_193, %dma_start3A_194] : memref<2x1000x128xf32, #tpu.memory_space<hbm>> -> memref<1x80x128xf32, #tpu.memory_space<hbm>>
        %dma_start3A_196 = tpu.memref_squeeze %dma_start3A_195 : memref<1x80x128xf32, #tpu.memory_space<hbm>> -> memref<80x128xf32, #tpu.memory_space<hbm>>
        %dma_start3A_197 = arith.constant 0 : i32
        %dma_start3A_198 = arith.constant 0 : i32
        %dma_start3A_199 = tpu.memref_slice %arg18[%dma_start3A_197, %dma_start3A_198] : memref<80x128xf32, #tpu.memory_space<vmem>> -> memref<80x128xf32, #tpu.memory_space<vmem>>
        tpu.enqueue_dma source(%dma_start3A_199 : memref<80x128xf32, #tpu.memory_space<vmem>>) target(%dma_start3A_196 : memref<80x128xf32, #tpu.memory_space<hbm>>) target_semaphore(%run_scoped3A : memref<!tpu.dma_semaphore, #tpu.memory_space<semaphore_mem>>)
        %dma_wait3A_200 = arith.constant 0 : i32
        %dma_wait3A_201 = arith.constant 0 : i32
        %dma_wait3A_202 = tpu.memref_slice %arg18[%dma_wait3A_200, %dma_wait3A_201] : memref<80x128xf32, #tpu.memory_space<vmem>> -> memref<80x128xf32, #tpu.memory_space<vmem>>
        %dma_wait3A_203 = arith.constant 480 : i32
        %dma_wait3A_204 = arith.constant 0 : i32
        %dma_wait3A_205 = tpu.memref_slice %arg8[%arg0, %dma_wait3A_203, %dma_wait3A_204] : memref<2x1000x128xf32, #tpu.memory_space<hbm>> -> memref<1x80x128xf32, #tpu.memory_space<hbm>>
        %dma_wait3A_206 = tpu.memref_squeeze %dma_wait3A_205 : memref<1x80x128xf32, #tpu.memory_space<hbm>> -> memref<80x128xf32, #tpu.memory_space<hbm>>
        %dma_wait3A_207 = arith.constant 480 : i32
        %dma_wait3A_208 = arith.constant 0 : i32
        %dma_wait3A_209 = tpu.memref_slice %arg8[%arg0, %dma_wait3A_207, %dma_wait3A_208] : memref<2x1000x128xf32, #tpu.memory_space<hbm>> -> memref<1x80x128xf32, #tpu.memory_space<hbm>>
        %dma_wait3A_210 = tpu.memref_squeeze %dma_wait3A_209 : memref<1x80x128xf32, #tpu.memory_space<hbm>> -> memref<80x128xf32, #tpu.memory_space<hbm>>
        %dma_wait3A_211 = arith.constant 0 : i32
        %dma_wait3A_212 = arith.constant 0 : i32
        %dma_wait3A_213 = tpu.memref_slice %arg18[%dma_wait3A_211, %dma_wait3A_212] : memref<80x128xf32, #tpu.memory_space<vmem>> -> memref<80x128xf32, #tpu.memory_space<vmem>>
        tpu.wait_dma2 semaphore(%run_scoped3A : memref<!tpu.dma_semaphore, #tpu.memory_space<semaphore_mem>>) src(%dma_wait3A_213 : memref<80x128xf32, #tpu.memory_space<vmem>>) dst(%dma_wait3A_210 : memref<80x128xf32, #tpu.memory_space<hbm>>)
        tpu.yield
      }) : () -> ()
      %scan3A_156 = arith.constant 0 : i32
      %scan3A_157 = arith.constant 80 : i32
      %scan3A_158 = arith.addi %scan3A_156, %scan3A_157 : i32
      %scan3A_159 = arith.constant 1 : i32
      scf.for %scan3A_186 = %scan3A_156 to %scan3A_158 step %scan3A_159  : i32 {
        %mul3A_187 = arith.constant 1 : i32
        %mul3A_188 = arith.muli %scan3A_186, %mul3A_187 : i32
        %add3A_189 = arith.constant 0 : i32
        %add3A_190 = arith.addi %add3A_189, %mul3A_188 : i32
        %add3A_191 = arith.constant 560 : i32
        %add3A_192 = arith.addi %add3A_191, %add3A_190 : i32
        %get3A = arith.index_cast %add3A_192 : i32 to index
        %get3A_193 = arith.constant 0 : index
        %get3A_194 = tpu.vector_load %arg25[%get3A, %get3A_193] {strides = array<i32>} : memref<1000x16xf32, #tpu.memory_space<vmem>>, vector<1x16xf32>,
        %get3A_195 = vector.shape_cast %get3A_194 : vector<1x16xf32> to vector<16xf32>
        %swap3A = arith.index_cast %add3A_190 : i32 to index
        %swap3A_196 = arith.constant 0 : index
        %swap3A_197 = tpu.vector_load %arg18[%swap3A, %swap3A_196] {strides = array<i32>} : memref<80x128xf32, #tpu.memory_space<vmem>>, vector<1x16xf32>,
        %swap3A_198 = vector.shape_cast %swap3A_197 : vector<1x16xf32> to vector<16xf32>
        %swap3A_199 = vector.shape_cast %get3A_195 : vector<16xf32> to vector<1x16xf32>
        tpu.vector_store %arg18[%swap3A, %swap3A_196], %swap3A_199 {strides = array<i32>} : memref<80x128xf32, #tpu.memory_space<vmem>>, vector<1x16xf32>,
      }
      %scan3A_160 = arith.constant 80 : i32
      "tpu.region"() ({
        %run_scoped3A = tpu.sem_alloc : memref<!tpu.dma_semaphore, #tpu.memory_space<semaphore_mem>>
        %dma_start3A_186 = arith.constant 0 : i32
        %dma_start3A_187 = arith.constant 0 : i32
        %dma_start3A_188 = tpu.memref_slice %arg18[%dma_start3A_186, %dma_start3A_187] : memref<80x128xf32, #tpu.memory_space<vmem>> -> memref<80x128xf32, #tpu.memory_space<vmem>>
        %dma_start3A_189 = arith.constant 560 : i32
        %dma_start3A_190 = arith.constant 0 : i32
        %dma_start3A_191 = tpu.memref_slice %arg8[%arg0, %dma_start3A_189, %dma_start3A_190] : memref<2x1000x128xf32, #tpu.memory_space<hbm>> -> memref<1x80x128xf32, #tpu.memory_space<hbm>>
        %dma_start3A_192 = tpu.memref_squeeze %dma_start3A_191 : memref<1x80x128xf32, #tpu.memory_space<hbm>> -> memref<80x128xf32, #tpu.memory_space<hbm>>
        %dma_start3A_193 = arith.constant 560 : i32
        %dma_start3A_194 = arith.constant 0 : i32
        %dma_start3A_195 = tpu.memref_slice %arg8[%arg0, %dma_start3A_193, %dma_start3A_194] : memref<2x1000x128xf32, #tpu.memory_space<hbm>> -> memref<1x80x128xf32, #tpu.memory_space<hbm>>
        %dma_start3A_196 = tpu.memref_squeeze %dma_start3A_195 : memref<1x80x128xf32, #tpu.memory_space<hbm>> -> memref<80x128xf32, #tpu.memory_space<hbm>>
        %dma_start3A_197 = arith.constant 0 : i32
        %dma_start3A_198 = arith.constant 0 : i32
        %dma_start3A_199 = tpu.memref_slice %arg18[%dma_start3A_197, %dma_start3A_198] : memref<80x128xf32, #tpu.memory_space<vmem>> -> memref<80x128xf32, #tpu.memory_space<vmem>>
        tpu.enqueue_dma source(%dma_start3A_199 : memref<80x128xf32, #tpu.memory_space<vmem>>) target(%dma_start3A_196 : memref<80x128xf32, #tpu.memory_space<hbm>>) target_semaphore(%run_scoped3A : memref<!tpu.dma_semaphore, #tpu.memory_space<semaphore_mem>>)
        %dma_wait3A_200 = arith.constant 0 : i32
        %dma_wait3A_201 = arith.constant 0 : i32
        %dma_wait3A_202 = tpu.memref_slice %arg18[%dma_wait3A_200, %dma_wait3A_201] : memref<80x128xf32, #tpu.memory_space<vmem>> -> memref<80x128xf32, #tpu.memory_space<vmem>>
        %dma_wait3A_203 = arith.constant 560 : i32
        %dma_wait3A_204 = arith.constant 0 : i32
        %dma_wait3A_205 = tpu.memref_slice %arg8[%arg0, %dma_wait3A_203, %dma_wait3A_204] : memref<2x1000x128xf32, #tpu.memory_space<hbm>> -> memref<1x80x128xf32, #tpu.memory_space<hbm>>
        %dma_wait3A_206 = tpu.memref_squeeze %dma_wait3A_205 : memref<1x80x128xf32, #tpu.memory_space<hbm>> -> memref<80x128xf32, #tpu.memory_space<hbm>>
        %dma_wait3A_207 = arith.constant 560 : i32
        %dma_wait3A_208 = arith.constant 0 : i32
        %dma_wait3A_209 = tpu.memref_slice %arg8[%arg0, %dma_wait3A_207, %dma_wait3A_208] : memref<2x1000x128xf32, #tpu.memory_space<hbm>> -> memref<1x80x128xf32, #tpu.memory_space<hbm>>
        %dma_wait3A_210 = tpu.memref_squeeze %dma_wait3A_209 : memref<1x80x128xf32, #tpu.memory_space<hbm>> -> memref<80x128xf32, #tpu.memory_space<hbm>>
        %dma_wait3A_211 = arith.constant 0 : i32
        %dma_wait3A_212 = arith.constant 0 : i32
        %dma_wait3A_213 = tpu.memref_slice %arg18[%dma_wait3A_211, %dma_wait3A_212] : memref<80x128xf32, #tpu.memory_space<vmem>> -> memref<80x128xf32, #tpu.memory_space<vmem>>
        tpu.wait_dma2 semaphore(%run_scoped3A : memref<!tpu.dma_semaphore, #tpu.memory_space<semaphore_mem>>) src(%dma_wait3A_213 : memref<80x128xf32, #tpu.memory_space<vmem>>) dst(%dma_wait3A_210 : memref<80x128xf32, #tpu.memory_space<hbm>>)
        tpu.yield
      }) : () -> ()
      %scan3A_161 = arith.constant 0 : i32
      %scan3A_162 = arith.constant 80 : i32
      %scan3A_163 = arith.addi %scan3A_161, %scan3A_162 : i32
      %scan3A_164 = arith.constant 1 : i32
      scf.for %scan3A_186 = %scan3A_161 to %scan3A_163 step %scan3A_164  : i32 {
        %mul3A_187 = arith.constant 1 : i32
        %mul3A_188 = arith.muli %scan3A_186, %mul3A_187 : i32
        %add3A_189 = arith.constant 0 : i32
        %add3A_190 = arith.addi %add3A_189, %mul3A_188 : i32
        %add3A_191 = arith.constant 640 : i32
        %add3A_192 = arith.addi %add3A_191, %add3A_190 : i32
        %get3A = arith.index_cast %add3A_192 : i32 to index
        %get3A_193 = arith.constant 0 : index
        %get3A_194 = tpu.vector_load %arg25[%get3A, %get3A_193] {strides = array<i32>} : memref<1000x16xf32, #tpu.memory_space<vmem>>, vector<1x16xf32>,
        %get3A_195 = vector.shape_cast %get3A_194 : vector<1x16xf32> to vector<16xf32>
        %swap3A = arith.index_cast %add3A_190 : i32 to index
        %swap3A_196 = arith.constant 0 : index
        %swap3A_197 = tpu.vector_load %arg18[%swap3A, %swap3A_196] {strides = array<i32>} : memref<80x128xf32, #tpu.memory_space<vmem>>, vector<1x16xf32>,
        %swap3A_198 = vector.shape_cast %swap3A_197 : vector<1x16xf32> to vector<16xf32>
        %swap3A_199 = vector.shape_cast %get3A_195 : vector<16xf32> to vector<1x16xf32>
        tpu.vector_store %arg18[%swap3A, %swap3A_196], %swap3A_199 {strides = array<i32>} : memref<80x128xf32, #tpu.memory_space<vmem>>, vector<1x16xf32>,
      }
      %scan3A_165 = arith.constant 80 : i32
      "tpu.region"() ({
        %run_scoped3A = tpu.sem_alloc : memref<!tpu.dma_semaphore, #tpu.memory_space<semaphore_mem>>
        %dma_start3A_186 = arith.constant 0 : i32
        %dma_start3A_187 = arith.constant 0 : i32
        %dma_start3A_188 = tpu.memref_slice %arg18[%dma_start3A_186, %dma_start3A_187] : memref<80x128xf32, #tpu.memory_space<vmem>> -> memref<80x128xf32, #tpu.memory_space<vmem>>
        %dma_start3A_189 = arith.constant 640 : i32
        %dma_start3A_190 = arith.constant 0 : i32
        %dma_start3A_191 = tpu.memref_slice %arg8[%arg0, %dma_start3A_189, %dma_start3A_190] : memref<2x1000x128xf32, #tpu.memory_space<hbm>> -> memref<1x80x128xf32, #tpu.memory_space<hbm>>
        %dma_start3A_192 = tpu.memref_squeeze %dma_start3A_191 : memref<1x80x128xf32, #tpu.memory_space<hbm>> -> memref<80x128xf32, #tpu.memory_space<hbm>>
        %dma_start3A_193 = arith.constant 640 : i32
        %dma_start3A_194 = arith.constant 0 : i32
        %dma_start3A_195 = tpu.memref_slice %arg8[%arg0, %dma_start3A_193, %dma_start3A_194] : memref<2x1000x128xf32, #tpu.memory_space<hbm>> -> memref<1x80x128xf32, #tpu.memory_space<hbm>>
        %dma_start3A_196 = tpu.memref_squeeze %dma_start3A_195 : memref<1x80x128xf32, #tpu.memory_space<hbm>> -> memref<80x128xf32, #tpu.memory_space<hbm>>
        %dma_start3A_197 = arith.constant 0 : i32
        %dma_start3A_198 = arith.constant 0 : i32
        %dma_start3A_199 = tpu.memref_slice %arg18[%dma_start3A_197, %dma_start3A_198] : memref<80x128xf32, #tpu.memory_space<vmem>> -> memref<80x128xf32, #tpu.memory_space<vmem>>
        tpu.enqueue_dma source(%dma_start3A_199 : memref<80x128xf32, #tpu.memory_space<vmem>>) target(%dma_start3A_196 : memref<80x128xf32, #tpu.memory_space<hbm>>) target_semaphore(%run_scoped3A : memref<!tpu.dma_semaphore, #tpu.memory_space<semaphore_mem>>)
        %dma_wait3A_200 = arith.constant 0 : i32
        %dma_wait3A_201 = arith.constant 0 : i32
        %dma_wait3A_202 = tpu.memref_slice %arg18[%dma_wait3A_200, %dma_wait3A_201] : memref<80x128xf32, #tpu.memory_space<vmem>> -> memref<80x128xf32, #tpu.memory_space<vmem>>
        %dma_wait3A_203 = arith.constant 640 : i32
        %dma_wait3A_204 = arith.constant 0 : i32
        %dma_wait3A_205 = tpu.memref_slice %arg8[%arg0, %dma_wait3A_203, %dma_wait3A_204] : memref<2x1000x128xf32, #tpu.memory_space<hbm>> -> memref<1x80x128xf32, #tpu.memory_space<hbm>>
        %dma_wait3A_206 = tpu.memref_squeeze %dma_wait3A_205 : memref<1x80x128xf32, #tpu.memory_space<hbm>> -> memref<80x128xf32, #tpu.memory_space<hbm>>
        %dma_wait3A_207 = arith.constant 640 : i32
        %dma_wait3A_208 = arith.constant 0 : i32
        %dma_wait3A_209 = tpu.memref_slice %arg8[%arg0, %dma_wait3A_207, %dma_wait3A_208] : memref<2x1000x128xf32, #tpu.memory_space<hbm>> -> memref<1x80x128xf32, #tpu.memory_space<hbm>>
        %dma_wait3A_210 = tpu.memref_squeeze %dma_wait3A_209 : memref<1x80x128xf32, #tpu.memory_space<hbm>> -> memref<80x128xf32, #tpu.memory_space<hbm>>
        %dma_wait3A_211 = arith.constant 0 : i32
        %dma_wait3A_212 = arith.constant 0 : i32
        %dma_wait3A_213 = tpu.memref_slice %arg18[%dma_wait3A_211, %dma_wait3A_212] : memref<80x128xf32, #tpu.memory_space<vmem>> -> memref<80x128xf32, #tpu.memory_space<vmem>>
        tpu.wait_dma2 semaphore(%run_scoped3A : memref<!tpu.dma_semaphore, #tpu.memory_space<semaphore_mem>>) src(%dma_wait3A_213 : memref<80x128xf32, #tpu.memory_space<vmem>>) dst(%dma_wait3A_210 : memref<80x128xf32, #tpu.memory_space<hbm>>)
        tpu.yield
      }) : () -> ()
      %scan3A_166 = arith.constant 0 : i32
      %scan3A_167 = arith.constant 80 : i32
      %scan3A_168 = arith.addi %scan3A_166, %scan3A_167 : i32
      %scan3A_169 = arith.constant 1 : i32
      scf.for %scan3A_186 = %scan3A_166 to %scan3A_168 step %scan3A_169  : i32 {
        %mul3A_187 = arith.constant 1 : i32
        %mul3A_188 = arith.muli %scan3A_186, %mul3A_187 : i32
        %add3A_189 = arith.constant 0 : i32
        %add3A_190 = arith.addi %add3A_189, %mul3A_188 : i32
        %add3A_191 = arith.constant 720 : i32
        %add3A_192 = arith.addi %add3A_191, %add3A_190 : i32
        %get3A = arith.index_cast %add3A_192 : i32 to index
        %get3A_193 = arith.constant 0 : index
        %get3A_194 = tpu.vector_load %arg25[%get3A, %get3A_193] {strides = array<i32>} : memref<1000x16xf32, #tpu.memory_space<vmem>>, vector<1x16xf32>,
        %get3A_195 = vector.shape_cast %get3A_194 : vector<1x16xf32> to vector<16xf32>
        %swap3A = arith.index_cast %add3A_190 : i32 to index
        %swap3A_196 = arith.constant 0 : index
        %swap3A_197 = tpu.vector_load %arg18[%swap3A, %swap3A_196] {strides = array<i32>} : memref<80x128xf32, #tpu.memory_space<vmem>>, vector<1x16xf32>,
        %swap3A_198 = vector.shape_cast %swap3A_197 : vector<1x16xf32> to vector<16xf32>
        %swap3A_199 = vector.shape_cast %get3A_195 : vector<16xf32> to vector<1x16xf32>
        tpu.vector_store %arg18[%swap3A, %swap3A_196], %swap3A_199 {strides = array<i32>} : memref<80x128xf32, #tpu.memory_space<vmem>>, vector<1x16xf32>,
      }
      %scan3A_170 = arith.constant 80 : i32
      "tpu.region"() ({
        %run_scoped3A = tpu.sem_alloc : memref<!tpu.dma_semaphore, #tpu.memory_space<semaphore_mem>>
        %dma_start3A_186 = arith.constant 0 : i32
        %dma_start3A_187 = arith.constant 0 : i32
        %dma_start3A_188 = tpu.memref_slice %arg18[%dma_start3A_186, %dma_start3A_187] : memref<80x128xf32, #tpu.memory_space<vmem>> -> memref<80x128xf32, #tpu.memory_space<vmem>>
        %dma_start3A_189 = arith.constant 720 : i32
        %dma_start3A_190 = arith.constant 0 : i32
        %dma_start3A_191 = tpu.memref_slice %arg8[%arg0, %dma_start3A_189, %dma_start3A_190] : memref<2x1000x128xf32, #tpu.memory_space<hbm>> -> memref<1x80x128xf32, #tpu.memory_space<hbm>>
        %dma_start3A_192 = tpu.memref_squeeze %dma_start3A_191 : memref<1x80x128xf32, #tpu.memory_space<hbm>> -> memref<80x128xf32, #tpu.memory_space<hbm>>
        %dma_start3A_193 = arith.constant 720 : i32
        %dma_start3A_194 = arith.constant 0 : i32
        %dma_start3A_195 = tpu.memref_slice %arg8[%arg0, %dma_start3A_193, %dma_start3A_194] : memref<2x1000x128xf32, #tpu.memory_space<hbm>> -> memref<1x80x128xf32, #tpu.memory_space<hbm>>
        %dma_start3A_196 = tpu.memref_squeeze %dma_start3A_195 : memref<1x80x128xf32, #tpu.memory_space<hbm>> -> memref<80x128xf32, #tpu.memory_space<hbm>>
        %dma_start3A_197 = arith.constant 0 : i32
        %dma_start3A_198 = arith.constant 0 : i32
        %dma_start3A_199 = tpu.memref_slice %arg18[%dma_start3A_197, %dma_start3A_198] : memref<80x128xf32, #tpu.memory_space<vmem>> -> memref<80x128xf32, #tpu.memory_space<vmem>>
        tpu.enqueue_dma source(%dma_start3A_199 : memref<80x128xf32, #tpu.memory_space<vmem>>) target(%dma_start3A_196 : memref<80x128xf32, #tpu.memory_space<hbm>>) target_semaphore(%run_scoped3A : memref<!tpu.dma_semaphore, #tpu.memory_space<semaphore_mem>>)
        %dma_wait3A_200 = arith.constant 0 : i32
        %dma_wait3A_201 = arith.constant 0 : i32
        %dma_wait3A_202 = tpu.memref_slice %arg18[%dma_wait3A_200, %dma_wait3A_201] : memref<80x128xf32, #tpu.memory_space<vmem>> -> memref<80x128xf32, #tpu.memory_space<vmem>>
        %dma_wait3A_203 = arith.constant 720 : i32
        %dma_wait3A_204 = arith.constant 0 : i32
        %dma_wait3A_205 = tpu.memref_slice %arg8[%arg0, %dma_wait3A_203, %dma_wait3A_204] : memref<2x1000x128xf32, #tpu.memory_space<hbm>> -> memref<1x80x128xf32, #tpu.memory_space<hbm>>
        %dma_wait3A_206 = tpu.memref_squeeze %dma_wait3A_205 : memref<1x80x128xf32, #tpu.memory_space<hbm>> -> memref<80x128xf32, #tpu.memory_space<hbm>>
        %dma_wait3A_207 = arith.constant 720 : i32
        %dma_wait3A_208 = arith.constant 0 : i32
        %dma_wait3A_209 = tpu.memref_slice %arg8[%arg0, %dma_wait3A_207, %dma_wait3A_208] : memref<2x1000x128xf32, #tpu.memory_space<hbm>> -> memref<1x80x128xf32, #tpu.memory_space<hbm>>
        %dma_wait3A_210 = tpu.memref_squeeze %dma_wait3A_209 : memref<1x80x128xf32, #tpu.memory_space<hbm>> -> memref<80x128xf32, #tpu.memory_space<hbm>>
        %dma_wait3A_211 = arith.constant 0 : i32
        %dma_wait3A_212 = arith.constant 0 : i32
        %dma_wait3A_213 = tpu.memref_slice %arg18[%dma_wait3A_211, %dma_wait3A_212] : memref<80x128xf32, #tpu.memory_space<vmem>> -> memref<80x128xf32, #tpu.memory_space<vmem>>
        tpu.wait_dma2 semaphore(%run_scoped3A : memref<!tpu.dma_semaphore, #tpu.memory_space<semaphore_mem>>) src(%dma_wait3A_213 : memref<80x128xf32, #tpu.memory_space<vmem>>) dst(%dma_wait3A_210 : memref<80x128xf32, #tpu.memory_space<hbm>>)
        tpu.yield
      }) : () -> ()
      %scan3A_171 = arith.constant 0 : i32
      %scan3A_172 = arith.constant 80 : i32
      %scan3A_173 = arith.addi %scan3A_171, %scan3A_172 : i32
      %scan3A_174 = arith.constant 1 : i32
      scf.for %scan3A_186 = %scan3A_171 to %scan3A_173 step %scan3A_174  : i32 {
        %mul3A_187 = arith.constant 1 : i32
        %mul3A_188 = arith.muli %scan3A_186, %mul3A_187 : i32
        %add3A_189 = arith.constant 0 : i32
        %add3A_190 = arith.addi %add3A_189, %mul3A_188 : i32
        %add3A_191 = arith.constant 800 : i32
        %add3A_192 = arith.addi %add3A_191, %add3A_190 : i32
        %get3A = arith.index_cast %add3A_192 : i32 to index
        %get3A_193 = arith.constant 0 : index
        %get3A_194 = tpu.vector_load %arg25[%get3A, %get3A_193] {strides = array<i32>} : memref<1000x16xf32, #tpu.memory_space<vmem>>, vector<1x16xf32>,
        %get3A_195 = vector.shape_cast %get3A_194 : vector<1x16xf32> to vector<16xf32>
        %swap3A = arith.index_cast %add3A_190 : i32 to index
        %swap3A_196 = arith.constant 0 : index
        %swap3A_197 = tpu.vector_load %arg18[%swap3A, %swap3A_196] {strides = array<i32>} : memref<80x128xf32, #tpu.memory_space<vmem>>, vector<1x16xf32>,
        %swap3A_198 = vector.shape_cast %swap3A_197 : vector<1x16xf32> to vector<16xf32>
        %swap3A_199 = vector.shape_cast %get3A_195 : vector<16xf32> to vector<1x16xf32>
        tpu.vector_store %arg18[%swap3A, %swap3A_196], %swap3A_199 {strides = array<i32>} : memref<80x128xf32, #tpu.memory_space<vmem>>, vector<1x16xf32>,
      }
      %scan3A_175 = arith.constant 80 : i32
      "tpu.region"() ({
        %run_scoped3A = tpu.sem_alloc : memref<!tpu.dma_semaphore, #tpu.memory_space<semaphore_mem>>
        %dma_start3A_186 = arith.constant 0 : i32
        %dma_start3A_187 = arith.constant 0 : i32
        %dma_start3A_188 = tpu.memref_slice %arg18[%dma_start3A_186, %dma_start3A_187] : memref<80x128xf32, #tpu.memory_space<vmem>> -> memref<80x128xf32, #tpu.memory_space<vmem>>
        %dma_start3A_189 = arith.constant 800 : i32
        %dma_start3A_190 = arith.constant 0 : i32
        %dma_start3A_191 = tpu.memref_slice %arg8[%arg0, %dma_start3A_189, %dma_start3A_190] : memref<2x1000x128xf32, #tpu.memory_space<hbm>> -> memref<1x80x128xf32, #tpu.memory_space<hbm>>
        %dma_start3A_192 = tpu.memref_squeeze %dma_start3A_191 : memref<1x80x128xf32, #tpu.memory_space<hbm>> -> memref<80x128xf32, #tpu.memory_space<hbm>>
        %dma_start3A_193 = arith.constant 800 : i32
        %dma_start3A_194 = arith.constant 0 : i32
        %dma_start3A_195 = tpu.memref_slice %arg8[%arg0, %dma_start3A_193, %dma_start3A_194] : memref<2x1000x128xf32, #tpu.memory_space<hbm>> -> memref<1x80x128xf32, #tpu.memory_space<hbm>>
        %dma_start3A_196 = tpu.memref_squeeze %dma_start3A_195 : memref<1x80x128xf32, #tpu.memory_space<hbm>> -> memref<80x128xf32, #tpu.memory_space<hbm>>
        %dma_start3A_197 = arith.constant 0 : i32
        %dma_start3A_198 = arith.constant 0 : i32
        %dma_start3A_199 = tpu.memref_slice %arg18[%dma_start3A_197, %dma_start3A_198] : memref<80x128xf32, #tpu.memory_space<vmem>> -> memref<80x128xf32, #tpu.memory_space<vmem>>
        tpu.enqueue_dma source(%dma_start3A_199 : memref<80x128xf32, #tpu.memory_space<vmem>>) target(%dma_start3A_196 : memref<80x128xf32, #tpu.memory_space<hbm>>) target_semaphore(%run_scoped3A : memref<!tpu.dma_semaphore, #tpu.memory_space<semaphore_mem>>)
        %dma_wait3A_200 = arith.constant 0 : i32
        %dma_wait3A_201 = arith.constant 0 : i32
        %dma_wait3A_202 = tpu.memref_slice %arg18[%dma_wait3A_200, %dma_wait3A_201] : memref<80x128xf32, #tpu.memory_space<vmem>> -> memref<80x128xf32, #tpu.memory_space<vmem>>
        %dma_wait3A_203 = arith.constant 800 : i32
        %dma_wait3A_204 = arith.constant 0 : i32
        %dma_wait3A_205 = tpu.memref_slice %arg8[%arg0, %dma_wait3A_203, %dma_wait3A_204] : memref<2x1000x128xf32, #tpu.memory_space<hbm>> -> memref<1x80x128xf32, #tpu.memory_space<hbm>>
        %dma_wait3A_206 = tpu.memref_squeeze %dma_wait3A_205 : memref<1x80x128xf32, #tpu.memory_space<hbm>> -> memref<80x128xf32, #tpu.memory_space<hbm>>
        %dma_wait3A_207 = arith.constant 800 : i32
        %dma_wait3A_208 = arith.constant 0 : i32
        %dma_wait3A_209 = tpu.memref_slice %arg8[%arg0, %dma_wait3A_207, %dma_wait3A_208] : memref<2x1000x128xf32, #tpu.memory_space<hbm>> -> memref<1x80x128xf32, #tpu.memory_space<hbm>>
        %dma_wait3A_210 = tpu.memref_squeeze %dma_wait3A_209 : memref<1x80x128xf32, #tpu.memory_space<hbm>> -> memref<80x128xf32, #tpu.memory_space<hbm>>
        %dma_wait3A_211 = arith.constant 0 : i32
        %dma_wait3A_212 = arith.constant 0 : i32
        %dma_wait3A_213 = tpu.memref_slice %arg18[%dma_wait3A_211, %dma_wait3A_212] : memref<80x128xf32, #tpu.memory_space<vmem>> -> memref<80x128xf32, #tpu.memory_space<vmem>>
        tpu.wait_dma2 semaphore(%run_scoped3A : memref<!tpu.dma_semaphore, #tpu.memory_space<semaphore_mem>>) src(%dma_wait3A_213 : memref<80x128xf32, #tpu.memory_space<vmem>>) dst(%dma_wait3A_210 : memref<80x128xf32, #tpu.memory_space<hbm>>)
        tpu.yield
      }) : () -> ()
      %scan3A_176 = arith.constant 0 : i32
      %scan3A_177 = arith.constant 80 : i32
      %scan3A_178 = arith.addi %scan3A_176, %scan3A_177 : i32
      %scan3A_179 = arith.constant 1 : i32
      scf.for %scan3A_186 = %scan3A_176 to %scan3A_178 step %scan3A_179  : i32 {
        %mul3A_187 = arith.constant 1 : i32
        %mul3A_188 = arith.muli %scan3A_186, %mul3A_187 : i32
        %add3A_189 = arith.constant 0 : i32
        %add3A_190 = arith.addi %add3A_189, %mul3A_188 : i32
        %add3A_191 = arith.constant 880 : i32
        %add3A_192 = arith.addi %add3A_191, %add3A_190 : i32
        %get3A = arith.index_cast %add3A_192 : i32 to index
        %get3A_193 = arith.constant 0 : index
        %get3A_194 = tpu.vector_load %arg25[%get3A, %get3A_193] {strides = array<i32>} : memref<1000x16xf32, #tpu.memory_space<vmem>>, vector<1x16xf32>,
        %get3A_195 = vector.shape_cast %get3A_194 : vector<1x16xf32> to vector<16xf32>
        %swap3A = arith.index_cast %add3A_190 : i32 to index
        %swap3A_196 = arith.constant 0 : index
        %swap3A_197 = tpu.vector_load %arg18[%swap3A, %swap3A_196] {strides = array<i32>} : memref<80x128xf32, #tpu.memory_space<vmem>>, vector<1x16xf32>,
        %swap3A_198 = vector.shape_cast %swap3A_197 : vector<1x16xf32> to vector<16xf32>
        %swap3A_199 = vector.shape_cast %get3A_195 : vector<16xf32> to vector<1x16xf32>
        tpu.vector_store %arg18[%swap3A, %swap3A_196], %swap3A_199 {strides = array<i32>} : memref<80x128xf32, #tpu.memory_space<vmem>>, vector<1x16xf32>,
      }
      %scan3A_180 = arith.constant 80 : i32
      "tpu.region"() ({
        %run_scoped3A = tpu.sem_alloc : memref<!tpu.dma_semaphore, #tpu.memory_space<semaphore_mem>>
        %dma_start3A_186 = arith.constant 0 : i32
        %dma_start3A_187 = arith.constant 0 : i32
        %dma_start3A_188 = tpu.memref_slice %arg18[%dma_start3A_186, %dma_start3A_187] : memref<80x128xf32, #tpu.memory_space<vmem>> -> memref<80x128xf32, #tpu.memory_space<vmem>>
        %dma_start3A_189 = arith.constant 880 : i32
        %dma_start3A_190 = arith.constant 0 : i32
        %dma_start3A_191 = tpu.memref_slice %arg8[%arg0, %dma_start3A_189, %dma_start3A_190] : memref<2x1000x128xf32, #tpu.memory_space<hbm>> -> memref<1x80x128xf32, #tpu.memory_space<hbm>>
        %dma_start3A_192 = tpu.memref_squeeze %dma_start3A_191 : memref<1x80x128xf32, #tpu.memory_space<hbm>> -> memref<80x128xf32, #tpu.memory_space<hbm>>
        %dma_start3A_193 = arith.constant 880 : i32
        %dma_start3A_194 = arith.constant 0 : i32
        %dma_start3A_195 = tpu.memref_slice %arg8[%arg0, %dma_start3A_193, %dma_start3A_194] : memref<2x1000x128xf32, #tpu.memory_space<hbm>> -> memref<1x80x128xf32, #tpu.memory_space<hbm>>
        %dma_start3A_196 = tpu.memref_squeeze %dma_start3A_195 : memref<1x80x128xf32, #tpu.memory_space<hbm>> -> memref<80x128xf32, #tpu.memory_space<hbm>>
        %dma_start3A_197 = arith.constant 0 : i32
        %dma_start3A_198 = arith.constant 0 : i32
        %dma_start3A_199 = tpu.memref_slice %arg18[%dma_start3A_197, %dma_start3A_198] : memref<80x128xf32, #tpu.memory_space<vmem>> -> memref<80x128xf32, #tpu.memory_space<vmem>>
        tpu.enqueue_dma source(%dma_start3A_199 : memref<80x128xf32, #tpu.memory_space<vmem>>) target(%dma_start3A_196 : memref<80x128xf32, #tpu.memory_space<hbm>>) target_semaphore(%run_scoped3A : memref<!tpu.dma_semaphore, #tpu.memory_space<semaphore_mem>>)
        %dma_wait3A_200 = arith.constant 0 : i32
        %dma_wait3A_201 = arith.constant 0 : i32
        %dma_wait3A_202 = tpu.memref_slice %arg18[%dma_wait3A_200, %dma_wait3A_201] : memref<80x128xf32, #tpu.memory_space<vmem>> -> memref<80x128xf32, #tpu.memory_space<vmem>>
        %dma_wait3A_203 = arith.constant 880 : i32
        %dma_wait3A_204 = arith.constant 0 : i32
        %dma_wait3A_205 = tpu.memref_slice %arg8[%arg0, %dma_wait3A_203, %dma_wait3A_204] : memref<2x1000x128xf32, #tpu.memory_space<hbm>> -> memref<1x80x128xf32, #tpu.memory_space<hbm>>
        %dma_wait3A_206 = tpu.memref_squeeze %dma_wait3A_205 : memref<1x80x128xf32, #tpu.memory_space<hbm>> -> memref<80x128xf32, #tpu.memory_space<hbm>>
        %dma_wait3A_207 = arith.constant 880 : i32
        %dma_wait3A_208 = arith.constant 0 : i32
        %dma_wait3A_209 = tpu.memref_slice %arg8[%arg0, %dma_wait3A_207, %dma_wait3A_208] : memref<2x1000x128xf32, #tpu.memory_space<hbm>> -> memref<1x80x128xf32, #tpu.memory_space<hbm>>
        %dma_wait3A_210 = tpu.memref_squeeze %dma_wait3A_209 : memref<1x80x128xf32, #tpu.memory_space<hbm>> -> memref<80x128xf32, #tpu.memory_space<hbm>>
        %dma_wait3A_211 = arith.constant 0 : i32
        %dma_wait3A_212 = arith.constant 0 : i32
        %dma_wait3A_213 = tpu.memref_slice %arg18[%dma_wait3A_211, %dma_wait3A_212] : memref<80x128xf32, #tpu.memory_space<vmem>> -> memref<80x128xf32, #tpu.memory_space<vmem>>
        tpu.wait_dma2 semaphore(%run_scoped3A : memref<!tpu.dma_semaphore, #tpu.memory_space<semaphore_mem>>) src(%dma_wait3A_213 : memref<80x128xf32, #tpu.memory_space<vmem>>) dst(%dma_wait3A_210 : memref<80x128xf32, #tpu.memory_space<hbm>>)
        tpu.yield
      }) : () -> ()
      %scan3A_181 = arith.constant 0 : i32
      %scan3A_182 = arith.constant 40 : i32
      %scan3A_183 = arith.addi %scan3A_181, %scan3A_182 : i32
      %scan3A_184 = arith.constant 1 : i32
      scf.for %scan3A_186 = %scan3A_181 to %scan3A_183 step %scan3A_184  : i32 {
        %mul3A_187 = arith.constant 1 : i32
        %mul3A_188 = arith.muli %scan3A_186, %mul3A_187 : i32
        %add3A_189 = arith.constant 0 : i32
        %add3A_190 = arith.addi %add3A_189, %mul3A_188 : i32
        %add3A_191 = arith.constant 960 : i32
        %add3A_192 = arith.addi %add3A_191, %add3A_190 : i32
        %get3A = arith.index_cast %add3A_192 : i32 to index
        %get3A_193 = arith.constant 0 : index
        %get3A_194 = tpu.vector_load %arg25[%get3A, %get3A_193] {strides = array<i32>} : memref<1000x16xf32, #tpu.memory_space<vmem>>, vector<1x16xf32>,
        %get3A_195 = vector.shape_cast %get3A_194 : vector<1x16xf32> to vector<16xf32>
        %swap3A = arith.index_cast %add3A_190 : i32 to index
        %swap3A_196 = arith.constant 0 : index
        %swap3A_197 = tpu.vector_load %arg18[%swap3A, %swap3A_196] {strides = array<i32>} : memref<80x128xf32, #tpu.memory_space<vmem>>, vector<1x16xf32>,
        %swap3A_198 = vector.shape_cast %swap3A_197 : vector<1x16xf32> to vector<16xf32>
        %swap3A_199 = vector.shape_cast %get3A_195 : vector<16xf32> to vector<1x16xf32>
        tpu.vector_store %arg18[%swap3A, %swap3A_196], %swap3A_199 {strides = array<i32>} : memref<80x128xf32, #tpu.memory_space<vmem>>, vector<1x16xf32>,
      }
      %scan3A_185 = arith.constant 40 : i32
      "tpu.region"() ({
        %run_scoped3A = tpu.sem_alloc : memref<!tpu.dma_semaphore, #tpu.memory_space<semaphore_mem>>
        %dma_start3A_186 = arith.constant 0 : i32
        %dma_start3A_187 = arith.constant 0 : i32
        %dma_start3A_188 = tpu.memref_slice %arg18[%dma_start3A_186, %dma_start3A_187] : memref<80x128xf32, #tpu.memory_space<vmem>> -> memref<40x128xf32, #tpu.memory_space<vmem>>
        %dma_start3A_189 = arith.constant 960 : i32
        %dma_start3A_190 = arith.constant 0 : i32
        %dma_start3A_191 = tpu.memref_slice %arg8[%arg0, %dma_start3A_189, %dma_start3A_190] : memref<2x1000x128xf32, #tpu.memory_space<hbm>> -> memref<1x40x128xf32, #tpu.memory_space<hbm>>
        %dma_start3A_192 = tpu.memref_squeeze %dma_start3A_191 : memref<1x40x128xf32, #tpu.memory_space<hbm>> -> memref<40x128xf32, #tpu.memory_space<hbm>>
        %dma_start3A_193 = arith.constant 960 : i32
        %dma_start3A_194 = arith.constant 0 : i32
        %dma_start3A_195 = tpu.memref_slice %arg8[%arg0, %dma_start3A_193, %dma_start3A_194] : memref<2x1000x128xf32, #tpu.memory_space<hbm>> -> memref<1x40x128xf32, #tpu.memory_space<hbm>>
        %dma_start3A_196 = tpu.memref_squeeze %dma_start3A_195 : memref<1x40x128xf32, #tpu.memory_space<hbm>> -> memref<40x128xf32, #tpu.memory_space<hbm>>
        %dma_start3A_197 = arith.constant 0 : i32
        %dma_start3A_198 = arith.constant 0 : i32
        %dma_start3A_199 = tpu.memref_slice %arg18[%dma_start3A_197, %dma_start3A_198] : memref<80x128xf32, #tpu.memory_space<vmem>> -> memref<40x128xf32, #tpu.memory_space<vmem>>
        tpu.enqueue_dma source(%dma_start3A_199 : memref<40x128xf32, #tpu.memory_space<vmem>>) target(%dma_start3A_196 : memref<40x128xf32, #tpu.memory_space<hbm>>) target_semaphore(%run_scoped3A : memref<!tpu.dma_semaphore, #tpu.memory_space<semaphore_mem>>)
        %dma_wait3A_200 = arith.constant 0 : i32
        %dma_wait3A_201 = arith.constant 0 : i32
        %dma_wait3A_202 = tpu.memref_slice %arg18[%dma_wait3A_200, %dma_wait3A_201] : memref<80x128xf32, #tpu.memory_space<vmem>> -> memref<40x128xf32, #tpu.memory_space<vmem>>
        %dma_wait3A_203 = arith.constant 960 : i32
        %dma_wait3A_204 = arith.constant 0 : i32
        %dma_wait3A_205 = tpu.memref_slice %arg8[%arg0, %dma_wait3A_203, %dma_wait3A_204] : memref<2x1000x128xf32, #tpu.memory_space<hbm>> -> memref<1x40x128xf32, #tpu.memory_space<hbm>>
        %dma_wait3A_206 = tpu.memref_squeeze %dma_wait3A_205 : memref<1x40x128xf32, #tpu.memory_space<hbm>> -> memref<40x128xf32, #tpu.memory_space<hbm>>
        %dma_wait3A_207 = arith.constant 960 : i32
        %dma_wait3A_208 = arith.constant 0 : i32
        %dma_wait3A_209 = tpu.memref_slice %arg8[%arg0, %dma_wait3A_207, %dma_wait3A_208] : memref<2x1000x128xf32, #tpu.memory_space<hbm>> -> memref<1x40x128xf32, #tpu.memory_space<hbm>>
        %dma_wait3A_210 = tpu.memref_squeeze %dma_wait3A_209 : memref<1x40x128xf32, #tpu.memory_space<hbm>> -> memref<40x128xf32, #tpu.memory_space<hbm>>
        %dma_wait3A_211 = arith.constant 0 : i32
        %dma_wait3A_212 = arith.constant 0 : i32
        %dma_wait3A_213 = tpu.memref_slice %arg18[%dma_wait3A_211, %dma_wait3A_212] : memref<80x128xf32, #tpu.memory_space<vmem>> -> memref<40x128xf32, #tpu.memory_space<vmem>>
        tpu.wait_dma2 semaphore(%run_scoped3A : memref<!tpu.dma_semaphore, #tpu.memory_space<semaphore_mem>>) src(%dma_wait3A_213 : memref<40x128xf32, #tpu.memory_space<vmem>>) dst(%dma_wait3A_210 : memref<40x128xf32, #tpu.memory_space<hbm>>)
        tpu.yield
      }) : () -> ()
    } else {
    }
    return
  }
}

module attributes {stable_mosaic.version = 14 : i64} {
  func.func @_tc_reduce_body(%arg0: memref<2x1000x128xf32, #tpu.memory_space<vmem>>, %arg1: memref<2x1000x128xf32, #tpu.memory_space<vmem>>, %arg2: memref<2x1000x128xf32, #tpu.memory_space<vmem>>, %arg3: memref<1x1xf32, #tpu.memory_space<smem>>) attributes {dimension_semantics = [], scalar_prefetch = 0 : i64, scratch_operands = 0 : i64, tpu.core_type = #tpu.core_type<tc>} {
    %get3A = arith.constant 0 : index
    %get3A_0 = arith.constant 0 : index
    %get3A_1 = arith.constant 0 : index
    %get3A_2 = vector.load %arg0[%get3A, %get3A_0, %get3A_1] : memref<2x1000x128xf32, #tpu.memory_space<vmem>>, vector<1x1000x128xf32>
    %get3A_3 = vector.shape_cast %get3A_2 : vector<1x1000x128xf32> to vector<1000x128xf32>
    %get3A_4 = arith.constant 1 : index
    %get3A_5 = arith.constant 0 : index
    %get3A_6 = arith.constant 0 : index
    %get3A_7 = vector.load %arg0[%get3A_4, %get3A_5, %get3A_6] : memref<2x1000x128xf32, #tpu.memory_space<vmem>>, vector<1x1000x128xf32>
    %get3A_8 = vector.shape_cast %get3A_7 : vector<1x1000x128xf32> to vector<1000x128xf32>
    %add3A = arith.addf %get3A_3, %get3A_8 : vector<1000x128xf32>
    %get3A_9 = arith.constant 0 : index
    %get3A_10 = arith.constant 0 : index
    %get3A_11 = arith.constant 0 : index
    %get3A_12 = vector.load %arg1[%get3A_9, %get3A_10, %get3A_11] : memref<2x1000x128xf32, #tpu.memory_space<vmem>>, vector<1x1000x128xf32>
    %get3A_13 = vector.shape_cast %get3A_12 : vector<1x1000x128xf32> to vector<1000x128xf32>
    %get3A_14 = arith.constant 1 : index
    %get3A_15 = arith.constant 0 : index
    %get3A_16 = arith.constant 0 : index
    %get3A_17 = vector.load %arg1[%get3A_14, %get3A_15, %get3A_16] : memref<2x1000x128xf32, #tpu.memory_space<vmem>>, vector<1x1000x128xf32>
    %get3A_18 = vector.shape_cast %get3A_17 : vector<1x1000x128xf32> to vector<1000x128xf32>
    %add3A_19 = arith.addf %get3A_13, %get3A_18 : vector<1000x128xf32>
    %get3A_20 = arith.constant 0 : index
    %get3A_21 = arith.constant 0 : index
    %get3A_22 = arith.constant 0 : index
    %get3A_23 = vector.load %arg2[%get3A_20, %get3A_21, %get3A_22] : memref<2x1000x128xf32, #tpu.memory_space<vmem>>, vector<1x1000x1xf32>
    %get3A_24 = vector.shape_cast %get3A_23 : vector<1x1000x1xf32> to vector<1000x1xf32>
    %get3A_25 = arith.constant 1 : index
    %get3A_26 = arith.constant 0 : index
    %get3A_27 = arith.constant 0 : index
    %get3A_28 = vector.load %arg2[%get3A_25, %get3A_26, %get3A_27] : memref<2x1000x128xf32, #tpu.memory_space<vmem>>, vector<1x1000x1xf32>
    %get3A_29 = vector.shape_cast %get3A_28 : vector<1x1000x1xf32> to vector<1000x1xf32>
    %add3A_30 = arith.addf %get3A_24, %get3A_29 : vector<1000x1xf32>
    %sub3A = arith.subf %add3A, %add3A_19 : vector<1000x128xf32>
    %mul3A = arith.mulf %sub3A, %sub3A : vector<1000x128xf32>
    %reduce_sum3A = arith.constant dense<0.000000e+00> : vector<1000xf32>
    %reduce_sum3A_31 = vector.multi_reduction <add>, %mul3A, %reduce_sum3A [1] : vector<1000x128xf32> to vector<1000xf32>
    %broadcast_in_dim3A = vector.shape_cast %reduce_sum3A_31 : vector<1000xf32> to vector<1000x1xf32>
    %gt3A = arith.constant 0.000000e+00 : f32
    %gt3A_32 = vector.broadcast %gt3A : f32 to vector<1000x1xf32>
    %gt3A_33 = arith.cmpf ogt, %add3A_30, %gt3A_32 : vector<1000x1xf32>
    %jit3A = arith.constant 1.000000e+00 : f32
    %broadcast_in_dim3A_34 = vector.broadcast %jit3A : f32 to vector<1000x1xf32>
    %select_n3A = arith.select %gt3A_33, %add3A_30, %broadcast_in_dim3A_34 : vector<1000x1xi1>, vector<1000x1xf32>
    %mul3A_35 = arith.mulf %select_n3A, %select_n3A : vector<1000x1xf32>
    %div3A = arith.divf %broadcast_in_dim3A, %mul3A_35 : vector<1000x1xf32>
    %gt3A_36 = arith.constant 0.000000e+00 : f32
    %gt3A_37 = vector.broadcast %gt3A_36 : f32 to vector<1000x1xf32>
    %gt3A_38 = arith.cmpf ogt, %add3A_30, %gt3A_37 : vector<1000x1xf32>
    %sub3A_39 = arith.constant 0.000000e+00 : f32
    %sub3A_40 = vector.broadcast %sub3A_39 : f32 to vector<1000x1xf32>
    %sub3A_41 = arith.subf %div3A, %sub3A_40 : vector<1000x1xf32>
    %max3A = arith.constant 0.000000e+00 : f32
    %max3A_42 = vector.broadcast %max3A : f32 to vector<1000x1xf32>
    %max3A_43 = arith.maximumf %sub3A_41, %max3A_42 : vector<1000x1xf32>
    %jit3A_44 = arith.constant 0.000000e+00 : f32
    %broadcast_in_dim3A_45 = vector.broadcast %jit3A_44 : f32 to vector<1000x1xf32>
    %select_n3A_46 = arith.select %gt3A_38, %max3A_43, %broadcast_in_dim3A_45 : vector<1000x1xi1>, vector<1000x1xf32>
    %reduce_sum3A_47 = vector.shape_cast %select_n3A_46 : vector<1000x1xf32> to vector<1x1000x1xf32>
    %reduce_sum3A_48 = arith.constant dense<0.000000e+00> : vector<1xf32>
    %reduce_sum3A_49 = vector.multi_reduction <add>, %reduce_sum3A_47, %reduce_sum3A_48 [1, 2] : vector<1x1000x1xf32> to vector<1xf32>
    %reduce_sum3A_50 = vector.shape_cast %reduce_sum3A_49 : vector<1xf32> to vector<1x1x1xf32>
    %reduce_sum3A_51 = vector.extract %reduce_sum3A_50[0, 0, 0] : f32 from vector<1x1x1xf32>
    %swap3A = arith.constant 0 : index
    %swap3A_52 = arith.constant 0 : index
    %swap3A_53 = memref.load %arg3[%swap3A, %swap3A_52] : memref<1x1xf32, #tpu.memory_space<smem>>
    memref.store %reduce_sum3A_51, %arg3[%swap3A, %swap3A_52] : memref<1x1xf32, #tpu.memory_space<smem>>
    return
  }
}

</mosaic_0001>

<sc_bundles>
// kernel: kernel.4.cloned.1.call-start
scs
__scs_entry_jumppad:
0x0: {  	(pc) =	sbr.rel $0x88, $3  }
0x1: {  	(tag) =	ssettag $0x0;
	lr =	simm.s32 $0x1  }
0x2: {  	[smem:$0x3F9E] =	sst lr;
	_ =	strace $0xD0000000  }
0x3: {  	_ = 	snop  }
0x4: {  	_ = 	snop  }
0x5: {  	_ = 	snop  }
0x6: {  	_ = 	snop  }
0x7: {  	_ = 	snop  }
__scs_overlays_trampoline_lowered:
0x8: {  	[smem:$0x3FAD] =	sst s0  }
0x9: {  	[smem:$0x3FAE] =	sst s1  }
0xa: {  	[smem:$0x3FAF] =	sst s2  }
0xb: {  	[smem:$0x3FB0] =	sst s3  }
0xc: {  	[smem:$0x3FB1] =	sst s4  }
0xd: {  	[smem:$0x3FB2] =	sst s5  }
0xe: {  	[smem:$0x3FB3] =	sst s6  }
0xf: {  	[smem:$0x3FB4] =	sst s7  }
0x10: {  	[smem:$0x3FB5] =	sst s8  }
0x11: {  	[smem:$0x3FB6] =	sst s9;
	s0 =	simm.s32 @!p0 $0x0  }
0x12: {  	s1 =	sld [smem:$0x3F9C];
	s0 =	simm.s32 @p0 $0x1  }
0x13: {  	[smem:$0x3FB7] =	sst s0;
	s0 =	simm.s32 @!p1 $0x0  }
0x14: {  	s2 =	sld [smem:$0x3F9B];
	s0 =	simm.s32 @p1 $0x1  }
0x15: {  	[smem:$0x3FB8] =	sst s0;
	s0 =	simm.s32 @!p2 $0x0  }
0x16: {  	s3 =	sld [smem:$0x3FDB];
	s0 =	simm.s32 @p2 $0x1  }
0x17: {  	s4 =	simm.s32 $0x1BF5;
	[smem:$0x3FBA] =	sst s0  }
0x18: {  	s0 =	sld [smem:$0x3F9D];
	_ =	swait.ge [sflag:s4], $0x0  }
0x19: {  	s7 =	sld [smem:$0x3F9E]  }
0x1a: {  	s8 =	sadd.s32 $0xFFFFE003, lr  }
0x1b: {  	s9 =	sadd.s32 $0xFFFFFEF7, lr;
	s5 =	simm.s32 $0xFFFFFFFF;
	p2 =	slt.u32 s8, $0xFFFFF086  }
0x1c: {  	p1 =	slt.u32 s9, $0xF7A;
	s5 =	simm.s32 @!p2 $0x0  }
0x1d: {  	s5 =	simm.s32 @p1 $0x1;
	p0 =	seq.s32 s7, s2  }
0x1e: {  	s7 =	smul.u32 @!p0 $0xF7A, s2;
	p2 =	seq.s32 @!p0 s5, $0x0  }
0x1f: {  	s9 =	smul.u32 $0xF7A, s1;
	s8 =	simm.s32 @!p0 $0x1BF5;
	p2 =	por !p2, p0  }
0x20: {  	[sflag:s8] =	ssyncset.s32 @!p0 $0xFFFFF086;
	s6 =	sadd.s32 @!p0 s3, s7;
	s7 =	simm.s32 @!p0 $0x108  }
0x21: {  	s3 =	sadd.s32 s3, s9;
	s6 =	sadd.s32 @!p0 $0x88, s6;
	s7 =	simm.s32 @p2 $0x1082  }
0x22: {  	[simem:s7], [sflag:s8] =	dma.local @!p0 [hbm:s6], $0xF7A  }
0x23: {  	s9 =	sor.u32 $0xD0000000, s2;
	s6 =	simm.s32 $0x108;
	_ =	swait.ge @!p0 [sflag:s8], $0x0  }
0x24: {  	s3 =	sadd.s32 $0x88, s3;
	s6 =	simm.s32 @!p1 $0x1082;
	[sflag:s4] =	ssyncset.s32 $0xFFFFF086  }
0x25: {  	[simem:s6], [sflag:s4] =	dma.local [hbm:s3], $0xF7A  }
0x26: {  	[smem:$0x3F9E] =	sst s1;
	(tag) =	ssettag s2;
	_ =	strace s9  }
0x27: {  	s1 =	sld [smem:$0x3FAE]  }
0x28: {  	s2 =	sld [smem:$0x3FAF]  }
0x29: {  	s4 =	sld [smem:$0x3FB1]  }
0x2a: {  	p0 =	seq.s32 s5, $0x0;
	s5 =	sld [smem:$0x3FB2]  }
0x2b: {  	s6 =	sld [smem:$0x3FB3]  }
0x2c: {  	s7 =	sld [smem:$0x3FB4]  }
0x2d: {  	s3 =	simm.s32 $0x108;
	s8 =	sld [smem:$0x3FB5]  }
0x2e: {  	s3 =	simm.s32 @!p0 $0x1082;
	s9 =	sld [smem:$0x3FB6]  }
0x2f: {  	lr =	sadd.s32 s0, s3;
	s0 =	sld [smem:$0x3FAD]  }
0x30: {  	s3 =	sld [smem:$0x3FB0]  }
0x31: {  	[smem:$0x3FB9] =	sst s10  }
0x32: {  	s10 =	sld [smem:$0x3FB7];
	_ =	sdelay $0x3  }
0x33: {  	p0 =	seq.s32 s10, $0x1;
	s10 =	sld [smem:$0x3FB9];
	_ =	sdelay $0x3  }
0x34: {  	[smem:$0x3FB9] =	sst s10  }
0x35: {  	s10 =	sld [smem:$0x3FB8];
	_ =	sdelay $0x3  }
0x36: {  	p1 =	seq.s32 s10, $0x1;
	s10 =	sld [smem:$0x3FB9];
	_ =	sdelay $0x3  }
0x37: {  	[smem:$0x3FB9] =	sst s10  }
0x38: {  	s10 =	sld [smem:$0x3FBA]  }
0x39: {  	_ = 	snop;
	(pc) =	sbr.ind lr, $3  }
0x3a: {  	_ = 	snop  }
0x3b: {  	_ = 	snop  }
0x3c: {  	p2 =	seq.s32 s10, $0x1;
	s10 =	sld [smem:$0x3FB9]  }
0x3d: {  	_ =	shalt  }
0x3e: {  	_ =	shalt  }
0x3f: {  	_ =	shalt  }
0x40: {  	_ =	shalt  }
0x41: {  	_ =	shalt  }
0x42: {  	_ =	shalt  }
0x43: {  	_ =	shalt  }
0x44: {  	_ =	shalt  }
0x45: {  	_ =	shalt  }
0x46: {  	_ =	shalt  }
0x47: {  	_ =	shalt  }
0x48: {  	_ =	shalt  }
0x49: {  	_ =	shalt  }
0x4a: {  	_ =	shalt  }
0x4b: {  	_ =	shalt  }
0x4c: {  	_ =	shalt  }
0x4d: {  	_ =	shalt  }
0x4e: {  	_ =	shalt  }
0x4f: {  	_ =	shalt  }
0x50: {  	_ =	shalt  }
0x51: {  	_ =	shalt  }
0x52: {  	_ =	shalt  }
0x53: {  	_ =	shalt  }
0x54: {  	_ =	shalt  }
0x55: {  	_ =	shalt  }
0x56: {  	_ =	shalt  }
0x57: {  	_ =	shalt  }
0x58: {  	_ =	shalt  }
0x59: {  	_ =	shalt  }
0x5a: {  	_ =	shalt  }
0x5b: {  	_ =	shalt  }
0x5c: {  	_ =	shalt  }
0x5d: {  	_ =	shalt  }
0x5e: {  	_ =	shalt  }
0x5f: {  	_ =	shalt  }
0x60: {  	_ =	shalt  }
0x61: {  	_ =	shalt  }
0x62: {  	_ =	shalt  }
0x63: {  	_ =	shalt  }
0x64: {  	_ =	shalt  }
0x65: {  	_ =	shalt  }
0x66: {  	_ =	shalt  }
0x67: {  	_ =	shalt  }
0x68: {  	_ =	shalt  }
0x69: {  	_ =	shalt  }
0x6a: {  	_ =	shalt  }
0x6b: {  	_ =	shalt  }
0x6c: {  	_ =	shalt  }
0x6d: {  	_ =	shalt  }
0x6e: {  	_ =	shalt  }
0x6f: {  	_ =	shalt  }
0x70: {  	_ =	shalt  }
0x71: {  	_ =	shalt  }
0x72: {  	_ =	shalt  }
0x73: {  	_ =	shalt  }
0x74: {  	_ =	shalt  }
0x75: {  	_ =	shalt  }
0x76: {  	_ =	shalt  }
0x77: {  	_ =	shalt  }
0x78: {  	_ =	shalt  }
0x79: {  	_ =	shalt  }
0x7a: {  	_ =	shalt  }
0x7b: {  	_ =	shalt  }
0x7c: {  	_ =	shalt  }
0x7d: {  	_ =	shalt  }
0x7e: {  	_ =	shalt  }
0x7f: {  	_ =	shalt  }
0x80: {  	_ =	shalt  }
0x81: {  	_ =	shalt  }
0x82: {  	_ =	shalt  }
0x83: {  	_ =	shalt  }
0x84: {  	_ =	shalt  }
0x85: {  	_ =	shalt  }
0x86: {  	_ =	shalt  }
0x87: {  	_ =	shalt  }
.Lfunc_end0:
.L_simem_size_0:
called_computation_lowered:
.L_overlay_start_0:
0x88: {  	s2 =	sld [smem:$0x3FD9]  }
0x89: {  	s3 =	sld [smem:$0x3FFE];
	_ =	sdelay $0x1  }
0x8a: {  	s1 =	srdreg.scid  }
0x8b: {  	s0 =	sand.u32 $0x1, s1  }
0x8c: {  	s17 =	sshll.u32 s0, $0xA;
	s2 =	sadd.s32 s3, s2  }
0x8d: {  	s2 =	sadd.s32 s2, s17  }
0x8e: {  	[smem:$0x3FC5] =	sst s2  }
0x8f: {  	_ = 	snop  }
0x90: {  	s2 =	sld [smem:$0x3FC9]  }
0x91: {  	s18 =	sld [smem:$0x3FC8]  }
0x92: {  	s4 =	sld [smem:$0x3FC7];
	(tm) =	ssettm $0x1  }
0x93: {  	s5 =	sld [smem:$0x3FFB];
	_ =	sdelay $0x3  }
0x94: {  	_ =	strace s5  }
0x95: {  	s5 =	sld [smem:$0x3FFC];
	_ =	sdelay $0x3  }
0x96: {  	_ =	strace s5  }
0x97: {  	s5 =	sld [smem:$0x3FFD];
	_ =	sdelay $0x3  }
0x98: {  	_ =	strace s5  }
0x99: {  	_ =	strace $0x8FFFFFFF  }
0x9a: {  	s19 =	sld [smem:$0x3FDB];
	_ =	sdelay $0x1  }
0x9b: {  	s6 =	simm.s32 $_scs_section_size  }
0x9c: {  	s7 =	simm.s32 $_size__tile_overlayer_lowered;
	s8 =	simm.s32 $_tile_overlayer_lowered  }
0x9d: {  	s22 =	simm.s32 $0x1BFF;
	s21 =	sshll.u32 s8, $0x1;
	s5 =	sadd.s32 s6, s19  }
0x9e: {  	s9 =	simm.s32 $0x0;
	s20 =	sshll.u32 s7, $0x1;
	s7 =	sadd.s32 s21, s5  }
0x9f: {  	[timem:s9], [sflag:s22] =	dma.local [hbm:s7], s20  }
0xa0: {  	_ =	swait.ge [sflag:s22], s20  }
0xa1: {  	s6 =	ssub.s32 $0x0, s20;
	[sflag:s22] =	ssyncset.done $0x0  }
0xa2: {  	[sflag:s22] =	ssyncadd.s32 s6;
	_ =	sdelay $0x1  }
0xa3: {  	s23 =	simm.s32 $0x1B8B  }
0xa4: {  	_ =	swait.ge [sflag:s23], $0x1  }
0xa5: {  	[sflag:s23] =	ssyncset.done $0x0  }
0xa6: {  	s25 =	simm.s32 $0x1B8E;
	s24 =	sld [smem:$0x3FFE];
	[sflag:s23] =	ssyncadd.s32 $0xFFFFFFFF  }
0xa7: {  	s26 =	simm.s32 $execute0_lowered;
	[smem:$0x3FD2] =	sst s25  }
0xa8: {  	s7 =	sshll.u32 s26, $0x1;
	_ =	strace $0x80000046;
	[dreg:$0x1] =	wrdreg $0xFFFFFFFF  }
0xa9: {  	s28 =	simm.s32 $_size_execute0_lowered;
	s5 =	sadd.s32 s5, s7;
	[dreg:$0x0] =	wrdreg $0x0  }
0xaa: {  	s7 =	sshll.u32 s28, $0x1;
	[dreg:$0x2] =	wrdreg s5  }
0xab: {  	[dreg:$0x3] =	wrdreg s7  }
0xac: {  	[dreg:$0x4] =	wrdreg $0xC0  }
0xad: {  	_ =	task [dreg:s9], $0x5FFFF  }
0xae: {  	[dreg:$0x1] =	wrdreg $0xFFFFFFFF  }
0xaf: {  	[dreg:$0x0] =	wrdreg $0x60  }
0xb0: {  	[dreg:$0x2] =	wrdreg s2  }
0xb1: {  	[dreg:$0x3] =	wrdreg s18  }
0xb2: {  	[dreg:$0x4] =	wrdreg s4  }
0xb3: {  	[dreg:$0x5] =	wrdreg s24  }
0xb4: {  	[dreg:$0x6] =	wrdreg $0x0  }
0xb5: {  	[dreg:$0x7] =	wrdreg $0x1F400  }
0xb6: {  	[dreg:$0x8] =	wrdreg $0x3E800  }
0xb7: {  	[dreg:$0x9] =	wrdreg $0x9  }
0xb8: {  	_ =	task.clear_ibuf [dreg:s9], $0xAFFFF;
	_ =	strace $0x90000046  }
0xb9: {  	s29 =	simm.s32 $0x9;
	_ =	strace $0x80000048  }
0xba: {  	_ =	swait.ge [sflag:s29], $0x1  }
0xbb: {  	[sflag:s29] =	ssyncadd.s32 $0xFFFFFFFF  }
0xbc: {  	_ =	strace $0x90000048  }
0xbd: {  	_ =	sfence  }
0xbe: {  	s30 =	sld [smem:$0x0];
	_ =	sdelay $0x2  }
0xbf: {  	s31 =	sshll.u32 s1, $0xD;
	s1 =	sshrl.u32 s1, $0x2  }
0xc0: {  	s3 =	sand.u32 $0x4000, s31;
	s1 =	sadd.s32 s1, s30  }
0xc1: {  	s0 =	sor.u32 s3, s0;
	s1 =	sshll.u32 s1, $0x11  }
0xc2: {  	s0 =	sor.u32 s1, s0  }
0xc3: {  	s0 =	sadd.s32 $0x8F2B, s0  }
0xc4: {  	[sflag:s0] =	ssyncadd.remote.s32 $0x1  }
0xc5: {  	_ =	sfence.sel $0xFFFF  }
0xc6: {  	[dreg:$0x0] =	wrdreg $0xFFFFFFFF;
	(pc) =	sbr.abs _section_cstart, $3  }
0xc7: {  	[dreg:$0x1] =	wrdreg $0xFFFFFFFF  }
0xc8: {  	_ =	task.clear_ibuf [dreg:s9], $0x2FFFF;
	_ =	strace $0x9FFFFFFF  }
0xc9: {  	(tm) =	ssettm $0x7FFFFFFF  }
tec
execute0_lowered:
.L_overlay_start_1:
0x0: {  	(tag) =	ssettag $0x1  }
0x1: {  	s0 =	rddreg [dreg:$0x0]  }
0x2: {  	s1 =	rddreg [dreg:$0x1]  }
0x3: {  	s3 =	rddreg [dreg:$0x2]  }
0x4: {  	s2 =	rddreg [dreg:$0x3]  }
0x5: {  	s4 =	rddreg [dreg:$0x4]  }
0x6: {  	s5 =	rddreg [dreg:$0x5]  }
0x7: {  	s6 =	rddreg [dreg:$0x6]  }
0x8: {  	s8 =	srdreg.scid;
	s15 =	stileid.u32  }
0x9: {  	s7 =	simm.s32 $0x0;
	s8 =	sand.u32 $0x1, s8;
	s10 =	sshll.u32 s15, $0x1  }
0xa: {  	s28 =	simm.s32 $0xE308;
	s29 =	simm.s32 $0x10B08;
	s12 =	sor.u32 s8, s10  }
0xb: {  	s31 =	simm.s32 $0x13308;
	s30 =	simm.s32 $0x6;
	s10 =	smul.u32 $0x2710, s12  }
0xc: {  	[smem:$0x7FF] =	sst s7;
	s11 =	sadd.s32 $0xE00, s2;
	s12 =	smul.u32 $0x27100, s12  }
0xd: {  	p1 =	seq.s32 s15, $0x2;
	_ =	strace $0x80000047;
	s9 =	smul.u32 $0x3E80, s8  }
0xe: {  	[dreg:$0x8] =	wrdreg s11;
	s17 =	smul.u32 $0x1F400, s8;
	s19 =	sadd.s32 s0, s12  }
0xf: {  	s9 =	sadd.s32 s9, s2;
	s12 =	sadd.s32 s1, s12;
	[dreg:$0x9] =	wrdreg s19  }
0x10: {  	s11 =	sshrl.u32 s17, $0x3;
	s24 =	sadd.s32 $0x4E00, s9;
	[dreg:$0xa] =	wrdreg s12  }
0x11: {  	s20 =	sshrl.u32 s10, $0x3;
	s9 =	sadd.s32 $0xCC00, s9;
	[dreg:$0xe] =	wrdreg s24  }
0x12: {  	s2 =	sadd.s32 s11, s2;
	s21 =	sadd.s32 s3, s20;
	[dreg:$0xf] =	wrdreg s9  }
0x13: {  	p0 =	sne.s32 s15, $0x0;
	s25 =	sadd.s32 $0x14A00, s2;
	[dreg:$0xb] =	wrdreg s21  }
0x14: {  	s8 =	ssub.s32 $0x2, s8;
	s26 =	sadd.s32 $0x14F00, s2;
	[dreg:$0x10] =	wrdreg s25  }
0x15: {  	s13 =	sshrl.u32 s8, $0x1;
	s12 =	sadd.s32 $0x15400, s2;
	[dreg:$0x11] =	wrdreg s26  }
0x16: {  	s8 =	ssub.s32 s8, s13;
	s13 =	sadd.s32 $0x15900, s2;
	[dreg:$0x12] =	wrdreg s12  }
0x17: {  	s18 =	sadd.s32 $0x50, s10;
	s16 =	sadd.s32 $0x16300, s2;
	[dreg:$0x13] =	wrdreg s13  }
0x18: {  	s14 =	sshll.u32 s18, $0x4;
	s17 =	sadd.s32 $0x16800, s2;
	[dreg:$0x15] =	wrdreg s16  }
0x19: {  	s11 =	sshrl.u32 s18, $0x3;
	s18 =	sadd.s32 $0x16D00, s2;
	[dreg:$0x16] =	wrdreg s17  }
0x1a: {  	p2 =	seq.s32 s15, $0x1;
	s19 =	sadd.s32 $0x17200, s2;
	[dreg:$0x17] =	wrdreg s18  }
0x1b: {  	v0 =	vimm.s32 $0x76543210;
	s15 =	simm.s32 $0x2;
	s20 =	sadd.s32 $0x17700, s2;
	[dreg:$0x18] =	wrdreg s19  }
0x1c: {  	v1 =	vimm.s32 $0xFEDCBA98;
	v2 =	vimm.s32 $0x3210FEDC;
	s24 =	smax.u32 s8, $0x1;
	s8 =	simm.s32 $0x50;
	[dreg:$0x19] =	wrdreg s20  }
0x1d: {  	v3 =	vimm.s32 $0xBA987654;
	v4 =	vimm.s32 $0x10FEDCBA;
	v5 =	vimm.s32 $0x98765432;
	s9 =	simm.s32 $0x4;
	s22 =	sadd.s32 s0, s14;
	[dreg:$0x1e] =	wrdreg s24  }
0x1e: {  	v6 =	vimm.s32 $0xFEDCBA9;
	v7 =	vimm.s32 $0x87654321;
	s23 =	sadd.s32 s1, s14;
	s14 =	sadd.s32 $0x15E00, s2;
	[dreg:$0xc] =	wrdreg s22  }
0x1f: {  	v1 =	vunpack.c.l.s4.s8 v1;
	v0 =	vunpack.c.l.s4.s8 v0;
	v2 =	vunpack.c.l.s4.s8 v2;
	s21 =	sadd.s32 $0x17C00, s2;
	s25 =	sadd.s32 $0x140, s10;
	[dreg:$0xd] =	wrdreg s23  }
0x20: {  	v3 =	vunpack.c.l.s4.s8 v3;
	v4 =	vunpack.c.l.s4.s8 v4;
	v5 =	vunpack.c.l.s4.s8 v5;
	s26 =	sadd.s32 $0x190, s10;
	s20 =	simm.s32 $0x9;
	[dreg:$0x14] =	wrdreg s14  }
0x21: {  	v6 =	vunpack.c.l.s4.s8 v6;
	v7 =	vunpack.c.l.s4.s8 v7;
	v1 =	vunpack.c.0.s8.s32 v1;
	s13 =	simm.s32 $0x15B58;
	s16 =	simm.s32 $0x5;
	[dreg:$0x1a] =	wrdreg s21  }
0x22: {  	v2 =	vunpack.c.0.s8.s32 v2;
	v3 =	vunpack.c.0.s8.s32 v3;
	v4 =	vunpack.c.0.s8.s32 v4;
	s17 =	simm.s32 $0x3;
	s18 =	simm.s32 $0x0;
	[dreg:$0x1f] =	wrdreg s25  }
.Ltmp0:
0x23: {  	v5 =	vunpack.c.0.s8.s32 v5;
	v6 =	vunpack.c.0.s8.s32 v6;
	v7 =	vunpack.c.0.s8.s32 v7;
	s22 =	sadd.s32 s3, s11;
	[smem:$0x7FD] =	sst s26;
	(pc) =	sbr.rel .LBB2_1-.Ltmp0, $4  }
0x24: {  	v3 =	vcombine.low v3, v2;
	v2 =	vunpack.c.0.s8.s32 v0;
	s23 =	sadd.s32 $0x18100, s2;
	s2 =	sadd.s32 $0x18600, s2;
	[dreg:$0x1b] =	wrdreg s22  }
0x25: {  	v8 =	vand.u32 $0xF, v1;
	v4 =	vcombine.low v5, v4;
	v5 =	vcombine.low v7, v6;
	s21 =	simm.s32 $0x4268;
	s26 =	simm.s32 $0xE2B8;
	[dreg:$0x1c] =	wrdreg s23  }
0x26: {  	v0 =	vimm.f32 $1.000000000e+00;
	v1 =	vimm.f32 $0.0e+00;
	v2 =	vcombine.low v8, v2;
	s11 =	simm.s32 $0x183A8;
	s14 =	simm.s32 $0x18358;
	[dreg:$0x1d] =	wrdreg s2  }
0x27: {  	v3 =	vand.u32 $0xF, v3;
	v4 =	vand.u32 $0xF, v4;
	v5 =	vand.u32 $0xF, v5;
	s22 =	simm.s32 $0x6A68;
	s23 =	simm.s32 $0x9268;
	s2 =	simm.s32 $0x1  }
.LBB2_52:
0x28: {  	s18 =	sadd.s32 $0x1, s18;
	s12 =	rddreg [dreg:$0x1e]  }
0x29: {  	p3 =	sne.s32 s18, s12  }
.Ltmp1:
0x2a: {  	_ = 	snop;
	(pc) =	sbr.rel @!p3 .LBB2_53-.Ltmp1, $1  }
0x2b: {  	_ =	sdelay $0x3  }
.LBB2_1:
0x2c: {  	[smem:$0x7FC] =	sst s18;
	s12 =	simm.s32 $0x40;
	s18 =	simm.s32 $0x0  }
.LBB2_2:
0x2d: {  	p3 =	sne.s32 s12, $0x13C0;
	[tilespmem:s18+$0x183A8] =	vst v0;
	s18 =	smov.u32 s12;
	s12 =	sadd.s32 $0x40, s12  }
.Ltmp2:
0x2e: {  	(pc) =	sbr.rel @p3 .LBB2_2-.Ltmp2, $2  }
0x2f: {  	_ =	sdelay $0x2  }
0x30: {  	s18 =	sshra.s32 s18, $0x2  }
.Ltmp3:
0x31: {  	(pc) =	sbr.rel @p1 .LBB2_8-.Ltmp3, $2  }
0x32: {  	_ =	sdelay $0x2  }
0x33: {  	[tilespmem:s18+$0x183A8] =	vst v0  }
.Ltmp4:
0x34: {  	(pc) =	sbr.rel @p2 .LBB2_7-.Ltmp4, $1  }
0x35: {  	_ =	sdelay $0x3  }
.Ltmp5:
0x36: {  	(pc) =	sbr.rel @p0 .LBB2_12-.Ltmp5, $2  }
0x37: {  	_ =	sdelay $0x2  }
0x38: {  	p3 =	por $0x0, $0x0;
	p4 =	por $0x0, $0x0  }
.Ltmp6:
0x39: {  	(pc) =	sbr.rel .LBB2_11-.Ltmp6, $4  }
0x3a: {  	_ = 	snop  }
0x3b: {  	s12 =	sshrl.u32 s4, $0x3;
	s18 =	rddreg [dreg:$0x8]  }
0x3c: {  	s19 =	simm.s32 $0x1C09;
	p3 =	por $0x0, $0x0;
	p4 =	por $0x0, $0x0  }
0x3d: {  	[spmem:s12], [sflag:s19] =	dma.local [hbm:s18], $0x3E80  }
.LBB2_7:
.Ltmp7:
0x3e: {  	(pc) =	sbr.rel .LBB2_11-.Ltmp7, $4  }
0x3f: {  	_ = 	snop  }
0x40: {  	s12 =	sshrl.u32 s5, $0x3;
	s18 =	rddreg [dreg:$0x8]  }
0x41: {  	s19 =	simm.s32 $0x1C49;
	p4 =	por $0x1, $0x1;
	p3 =	por $0x0, $0x0  }
0x42: {  	[spmem:s12], [sflag:s19] =	dma.local [hbm:s18], $0x3E80  }
.LBB2_8:
0x43: {  	s12 =	simm.s32 $0x40;
	s18 =	simm.s32 $0x0  }
.LBB2_9:
0x44: {  	p3 =	sne.s32 s12, $0xF9C0;
	[tilespmem:s18+$0x188A8] =	vst v1;
	s18 =	smov.u32 s12;
	s12 =	sadd.s32 $0x40, s12  }
.Ltmp8:
0x45: {  	(pc) =	sbr.rel @p3 .LBB2_9-.Ltmp8, $2  }
0x46: {  	_ =	sdelay $0x2  }
0x47: {  	s18 =	sshra.s32 s18, $0x2  }
0x48: {  	[tilespmem:s18+$0x188A8] =	vst v1;
	s12 =	simm.s32 $0x188A8;
	p4 =	por $0x0, $0x0;
	p3 =	por $0x1, $0x1  }
0x49: {  	[spmem:s6] =	stream.linear.scatter [tilespmem:s12], [sflag:$0x9], $0x3E80, $0x38;
	[tilespmem:$0x1C728] =	vst v63  }
.LBB2_11:
0x4a: {  	_ =	swait.ge [sflag:s20], $0x3E80  }
0x4b: {  	[sflag:s20] =	ssyncset.done $0x0  }
0x4c: {  	[sflag:s20] =	ssyncadd.s32 $0xFFFFC180  }
.LBB2_12:
0x4d: {  	[bflag:$0x0] =	sbarrier.arrive $0xFFFF  }
0x4e: {  	s20 =	simm.s32 $0x0;
	s12 =	rddreg [dreg:$0x9]  }
0x4f: {  	[tilespmem:s21], [sflag:$0x1] =	stream.linear.gather [hbm4b:s12+s20], $0x2800, $0x38;
	[tilespmem:$0x1C728] =	vst v63  }
0x50: {  	s19 =	rddreg [dreg:$0xa]  }
0x51: {  	[tilespmem:s22], [sflag:$0x1] =	stream.linear.gather [hbm4b:s19+s20], $0x2800, $0x38;
	[tilespmem:$0x1C728] =	vst v63  }
0x52: {  	s24 =	rddreg [dreg:$0xb]  }
0x53: {  	[tilespmem:s23], [sflag:$0x1] =	stream.linear.gather [hbm4b:s24+s20], $0x50, $0x38;
	[tilespmem:$0x1C728] =	vst v63  }
0x54: {  	s18 =	simm.s32 $0x92B8;
	s25 =	rddreg [dreg:$0xc]  }
0x55: {  	[tilespmem:s18], [sflag:$0x2] =	stream.linear.gather [hbm4b:s25+s20], $0x2800, $0x38;
	[tilespmem:$0x1C728] =	vst v63  }
0x56: {  	s19 =	rddreg [dreg:$0xd];
	s24 =	simm.s32 $0xBAB8  }
0x57: {  	[tilespmem:s24], [sflag:$0x2] =	stream.linear.gather [hbm4b:s19+s20], $0x2800, $0x38;
	[tilespmem:$0x1C728] =	vst v63  }
0x58: {  	s25 =	rddreg [dreg:$0x1b]  }
0x59: {  	[tilespmem:s26], [sflag:$0x2] =	stream.linear.gather [hbm4b:s25+s20], $0x50, $0x38;
	[tilespmem:$0x1C728] =	vst v63  }
.LBB2_13:
0x5a: {  	p5 =	seq.s32 s20, $0x0  }
0x5b: {  	s12 =	simm.s32 @!p5 $0x7  }
0x5c: {  	_ =	swait.ge @!p5 [sflag:s12], $0x2800  }
0x5d: {  	s24 =	smul.u32 @!p5 $0x140, s20;
	[sflag:s12] =	ssyncset.done @!p5 $0x0  }
0x5e: {  	[sflag:s12] =	ssyncadd.s32 @!p5 $0xFFFFD800  }
0x5f: {  	s18 =	sadd.s32 @!p5 $0xA0, s24;
	_ =	swait.ge @!p5 [sflag:s12], $0x2800  }
0x60: {  	s18 =	simm.s32 @p5 $0xA0;
	[sflag:s12] =	ssyncset.done @!p5 $0x0  }
0x61: {  	s18 =	sadd.s32 s10, s18;
	[sflag:s12] =	ssyncadd.s32 @!p5 $0xFFFFD800  }
0x62: {  	s19 =	sshll.u32 s18, $0x4;
	_ =	swait.ge @!p5 [sflag:s12], $0x500  }
0x63: {  	s19 =	sand.u32 $0x1FFFFF00, s19;
	[sflag:s12] =	ssyncset.done @!p5 $0x0  }
0x64: {  	s25 =	sadd.s32 s0, s19;
	[sflag:s12] =	ssyncadd.s32 @!p5 $0xFFFFFB00  }
0x65: {  	[tilespmem:s28], [sflag:$0x3] =	stream.linear.gather [hbm4b:s25+s7], $0x2800, $0x38;
	[tilespmem:$0x1C728] =	vst v63  }
0x66: {  	s18 =	sshrl.u32 s18, $0x3;
	s25 =	sadd.s32 s1, s19  }
0x67: {  	[tilespmem:s29], [sflag:$0x3] =	stream.linear.gather [hbm4b:s25+s7], $0x2800, $0x38;
	[tilespmem:$0x1C728] =	vst v63  }
0x68: {  	s12 =	sadd.s32 s3, s18  }
0x69: {  	[tilespmem:s31], [sflag:$0x3] =	stream.linear.gather [hbm4b:s12+s7], $0x50, $0x38;
	[tilespmem:$0x1C728] =	vst v63  }
0x6a: {  	_ =	swait.ge [sflag:s2], $0x2800  }
0x6b: {  	[sflag:s2] =	ssyncset.done $0x0  }
0x6c: {  	[sflag:s2] =	ssyncadd.s32 $0xFFFFD800  }
0x6d: {  	_ =	swait.ge [sflag:s2], $0x2800  }
0x6e: {  	[sflag:s2] =	ssyncset.done $0x0  }
0x6f: {  	[sflag:s2] =	ssyncadd.s32 $0xFFFFD800  }
0x70: {  	_ =	swait.ge [sflag:s2], $0x50  }
0x71: {  	[sflag:s2] =	ssyncset.done $0x0  }
0x72: {  	s19 =	simm.s32 $0x42E8;
	[sflag:s2] =	ssyncadd.s32 $0xFFFFFFB0  }
0x73: {  	v6 =	vld [tilespmem:s19+$0x0]  }
0x74: {  	v7 =	vld [tilespmem:s19+$0x10]  }
0x75: {  	v8 =	vld [tilespmem:s19+$0x20]  }
0x76: {  	v9 =	vld [tilespmem:s19+$0x30]  }
0x77: {  	v10 =	vld [tilespmem:s19+$0x40]  }
0x78: {  	v11 =	vld [tilespmem:s19+$0x50]  }
0x79: {  	v12 =	vld [tilespmem:s19+$0x60]  }
0x7a: {  	v14 =	vld [tilespmem:s19+$0x70];
	_ =	sdelay $0x1  }
0x7b: {  	v13 =	vmul.f32 v6, v6;
	v15 =	vmul.f32 v7, v7  }
0x7c: {  	v16 =	vmul.f32 v8, v8;
	v17 =	vmul.f32 v9, v9  }
0x7d: {  	v20 =	vld [tilespmem:s19+$0xFFFFFF90];
	v18 =	vmul.f32 v10, v10;
	v19 =	vmul.f32 v11, v11  }
0x7e: {  	v28 =	vld [tilespmem:s19+$0xFFFFFFA0];
	v21 =	vmul.f32 v12, v12;
	v22 =	vmul.f32 v14, v14  }
0x7f: {  	v29 =	vld [tilespmem:s19+$0xFFFFFFD0];
	v13 =	vadd.f32 v15, v13;
	v15 =	vadd.f32 v17, v16  }
0x80: {  	v30 =	vld [tilespmem:s19+$0xFFFFFF80];
	v17 =	vadd.f32 v19, v18;
	v18 =	vadd.f32 v22, v21  }
0x81: {  	v16 =	vld [tilespmem:s19+$0xFFFFFFB0]  }
0x82: {  	v19 =	vld [tilespmem:s19+$0xFFFFFFC0];
	v15 =	vadd.f32 v15, v13;
	v17 =	vadd.f32 v18, v17  }
0x83: {  	v18 =	vld [tilespmem:s19+$0xFFFFFFE0]  }
0x84: {  	v13 =	vld [tilespmem:s19+$0xFFFFFFF0];
	v15 =	vadd.f32 v17, v15  }
0x85: {  	v25 =	vmul.f32 v29, v29  }
0x86: {  	v27 =	vmul.f32 v30, v30;
	v22 =	vperm.xlane v15, v2  }
0x87: {  	v21 =	vmul.f32 v28, v28;
	v17 =	vmul.f32 v20, v20  }
0x88: {  	v23 =	vmul.f32 v16, v16;
	v24 =	vmul.f32 v19, v19;
	v15 =	vadd.f32 v15, v22  }
0x89: {  	v26 =	vmul.f32 v18, v18;
	v22 =	vmul.f32 v13, v13  }
0x8a: {  	v21 =	vadd.f32 v23, v21;
	v23 =	vadd.f32 v25, v24;
	v24 =	vperm.xlane v15, v3  }
0x8b: {  	v17 =	vadd.f32 v17, v27;
	v22 =	vadd.f32 v22, v26  }
0x8c: {  	v15 =	vadd.f32 v15, v24  }
0x8d: {  	v17 =	vadd.f32 v21, v17;
	v22 =	vadd.f32 v22, v23  }
0x8e: {  	v21 =	vperm.xlane v15, v4  }
0x8f: {  	v17 =	vadd.f32 v22, v17  }
0x90: {  	v15 =	vadd.f32 v15, v21  }
0x91: {  	v21 =	vperm.xlane v17, v2  }
0x92: {  	v22 =	vperm.xlane v15, v5  }
0x93: {  	v17 =	vadd.f32 v17, v21  }
0x94: {  	v15 =	vadd.f32 v15, v22  }
0x95: {  	v21 =	vperm.xlane v17, v3  }
0x96: {  	v22 =	vshra.s32 v15, $0x1;
	v15 =	vmul.f32 $5.000000000e-01, v15  }
0x97: {  	v17 =	vadd.f32 v17, v21;
	v21 =	vsub.s32 $0x5F3759DF, v22  }
0x98: {  	v22 =	vmul.f32 v21, v15  }
0x99: {  	v23 =	vperm.xlane v17, v4  }
0x9a: {  	v22 =	vmul.f32 v21, v22  }
0x9b: {  	v17 =	vadd.f32 v17, v23  }
0x9c: {  	v22 =	vsub.f32 $1.500000000e+00, v22  }
0x9d: {  	v23 =	vperm.xlane v17, v5  }
0x9e: {  	v21 =	vmul.f32 v21, v22  }
0x9f: {  	v17 =	vadd.f32 v17, v23  }
0xa0: {  	v15 =	vmul.f32 v21, v15  }
0xa1: {  	v22 =	vshra.s32 v17, $0x1;
	v17 =	vmul.f32 $5.000000000e-01, v17  }
0xa2: {  	v22 =	vsub.s32 $0x5F3759DF, v22;
	v15 =	vmul.f32 v15, v21  }
0xa3: {  	v23 =	vmul.f32 v22, v17  }
0xa4: {  	v15 =	vsub.f32 $1.500000000e+00, v15  }
0xa5: {  	v23 =	vmul.f32 v22, v23  }
0xa6: {  	v15 =	vmul.f32 v15, v21  }
0xa7: {  	v21 =	vsub.f32 $1.500000000e+00, v23  }
0xa8: {  	v6 =	vmul.f32 v15, v6  }
0xa9: {  	s18 =	simm.s32 $0x43E8;
	v26 =	vmul.f32 v22, v21;
	v7 =	vmul.f32 v15, v7  }
0xaa: {  	v36 =	vld [tilespmem:s18+$0x10];
	[tilespmem:s19+$0x0] =	vst v6;
	v6 =	vmul.f32 v15, v8  }
0xab: {  	v27 =	vld [tilespmem:s18+$0x0];
	v8 =	vmul.f32 v26, v17;
	[tilespmem:s19+$0x10] =	vst v7;
	v7 =	vmul.f32 v15, v9  }
0xac: {  	v25 =	vld [tilespmem:s18+$0x60];
	[tilespmem:s19+$0x20] =	vst v6;
	v6 =	vmul.f32 v15, v10  }
0xad: {  	v24 =	vld [tilespmem:s18+$0x50];
	v8 =	vmul.f32 v8, v26;
	[tilespmem:s19+$0x30] =	vst v7;
	v7 =	vmul.f32 v15, v11  }
0xae: {  	v23 =	vld [tilespmem:s18+$0x30];
	[tilespmem:s19+$0x40] =	vst v6;
	v6 =	vmul.f32 v15, v12  }
0xaf: {  	v21 =	vld [tilespmem:s18+$0x20];
	v8 =	vsub.f32 $1.500000000e+00, v8;
	[tilespmem:s19+$0x50] =	vst v7;
	v7 =	vmul.f32 v15, v14  }
0xb0: {  	v22 =	vld [tilespmem:s18+$0x40];
	[tilespmem:s19+$0x60] =	vst v6  }
0xb1: {  	s25 =	simm.s32 $0x6AE8;
	v14 =	vmul.f32 v8, v26;
	v26 =	vld [tilespmem:s18+$0x70];
	[tilespmem:s19+$0x70] =	vst v7  }
0xb2: {  	v12 =	vld [tilespmem:s25+$0x0]  }
0xb3: {  	v10 =	vld [tilespmem:s25+$0x10]  }
0xb4: {  	v11 =	vld [tilespmem:s25+$0x20]  }
0xb5: {  	v35 =	vmul.f32 v25, v25;
	v34 =	vmul.f32 v24, v24;
	v9 =	vld [tilespmem:s25+$0x30]  }
0xb6: {  	v31 =	vmul.f32 v23, v23;
	v6 =	vld [tilespmem:s25+$0x40];
	v17 =	vmul.f32 v14, v20  }
0xb7: {  	v7 =	vld [tilespmem:s25+$0x50];
	v20 =	vmul.f32 v14, v28;
	v33 =	vmul.f32 v14, v29  }
0xb8: {  	v8 =	vld [tilespmem:s25+$0x60];
	v28 =	vmul.f32 v27, v27;
	v29 =	vmul.f32 v36, v36  }
0xb9: {  	v37 =	vld [tilespmem:s25+$0x70];
	v15 =	vmul.f32 v14, v30;
	v30 =	vmul.f32 v21, v21  }
0xba: {  	v32 =	vmul.f32 v22, v22;
	v16 =	vmul.f32 v14, v16;
	v39 =	vadd.f32 v29, v28;
	v28 =	vld [tilespmem:s18+$0xFFFFFF90]  }
0xbb: {  	v19 =	vmul.f32 v14, v19;
	v31 =	vadd.f32 v31, v30;
	[tilespmem:s19+$0xFFFFFF80] =	vst v15;
	v29 =	vld [tilespmem:s18+$0xFFFFFFA0];
	v38 =	vmul.f32 v26, v26  }
0xbc: {  	v15 =	vadd.f32 v34, v32;
	[tilespmem:s19+$0xFFFFFF90] =	vst v17;
	v30 =	vld [tilespmem:s18+$0xFFFFFFC0];
	v50 =	vmul.f32 v12, v12;
	v40 =	vmul.f32 v10, v10  }
0xbd: {  	[tilespmem:s19+$0xFFFFFFA0] =	vst v20;
	v32 =	vld [tilespmem:s18+$0xFFFFFFE0];
	v51 =	vmul.f32 v11, v11;
	v52 =	vmul.f32 v9, v9;
	v17 =	vadd.f32 v38, v35  }
0xbe: {  	[tilespmem:s19+$0xFFFFFFD0] =	vst v33;
	v33 =	vld [tilespmem:s18+$0xFFFFFFF0];
	v20 =	vadd.f32 v31, v39;
	v53 =	vmul.f32 v6, v6;
	v41 =	vmul.f32 v7, v7  }
0xbf: {  	[tilespmem:s19+$0xFFFFFFB0] =	vst v16;
	v34 =	vld [tilespmem:s18+$0xFFFFFFB0];
	v16 =	vmul.f32 v8, v8;
	v15 =	vadd.f32 v17, v15;
	v17 =	vmul.f32 v37, v37  }
0xc0: {  	v18 =	vmul.f32 v14, v18;
	[tilespmem:s19+$0xFFFFFFC0] =	vst v19;
	v31 =	vld [tilespmem:s18+$0xFFFFFFD0];
	v19 =	vadd.f32 v40, v50;
	v38 =	vadd.f32 v52, v51  }
0xc1: {  	v13 =	vmul.f32 v14, v13;
	v35 =	vld [tilespmem:s18+$0xFFFFFF80];
	v14 =	vadd.f32 v41, v53;
	v16 =	vadd.f32 v17, v16  }
0xc2: {  	[tilespmem:s19+$0xFFFFFFE0] =	vst v18;
	v54 =	vmul.f32 v29, v29;
	v57 =	vmul.f32 v32, v32;
	v18 =	vadd.f32 v38, v19  }
0xc3: {  	[tilespmem:s19+$0xFFFFFFF0] =	vst v13;
	v42 =	vmul.f32 v33, v33;
	v15 =	vadd.f32 v15, v20;
	v16 =	vadd.f32 v16, v14  }
0xc4: {  	v13 =	vld [tilespmem:s25+$0xFFFFFF80];
	v43 =	vmul.f32 v34, v34;
	v20 =	vmul.f32 v30, v30  }
0xc5: {  	v19 =	vld [tilespmem:s25+$0xFFFFFFB0];
	v55 =	vmul.f32 v31, v31;
	v56 =	vperm.xlane v15, v2;
	v16 =	vadd.f32 v16, v18  }
0xc6: {  	v17 =	vmul.f32 v28, v28;
	v45 =	vmul.f32 v35, v35;
	v14 =	vld [tilespmem:s25+$0xFFFFFF90]  }
0xc7: {  	v39 =	vadd.f32 v55, v20;
	v20 =	vld [tilespmem:s25+$0xFFFFFFC0];
	v40 =	vadd.f32 v15, v56;
	v44 =	vperm.xlane v16, v2  }
0xc8: {  	v41 =	vadd.f32 v42, v57;
	v45 =	vadd.f32 v17, v45;
	v17 =	vld [tilespmem:s25+$0xFFFFFFE0]  }
0xc9: {  	v38 =	vadd.f32 v43, v54;
	v18 =	vld [tilespmem:s25+$0xFFFFFFA0];
	v58 =	vperm.xlane v40, v3;
	v59 =	vadd.f32 v16, v44  }
0xca: {  	v60 =	vmul.f32 v13, v13;
	v15 =	vld [tilespmem:s25+$0xFFFFFFD0];
	v39 =	vadd.f32 v41, v39;
	v63 =	vmul.f32 v19, v19  }
0xcb: {  	v38 =	vadd.f32 v38, v45;
	v16 =	vld [tilespmem:s25+$0xFFFFFFF0];
	v40 =	vadd.f32 v40, v58;
	v62 =	vperm.xlane v59, v3  }
0xcc: {  	v61 =	vmul.f32 v14, v14;
	v47 =	vmul.f32 v20, v20  }
0xcd: {  	v38 =	vadd.f32 v39, v38;
	v48 =	vperm.xlane v40, v4;
	v42 =	vadd.f32 v59, v62  }
0xce: {  	v53 =	vmul.f32 v17, v17;
	v46 =	vmul.f32 v18, v18;
	v41 =	vadd.f32 v61, v60  }
0xcf: {  	v52 =	vmul.f32 v15, v15;
	v40 =	vadd.f32 v40, v48;
	v54 =	vperm.xlane v42, v4  }
0xd0: {  	v55 =	vperm.xlane v38, v2;
	v45 =	vadd.f32 v63, v46;
	v56 =	vmul.f32 v16, v16  }
0xd1: {  	v39 =	vadd.f32 v52, v47;
	v57 =	vperm.xlane v40, v5;
	v42 =	vadd.f32 v42, v54  }
0xd2: {  	v38 =	vadd.f32 v38, v55;
	v43 =	vadd.f32 v56, v53  }
0xd3: {  	v40 =	vadd.f32 v40, v57;
	v44 =	vperm.xlane v42, v5  }
0xd4: {  	v41 =	vadd.f32 v45, v41;
	v58 =	vperm.xlane v38, v3;
	v39 =	vadd.f32 v43, v39  }
0xd5: {  	v59 =	vshra.s32 v40, $0x1;
	v40 =	vmul.f32 $5.000000000e-01, v40;
	v42 =	vadd.f32 v42, v44  }
0xd6: {  	v38 =	vadd.f32 v38, v58;
	v43 =	vsub.s32 $0x5F3759DF, v59;
	v39 =	vadd.f32 v39, v41  }
0xd7: {  	v60 =	vmul.f32 v43, v40;
	v44 =	vshra.s32 v42, $0x1;
	v61 =	vmul.f32 $5.000000000e-01, v42  }
0xd8: {  	v62 =	vperm.xlane v38, v4;
	v63 =	vperm.xlane v39, v2;
	v44 =	vsub.s32 $0x5F3759DF, v44  }
0xd9: {  	v41 =	vmul.f32 v43, v60;
	v48 =	vmul.f32 v44, v61  }
0xda: {  	v38 =	vadd.f32 v38, v62;
	v39 =	vadd.f32 v39, v63  }
0xdb: {  	v41 =	vsub.f32 $1.500000000e+00, v41;
	v49 =	vmul.f32 v44, v48  }
0xdc: {  	v50 =	vperm.xlane v38, v5;
	v51 =	vperm.xlane v39, v3  }
0xdd: {  	v41 =	vmul.f32 v43, v41;
	v42 =	vsub.f32 $1.500000000e+00, v49  }
0xde: {  	v38 =	vadd.f32 v38, v50;
	v39 =	vadd.f32 v39, v51  }
0xdf: {  	v40 =	vmul.f32 v41, v40;
	v52 =	vmul.f32 v44, v42  }
0xe0: {  	v53 =	vshra.s32 v38, $0x1;
	v54 =	vperm.xlane v39, v4;
	v42 =	vmul.f32 $5.000000000e-01, v38  }
0xe1: {  	v44 =	vsub.s32 $0x5F3759DF, v53;
	v40 =	vmul.f32 v40, v41;
	v45 =	vmul.f32 v52, v61  }
0xe2: {  	v38 =	vadd.f32 v39, v54;
	v55 =	vmul.f32 v44, v42  }
0xe3: {  	v56 =	vsub.f32 $1.500000000e+00, v40;
	v57 =	vmul.f32 v45, v52  }
0xe4: {  	v59 =	vperm.xlane v38, v5;
	v58 =	vmul.f32 v44, v55  }
0xe5: {  	v41 =	vmul.f32 v56, v41;
	v60 =	vsub.f32 $1.500000000e+00, v57  }
0xe6: {  	v38 =	vadd.f32 v38, v59;
	v61 =	vsub.f32 $1.500000000e+00, v58  }
0xe7: {  	v62 =	vmul.f32 v41, v27;
	v27 =	vmul.f32 v60, v52  }
0xe8: {  	v63 =	vshra.s32 v38, $0x1;
	v43 =	vmul.f32 v44, v61;
	v44 =	vmul.f32 v41, v36  }
0xe9: {  	s29 =	simm.s32 $0x2;
	s12 =	simm.s32 $0x44E8;
	s19 =	simm.s32 $0x6AE8;
	v39 =	vmul.f32 $5.000000000e-01, v38;
	[tilespmem:s18+$0x0] =	vst v62;
	v40 =	vsub.s32 $0x5F3759DF, v63;
	v38 =	vmul.f32 v27, v37  }
.LBB2_14:
0xea: {  	v36 =	vld [tilespmem:s12+$0x0];
	v42 =	vmul.f32 v43, v42;
	[tilespmem:s18+$0x10] =	vst v44;
	v44 =	vmul.f32 v41, v21  }
0xeb: {  	v45 =	vmul.f32 v41, v23;
	v37 =	vld [tilespmem:s12+$0x10];
	v46 =	vmul.f32 v40, v39;
	[tilespmem:s25+$0x70] =	vst v38  }
0xec: {  	v21 =	vld [tilespmem:s12+$0x20];
	v38 =	vmul.f32 v42, v43;
	[tilespmem:s18+$0x20] =	vst v44;
	v42 =	vmul.f32 v41, v22  }
0xed: {  	v44 =	vmul.f32 v41, v24;
	v23 =	vld [tilespmem:s12+$0x30];
	[tilespmem:s18+$0x30] =	vst v45;
	v45 =	vmul.f32 v40, v46  }
0xee: {  	v46 =	vmul.f32 v27, v12;
	v22 =	vld [tilespmem:s12+$0x40];
	v38 =	vsub.f32 $1.500000000e+00, v38;
	[tilespmem:s18+$0x40] =	vst v42;
	v42 =	vmul.f32 v41, v25  }
0xef: {  	v12 =	vmul.f32 v41, v26;
	v24 =	vld [tilespmem:s12+$0x50];
	[tilespmem:s18+$0x50] =	vst v44;
	v41 =	vsub.f32 $1.500000000e+00, v45;
	v44 =	vmul.f32 v27, v10  }
0xf0: {  	v25 =	vld [tilespmem:s12+$0x60];
	v38 =	vmul.f32 v38, v43;
	[tilespmem:s18+$0x60] =	vst v42;
	v42 =	vmul.f32 v27, v11  }
0xf1: {  	s25 =	sadd.s32 $0x100, s25;
	v45 =	vmul.f32 v27, v9;
	v26 =	vld [tilespmem:s12+$0x70];
	[tilespmem:s18+$0x70] =	vst v12;
	v43 =	vmul.f32 v40, v41  }
0xf2: {  	v9 =	vmul.f32 v38, v35;
	v28 =	vmul.f32 v38, v28;
	v12 =	vld [tilespmem:s25+$0x0];
	[tilespmem:s19+$0x0] =	vst v46  }
0xf3: {  	v29 =	vmul.f32 v38, v29;
	v34 =	vmul.f32 v38, v34;
	v10 =	vld [tilespmem:s25+$0x10];
	[tilespmem:s19+$0x10] =	vst v44  }
0xf4: {  	v30 =	vmul.f32 v38, v30;
	v31 =	vmul.f32 v38, v31;
	[tilespmem:s18+$0xFFFFFF80] =	vst v9;
	v11 =	vld [tilespmem:s25+$0x20]  }
0xf5: {  	v32 =	vmul.f32 v38, v32;
	v33 =	vmul.f32 v38, v33;
	[tilespmem:s18+$0xFFFFFF90] =	vst v28;
	v9 =	vld [tilespmem:s25+$0x30]  }
0xf6: {  	v35 =	vmul.f32 v36, v36;
	v44 =	vmul.f32 v43, v39;
	[tilespmem:s18+$0xFFFFFFA0] =	vst v29;
	v41 =	vld [tilespmem:s25+$0x40]  }
0xf7: {  	v46 =	vmul.f32 v21, v21;
	v29 =	vmul.f32 v37, v37;
	[tilespmem:s18+$0xFFFFFFB0] =	vst v34;
	v39 =	vld [tilespmem:s25+$0x50]  }
0xf8: {  	v47 =	vmul.f32 v22, v22;
	v34 =	vmul.f32 v23, v23;
	[tilespmem:s18+$0xFFFFFFC0] =	vst v30;
	v40 =	vld [tilespmem:s25+$0x60]  }
0xf9: {  	v48 =	vmul.f32 v25, v25;
	v30 =	vmul.f32 v24, v24;
	[tilespmem:s18+$0xFFFFFFD0] =	vst v31;
	v38 =	vld [tilespmem:s25+$0x70]  }
0xfa: {  	v35 =	vadd.f32 v29, v35;
	v31 =	vmul.f32 v26, v26;
	v46 =	vadd.f32 v34, v46;
	v28 =	vld [tilespmem:s12+$0xFFFFFF90];
	[tilespmem:s18+$0xFFFFFFE0] =	vst v32  }
0xfb: {  	v32 =	vadd.f32 v30, v47;
	v47 =	vmul.f32 v10, v10;
	v29 =	vld [tilespmem:s12+$0xFFFFFFA0];
	[tilespmem:s18+$0xFFFFFFF0] =	vst v33;
	v33 =	vmul.f32 v12, v12;
	s18 =	smov.u32 s12  }
0xfc: {  	v49 =	vmul.f32 v11, v11;
	v50 =	vmul.f32 v9, v9;
	v48 =	vadd.f32 v31, v48;
	v34 =	vld [tilespmem:s12+$0xFFFFFFB0];
	[tilespmem:s19+$0x20] =	vst v42  }
0xfd: {  	v42 =	vadd.f32 v46, v35;
	v35 =	vmul.f32 v41, v41;
	v46 =	vmul.f32 v39, v39;
	v30 =	vld [tilespmem:s12+$0xFFFFFFC0];
	[tilespmem:s19+$0x30] =	vst v45  }
0xfe: {  	v45 =	vadd.f32 v48, v32;
	v48 =	vmul.f32 v40, v40;
	v31 =	vld [tilespmem:s12+$0xFFFFFFD0];
	v51 =	vmul.f32 v38, v38  }
0xff: {  	v49 =	vadd.f32 v50, v49;
	v47 =	vadd.f32 v47, v33;
	v32 =	vld [tilespmem:s12+$0xFFFFFFE0];
	v52 =	vmul.f32 v28, v28  }
0x100: {  	v46 =	vadd.f32 v46, v35;
	v33 =	vld [tilespmem:s12+$0xFFFFFFF0];
	v50 =	vmul.f32 v29, v29;
	v48 =	vadd.f32 v51, v48  }
0x101: {  	v44 =	vmul.f32 v44, v43;
	v42 =	vadd.f32 v45, v42;
	v35 =	vld [tilespmem:s12+$0xFFFFFF80];
	v51 =	vmul.f32 v34, v34  }
0x102: {  	v47 =	vadd.f32 v49, v47;
	v45 =	vmul.f32 v30, v30;
	v53 =	vld [tilespmem:s25+$0xFFFFFF80];
	v46 =	vadd.f32 v48, v46  }
0x103: {  	v44 =	vsub.f32 $1.500000000e+00, v44;
	v48 =	vmul.f32 v31, v31;
	v49 =	vadd.f32 v51, v50;
	v50 =	vld [tilespmem:s25+$0xFFFFFF90]  }
0x104: {  	v54 =	vperm.xlane v42, v2;
	v51 =	vmul.f32 v32, v32;
	v55 =	vld [tilespmem:s25+$0xFFFFFFA0];
	v46 =	vadd.f32 v46, v47  }
0x105: {  	v43 =	vmul.f32 v44, v43;
	v47 =	vmul.f32 v33, v33;
	v45 =	vadd.f32 v48, v45;
	v48 =	vld [tilespmem:s25+$0xFFFFFFB0]  }
0x106: {  	s29 =	sadd.s32 $0x2, s29;
	v42 =	vadd.f32 v42, v54;
	v44 =	vmul.f32 v35, v35;
	v54 =	vld [tilespmem:s25+$0xFFFFFFC0];
	v56 =	vperm.xlane v46, v2  }
0x107: {  	p6 =	slt.u32 s29, $0x4E;
	v58 =	vmul.f32 v43, v13;
	v47 =	vadd.f32 v47, v51;
	v51 =	vld [tilespmem:s25+$0xFFFFFFD0];
	v57 =	vmul.f32 v53, v53;
	v13 =	vmovc v53  }
0x108: {  	v44 =	vadd.f32 v52, v44;
	v52 =	vperm.xlane v42, v3;
	v53 =	vld [tilespmem:s25+$0xFFFFFFE0];
	v46 =	vadd.f32 v46, v56  }
0x109: {  	v56 =	vmul.f32 v50, v50;
	v45 =	vadd.f32 v47, v45;
	v47 =	vld [tilespmem:s25+$0xFFFFFFF0];
	v59 =	vmul.f32 v55, v55;
	[tilespmem:s19+$0xFFFFFF80] =	vst v58  }
0x10a: {  	v44 =	vadd.f32 v49, v44;
	v42 =	vadd.f32 v42, v52;
	v49 =	vperm.xlane v46, v3  }
0x10b: {  	v52 =	vmul.f32 v48, v48;
	v56 =	vadd.f32 v56, v57;
	v58 =	vmul.f32 v54, v54  }
0x10c: {  	v44 =	vadd.f32 v45, v44;
	v45 =	vperm.xlane v42, v4;
	v46 =	vadd.f32 v46, v49  }
0x10d: {  	v49 =	vmul.f32 v51, v51;
	v52 =	vadd.f32 v52, v59;
	v57 =	vmul.f32 v53, v53  }
0x10e: {  	v59 =	vperm.xlane v44, v2;
	v42 =	vadd.f32 v42, v45;
	v45 =	vperm.xlane v46, v4  }
0x10f: {  	v60 =	vmul.f32 v47, v47;
	v49 =	vadd.f32 v49, v58;
	v52 =	vadd.f32 v52, v56  }
0x110: {  	v44 =	vadd.f32 v44, v59;
	v56 =	vperm.xlane v42, v5;
	v45 =	vadd.f32 v46, v45  }
0x111: {  	v58 =	vmul.f32 v43, v18;
	v46 =	vadd.f32 v60, v57;
	v57 =	vmul.f32 v43, v14;
	v14 =	vmovc v50  }
0x112: {  	v18 =	vmovc v55;
	v50 =	vperm.xlane v44, v3;
	v42 =	vadd.f32 v42, v56;
	v56 =	vperm.xlane v45, v5  }
0x113: {  	v55 =	vmul.f32 v43, v20;
	v46 =	vadd.f32 v46, v49;
	v49 =	vmul.f32 v43, v19;
	[tilespmem:s19+$0xFFFFFF90] =	vst v57  }
0x114: {  	v20 =	vmovc v54;
	v19 =	vmovc v48;
	v57 =	vshra.s32 v42, $0x1;
	v42 =	vmul.f32 $5.000000000e-01, v42;
	v45 =	vadd.f32 v45, v56;
	[tilespmem:s19+$0xFFFFFFA0] =	vst v58  }
0x115: {  	v44 =	vadd.f32 v44, v50;
	v46 =	vadd.f32 v46, v52;
	v48 =	vsub.s32 $0x5F3759DF, v57;
	[tilespmem:s19+$0xFFFFFFB0] =	vst v49  }
0x116: {  	v49 =	vmul.f32 v48, v42;
	v50 =	vshra.s32 v45, $0x1;
	v45 =	vmul.f32 $5.000000000e-01, v45;
	[tilespmem:s19+$0xFFFFFFC0] =	vst v55  }
0x117: {  	v52 =	vperm.xlane v44, v4;
	v54 =	vperm.xlane v46, v2;
	v50 =	vsub.s32 $0x5F3759DF, v50  }
0x118: {  	v49 =	vmul.f32 v48, v49;
	v55 =	vmul.f32 v50, v45  }
0x119: {  	v44 =	vadd.f32 v44, v52;
	v46 =	vadd.f32 v46, v54;
	v52 =	vmul.f32 v43, v15;
	v15 =	vmovc v51  }
0x11a: {  	v54 =	vmul.f32 v43, v17;
	v17 =	vmovc v53;
	v49 =	vsub.f32 $1.500000000e+00, v49;
	v51 =	vmul.f32 v50, v55  }
0x11b: {  	v53 =	vperm.xlane v44, v5;
	v55 =	vperm.xlane v46, v3;
	[tilespmem:s19+$0xFFFFFFD0] =	vst v52  }
0x11c: {  	v43 =	vmul.f32 v43, v16;
	v16 =	vmovc v47;
	v48 =	vmul.f32 v48, v49;
	v49 =	vsub.f32 $1.500000000e+00, v51;
	[tilespmem:s19+$0xFFFFFFE0] =	vst v54  }
0x11d: {  	v47 =	vmul.f32 v27, v6;
	v6 =	vmovc v41;
	v44 =	vadd.f32 v44, v53;
	v46 =	vadd.f32 v46, v55  }
0x11e: {  	v41 =	vmul.f32 v48, v42;
	v49 =	vmul.f32 v50, v49;
	[tilespmem:s19+$0xFFFFFFF0] =	vst v43  }
0x11f: {  	v43 =	vshra.s32 v44, $0x1;
	v42 =	vmul.f32 $5.000000000e-01, v44;
	v44 =	vperm.xlane v46, v4;
	[tilespmem:s19+$0x40] =	vst v47  }
0x120: {  	v43 =	vsub.s32 $0x5F3759DF, v43;
	v41 =	vmul.f32 v41, v48;
	v45 =	vmul.f32 v49, v45  }
0x121: {  	v47 =	vmul.f32 v43, v42;
	v44 =	vadd.f32 v46, v44;
	v46 =	vmul.f32 v27, v7;
	v7 =	vmovc v39  }
0x122: {  	v27 =	vmul.f32 v27, v8;
	v8 =	vmovc v40;
	v39 =	vsub.f32 $1.500000000e+00, v41;
	v45 =	vmul.f32 v45, v49  }
0x123: {  	v40 =	vmul.f32 v43, v47;
	v47 =	vperm.xlane v44, v5;
	[tilespmem:s19+$0x50] =	vst v46  }
.Ltmp9:
0x124: {  	v41 =	vmul.f32 v39, v48;
	v39 =	vsub.f32 $1.500000000e+00, v45;
	[tilespmem:s19+$0x60] =	vst v27;
	s19 =	smov.u32 s25;
	(pc) =	sbr.rel @p6 .LBB2_14-.Ltmp9, $4  }
0x125: {  	v40 =	vsub.f32 $1.500000000e+00, v40;
	v45 =	vadd.f32 v44, v47  }
0x126: {  	v36 =	vmul.f32 v41, v36;
	v27 =	vmul.f32 v39, v49  }
0x127: {  	v43 =	vmul.f32 v43, v40;
	v44 =	vmul.f32 v41, v37;
	v37 =	vshra.s32 v45, $0x1  }
0x128: {  	s12 =	sadd.s32 $0x100, s12;
	v39 =	vmul.f32 $5.000000000e-01, v45;
	v40 =	vsub.s32 $0x5F3759DF, v37;
	[tilespmem:s18+$0x0] =	vst v36;
	v38 =	vmul.f32 v27, v38  }
0x129: {  	v36 =	vmul.f32 v43, v42;
	_ =	sdelay $0x1  }
0x12a: {  	v21 =	vmul.f32 v41, v21;
	v36 =	vmul.f32 v36, v43  }
0x12b: {  	[tilespmem:s18+$0x10] =	vst v44;
	v23 =	vmul.f32 v41, v23  }
0x12c: {  	[tilespmem:s18+$0x20] =	vst v21;
	v21 =	vmul.f32 v41, v22;
	v22 =	vsub.f32 $1.500000000e+00, v36  }
0x12d: {  	[tilespmem:s18+$0x30] =	vst v23;
	v23 =	vmul.f32 v41, v24  }
0x12e: {  	[tilespmem:s18+$0x40] =	vst v21;
	v21 =	vmul.f32 v41, v25;
	v22 =	vmul.f32 v22, v43  }
0x12f: {  	[tilespmem:s18+$0x50] =	vst v23;
	v23 =	vmul.f32 v41, v26  }
0x130: {  	[tilespmem:s18+$0x60] =	vst v21;
	v21 =	vmul.f32 v22, v35  }
0x131: {  	s12 =	sadd.s32 $0x100, s25;
	[tilespmem:s18+$0x70] =	vst v23;
	v23 =	vmul.f32 v22, v28  }
0x132: {  	v24 =	vld [tilespmem:s12+$0x0];
	v28 =	vmul.f32 v22, v29;
	[tilespmem:s18+$0xFFFFFF80] =	vst v21  }
0x133: {  	v25 =	vld [tilespmem:s12+$0x10];
	v29 =	vmul.f32 v22, v31;
	[tilespmem:s18+$0xFFFFFF90] =	vst v23  }
0x134: {  	v26 =	vld [tilespmem:s12+$0x20];
	v31 =	vmul.f32 v22, v33;
	[tilespmem:s18+$0xFFFFFFA0] =	vst v28  }
0x135: {  	v21 =	vmul.f32 v22, v34;
	v28 =	vld [tilespmem:s12+$0x30];
	[tilespmem:s18+$0xFFFFFFD0] =	vst v29  }
0x136: {  	v23 =	vmul.f32 v22, v30;
	v30 =	vmul.f32 v22, v32;
	v22 =	vld [tilespmem:s12+$0x50];
	[tilespmem:s18+$0xFFFFFFF0] =	vst v31  }
0x137: {  	v29 =	vld [tilespmem:s12+$0x70];
	[tilespmem:s18+$0xFFFFFFB0] =	vst v21  }
0x138: {  	v21 =	vld [tilespmem:s12+$0x40];
	[tilespmem:s18+$0xFFFFFFC0] =	vst v23  }
0x139: {  	v23 =	vld [tilespmem:s12+$0x60];
	[tilespmem:s18+$0xFFFFFFE0] =	vst v30  }
0x13a: {  	v30 =	vld [tilespmem:s12+$0xFFFFFF80]  }
0x13b: {  	v31 =	vld [tilespmem:s12+$0xFFFFFF90]  }
0x13c: {  	v32 =	vld [tilespmem:s12+$0xFFFFFFA0]  }
0x13d: {  	v35 =	vld [tilespmem:s12+$0xFFFFFFB0]  }
0x13e: {  	v53 =	vmul.f32 v24, v24;
	v54 =	vmul.f32 v25, v25;
	v41 =	vld [tilespmem:s12+$0xFFFFFFC0]  }
0x13f: {  	v55 =	vmul.f32 v26, v26;
	v44 =	vld [tilespmem:s12+$0xFFFFFFD0];
	v37 =	vmul.f32 v28, v28  }
0x140: {  	v47 =	vld [tilespmem:s12+$0xFFFFFFE0];
	v57 =	vmul.f32 v22, v22;
	v46 =	vmul.f32 v29, v29  }
0x141: {  	v36 =	vld [tilespmem:s12+$0xFFFFFFF0];
	v33 =	vadd.f32 v54, v53;
	v56 =	vmul.f32 v21, v21;
	v45 =	vmul.f32 v23, v23  }
0x142: {  	v58 =	vadd.f32 v37, v55;
	v61 =	vmul.f32 v30, v30;
	v62 =	vmul.f32 v31, v31  }
0x143: {  	v63 =	vmul.f32 v32, v32;
	v59 =	vadd.f32 v57, v56;
	v60 =	vadd.f32 v46, v45  }
0x144: {  	v52 =	vmul.f32 v35, v35;
	v53 =	vmul.f32 v41, v41  }
0x145: {  	v48 =	vmul.f32 v44, v44;
	v33 =	vadd.f32 v58, v33;
	v37 =	vadd.f32 v60, v59  }
0x146: {  	v54 =	vmul.f32 v47, v47;
	v49 =	vmul.f32 v36, v36;
	v34 =	vadd.f32 v62, v61  }
0x147: {  	v42 =	vadd.f32 v52, v63;
	v33 =	vadd.f32 v37, v33  }
0x148: {  	v55 =	vadd.f32 v48, v53;
	v37 =	vadd.f32 v49, v54  }
0x149: {  	v56 =	vperm.xlane v33, v2  }
0x14a: {  	v34 =	vadd.f32 v42, v34;
	v37 =	vadd.f32 v37, v55  }
0x14b: {  	v33 =	vadd.f32 v33, v56  }
0x14c: {  	v34 =	vadd.f32 v37, v34  }
0x14d: {  	v57 =	vperm.xlane v33, v3  }
0x14e: {  	v58 =	vperm.xlane v34, v2  }
0x14f: {  	v33 =	vadd.f32 v33, v57  }
0x150: {  	v59 =	vmul.f32 v40, v39;
	v34 =	vadd.f32 v34, v58  }
0x151: {  	v60 =	vperm.xlane v33, v4  }
0x152: {  	v37 =	vmul.f32 v40, v59;
	v61 =	vperm.xlane v34, v3  }
0x153: {  	v33 =	vadd.f32 v33, v60  }
0x154: {  	v37 =	vsub.f32 $1.500000000e+00, v37;
	v34 =	vadd.f32 v34, v61  }
0x155: {  	v42 =	vperm.xlane v33, v5  }
0x156: {  	v37 =	vmul.f32 v40, v37;
	v62 =	vperm.xlane v34, v4  }
0x157: {  	v33 =	vadd.f32 v33, v42  }
0x158: {  	v63 =	vmul.f32 v37, v39;
	v34 =	vadd.f32 v34, v62  }
0x159: {  	v45 =	vshra.s32 v33, $0x1;
	v33 =	vmul.f32 $5.000000000e-01, v33  }
0x15a: {  	v39 =	vmul.f32 v63, v37;
	v46 =	vperm.xlane v34, v5;
	v40 =	vsub.s32 $0x5F3759DF, v45  }
0x15b: {  	v12 =	vmul.f32 v27, v12;
	v48 =	vmul.f32 v40, v33  }
0x15c: {  	v10 =	vmul.f32 v27, v10;
	v39 =	vsub.f32 $1.500000000e+00, v39;
	v34 =	vadd.f32 v34, v46  }
0x15d: {  	v11 =	vmul.f32 v27, v11;
	[tilespmem:s25+$0x70] =	vst v38;
	v49 =	vmul.f32 v40, v48  }
0x15e: {  	[tilespmem:s19+$0x0] =	vst v12;
	v12 =	vmul.f32 v39, v37;
	v50 =	vshra.s32 v34, $0x1;
	v34 =	vmul.f32 $5.000000000e-01, v34  }
0x15f: {  	v9 =	vmul.f32 v27, v9;
	[tilespmem:s19+$0x10] =	vst v10;
	v37 =	vsub.s32 $0x5F3759DF, v50;
	v10 =	vsub.f32 $1.500000000e+00, v49  }
0x160: {  	[tilespmem:s19+$0x20] =	vst v11;
	v11 =	vmul.f32 v12, v13;
	v13 =	vmul.f32 v37, v34  }
0x161: {  	[tilespmem:s19+$0x30] =	vst v9;
	v9 =	vmul.f32 v12, v14;
	v10 =	vmul.f32 v40, v10  }
0x162: {  	[tilespmem:s19+$0xFFFFFF80] =	vst v11;
	v11 =	vmul.f32 v12, v18;
	v13 =	vmul.f32 v37, v13  }
0x163: {  	[tilespmem:s19+$0xFFFFFF90] =	vst v9;
	v9 =	vmul.f32 v12, v19;
	v14 =	vmul.f32 v10, v33  }
0x164: {  	v6 =	vmul.f32 v27, v6;
	v7 =	vmul.f32 v27, v7;
	[tilespmem:s19+$0xFFFFFFA0] =	vst v11;
	v11 =	vsub.f32 $1.500000000e+00, v13  }
0x165: {  	[tilespmem:s19+$0xFFFFFFB0] =	vst v9;
	v9 =	vmul.f32 v12, v15;
	v13 =	vmul.f32 v14, v10  }
0x166: {  	[tilespmem:s19+$0x40] =	vst v6;
	v18 =	vmul.f32 v12, v20;
	v11 =	vmul.f32 v37, v11  }
0x167: {  	[tilespmem:s19+$0xFFFFFFD0] =	vst v9;
	v9 =	vmul.f32 v12, v16;
	v14 =	vmul.f32 v12, v17;
	v12 =	vsub.f32 $1.500000000e+00, v13  }
0x168: {  	v6 =	vmul.f32 v27, v8;
	[tilespmem:s19+$0x50] =	vst v7;
	v13 =	vmul.f32 v11, v34  }
0x169: {  	[tilespmem:s19+$0xFFFFFFF0] =	vst v9;
	v9 =	vmul.f32 v12, v10  }
0x16a: {  	[tilespmem:s19+$0x60] =	vst v6;
	v8 =	vmul.f32 v13, v11  }
0x16b: {  	[tilespmem:s19+$0xFFFFFFC0] =	vst v18;
	v7 =	vmul.f32 v9, v29  }
0x16c: {  	[tilespmem:s19+$0xFFFFFFE0] =	vst v14;
	v6 =	vmul.f32 v9, v24;
	v8 =	vsub.f32 $1.500000000e+00, v8  }
0x16d: {  	v10 =	vmul.f32 v9, v26;
	[tilespmem:s12+$0x70] =	vst v7  }
0x16e: {  	v7 =	vmul.f32 v9, v25;
	[tilespmem:s12+$0x0] =	vst v6;
	v6 =	vmul.f32 v8, v11  }
0x16f: {  	v8 =	vmul.f32 v9, v28;
	[tilespmem:s12+$0x20] =	vst v10  }
0x170: {  	[tilespmem:s12+$0x10] =	vst v7;
	v7 =	vmul.f32 v6, v30  }
0x171: {  	[tilespmem:s12+$0x30] =	vst v8;
	v8 =	vmul.f32 v6, v31  }
0x172: {  	v10 =	vmul.f32 v6, v41;
	[tilespmem:s12+$0xFFFFFF80] =	vst v7  }
0x173: {  	v7 =	vmul.f32 v6, v32;
	[tilespmem:s12+$0xFFFFFF90] =	vst v8  }
0x174: {  	v8 =	vmul.f32 v6, v35;
	[tilespmem:s12+$0xFFFFFFC0] =	vst v10  }
0x175: {  	[tilespmem:s12+$0xFFFFFFA0] =	vst v7;
	v7 =	vmul.f32 v6, v44  }
0x176: {  	[tilespmem:s12+$0xFFFFFFB0] =	vst v8;
	v8 =	vmul.f32 v6, v47  }
0x177: {  	v6 =	vmul.f32 v6, v36;
	[tilespmem:s12+$0xFFFFFFD0] =	vst v7  }
0x178: {  	[tilespmem:s12+$0xFFFFFFE0] =	vst v8;
	v7 =	vmul.f32 v9, v21  }
0x179: {  	[tilespmem:s12+$0xFFFFFFF0] =	vst v6;
	v6 =	vmul.f32 v9, v22  }
0x17a: {  	[tilespmem:s12+$0x40] =	vst v7;
	v7 =	vmul.f32 v9, v23  }
0x17b: {  	[tilespmem:s12+$0x50] =	vst v6  }
0x17c: {  	[tilespmem:s12+$0x60] =	vst v7  }
0x17d: {  	[spmem:s4] =	stream.indirect.scatter.add.f32 [tilespmem:s21], [sflag:$0x5], $0x80, s23, s8, $0xb8;
	[tilespmem:$0x1C728] =	vst v63  }
0x17e: {  	_ = 	snop  }
0x17f: {  	[spmem:s5] =	stream.indirect.scatter.add.f32 [tilespmem:s22], [sflag:$0x5], $0x80, s23, s8, $0xb8;
	[tilespmem:$0x1C728] =	vst v63  }
0x180: {  	s12 =	simm.s32 @!p5 $0x8  }
0x181: {  	[spmem:s6] =	stream.indirect.scatter.add.f32 [tilespmem:s11], [sflag:$0x5], $0x10, s23, s8, $0xb8;
	[tilespmem:$0x1C728] =	vst v63  }
0x182: {  	_ =	swait.ge @!p5 [sflag:s12], $0x2800  }
0x183: {  	[sflag:s12] =	ssyncset.done @!p5 $0x0  }
0x184: {  	[sflag:s12] =	ssyncadd.s32 @!p5 $0xFFFFD800  }
0x185: {  	s18 =	sadd.s32 @!p5 $0xF0, s24;
	_ =	swait.ge @!p5 [sflag:s12], $0x2800  }
0x186: {  	s18 =	simm.s32 @p5 $0xF0;
	[sflag:s12] =	ssyncset.done @!p5 $0x0  }
0x187: {  	s18 =	sadd.s32 s10, s18;
	[sflag:s12] =	ssyncadd.s32 @!p5 $0xFFFFD800  }
0x188: {  	s24 =	sshll.u32 s18, $0x4;
	_ =	swait.ge @!p5 [sflag:s12], $0x500  }
0x189: {  	s19 =	sand.u32 $0x1FFFFF00, s24;
	[sflag:s12] =	ssyncset.done @!p5 $0x0  }
0x18a: {  	s29 =	simm.s32 $0x13358;
	s25 =	sadd.s32 s0, s19;
	[sflag:s12] =	ssyncadd.s32 @!p5 $0xFFFFFB00  }
0x18b: {  	[tilespmem:s29], [sflag:$0x4] =	stream.linear.gather [hbm4b:s25+s7], $0x2800, $0x38;
	[tilespmem:$0x1C728] =	vst v63  }
0x18c: {  	s24 =	sadd.s32 s1, s19;
	s25 =	sshrl.u32 s18, $0x3  }
0x18d: {  	[tilespmem:s13], [sflag:$0x4] =	stream.linear.gather [hbm4b:s24+s7], $0x2800, $0x38;
	[tilespmem:$0x1C728] =	vst v63  }
0x18e: {  	s12 =	sadd.s32 s3, s25  }
0x18f: {  	[tilespmem:s14], [sflag:$0x4] =	stream.linear.gather [hbm4b:s12+s7], $0x50, $0x38;
	[tilespmem:$0x1C728] =	vst v63  }
0x190: {  	_ =	swait.ge [sflag:s15], $0x2800  }
0x191: {  	[sflag:s15] =	ssyncset.done $0x0  }
0x192: {  	[sflag:s15] =	ssyncadd.s32 $0xFFFFD800  }
0x193: {  	_ =	swait.ge [sflag:s15], $0x2800  }
0x194: {  	[sflag:s15] =	ssyncset.done $0x0  }
0x195: {  	[sflag:s15] =	ssyncadd.s32 $0xFFFFD800  }
0x196: {  	_ =	swait.ge [sflag:s15], $0x50  }
0x197: {  	[sflag:s15] =	ssyncset.done $0x0  }
0x198: {  	s29 =	simm.s32 $0x9338;
	[sflag:s15] =	ssyncadd.s32 $0xFFFFFFB0  }
0x199: {  	v6 =	vld [tilespmem:s29+$0x0]  }
0x19a: {  	v7 =	vld [tilespmem:s29+$0x10]  }
0x19b: {  	v8 =	vld [tilespmem:s29+$0x20]  }
0x19c: {  	v9 =	vld [tilespmem:s29+$0x30]  }
0x19d: {  	v10 =	vld [tilespmem:s29+$0x40]  }
0x19e: {  	v11 =	vld [tilespmem:s29+$0x50]  }
0x19f: {  	v12 =	vld [tilespmem:s29+$0x60]  }
0x1a0: {  	v14 =	vld [tilespmem:s29+$0x70];
	_ =	sdelay $0x1  }
0x1a1: {  	v13 =	vmul.f32 v6, v6;
	v15 =	vmul.f32 v7, v7  }
0x1a2: {  	v16 =	vmul.f32 v8, v8;
	v17 =	vmul.f32 v9, v9  }
0x1a3: {  	v20 =	vld [tilespmem:s29+$0xFFFFFF90];
	v18 =	vmul.f32 v10, v10;
	v19 =	vmul.f32 v11, v11  }
0x1a4: {  	v28 =	vld [tilespmem:s29+$0xFFFFFFA0];
	v21 =	vmul.f32 v12, v12;
	v22 =	vmul.f32 v14, v14  }
0x1a5: {  	v29 =	vld [tilespmem:s29+$0xFFFFFFD0];
	v13 =	vadd.f32 v15, v13;
	v15 =	vadd.f32 v17, v16  }
0x1a6: {  	v30 =	vld [tilespmem:s29+$0xFFFFFF80];
	v17 =	vadd.f32 v19, v18;
	v18 =	vadd.f32 v22, v21  }
0x1a7: {  	v16 =	vld [tilespmem:s29+$0xFFFFFFB0]  }
0x1a8: {  	v19 =	vld [tilespmem:s29+$0xFFFFFFC0];
	v15 =	vadd.f32 v15, v13;
	v17 =	vadd.f32 v18, v17  }
0x1a9: {  	v18 =	vld [tilespmem:s29+$0xFFFFFFE0]  }
0x1aa: {  	v13 =	vld [tilespmem:s29+$0xFFFFFFF0];
	v15 =	vadd.f32 v17, v15  }
0x1ab: {  	v25 =	vmul.f32 v29, v29  }
0x1ac: {  	v27 =	vmul.f32 v30, v30;
	v22 =	vperm.xlane v15, v2  }
0x1ad: {  	v21 =	vmul.f32 v28, v28;
	v17 =	vmul.f32 v20, v20  }
0x1ae: {  	v23 =	vmul.f32 v16, v16;
	v24 =	vmul.f32 v19, v19;
	v15 =	vadd.f32 v15, v22  }
0x1af: {  	v26 =	vmul.f32 v18, v18;
	v22 =	vmul.f32 v13, v13  }
0x1b0: {  	v21 =	vadd.f32 v23, v21;
	v23 =	vadd.f32 v25, v24;
	v24 =	vperm.xlane v15, v3  }
0x1b1: {  	v17 =	vadd.f32 v17, v27;
	v22 =	vadd.f32 v22, v26  }
0x1b2: {  	v15 =	vadd.f32 v15, v24  }
0x1b3: {  	v17 =	vadd.f32 v21, v17;
	v22 =	vadd.f32 v22, v23  }
0x1b4: {  	v21 =	vperm.xlane v15, v4  }
0x1b5: {  	v17 =	vadd.f32 v22, v17  }
0x1b6: {  	v15 =	vadd.f32 v15, v21  }
0x1b7: {  	v21 =	vperm.xlane v17, v2  }
0x1b8: {  	v22 =	vperm.xlane v15, v5  }
0x1b9: {  	v17 =	vadd.f32 v17, v21  }
0x1ba: {  	v15 =	vadd.f32 v15, v22  }
0x1bb: {  	v21 =	vperm.xlane v17, v3  }
0x1bc: {  	v22 =	vshra.s32 v15, $0x1;
	v15 =	vmul.f32 $5.000000000e-01, v15  }
0x1bd: {  	v17 =	vadd.f32 v17, v21;
	v21 =	vsub.s32 $0x5F3759DF, v22  }
0x1be: {  	v22 =	vmul.f32 v21, v15  }
0x1bf: {  	v23 =	vperm.xlane v17, v4  }
0x1c0: {  	v22 =	vmul.f32 v21, v22  }
0x1c1: {  	v17 =	vadd.f32 v17, v23  }
0x1c2: {  	v22 =	vsub.f32 $1.500000000e+00, v22  }
0x1c3: {  	v23 =	vperm.xlane v17, v5  }
0x1c4: {  	v21 =	vmul.f32 v21, v22  }
0x1c5: {  	v17 =	vadd.f32 v17, v23  }
0x1c6: {  	v15 =	vmul.f32 v21, v15  }
0x1c7: {  	v22 =	vshra.s32 v17, $0x1;
	v17 =	vmul.f32 $5.000000000e-01, v17  }
0x1c8: {  	v22 =	vsub.s32 $0x5F3759DF, v22;
	v15 =	vmul.f32 v15, v21  }
0x1c9: {  	v23 =	vmul.f32 v22, v17  }
0x1ca: {  	v15 =	vsub.f32 $1.500000000e+00, v15  }
0x1cb: {  	v23 =	vmul.f32 v22, v23  }
0x1cc: {  	v15 =	vmul.f32 v15, v21  }
0x1cd: {  	v21 =	vsub.f32 $1.500000000e+00, v23  }
0x1ce: {  	s18 =	simm.s32 $0x9438;
	v6 =	vmul.f32 v15, v6  }
0x1cf: {  	v36 =	vld [tilespmem:s18+$0x10];
	v26 =	vmul.f32 v22, v21;
	v7 =	vmul.f32 v15, v7  }
0x1d0: {  	v32 =	vld [tilespmem:s18+$0xFFFFFFE0];
	[tilespmem:s29+$0x0] =	vst v6;
	v6 =	vmul.f32 v15, v8  }
0x1d1: {  	v27 =	vld [tilespmem:s18+$0x0];
	v8 =	vmul.f32 v26, v17;
	[tilespmem:s29+$0x10] =	vst v7;
	v7 =	vmul.f32 v15, v9  }
0x1d2: {  	v25 =	vld [tilespmem:s18+$0x60];
	[tilespmem:s29+$0x20] =	vst v6;
	v6 =	vmul.f32 v15, v10  }
0x1d3: {  	v24 =	vld [tilespmem:s18+$0x50];
	v8 =	vmul.f32 v8, v26;
	[tilespmem:s29+$0x30] =	vst v7;
	v7 =	vmul.f32 v15, v11  }
0x1d4: {  	v23 =	vld [tilespmem:s18+$0x30];
	[tilespmem:s29+$0x40] =	vst v6;
	v6 =	vmul.f32 v15, v12  }
0x1d5: {  	v21 =	vld [tilespmem:s18+$0x20];
	v8 =	vsub.f32 $1.500000000e+00, v8;
	[tilespmem:s29+$0x50] =	vst v7;
	v7 =	vmul.f32 v15, v14  }
0x1d6: {  	v22 =	vld [tilespmem:s18+$0x40];
	[tilespmem:s29+$0x60] =	vst v6  }
0x1d7: {  	s24 =	simm.s32 $0xBB38;
	v14 =	vmul.f32 v8, v26;
	v26 =	vld [tilespmem:s18+$0x70];
	[tilespmem:s29+$0x70] =	vst v7  }
0x1d8: {  	v12 =	vld [tilespmem:s24+$0x0]  }
0x1d9: {  	v54 =	vmul.f32 v25, v25;
	v10 =	vld [tilespmem:s24+$0x10]  }
0x1da: {  	v53 =	vmul.f32 v24, v24;
	v31 =	vmul.f32 v23, v23;
	v11 =	vld [tilespmem:s24+$0x20]  }
0x1db: {  	v52 =	vmul.f32 v22, v22;
	v9 =	vld [tilespmem:s24+$0x30];
	v15 =	vmul.f32 v14, v30  }
0x1dc: {  	v6 =	vld [tilespmem:s24+$0x40];
	v17 =	vmul.f32 v14, v20;
	v20 =	vmul.f32 v14, v28  }
0x1dd: {  	v7 =	vld [tilespmem:s24+$0x50];
	v51 =	vmul.f32 v14, v29;
	v28 =	vmul.f32 v27, v27  }
0x1de: {  	v8 =	vld [tilespmem:s24+$0x60];
	v29 =	vmul.f32 v36, v36;
	v30 =	vmul.f32 v21, v21  }
0x1df: {  	v37 =	vld [tilespmem:s24+$0x70];
	v16 =	vmul.f32 v14, v16;
	v19 =	vmul.f32 v14, v19  }
0x1e0: {  	v33 =	vld [tilespmem:s18+$0xFFFFFFF0];
	v56 =	vadd.f32 v29, v28;
	v31 =	vadd.f32 v31, v30;
	v55 =	vmul.f32 v26, v26  }
0x1e1: {  	v34 =	vld [tilespmem:s18+$0xFFFFFFB0];
	[tilespmem:s29+$0xFFFFFF80] =	vst v15;
	v15 =	vadd.f32 v53, v52;
	v57 =	vmul.f32 v12, v12;
	v58 =	vmul.f32 v10, v10  }
0x1e2: {  	v35 =	vld [tilespmem:s18+$0xFFFFFF80];
	[tilespmem:s29+$0xFFFFFF90] =	vst v17;
	v59 =	vmul.f32 v11, v11;
	v60 =	vmul.f32 v9, v9;
	v17 =	vadd.f32 v55, v54  }
0x1e3: {  	v28 =	vld [tilespmem:s18+$0xFFFFFF90];
	[tilespmem:s29+$0xFFFFFFA0] =	vst v20;
	v20 =	vadd.f32 v31, v56;
	v61 =	vmul.f32 v6, v6;
	v62 =	vmul.f32 v7, v7  }
0x1e4: {  	v30 =	vld [tilespmem:s18+$0xFFFFFFC0];
	[tilespmem:s29+$0xFFFFFFB0] =	vst v16;
	v16 =	vmul.f32 v8, v8;
	v15 =	vadd.f32 v17, v15;
	v17 =	vmul.f32 v37, v37  }
0x1e5: {  	v18 =	vmul.f32 v14, v18;
	[tilespmem:s29+$0xFFFFFFC0] =	vst v19;
	v31 =	vld [tilespmem:s18+$0xFFFFFFD0];
	v19 =	vadd.f32 v58, v57;
	v38 =	vadd.f32 v60, v59  }
0x1e6: {  	v13 =	vmul.f32 v14, v13;
	v29 =	vld [tilespmem:s18+$0xFFFFFFA0];
	[tilespmem:s29+$0xFFFFFFD0] =	vst v51;
	v14 =	vadd.f32 v62, v61;
	v16 =	vadd.f32 v17, v16  }
0x1e7: {  	v50 =	vmul.f32 v32, v32;
	[tilespmem:s29+$0xFFFFFFE0] =	vst v18;
	v51 =	vmul.f32 v33, v33;
	v18 =	vadd.f32 v38, v19  }
0x1e8: {  	[tilespmem:s29+$0xFFFFFFF0] =	vst v13;
	v52 =	vmul.f32 v34, v34;
	v15 =	vadd.f32 v15, v20;
	v16 =	vadd.f32 v16, v14  }
0x1e9: {  	v13 =	vld [tilespmem:s24+$0xFFFFFF80];
	v54 =	vmul.f32 v35, v35;
	v20 =	vmul.f32 v30, v30  }
0x1ea: {  	v19 =	vld [tilespmem:s24+$0xFFFFFFB0];
	v48 =	vmul.f32 v31, v31;
	v49 =	vperm.xlane v15, v2;
	v16 =	vadd.f32 v16, v18  }
0x1eb: {  	v41 =	vadd.f32 v51, v50;
	v63 =	vmul.f32 v29, v29;
	v17 =	vmul.f32 v28, v28;
	v14 =	vld [tilespmem:s24+$0xFFFFFF90]  }
0x1ec: {  	v39 =	vadd.f32 v48, v20;
	v20 =	vld [tilespmem:s24+$0xFFFFFFC0];
	v40 =	vadd.f32 v15, v49;
	v53 =	vperm.xlane v16, v2  }
0x1ed: {  	v38 =	vadd.f32 v52, v63;
	v45 =	vadd.f32 v17, v54;
	v17 =	vld [tilespmem:s24+$0xFFFFFFE0]  }
0x1ee: {  	v18 =	vld [tilespmem:s24+$0xFFFFFFA0];
	v55 =	vperm.xlane v40, v3;
	v56 =	vadd.f32 v16, v53  }
0x1ef: {  	v57 =	vmul.f32 v13, v13;
	v15 =	vld [tilespmem:s24+$0xFFFFFFD0];
	v39 =	vadd.f32 v41, v39;
	v38 =	vadd.f32 v38, v45  }
0x1f0: {  	v61 =	vmul.f32 v19, v19;
	v16 =	vld [tilespmem:s24+$0xFFFFFFF0];
	v40 =	vadd.f32 v40, v55;
	v59 =	vperm.xlane v56, v3  }
0x1f1: {  	v38 =	vadd.f32 v39, v38;
	v58 =	vmul.f32 v14, v14;
	v62 =	vmul.f32 v20, v20  }
0x1f2: {  	v53 =	vmul.f32 v17, v17;
	v63 =	vperm.xlane v40, v4;
	v42 =	vadd.f32 v56, v59  }
0x1f3: {  	v55 =	vperm.xlane v38, v2;
	v60 =	vmul.f32 v18, v18  }
0x1f4: {  	v41 =	vadd.f32 v58, v57;
	v40 =	vadd.f32 v40, v63;
	v54 =	vperm.xlane v42, v4  }
0x1f5: {  	v52 =	vmul.f32 v15, v15;
	v38 =	vadd.f32 v38, v55;
	v56 =	vmul.f32 v16, v16  }
0x1f6: {  	v45 =	vadd.f32 v61, v60;
	v57 =	vperm.xlane v40, v5;
	v42 =	vadd.f32 v42, v54  }
0x1f7: {  	v39 =	vadd.f32 v52, v62;
	v43 =	vadd.f32 v56, v53  }
0x1f8: {  	v40 =	vadd.f32 v40, v57;
	v44 =	vperm.xlane v42, v5  }
0x1f9: {  	v58 =	vperm.xlane v38, v3;
	v41 =	vadd.f32 v45, v41;
	v39 =	vadd.f32 v43, v39  }
0x1fa: {  	v59 =	vshra.s32 v40, $0x1;
	v40 =	vmul.f32 $5.000000000e-01, v40;
	v42 =	vadd.f32 v42, v44  }
0x1fb: {  	v38 =	vadd.f32 v38, v58;
	v43 =	vsub.s32 $0x5F3759DF, v59;
	v39 =	vadd.f32 v39, v41  }
0x1fc: {  	v60 =	vmul.f32 v43, v40;
	v44 =	vshra.s32 v42, $0x1;
	v61 =	vmul.f32 $5.000000000e-01, v42  }
0x1fd: {  	v62 =	vperm.xlane v38, v4;
	v63 =	vperm.xlane v39, v2;
	v44 =	vsub.s32 $0x5F3759DF, v44  }
0x1fe: {  	v41 =	vmul.f32 v43, v60;
	v48 =	vmul.f32 v44, v61  }
0x1ff: {  	v38 =	vadd.f32 v38, v62;
	v39 =	vadd.f32 v39, v63  }
0x200: {  	v41 =	vsub.f32 $1.500000000e+00, v41;
	v49 =	vmul.f32 v44, v48  }
0x201: {  	v50 =	vperm.xlane v38, v5;
	v51 =	vperm.xlane v39, v3  }
0x202: {  	v41 =	vmul.f32 v43, v41;
	v42 =	vsub.f32 $1.500000000e+00, v49  }
0x203: {  	v38 =	vadd.f32 v38, v50;
	v39 =	vadd.f32 v39, v51  }
0x204: {  	v40 =	vmul.f32 v41, v40;
	v52 =	vmul.f32 v44, v42  }
0x205: {  	v53 =	vshra.s32 v38, $0x1;
	v54 =	vperm.xlane v39, v4;
	v42 =	vmul.f32 $5.000000000e-01, v38  }
0x206: {  	v44 =	vsub.s32 $0x5F3759DF, v53;
	v40 =	vmul.f32 v40, v41;
	v45 =	vmul.f32 v52, v61  }
0x207: {  	v38 =	vadd.f32 v39, v54;
	v55 =	vmul.f32 v44, v42  }
0x208: {  	v56 =	vsub.f32 $1.500000000e+00, v40;
	v57 =	vmul.f32 v45, v52  }
0x209: {  	v59 =	vperm.xlane v38, v5;
	v58 =	vmul.f32 v44, v55  }
0x20a: {  	v41 =	vmul.f32 v56, v41;
	v60 =	vsub.f32 $1.500000000e+00, v57  }
0x20b: {  	v38 =	vadd.f32 v38, v59;
	v61 =	vsub.f32 $1.500000000e+00, v58  }
0x20c: {  	v62 =	vmul.f32 v41, v27;
	v27 =	vmul.f32 v60, v52  }
0x20d: {  	v63 =	vshra.s32 v38, $0x1;
	v43 =	vmul.f32 v44, v61;
	v44 =	vmul.f32 v41, v36  }
0x20e: {  	s19 =	simm.s32 $0xBB38;
	s25 =	simm.s32 $0x2;
	s12 =	simm.s32 $0x9538;
	v39 =	vmul.f32 $5.000000000e-01, v38;
	[tilespmem:s18+$0x0] =	vst v62;
	v40 =	vsub.s32 $0x5F3759DF, v63;
	v38 =	vmul.f32 v27, v37  }
.LBB2_16:
0x20f: {  	v36 =	vld [tilespmem:s12+$0x0];
	v42 =	vmul.f32 v43, v42;
	[tilespmem:s18+$0x10] =	vst v44;
	v44 =	vmul.f32 v41, v21  }
0x210: {  	v45 =	vmul.f32 v41, v23;
	v37 =	vld [tilespmem:s12+$0x10];
	v46 =	vmul.f32 v40, v39;
	[tilespmem:s24+$0x70] =	vst v38  }
0x211: {  	v21 =	vld [tilespmem:s12+$0x20];
	v38 =	vmul.f32 v42, v43;
	[tilespmem:s18+$0x20] =	vst v44;
	v42 =	vmul.f32 v41, v22  }
0x212: {  	v44 =	vmul.f32 v41, v24;
	v23 =	vld [tilespmem:s12+$0x30];
	[tilespmem:s18+$0x30] =	vst v45;
	v45 =	vmul.f32 v40, v46  }
0x213: {  	v46 =	vmul.f32 v27, v12;
	v22 =	vld [tilespmem:s12+$0x40];
	v38 =	vsub.f32 $1.500000000e+00, v38;
	[tilespmem:s18+$0x40] =	vst v42;
	v42 =	vmul.f32 v41, v25  }
0x214: {  	v12 =	vmul.f32 v41, v26;
	v24 =	vld [tilespmem:s12+$0x50];
	[tilespmem:s18+$0x50] =	vst v44;
	v41 =	vsub.f32 $1.500000000e+00, v45;
	v44 =	vmul.f32 v27, v10  }
0x215: {  	v25 =	vld [tilespmem:s12+$0x60];
	v38 =	vmul.f32 v38, v43;
	[tilespmem:s18+$0x60] =	vst v42;
	v42 =	vmul.f32 v27, v11  }
0x216: {  	s24 =	sadd.s32 $0x100, s24;
	v45 =	vmul.f32 v27, v9;
	v26 =	vld [tilespmem:s12+$0x70];
	[tilespmem:s18+$0x70] =	vst v12;
	v43 =	vmul.f32 v40, v41  }
0x217: {  	v9 =	vmul.f32 v38, v35;
	v28 =	vmul.f32 v38, v28;
	v12 =	vld [tilespmem:s24+$0x0];
	[tilespmem:s19+$0x0] =	vst v46  }
0x218: {  	v29 =	vmul.f32 v38, v29;
	v34 =	vmul.f32 v38, v34;
	v10 =	vld [tilespmem:s24+$0x10];
	[tilespmem:s19+$0x10] =	vst v44  }
0x219: {  	v30 =	vmul.f32 v38, v30;
	v31 =	vmul.f32 v38, v31;
	[tilespmem:s18+$0xFFFFFF80] =	vst v9;
	v11 =	vld [tilespmem:s24+$0x20]  }
0x21a: {  	v32 =	vmul.f32 v38, v32;
	v33 =	vmul.f32 v38, v33;
	[tilespmem:s18+$0xFFFFFF90] =	vst v28;
	v9 =	vld [tilespmem:s24+$0x30]  }
0x21b: {  	v35 =	vmul.f32 v36, v36;
	v44 =	vmul.f32 v43, v39;
	[tilespmem:s18+$0xFFFFFFA0] =	vst v29;
	v41 =	vld [tilespmem:s24+$0x40]  }
0x21c: {  	v46 =	vmul.f32 v21, v21;
	v29 =	vmul.f32 v37, v37;
	[tilespmem:s18+$0xFFFFFFB0] =	vst v34;
	v39 =	vld [tilespmem:s24+$0x50]  }
0x21d: {  	v47 =	vmul.f32 v22, v22;
	v34 =	vmul.f32 v23, v23;
	[tilespmem:s18+$0xFFFFFFC0] =	vst v30;
	v40 =	vld [tilespmem:s24+$0x60]  }
0x21e: {  	v48 =	vmul.f32 v25, v25;
	v30 =	vmul.f32 v24, v24;
	[tilespmem:s18+$0xFFFFFFD0] =	vst v31;
	v38 =	vld [tilespmem:s24+$0x70]  }
0x21f: {  	v35 =	vadd.f32 v29, v35;
	v31 =	vmul.f32 v26, v26;
	v46 =	vadd.f32 v34, v46;
	v28 =	vld [tilespmem:s12+$0xFFFFFF90];
	[tilespmem:s18+$0xFFFFFFE0] =	vst v32  }
0x220: {  	v32 =	vadd.f32 v30, v47;
	v47 =	vmul.f32 v10, v10;
	v29 =	vld [tilespmem:s12+$0xFFFFFFA0];
	[tilespmem:s18+$0xFFFFFFF0] =	vst v33;
	v33 =	vmul.f32 v12, v12;
	s18 =	smov.u32 s12  }
0x221: {  	v49 =	vmul.f32 v11, v11;
	v50 =	vmul.f32 v9, v9;
	v48 =	vadd.f32 v31, v48;
	v34 =	vld [tilespmem:s12+$0xFFFFFFB0];
	[tilespmem:s19+$0x20] =	vst v42  }
0x222: {  	v42 =	vadd.f32 v46, v35;
	v35 =	vmul.f32 v41, v41;
	v46 =	vmul.f32 v39, v39;
	v30 =	vld [tilespmem:s12+$0xFFFFFFC0];
	[tilespmem:s19+$0x30] =	vst v45  }
0x223: {  	v45 =	vadd.f32 v48, v32;
	v48 =	vmul.f32 v40, v40;
	v31 =	vld [tilespmem:s12+$0xFFFFFFD0];
	v51 =	vmul.f32 v38, v38  }
0x224: {  	v49 =	vadd.f32 v50, v49;
	v47 =	vadd.f32 v47, v33;
	v32 =	vld [tilespmem:s12+$0xFFFFFFE0];
	v52 =	vmul.f32 v28, v28  }
0x225: {  	v46 =	vadd.f32 v46, v35;
	v33 =	vld [tilespmem:s12+$0xFFFFFFF0];
	v50 =	vmul.f32 v29, v29;
	v48 =	vadd.f32 v51, v48  }
0x226: {  	v44 =	vmul.f32 v44, v43;
	v42 =	vadd.f32 v45, v42;
	v35 =	vld [tilespmem:s12+$0xFFFFFF80];
	v51 =	vmul.f32 v34, v34  }
0x227: {  	v47 =	vadd.f32 v49, v47;
	v45 =	vmul.f32 v30, v30;
	v53 =	vld [tilespmem:s24+$0xFFFFFF80];
	v46 =	vadd.f32 v48, v46  }
0x228: {  	v44 =	vsub.f32 $1.500000000e+00, v44;
	v48 =	vmul.f32 v31, v31;
	v49 =	vadd.f32 v51, v50;
	v50 =	vld [tilespmem:s24+$0xFFFFFF90]  }
0x229: {  	v54 =	vperm.xlane v42, v2;
	v51 =	vmul.f32 v32, v32;
	v55 =	vld [tilespmem:s24+$0xFFFFFFA0];
	v46 =	vadd.f32 v46, v47  }
0x22a: {  	v43 =	vmul.f32 v44, v43;
	v47 =	vmul.f32 v33, v33;
	v45 =	vadd.f32 v48, v45;
	v48 =	vld [tilespmem:s24+$0xFFFFFFB0]  }
0x22b: {  	s25 =	sadd.s32 $0x2, s25;
	v42 =	vadd.f32 v42, v54;
	v44 =	vmul.f32 v35, v35;
	v54 =	vld [tilespmem:s24+$0xFFFFFFC0];
	v56 =	vperm.xlane v46, v2  }
0x22c: {  	p5 =	slt.u32 s25, $0x4E;
	v58 =	vmul.f32 v43, v13;
	v47 =	vadd.f32 v47, v51;
	v51 =	vld [tilespmem:s24+$0xFFFFFFD0];
	v57 =	vmul.f32 v53, v53;
	v13 =	vmovc v53  }
0x22d: {  	v44 =	vadd.f32 v52, v44;
	v52 =	vperm.xlane v42, v3;
	v53 =	vld [tilespmem:s24+$0xFFFFFFE0];
	v46 =	vadd.f32 v46, v56  }
0x22e: {  	v56 =	vmul.f32 v50, v50;
	v45 =	vadd.f32 v47, v45;
	v47 =	vld [tilespmem:s24+$0xFFFFFFF0];
	v59 =	vmul.f32 v55, v55;
	[tilespmem:s19+$0xFFFFFF80] =	vst v58  }
0x22f: {  	v44 =	vadd.f32 v49, v44;
	v42 =	vadd.f32 v42, v52;
	v49 =	vperm.xlane v46, v3  }
0x230: {  	v52 =	vmul.f32 v48, v48;
	v56 =	vadd.f32 v56, v57;
	v58 =	vmul.f32 v54, v54  }
0x231: {  	v44 =	vadd.f32 v45, v44;
	v45 =	vperm.xlane v42, v4;
	v46 =	vadd.f32 v46, v49  }
0x232: {  	v49 =	vmul.f32 v51, v51;
	v52 =	vadd.f32 v52, v59;
	v57 =	vmul.f32 v53, v53  }
0x233: {  	v59 =	vperm.xlane v44, v2;
	v42 =	vadd.f32 v42, v45;
	v45 =	vperm.xlane v46, v4  }
0x234: {  	v60 =	vmul.f32 v47, v47;
	v49 =	vadd.f32 v49, v58;
	v52 =	vadd.f32 v52, v56  }
0x235: {  	v44 =	vadd.f32 v44, v59;
	v56 =	vperm.xlane v42, v5;
	v45 =	vadd.f32 v46, v45  }
0x236: {  	v58 =	vmul.f32 v43, v18;
	v46 =	vadd.f32 v60, v57;
	v57 =	vmul.f32 v43, v14;
	v14 =	vmovc v50  }
0x237: {  	v18 =	vmovc v55;
	v50 =	vperm.xlane v44, v3;
	v42 =	vadd.f32 v42, v56;
	v56 =	vperm.xlane v45, v5  }
0x238: {  	v55 =	vmul.f32 v43, v20;
	v46 =	vadd.f32 v46, v49;
	v49 =	vmul.f32 v43, v19;
	[tilespmem:s19+$0xFFFFFF90] =	vst v57  }
0x239: {  	v20 =	vmovc v54;
	v19 =	vmovc v48;
	v57 =	vshra.s32 v42, $0x1;
	v42 =	vmul.f32 $5.000000000e-01, v42;
	v45 =	vadd.f32 v45, v56;
	[tilespmem:s19+$0xFFFFFFA0] =	vst v58  }
0x23a: {  	v44 =	vadd.f32 v44, v50;
	v46 =	vadd.f32 v46, v52;
	v48 =	vsub.s32 $0x5F3759DF, v57;
	[tilespmem:s19+$0xFFFFFFB0] =	vst v49  }
0x23b: {  	v49 =	vmul.f32 v48, v42;
	v50 =	vshra.s32 v45, $0x1;
	v45 =	vmul.f32 $5.000000000e-01, v45;
	[tilespmem:s19+$0xFFFFFFC0] =	vst v55  }
0x23c: {  	v52 =	vperm.xlane v44, v4;
	v54 =	vperm.xlane v46, v2;
	v50 =	vsub.s32 $0x5F3759DF, v50  }
0x23d: {  	v49 =	vmul.f32 v48, v49;
	v55 =	vmul.f32 v50, v45  }
0x23e: {  	v44 =	vadd.f32 v44, v52;
	v46 =	vadd.f32 v46, v54;
	v52 =	vmul.f32 v43, v15;
	v15 =	vmovc v51  }
0x23f: {  	v54 =	vmul.f32 v43, v17;
	v17 =	vmovc v53;
	v49 =	vsub.f32 $1.500000000e+00, v49;
	v51 =	vmul.f32 v50, v55  }
0x240: {  	v53 =	vperm.xlane v44, v5;
	v55 =	vperm.xlane v46, v3;
	[tilespmem:s19+$0xFFFFFFD0] =	vst v52  }
0x241: {  	v43 =	vmul.f32 v43, v16;
	v16 =	vmovc v47;
	v48 =	vmul.f32 v48, v49;
	v49 =	vsub.f32 $1.500000000e+00, v51;
	[tilespmem:s19+$0xFFFFFFE0] =	vst v54  }
0x242: {  	v47 =	vmul.f32 v27, v6;
	v6 =	vmovc v41;
	v44 =	vadd.f32 v44, v53;
	v46 =	vadd.f32 v46, v55  }
0x243: {  	v41 =	vmul.f32 v48, v42;
	v49 =	vmul.f32 v50, v49;
	[tilespmem:s19+$0xFFFFFFF0] =	vst v43  }
0x244: {  	v43 =	vshra.s32 v44, $0x1;
	v42 =	vmul.f32 $5.000000000e-01, v44;
	v44 =	vperm.xlane v46, v4;
	[tilespmem:s19+$0x40] =	vst v47  }
0x245: {  	v43 =	vsub.s32 $0x5F3759DF, v43;
	v41 =	vmul.f32 v41, v48;
	v45 =	vmul.f32 v49, v45  }
0x246: {  	v47 =	vmul.f32 v43, v42;
	v44 =	vadd.f32 v46, v44;
	v46 =	vmul.f32 v27, v7;
	v7 =	vmovc v39  }
0x247: {  	v27 =	vmul.f32 v27, v8;
	v8 =	vmovc v40;
	v39 =	vsub.f32 $1.500000000e+00, v41;
	v45 =	vmul.f32 v45, v49  }
0x248: {  	v40 =	vmul.f32 v43, v47;
	v47 =	vperm.xlane v44, v5;
	[tilespmem:s19+$0x50] =	vst v46  }
.Ltmp10:
0x249: {  	v41 =	vmul.f32 v39, v48;
	v39 =	vsub.f32 $1.500000000e+00, v45;
	[tilespmem:s19+$0x60] =	vst v27;
	s19 =	smov.u32 s24;
	(pc) =	sbr.rel @p5 .LBB2_16-.Ltmp10, $4  }
0x24a: {  	v40 =	vsub.f32 $1.500000000e+00, v40;
	v45 =	vadd.f32 v44, v47  }
0x24b: {  	v36 =	vmul.f32 v41, v36;
	v27 =	vmul.f32 v39, v49  }
0x24c: {  	v43 =	vmul.f32 v43, v40;
	v44 =	vmul.f32 v41, v37;
	v37 =	vshra.s32 v45, $0x1  }
0x24d: {  	s12 =	sadd.s32 $0x100, s12;
	v39 =	vmul.f32 $5.000000000e-01, v45;
	v40 =	vsub.s32 $0x5F3759DF, v37;
	[tilespmem:s18+$0x0] =	vst v36;
	v38 =	vmul.f32 v27, v38  }
0x24e: {  	v36 =	vmul.f32 v43, v42;
	_ =	sdelay $0x1  }
0x24f: {  	v21 =	vmul.f32 v41, v21;
	v36 =	vmul.f32 v36, v43  }
0x250: {  	[tilespmem:s18+$0x10] =	vst v44;
	v23 =	vmul.f32 v41, v23  }
0x251: {  	[tilespmem:s18+$0x20] =	vst v21;
	v21 =	vmul.f32 v41, v22;
	v22 =	vsub.f32 $1.500000000e+00, v36  }
0x252: {  	[tilespmem:s18+$0x30] =	vst v23;
	v23 =	vmul.f32 v41, v24  }
0x253: {  	[tilespmem:s18+$0x40] =	vst v21;
	v21 =	vmul.f32 v41, v25;
	v22 =	vmul.f32 v22, v43  }
0x254: {  	[tilespmem:s18+$0x50] =	vst v23;
	v23 =	vmul.f32 v41, v26  }
0x255: {  	[tilespmem:s18+$0x60] =	vst v21;
	v21 =	vmul.f32 v22, v35  }
0x256: {  	s12 =	sadd.s32 $0x100, s24;
	[tilespmem:s18+$0x70] =	vst v23;
	v23 =	vmul.f32 v22, v28  }
0x257: {  	v24 =	vld [tilespmem:s12+$0x0];
	v28 =	vmul.f32 v22, v29;
	[tilespmem:s18+$0xFFFFFF80] =	vst v21  }
0x258: {  	v25 =	vld [tilespmem:s12+$0x10];
	v29 =	vmul.f32 v22, v31;
	[tilespmem:s18+$0xFFFFFF90] =	vst v23  }
0x259: {  	v26 =	vld [tilespmem:s12+$0x20];
	v31 =	vmul.f32 v22, v33;
	[tilespmem:s18+$0xFFFFFFA0] =	vst v28  }
0x25a: {  	v21 =	vmul.f32 v22, v34;
	v28 =	vld [tilespmem:s12+$0x30];
	[tilespmem:s18+$0xFFFFFFD0] =	vst v29  }
0x25b: {  	v23 =	vmul.f32 v22, v30;
	v30 =	vmul.f32 v22, v32;
	v22 =	vld [tilespmem:s12+$0x50];
	[tilespmem:s18+$0xFFFFFFF0] =	vst v31  }
0x25c: {  	v29 =	vld [tilespmem:s12+$0x70];
	[tilespmem:s18+$0xFFFFFFB0] =	vst v21  }
0x25d: {  	v21 =	vld [tilespmem:s12+$0x40];
	[tilespmem:s18+$0xFFFFFFC0] =	vst v23  }
0x25e: {  	v23 =	vld [tilespmem:s12+$0x60];
	[tilespmem:s18+$0xFFFFFFE0] =	vst v30  }
0x25f: {  	v30 =	vld [tilespmem:s12+$0xFFFFFF80]  }
0x260: {  	v31 =	vld [tilespmem:s12+$0xFFFFFF90]  }
0x261: {  	v32 =	vld [tilespmem:s12+$0xFFFFFFA0]  }
0x262: {  	v35 =	vld [tilespmem:s12+$0xFFFFFFB0]  }
0x263: {  	v53 =	vmul.f32 v24, v24;
	v54 =	vmul.f32 v25, v25;
	v41 =	vld [tilespmem:s12+$0xFFFFFFC0]  }
0x264: {  	v55 =	vmul.f32 v26, v26;
	v44 =	vld [tilespmem:s12+$0xFFFFFFD0];
	v37 =	vmul.f32 v28, v28  }
0x265: {  	v47 =	vld [tilespmem:s12+$0xFFFFFFE0];
	v57 =	vmul.f32 v22, v22;
	v46 =	vmul.f32 v29, v29  }
0x266: {  	v36 =	vld [tilespmem:s12+$0xFFFFFFF0];
	v33 =	vadd.f32 v54, v53;
	v56 =	vmul.f32 v21, v21;
	v45 =	vmul.f32 v23, v23  }
0x267: {  	v58 =	vadd.f32 v37, v55;
	v61 =	vmul.f32 v30, v30;
	v62 =	vmul.f32 v31, v31  }
0x268: {  	v63 =	vmul.f32 v32, v32;
	v59 =	vadd.f32 v57, v56;
	v60 =	vadd.f32 v46, v45  }
0x269: {  	v52 =	vmul.f32 v35, v35;
	v53 =	vmul.f32 v41, v41  }
0x26a: {  	v48 =	vmul.f32 v44, v44;
	v33 =	vadd.f32 v58, v33;
	v37 =	vadd.f32 v60, v59  }
0x26b: {  	v54 =	vmul.f32 v47, v47;
	v49 =	vmul.f32 v36, v36;
	v34 =	vadd.f32 v62, v61  }
0x26c: {  	v42 =	vadd.f32 v52, v63;
	v33 =	vadd.f32 v37, v33  }
0x26d: {  	v55 =	vadd.f32 v48, v53;
	v37 =	vadd.f32 v49, v54  }
0x26e: {  	v56 =	vperm.xlane v33, v2  }
0x26f: {  	v34 =	vadd.f32 v42, v34;
	v37 =	vadd.f32 v37, v55  }
0x270: {  	v33 =	vadd.f32 v33, v56  }
0x271: {  	v34 =	vadd.f32 v37, v34  }
0x272: {  	v57 =	vperm.xlane v33, v3  }
0x273: {  	v58 =	vperm.xlane v34, v2  }
0x274: {  	v33 =	vadd.f32 v33, v57  }
0x275: {  	v59 =	vmul.f32 v40, v39;
	v34 =	vadd.f32 v34, v58  }
0x276: {  	v60 =	vperm.xlane v33, v4  }
0x277: {  	v37 =	vmul.f32 v40, v59;
	v61 =	vperm.xlane v34, v3  }
0x278: {  	v33 =	vadd.f32 v33, v60  }
0x279: {  	v37 =	vsub.f32 $1.500000000e+00, v37;
	v34 =	vadd.f32 v34, v61  }
0x27a: {  	v42 =	vperm.xlane v33, v5  }
0x27b: {  	v37 =	vmul.f32 v40, v37;
	v62 =	vperm.xlane v34, v4  }
0x27c: {  	v33 =	vadd.f32 v33, v42  }
0x27d: {  	v63 =	vmul.f32 v37, v39;
	v34 =	vadd.f32 v34, v62  }
0x27e: {  	v45 =	vshra.s32 v33, $0x1;
	v33 =	vmul.f32 $5.000000000e-01, v33  }
0x27f: {  	v39 =	vmul.f32 v63, v37;
	v46 =	vperm.xlane v34, v5;
	v40 =	vsub.s32 $0x5F3759DF, v45  }
0x280: {  	v12 =	vmul.f32 v27, v12;
	v48 =	vmul.f32 v40, v33  }
0x281: {  	v10 =	vmul.f32 v27, v10;
	v39 =	vsub.f32 $1.500000000e+00, v39;
	v34 =	vadd.f32 v34, v46  }
0x282: {  	v11 =	vmul.f32 v27, v11;
	[tilespmem:s24+$0x70] =	vst v38;
	v49 =	vmul.f32 v40, v48  }
0x283: {  	[tilespmem:s19+$0x0] =	vst v12;
	v12 =	vmul.f32 v39, v37;
	v50 =	vshra.s32 v34, $0x1;
	v34 =	vmul.f32 $5.000000000e-01, v34  }
0x284: {  	v9 =	vmul.f32 v27, v9;
	[tilespmem:s19+$0x10] =	vst v10;
	v37 =	vsub.s32 $0x5F3759DF, v50;
	v10 =	vsub.f32 $1.500000000e+00, v49  }
0x285: {  	[tilespmem:s19+$0x20] =	vst v11;
	v11 =	vmul.f32 v12, v13;
	v13 =	vmul.f32 v37, v34  }
0x286: {  	[tilespmem:s19+$0x30] =	vst v9;
	v9 =	vmul.f32 v12, v14;
	v10 =	vmul.f32 v40, v10  }
0x287: {  	[tilespmem:s19+$0xFFFFFF80] =	vst v11;
	v11 =	vmul.f32 v12, v18;
	v13 =	vmul.f32 v37, v13  }
0x288: {  	[tilespmem:s19+$0xFFFFFF90] =	vst v9;
	v9 =	vmul.f32 v12, v19;
	v14 =	vmul.f32 v10, v33  }
0x289: {  	v6 =	vmul.f32 v27, v6;
	v7 =	vmul.f32 v27, v7;
	[tilespmem:s19+$0xFFFFFFA0] =	vst v11;
	v11 =	vsub.f32 $1.500000000e+00, v13  }
0x28a: {  	[tilespmem:s19+$0xFFFFFFB0] =	vst v9;
	v9 =	vmul.f32 v12, v15;
	v13 =	vmul.f32 v14, v10  }
0x28b: {  	[tilespmem:s19+$0x40] =	vst v6;
	v18 =	vmul.f32 v12, v20;
	v11 =	vmul.f32 v37, v11  }
0x28c: {  	[tilespmem:s19+$0xFFFFFFD0] =	vst v9;
	v9 =	vmul.f32 v12, v16;
	v14 =	vmul.f32 v12, v17;
	v12 =	vsub.f32 $1.500000000e+00, v13  }
0x28d: {  	v6 =	vmul.f32 v27, v8;
	[tilespmem:s19+$0x50] =	vst v7;
	v13 =	vmul.f32 v11, v34  }
0x28e: {  	[tilespmem:s19+$0xFFFFFFF0] =	vst v9;
	v9 =	vmul.f32 v12, v10  }
0x28f: {  	[tilespmem:s19+$0x60] =	vst v6;
	v8 =	vmul.f32 v13, v11  }
0x290: {  	[tilespmem:s19+$0xFFFFFFC0] =	vst v18;
	v7 =	vmul.f32 v9, v29  }
0x291: {  	[tilespmem:s19+$0xFFFFFFE0] =	vst v14;
	v6 =	vmul.f32 v9, v24;
	v8 =	vsub.f32 $1.500000000e+00, v8  }
0x292: {  	v10 =	vmul.f32 v9, v26;
	[tilespmem:s12+$0x70] =	vst v7  }
0x293: {  	v7 =	vmul.f32 v9, v25;
	[tilespmem:s12+$0x0] =	vst v6;
	v6 =	vmul.f32 v8, v11  }
0x294: {  	v8 =	vmul.f32 v9, v28;
	[tilespmem:s12+$0x20] =	vst v10  }
0x295: {  	[tilespmem:s12+$0x10] =	vst v7;
	v7 =	vmul.f32 v6, v30  }
0x296: {  	[tilespmem:s12+$0x30] =	vst v8;
	v8 =	vmul.f32 v6, v31  }
0x297: {  	v10 =	vmul.f32 v6, v41;
	[tilespmem:s12+$0xFFFFFF80] =	vst v7  }
0x298: {  	v7 =	vmul.f32 v6, v32;
	[tilespmem:s12+$0xFFFFFF90] =	vst v8  }
0x299: {  	v8 =	vmul.f32 v6, v35;
	[tilespmem:s12+$0xFFFFFFC0] =	vst v10  }
0x29a: {  	[tilespmem:s12+$0xFFFFFFA0] =	vst v7;
	v7 =	vmul.f32 v6, v44  }
0x29b: {  	[tilespmem:s12+$0xFFFFFFB0] =	vst v8;
	v8 =	vmul.f32 v6, v47  }
0x29c: {  	v6 =	vmul.f32 v6, v36;
	[tilespmem:s12+$0xFFFFFFD0] =	vst v7  }
0x29d: {  	[tilespmem:s12+$0xFFFFFFE0] =	vst v8;
	v7 =	vmul.f32 v9, v21  }
0x29e: {  	[tilespmem:s12+$0xFFFFFFF0] =	vst v6;
	v6 =	vmul.f32 v9, v22  }
0x29f: {  	[tilespmem:s12+$0x40] =	vst v7;
	v7 =	vmul.f32 v9, v23  }
0x2a0: {  	[tilespmem:s12+$0x50] =	vst v6  }
0x2a1: {  	s24 =	simm.s32 $0x92B8;
	[tilespmem:s12+$0x60] =	vst v7  }
0x2a2: {  	[spmem:s4] =	stream.indirect.scatter.add.f32 [tilespmem:s24], [sflag:$0x6], $0x80, s26, s8, $0xb8;
	[tilespmem:$0x1C728] =	vst v63  }
0x2a3: {  	s25 =	simm.s32 $0xBAB8  }
0x2a4: {  	[spmem:s5] =	stream.indirect.scatter.add.f32 [tilespmem:s25], [sflag:$0x6], $0x80, s26, s8, $0xb8;
	[tilespmem:$0x1C728] =	vst v63  }
0x2a5: {  	_ = 	snop  }
0x2a6: {  	[spmem:s6] =	stream.indirect.scatter.add.f32 [tilespmem:s11], [sflag:$0x6], $0x10, s26, s8, $0xb8;
	[tilespmem:$0x1C728] =	vst v63  }
0x2a7: {  	_ =	swait.ge [sflag:s16], $0x2800  }
0x2a8: {  	[sflag:s16] =	ssyncset.done $0x0  }
0x2a9: {  	[sflag:s16] =	ssyncadd.s32 $0xFFFFD800  }
0x2aa: {  	s24 =	smul.u32 $0x140, s20;
	_ =	swait.ge [sflag:s16], $0x2800  }
0x2ab: {  	[sflag:s16] =	ssyncset.done $0x0;
	s18 =	rddreg [dreg:$0x1f]  }
0x2ac: {  	[sflag:s16] =	ssyncadd.s32 $0xFFFFD800;
	s12 =	sadd.s32 s24, s18  }
0x2ad: {  	_ =	swait.ge [sflag:s16], $0x500;
	s19 =	sshll.u32 s12, $0x4  }
0x2ae: {  	[sflag:s16] =	ssyncset.done $0x0;
	s18 =	sand.u32 $0x1FFFFF00, s19  }
0x2af: {  	[sflag:s16] =	ssyncadd.s32 $0xFFFFFB00;
	s25 =	sadd.s32 s0, s18  }
0x2b0: {  	[tilespmem:s21], [sflag:$0x1] =	stream.linear.gather [hbm4b:s25+s7], $0x2800, $0x38;
	[tilespmem:$0x1C728] =	vst v63  }
0x2b1: {  	s12 =	sshrl.u32 s12, $0x3;
	s18 =	sadd.s32 s1, s18  }
0x2b2: {  	[tilespmem:s22], [sflag:$0x1] =	stream.linear.gather [hbm4b:s18+s7], $0x2800, $0x38;
	[tilespmem:$0x1C728] =	vst v63  }
0x2b3: {  	s12 =	sadd.s32 s3, s12  }
0x2b4: {  	[tilespmem:s23], [sflag:$0x1] =	stream.linear.gather [hbm4b:s12+s7], $0x50, $0x38;
	[tilespmem:$0x1C728] =	vst v63  }
0x2b5: {  	_ =	swait.ge [sflag:s17], $0x2800  }
0x2b6: {  	[sflag:s17] =	ssyncset.done $0x0  }
0x2b7: {  	[sflag:s17] =	ssyncadd.s32 $0xFFFFD800  }
0x2b8: {  	_ =	swait.ge [sflag:s17], $0x2800  }
0x2b9: {  	[sflag:s17] =	ssyncset.done $0x0  }
0x2ba: {  	[sflag:s17] =	ssyncadd.s32 $0xFFFFD800  }
0x2bb: {  	_ =	swait.ge [sflag:s17], $0x50  }
0x2bc: {  	[sflag:s17] =	ssyncset.done $0x0  }
0x2bd: {  	s19 =	simm.s32 $0xE388;
	[sflag:s17] =	ssyncadd.s32 $0xFFFFFFB0  }
0x2be: {  	v6 =	vld [tilespmem:s19+$0x0]  }
0x2bf: {  	v7 =	vld [tilespmem:s19+$0x10]  }
0x2c0: {  	v8 =	vld [tilespmem:s19+$0x20]  }
0x2c1: {  	v9 =	vld [tilespmem:s19+$0x30]  }
0x2c2: {  	v10 =	vld [tilespmem:s19+$0x40]  }
0x2c3: {  	v11 =	vld [tilespmem:s19+$0x50]  }
0x2c4: {  	v12 =	vld [tilespmem:s19+$0x60]  }
0x2c5: {  	v14 =	vld [tilespmem:s19+$0x70];
	_ =	sdelay $0x1  }
0x2c6: {  	v13 =	vmul.f32 v6, v6;
	v15 =	vmul.f32 v7, v7  }
0x2c7: {  	v16 =	vmul.f32 v8, v8;
	v17 =	vmul.f32 v9, v9  }
0x2c8: {  	v20 =	vld [tilespmem:s19+$0xFFFFFF90];
	v18 =	vmul.f32 v10, v10;
	v19 =	vmul.f32 v11, v11  }
0x2c9: {  	v28 =	vld [tilespmem:s19+$0xFFFFFFA0];
	v21 =	vmul.f32 v12, v12;
	v22 =	vmul.f32 v14, v14  }
0x2ca: {  	v29 =	vld [tilespmem:s19+$0xFFFFFFD0];
	v13 =	vadd.f32 v15, v13;
	v15 =	vadd.f32 v17, v16  }
0x2cb: {  	v30 =	vld [tilespmem:s19+$0xFFFFFF80];
	v17 =	vadd.f32 v19, v18;
	v18 =	vadd.f32 v22, v21  }
0x2cc: {  	v16 =	vld [tilespmem:s19+$0xFFFFFFB0]  }
0x2cd: {  	v19 =	vld [tilespmem:s19+$0xFFFFFFC0];
	v15 =	vadd.f32 v15, v13;
	v17 =	vadd.f32 v18, v17  }
0x2ce: {  	v18 =	vld [tilespmem:s19+$0xFFFFFFE0]  }
0x2cf: {  	v13 =	vld [tilespmem:s19+$0xFFFFFFF0];
	v15 =	vadd.f32 v17, v15  }
0x2d0: {  	v25 =	vmul.f32 v29, v29  }
0x2d1: {  	v27 =	vmul.f32 v30, v30;
	v22 =	vperm.xlane v15, v2  }
0x2d2: {  	v21 =	vmul.f32 v28, v28;
	v17 =	vmul.f32 v20, v20  }
0x2d3: {  	v23 =	vmul.f32 v16, v16;
	v24 =	vmul.f32 v19, v19;
	v15 =	vadd.f32 v15, v22  }
0x2d4: {  	v26 =	vmul.f32 v18, v18;
	v22 =	vmul.f32 v13, v13  }
0x2d5: {  	v21 =	vadd.f32 v23, v21;
	v23 =	vadd.f32 v25, v24;
	v24 =	vperm.xlane v15, v3  }
0x2d6: {  	v17 =	vadd.f32 v17, v27;
	v22 =	vadd.f32 v22, v26  }
0x2d7: {  	v15 =	vadd.f32 v15, v24  }
0x2d8: {  	v17 =	vadd.f32 v21, v17;
	v22 =	vadd.f32 v22, v23  }
0x2d9: {  	v21 =	vperm.xlane v15, v4  }
0x2da: {  	v17 =	vadd.f32 v22, v17  }
0x2db: {  	v15 =	vadd.f32 v15, v21  }
0x2dc: {  	v21 =	vperm.xlane v17, v2  }
0x2dd: {  	v22 =	vperm.xlane v15, v5  }
0x2de: {  	v17 =	vadd.f32 v17, v21  }
0x2df: {  	v15 =	vadd.f32 v15, v22  }
0x2e0: {  	v21 =	vperm.xlane v17, v3  }
0x2e1: {  	v22 =	vshra.s32 v15, $0x1;
	v15 =	vmul.f32 $5.000000000e-01, v15  }
0x2e2: {  	v17 =	vadd.f32 v17, v21;
	v21 =	vsub.s32 $0x5F3759DF, v22  }
0x2e3: {  	v22 =	vmul.f32 v21, v15  }
0x2e4: {  	v23 =	vperm.xlane v17, v4  }
0x2e5: {  	v22 =	vmul.f32 v21, v22  }
0x2e6: {  	v17 =	vadd.f32 v17, v23  }
0x2e7: {  	v22 =	vsub.f32 $1.500000000e+00, v22  }
0x2e8: {  	v23 =	vperm.xlane v17, v5  }
0x2e9: {  	v21 =	vmul.f32 v21, v22  }
0x2ea: {  	v17 =	vadd.f32 v17, v23  }
0x2eb: {  	v15 =	vmul.f32 v21, v15  }
0x2ec: {  	v22 =	vshra.s32 v17, $0x1;
	v17 =	vmul.f32 $5.000000000e-01, v17  }
0x2ed: {  	v22 =	vsub.s32 $0x5F3759DF, v22;
	v15 =	vmul.f32 v15, v21  }
0x2ee: {  	v23 =	vmul.f32 v22, v17  }
0x2ef: {  	v15 =	vsub.f32 $1.500000000e+00, v15  }
0x2f0: {  	v23 =	vmul.f32 v22, v23  }
0x2f1: {  	v15 =	vmul.f32 v15, v21  }
0x2f2: {  	v21 =	vsub.f32 $1.500000000e+00, v23  }
0x2f3: {  	s18 =	simm.s32 $0xE488;
	v6 =	vmul.f32 v15, v6  }
0x2f4: {  	v36 =	vld [tilespmem:s18+$0x10];
	v26 =	vmul.f32 v22, v21;
	v7 =	vmul.f32 v15, v7  }
0x2f5: {  	v32 =	vld [tilespmem:s18+$0xFFFFFFE0];
	[tilespmem:s19+$0x0] =	vst v6;
	v6 =	vmul.f32 v15, v8  }
0x2f6: {  	v27 =	vld [tilespmem:s18+$0x0];
	v8 =	vmul.f32 v26, v17;
	[tilespmem:s19+$0x10] =	vst v7;
	v7 =	vmul.f32 v15, v9  }
0x2f7: {  	v25 =	vld [tilespmem:s18+$0x60];
	[tilespmem:s19+$0x20] =	vst v6;
	v6 =	vmul.f32 v15, v10  }
0x2f8: {  	v24 =	vld [tilespmem:s18+$0x50];
	v8 =	vmul.f32 v8, v26;
	[tilespmem:s19+$0x30] =	vst v7;
	v7 =	vmul.f32 v15, v11  }
0x2f9: {  	v23 =	vld [tilespmem:s18+$0x30];
	[tilespmem:s19+$0x40] =	vst v6;
	v6 =	vmul.f32 v15, v12  }
0x2fa: {  	v21 =	vld [tilespmem:s18+$0x20];
	v8 =	vsub.f32 $1.500000000e+00, v8;
	[tilespmem:s19+$0x50] =	vst v7;
	v7 =	vmul.f32 v15, v14  }
0x2fb: {  	v22 =	vld [tilespmem:s18+$0x40];
	[tilespmem:s19+$0x60] =	vst v6  }
0x2fc: {  	s25 =	simm.s32 $0x10B88;
	v14 =	vmul.f32 v8, v26;
	v26 =	vld [tilespmem:s18+$0x70];
	[tilespmem:s19+$0x70] =	vst v7  }
0x2fd: {  	v12 =	vld [tilespmem:s25+$0x0]  }
0x2fe: {  	v54 =	vmul.f32 v25, v25;
	v10 =	vld [tilespmem:s25+$0x10]  }
0x2ff: {  	v53 =	vmul.f32 v24, v24;
	v31 =	vmul.f32 v23, v23;
	v11 =	vld [tilespmem:s25+$0x20]  }
0x300: {  	v52 =	vmul.f32 v22, v22;
	v9 =	vld [tilespmem:s25+$0x30];
	v15 =	vmul.f32 v14, v30  }
0x301: {  	v6 =	vld [tilespmem:s25+$0x40];
	v17 =	vmul.f32 v14, v20;
	v20 =	vmul.f32 v14, v28  }
0x302: {  	v7 =	vld [tilespmem:s25+$0x50];
	v51 =	vmul.f32 v14, v29;
	v28 =	vmul.f32 v27, v27  }
0x303: {  	v8 =	vld [tilespmem:s25+$0x60];
	v29 =	vmul.f32 v36, v36;
	v30 =	vmul.f32 v21, v21  }
0x304: {  	v37 =	vld [tilespmem:s25+$0x70];
	v16 =	vmul.f32 v14, v16;
	v19 =	vmul.f32 v14, v19  }
0x305: {  	v33 =	vld [tilespmem:s18+$0xFFFFFFF0];
	v56 =	vadd.f32 v29, v28;
	v31 =	vadd.f32 v31, v30;
	v55 =	vmul.f32 v26, v26  }
0x306: {  	v34 =	vld [tilespmem:s18+$0xFFFFFFB0];
	[tilespmem:s19+$0xFFFFFF80] =	vst v15;
	v15 =	vadd.f32 v53, v52;
	v57 =	vmul.f32 v12, v12;
	v58 =	vmul.f32 v10, v10  }
0x307: {  	v35 =	vld [tilespmem:s18+$0xFFFFFF80];
	[tilespmem:s19+$0xFFFFFF90] =	vst v17;
	v59 =	vmul.f32 v11, v11;
	v60 =	vmul.f32 v9, v9;
	v17 =	vadd.f32 v55, v54  }
0x308: {  	v28 =	vld [tilespmem:s18+$0xFFFFFF90];
	[tilespmem:s19+$0xFFFFFFA0] =	vst v20;
	v20 =	vadd.f32 v31, v56;
	v61 =	vmul.f32 v6, v6;
	v62 =	vmul.f32 v7, v7  }
0x309: {  	v30 =	vld [tilespmem:s18+$0xFFFFFFC0];
	[tilespmem:s19+$0xFFFFFFB0] =	vst v16;
	v16 =	vmul.f32 v8, v8;
	v15 =	vadd.f32 v17, v15;
	v17 =	vmul.f32 v37, v37  }
0x30a: {  	v18 =	vmul.f32 v14, v18;
	[tilespmem:s19+$0xFFFFFFC0] =	vst v19;
	v31 =	vld [tilespmem:s18+$0xFFFFFFD0];
	v19 =	vadd.f32 v58, v57;
	v38 =	vadd.f32 v60, v59  }
0x30b: {  	v13 =	vmul.f32 v14, v13;
	v29 =	vld [tilespmem:s18+$0xFFFFFFA0];
	[tilespmem:s19+$0xFFFFFFD0] =	vst v51;
	v14 =	vadd.f32 v62, v61;
	v16 =	vadd.f32 v17, v16  }
0x30c: {  	v50 =	vmul.f32 v32, v32;
	[tilespmem:s19+$0xFFFFFFE0] =	vst v18;
	v51 =	vmul.f32 v33, v33;
	v18 =	vadd.f32 v38, v19  }
0x30d: {  	[tilespmem:s19+$0xFFFFFFF0] =	vst v13;
	v52 =	vmul.f32 v34, v34;
	v15 =	vadd.f32 v15, v20;
	v16 =	vadd.f32 v16, v14  }
0x30e: {  	v13 =	vld [tilespmem:s25+$0xFFFFFF80];
	v54 =	vmul.f32 v35, v35;
	v20 =	vmul.f32 v30, v30  }
0x30f: {  	v19 =	vld [tilespmem:s25+$0xFFFFFFB0];
	v48 =	vmul.f32 v31, v31;
	v49 =	vperm.xlane v15, v2;
	v16 =	vadd.f32 v16, v18  }
0x310: {  	v41 =	vadd.f32 v51, v50;
	v63 =	vmul.f32 v29, v29;
	v17 =	vmul.f32 v28, v28;
	v14 =	vld [tilespmem:s25+$0xFFFFFF90]  }
0x311: {  	v39 =	vadd.f32 v48, v20;
	v20 =	vld [tilespmem:s25+$0xFFFFFFC0];
	v40 =	vadd.f32 v15, v49;
	v53 =	vperm.xlane v16, v2  }
0x312: {  	v38 =	vadd.f32 v52, v63;
	v45 =	vadd.f32 v17, v54;
	v17 =	vld [tilespmem:s25+$0xFFFFFFE0]  }
0x313: {  	v18 =	vld [tilespmem:s25+$0xFFFFFFA0];
	v55 =	vperm.xlane v40, v3;
	v56 =	vadd.f32 v16, v53  }
0x314: {  	v57 =	vmul.f32 v13, v13;
	v15 =	vld [tilespmem:s25+$0xFFFFFFD0];
	v39 =	vadd.f32 v41, v39;
	v38 =	vadd.f32 v38, v45  }
0x315: {  	v61 =	vmul.f32 v19, v19;
	v16 =	vld [tilespmem:s25+$0xFFFFFFF0];
	v40 =	vadd.f32 v40, v55;
	v59 =	vperm.xlane v56, v3  }
0x316: {  	v38 =	vadd.f32 v39, v38;
	v58 =	vmul.f32 v14, v14;
	v62 =	vmul.f32 v20, v20  }
0x317: {  	v53 =	vmul.f32 v17, v17;
	v63 =	vperm.xlane v40, v4;
	v42 =	vadd.f32 v56, v59  }
0x318: {  	v55 =	vperm.xlane v38, v2;
	v60 =	vmul.f32 v18, v18  }
0x319: {  	v41 =	vadd.f32 v58, v57;
	v40 =	vadd.f32 v40, v63;
	v54 =	vperm.xlane v42, v4  }
0x31a: {  	v52 =	vmul.f32 v15, v15;
	v38 =	vadd.f32 v38, v55;
	v56 =	vmul.f32 v16, v16  }
0x31b: {  	v45 =	vadd.f32 v61, v60;
	v57 =	vperm.xlane v40, v5;
	v42 =	vadd.f32 v42, v54  }
0x31c: {  	v39 =	vadd.f32 v52, v62;
	v43 =	vadd.f32 v56, v53  }
0x31d: {  	v40 =	vadd.f32 v40, v57;
	v44 =	vperm.xlane v42, v5  }
0x31e: {  	v58 =	vperm.xlane v38, v3;
	v41 =	vadd.f32 v45, v41;
	v39 =	vadd.f32 v43, v39  }
0x31f: {  	v59 =	vshra.s32 v40, $0x1;
	v40 =	vmul.f32 $5.000000000e-01, v40;
	v42 =	vadd.f32 v42, v44  }
0x320: {  	v38 =	vadd.f32 v38, v58;
	v43 =	vsub.s32 $0x5F3759DF, v59;
	v39 =	vadd.f32 v39, v41  }
0x321: {  	v60 =	vmul.f32 v43, v40;
	v44 =	vshra.s32 v42, $0x1;
	v61 =	vmul.f32 $5.000000000e-01, v42  }
0x322: {  	v62 =	vperm.xlane v38, v4;
	v63 =	vperm.xlane v39, v2;
	v44 =	vsub.s32 $0x5F3759DF, v44  }
0x323: {  	v41 =	vmul.f32 v43, v60;
	v48 =	vmul.f32 v44, v61  }
0x324: {  	v38 =	vadd.f32 v38, v62;
	v39 =	vadd.f32 v39, v63  }
0x325: {  	v41 =	vsub.f32 $1.500000000e+00, v41;
	v49 =	vmul.f32 v44, v48  }
0x326: {  	v50 =	vperm.xlane v38, v5;
	v51 =	vperm.xlane v39, v3  }
0x327: {  	v41 =	vmul.f32 v43, v41;
	v42 =	vsub.f32 $1.500000000e+00, v49  }
0x328: {  	v38 =	vadd.f32 v38, v50;
	v39 =	vadd.f32 v39, v51  }
0x329: {  	v40 =	vmul.f32 v41, v40;
	v52 =	vmul.f32 v44, v42  }
0x32a: {  	v53 =	vshra.s32 v38, $0x1;
	v54 =	vperm.xlane v39, v4;
	v42 =	vmul.f32 $5.000000000e-01, v38  }
0x32b: {  	v44 =	vsub.s32 $0x5F3759DF, v53;
	v40 =	vmul.f32 v40, v41;
	v45 =	vmul.f32 v52, v61  }
0x32c: {  	v38 =	vadd.f32 v39, v54;
	v55 =	vmul.f32 v44, v42  }
0x32d: {  	v56 =	vsub.f32 $1.500000000e+00, v40;
	v57 =	vmul.f32 v45, v52  }
0x32e: {  	v59 =	vperm.xlane v38, v5;
	v58 =	vmul.f32 v44, v55  }
0x32f: {  	v41 =	vmul.f32 v56, v41;
	v60 =	vsub.f32 $1.500000000e+00, v57  }
0x330: {  	v38 =	vadd.f32 v38, v59;
	v61 =	vsub.f32 $1.500000000e+00, v58  }
0x331: {  	v62 =	vmul.f32 v41, v27;
	v27 =	vmul.f32 v60, v52  }
0x332: {  	v63 =	vshra.s32 v38, $0x1;
	v43 =	vmul.f32 v44, v61;
	v44 =	vmul.f32 v41, v36  }
0x333: {  	s29 =	simm.s32 $0x2;
	s12 =	simm.s32 $0xE588;
	s19 =	simm.s32 $0x10B88;
	v39 =	vmul.f32 $5.000000000e-01, v38;
	[tilespmem:s18+$0x0] =	vst v62;
	v40 =	vsub.s32 $0x5F3759DF, v63;
	v38 =	vmul.f32 v27, v37  }
.LBB2_18:
0x334: {  	v36 =	vld [tilespmem:s12+$0x0];
	v42 =	vmul.f32 v43, v42;
	[tilespmem:s18+$0x10] =	vst v44;
	v44 =	vmul.f32 v41, v21  }
0x335: {  	v45 =	vmul.f32 v41, v23;
	v37 =	vld [tilespmem:s12+$0x10];
	v46 =	vmul.f32 v40, v39;
	[tilespmem:s25+$0x70] =	vst v38  }
0x336: {  	v21 =	vld [tilespmem:s12+$0x20];
	v38 =	vmul.f32 v42, v43;
	[tilespmem:s18+$0x20] =	vst v44;
	v42 =	vmul.f32 v41, v22  }
0x337: {  	v44 =	vmul.f32 v41, v24;
	v23 =	vld [tilespmem:s12+$0x30];
	[tilespmem:s18+$0x30] =	vst v45;
	v45 =	vmul.f32 v40, v46  }
0x338: {  	v46 =	vmul.f32 v27, v12;
	v22 =	vld [tilespmem:s12+$0x40];
	v38 =	vsub.f32 $1.500000000e+00, v38;
	[tilespmem:s18+$0x40] =	vst v42;
	v42 =	vmul.f32 v41, v25  }
0x339: {  	v12 =	vmul.f32 v41, v26;
	v24 =	vld [tilespmem:s12+$0x50];
	[tilespmem:s18+$0x50] =	vst v44;
	v41 =	vsub.f32 $1.500000000e+00, v45;
	v44 =	vmul.f32 v27, v10  }
0x33a: {  	v25 =	vld [tilespmem:s12+$0x60];
	v38 =	vmul.f32 v38, v43;
	[tilespmem:s18+$0x60] =	vst v42;
	v42 =	vmul.f32 v27, v11  }
0x33b: {  	s25 =	sadd.s32 $0x100, s25;
	v45 =	vmul.f32 v27, v9;
	v26 =	vld [tilespmem:s12+$0x70];
	[tilespmem:s18+$0x70] =	vst v12;
	v43 =	vmul.f32 v40, v41  }
0x33c: {  	v9 =	vmul.f32 v38, v35;
	v28 =	vmul.f32 v38, v28;
	v12 =	vld [tilespmem:s25+$0x0];
	[tilespmem:s19+$0x0] =	vst v46  }
0x33d: {  	v29 =	vmul.f32 v38, v29;
	v34 =	vmul.f32 v38, v34;
	v10 =	vld [tilespmem:s25+$0x10];
	[tilespmem:s19+$0x10] =	vst v44  }
0x33e: {  	v30 =	vmul.f32 v38, v30;
	v31 =	vmul.f32 v38, v31;
	[tilespmem:s18+$0xFFFFFF80] =	vst v9;
	v11 =	vld [tilespmem:s25+$0x20]  }
0x33f: {  	v32 =	vmul.f32 v38, v32;
	v33 =	vmul.f32 v38, v33;
	[tilespmem:s18+$0xFFFFFF90] =	vst v28;
	v9 =	vld [tilespmem:s25+$0x30]  }
0x340: {  	v35 =	vmul.f32 v36, v36;
	v44 =	vmul.f32 v43, v39;
	[tilespmem:s18+$0xFFFFFFA0] =	vst v29;
	v41 =	vld [tilespmem:s25+$0x40]  }
0x341: {  	v46 =	vmul.f32 v21, v21;
	v29 =	vmul.f32 v37, v37;
	[tilespmem:s18+$0xFFFFFFB0] =	vst v34;
	v39 =	vld [tilespmem:s25+$0x50]  }
0x342: {  	v47 =	vmul.f32 v22, v22;
	v34 =	vmul.f32 v23, v23;
	[tilespmem:s18+$0xFFFFFFC0] =	vst v30;
	v40 =	vld [tilespmem:s25+$0x60]  }
0x343: {  	v48 =	vmul.f32 v25, v25;
	v30 =	vmul.f32 v24, v24;
	[tilespmem:s18+$0xFFFFFFD0] =	vst v31;
	v38 =	vld [tilespmem:s25+$0x70]  }
0x344: {  	v35 =	vadd.f32 v29, v35;
	v31 =	vmul.f32 v26, v26;
	v46 =	vadd.f32 v34, v46;
	v28 =	vld [tilespmem:s12+$0xFFFFFF90];
	[tilespmem:s18+$0xFFFFFFE0] =	vst v32  }
0x345: {  	v32 =	vadd.f32 v30, v47;
	v47 =	vmul.f32 v10, v10;
	v29 =	vld [tilespmem:s12+$0xFFFFFFA0];
	[tilespmem:s18+$0xFFFFFFF0] =	vst v33;
	v33 =	vmul.f32 v12, v12;
	s18 =	smov.u32 s12  }
0x346: {  	v49 =	vmul.f32 v11, v11;
	v50 =	vmul.f32 v9, v9;
	v48 =	vadd.f32 v31, v48;
	v34 =	vld [tilespmem:s12+$0xFFFFFFB0];
	[tilespmem:s19+$0x20] =	vst v42  }
0x347: {  	v42 =	vadd.f32 v46, v35;
	v35 =	vmul.f32 v41, v41;
	v46 =	vmul.f32 v39, v39;
	v30 =	vld [tilespmem:s12+$0xFFFFFFC0];
	[tilespmem:s19+$0x30] =	vst v45  }
0x348: {  	v45 =	vadd.f32 v48, v32;
	v48 =	vmul.f32 v40, v40;
	v31 =	vld [tilespmem:s12+$0xFFFFFFD0];
	v51 =	vmul.f32 v38, v38  }
0x349: {  	v49 =	vadd.f32 v50, v49;
	v47 =	vadd.f32 v47, v33;
	v32 =	vld [tilespmem:s12+$0xFFFFFFE0];
	v52 =	vmul.f32 v28, v28  }
0x34a: {  	v46 =	vadd.f32 v46, v35;
	v33 =	vld [tilespmem:s12+$0xFFFFFFF0];
	v50 =	vmul.f32 v29, v29;
	v48 =	vadd.f32 v51, v48  }
0x34b: {  	v44 =	vmul.f32 v44, v43;
	v42 =	vadd.f32 v45, v42;
	v35 =	vld [tilespmem:s12+$0xFFFFFF80];
	v51 =	vmul.f32 v34, v34  }
0x34c: {  	v47 =	vadd.f32 v49, v47;
	v45 =	vmul.f32 v30, v30;
	v53 =	vld [tilespmem:s25+$0xFFFFFF80];
	v46 =	vadd.f32 v48, v46  }
0x34d: {  	v44 =	vsub.f32 $1.500000000e+00, v44;
	v48 =	vmul.f32 v31, v31;
	v49 =	vadd.f32 v51, v50;
	v50 =	vld [tilespmem:s25+$0xFFFFFF90]  }
0x34e: {  	v54 =	vperm.xlane v42, v2;
	v51 =	vmul.f32 v32, v32;
	v55 =	vld [tilespmem:s25+$0xFFFFFFA0];
	v46 =	vadd.f32 v46, v47  }
0x34f: {  	v43 =	vmul.f32 v44, v43;
	v47 =	vmul.f32 v33, v33;
	v45 =	vadd.f32 v48, v45;
	v48 =	vld [tilespmem:s25+$0xFFFFFFB0]  }
0x350: {  	s29 =	sadd.s32 $0x2, s29;
	v42 =	vadd.f32 v42, v54;
	v44 =	vmul.f32 v35, v35;
	v54 =	vld [tilespmem:s25+$0xFFFFFFC0];
	v56 =	vperm.xlane v46, v2  }
0x351: {  	p5 =	slt.u32 s29, $0x4E;
	v58 =	vmul.f32 v43, v13;
	v47 =	vadd.f32 v47, v51;
	v51 =	vld [tilespmem:s25+$0xFFFFFFD0];
	v57 =	vmul.f32 v53, v53;
	v13 =	vmovc v53  }
0x352: {  	v44 =	vadd.f32 v52, v44;
	v52 =	vperm.xlane v42, v3;
	v53 =	vld [tilespmem:s25+$0xFFFFFFE0];
	v46 =	vadd.f32 v46, v56  }
0x353: {  	v56 =	vmul.f32 v50, v50;
	v45 =	vadd.f32 v47, v45;
	v47 =	vld [tilespmem:s25+$0xFFFFFFF0];
	v59 =	vmul.f32 v55, v55;
	[tilespmem:s19+$0xFFFFFF80] =	vst v58  }
0x354: {  	v44 =	vadd.f32 v49, v44;
	v42 =	vadd.f32 v42, v52;
	v49 =	vperm.xlane v46, v3  }
0x355: {  	v52 =	vmul.f32 v48, v48;
	v56 =	vadd.f32 v56, v57;
	v58 =	vmul.f32 v54, v54  }
0x356: {  	v44 =	vadd.f32 v45, v44;
	v45 =	vperm.xlane v42, v4;
	v46 =	vadd.f32 v46, v49  }
0x357: {  	v49 =	vmul.f32 v51, v51;
	v52 =	vadd.f32 v52, v59;
	v57 =	vmul.f32 v53, v53  }
0x358: {  	v59 =	vperm.xlane v44, v2;
	v42 =	vadd.f32 v42, v45;
	v45 =	vperm.xlane v46, v4  }
0x359: {  	v60 =	vmul.f32 v47, v47;
	v49 =	vadd.f32 v49, v58;
	v52 =	vadd.f32 v52, v56  }
0x35a: {  	v44 =	vadd.f32 v44, v59;
	v56 =	vperm.xlane v42, v5;
	v45 =	vadd.f32 v46, v45  }
0x35b: {  	v58 =	vmul.f32 v43, v18;
	v46 =	vadd.f32 v60, v57;
	v57 =	vmul.f32 v43, v14;
	v14 =	vmovc v50  }
0x35c: {  	v18 =	vmovc v55;
	v50 =	vperm.xlane v44, v3;
	v42 =	vadd.f32 v42, v56;
	v56 =	vperm.xlane v45, v5  }
0x35d: {  	v55 =	vmul.f32 v43, v20;
	v46 =	vadd.f32 v46, v49;
	v49 =	vmul.f32 v43, v19;
	[tilespmem:s19+$0xFFFFFF90] =	vst v57  }
0x35e: {  	v20 =	vmovc v54;
	v19 =	vmovc v48;
	v57 =	vshra.s32 v42, $0x1;
	v42 =	vmul.f32 $5.000000000e-01, v42;
	v45 =	vadd.f32 v45, v56;
	[tilespmem:s19+$0xFFFFFFA0] =	vst v58  }
0x35f: {  	v44 =	vadd.f32 v44, v50;
	v46 =	vadd.f32 v46, v52;
	v48 =	vsub.s32 $0x5F3759DF, v57;
	[tilespmem:s19+$0xFFFFFFB0] =	vst v49  }
0x360: {  	v49 =	vmul.f32 v48, v42;
	v50 =	vshra.s32 v45, $0x1;
	v45 =	vmul.f32 $5.000000000e-01, v45;
	[tilespmem:s19+$0xFFFFFFC0] =	vst v55  }
0x361: {  	v52 =	vperm.xlane v44, v4;
	v54 =	vperm.xlane v46, v2;
	v50 =	vsub.s32 $0x5F3759DF, v50  }
0x362: {  	v49 =	vmul.f32 v48, v49;
	v55 =	vmul.f32 v50, v45  }
0x363: {  	v44 =	vadd.f32 v44, v52;
	v46 =	vadd.f32 v46, v54;
	v52 =	vmul.f32 v43, v15;
	v15 =	vmovc v51  }
0x364: {  	v54 =	vmul.f32 v43, v17;
	v17 =	vmovc v53;
	v49 =	vsub.f32 $1.500000000e+00, v49;
	v51 =	vmul.f32 v50, v55  }
0x365: {  	v53 =	vperm.xlane v44, v5;
	v55 =	vperm.xlane v46, v3;
	[tilespmem:s19+$0xFFFFFFD0] =	vst v52  }
0x366: {  	v43 =	vmul.f32 v43, v16;
	v16 =	vmovc v47;
	v48 =	vmul.f32 v48, v49;
	v49 =	vsub.f32 $1.500000000e+00, v51;
	[tilespmem:s19+$0xFFFFFFE0] =	vst v54  }
0x367: {  	v47 =	vmul.f32 v27, v6;
	v6 =	vmovc v41;
	v44 =	vadd.f32 v44, v53;
	v46 =	vadd.f32 v46, v55  }
0x368: {  	v41 =	vmul.f32 v48, v42;
	v49 =	vmul.f32 v50, v49;
	[tilespmem:s19+$0xFFFFFFF0] =	vst v43  }
0x369: {  	v43 =	vshra.s32 v44, $0x1;
	v42 =	vmul.f32 $5.000000000e-01, v44;
	v44 =	vperm.xlane v46, v4;
	[tilespmem:s19+$0x40] =	vst v47  }
0x36a: {  	v43 =	vsub.s32 $0x5F3759DF, v43;
	v41 =	vmul.f32 v41, v48;
	v45 =	vmul.f32 v49, v45  }
0x36b: {  	v47 =	vmul.f32 v43, v42;
	v44 =	vadd.f32 v46, v44;
	v46 =	vmul.f32 v27, v7;
	v7 =	vmovc v39  }
0x36c: {  	v27 =	vmul.f32 v27, v8;
	v8 =	vmovc v40;
	v39 =	vsub.f32 $1.500000000e+00, v41;
	v45 =	vmul.f32 v45, v49  }
0x36d: {  	v40 =	vmul.f32 v43, v47;
	v47 =	vperm.xlane v44, v5;
	[tilespmem:s19+$0x50] =	vst v46  }
.Ltmp11:
0x36e: {  	v41 =	vmul.f32 v39, v48;
	v39 =	vsub.f32 $1.500000000e+00, v45;
	[tilespmem:s19+$0x60] =	vst v27;
	s19 =	smov.u32 s25;
	(pc) =	sbr.rel @p5 .LBB2_18-.Ltmp11, $4  }
0x36f: {  	v40 =	vsub.f32 $1.500000000e+00, v40;
	v45 =	vadd.f32 v44, v47  }
0x370: {  	v36 =	vmul.f32 v41, v36;
	v27 =	vmul.f32 v39, v49  }
0x371: {  	v43 =	vmul.f32 v43, v40;
	v44 =	vmul.f32 v41, v37;
	v37 =	vshra.s32 v45, $0x1  }
0x372: {  	s12 =	sadd.s32 $0x100, s12;
	v39 =	vmul.f32 $5.000000000e-01, v45;
	v40 =	vsub.s32 $0x5F3759DF, v37;
	[tilespmem:s18+$0x0] =	vst v36;
	v38 =	vmul.f32 v27, v38  }
0x373: {  	v36 =	vmul.f32 v43, v42;
	_ =	sdelay $0x1  }
0x374: {  	v21 =	vmul.f32 v41, v21;
	v36 =	vmul.f32 v36, v43  }
0x375: {  	[tilespmem:s18+$0x10] =	vst v44;
	v23 =	vmul.f32 v41, v23  }
0x376: {  	[tilespmem:s18+$0x20] =	vst v21;
	v21 =	vmul.f32 v41, v22;
	v22 =	vsub.f32 $1.500000000e+00, v36  }
0x377: {  	[tilespmem:s18+$0x30] =	vst v23;
	v23 =	vmul.f32 v41, v24  }
0x378: {  	[tilespmem:s18+$0x40] =	vst v21;
	v21 =	vmul.f32 v41, v25;
	v22 =	vmul.f32 v22, v43  }
0x379: {  	[tilespmem:s18+$0x50] =	vst v23;
	v23 =	vmul.f32 v41, v26  }
0x37a: {  	[tilespmem:s18+$0x60] =	vst v21;
	v21 =	vmul.f32 v22, v35  }
0x37b: {  	s12 =	sadd.s32 $0x100, s25;
	[tilespmem:s18+$0x70] =	vst v23;
	v23 =	vmul.f32 v22, v28  }
0x37c: {  	v24 =	vld [tilespmem:s12+$0x0];
	v28 =	vmul.f32 v22, v29;
	[tilespmem:s18+$0xFFFFFF80] =	vst v21  }
0x37d: {  	v25 =	vld [tilespmem:s12+$0x10];
	v29 =	vmul.f32 v22, v31;
	[tilespmem:s18+$0xFFFFFF90] =	vst v23  }
0x37e: {  	v26 =	vld [tilespmem:s12+$0x20];
	v31 =	vmul.f32 v22, v33;
	[tilespmem:s18+$0xFFFFFFA0] =	vst v28  }
0x37f: {  	v21 =	vmul.f32 v22, v34;
	v28 =	vld [tilespmem:s12+$0x30];
	[tilespmem:s18+$0xFFFFFFD0] =	vst v29  }
0x380: {  	v23 =	vmul.f32 v22, v30;
	v30 =	vmul.f32 v22, v32;
	v22 =	vld [tilespmem:s12+$0x50];
	[tilespmem:s18+$0xFFFFFFF0] =	vst v31  }
0x381: {  	v29 =	vld [tilespmem:s12+$0x70];
	[tilespmem:s18+$0xFFFFFFB0] =	vst v21  }
0x382: {  	v21 =	vld [tilespmem:s12+$0x40];
	[tilespmem:s18+$0xFFFFFFC0] =	vst v23  }
0x383: {  	v23 =	vld [tilespmem:s12+$0x60];
	[tilespmem:s18+$0xFFFFFFE0] =	vst v30  }
0x384: {  	v30 =	vld [tilespmem:s12+$0xFFFFFF80]  }
0x385: {  	v31 =	vld [tilespmem:s12+$0xFFFFFF90]  }
0x386: {  	v32 =	vld [tilespmem:s12+$0xFFFFFFA0]  }
0x387: {  	v35 =	vld [tilespmem:s12+$0xFFFFFFB0]  }
0x388: {  	v53 =	vmul.f32 v24, v24;
	v54 =	vmul.f32 v25, v25;
	v41 =	vld [tilespmem:s12+$0xFFFFFFC0]  }
0x389: {  	v55 =	vmul.f32 v26, v26;
	v44 =	vld [tilespmem:s12+$0xFFFFFFD0];
	v37 =	vmul.f32 v28, v28  }
0x38a: {  	v47 =	vld [tilespmem:s12+$0xFFFFFFE0];
	v57 =	vmul.f32 v22, v22;
	v46 =	vmul.f32 v29, v29  }
0x38b: {  	v36 =	vld [tilespmem:s12+$0xFFFFFFF0];
	v33 =	vadd.f32 v54, v53;
	v56 =	vmul.f32 v21, v21;
	v45 =	vmul.f32 v23, v23  }
0x38c: {  	v58 =	vadd.f32 v37, v55;
	v61 =	vmul.f32 v30, v30;
	v62 =	vmul.f32 v31, v31  }
0x38d: {  	v63 =	vmul.f32 v32, v32;
	v59 =	vadd.f32 v57, v56;
	v60 =	vadd.f32 v46, v45  }
0x38e: {  	v52 =	vmul.f32 v35, v35;
	v53 =	vmul.f32 v41, v41  }
0x38f: {  	v48 =	vmul.f32 v44, v44;
	v33 =	vadd.f32 v58, v33;
	v37 =	vadd.f32 v60, v59  }
0x390: {  	v54 =	vmul.f32 v47, v47;
	v49 =	vmul.f32 v36, v36;
	v34 =	vadd.f32 v62, v61  }
0x391: {  	v42 =	vadd.f32 v52, v63;
	v33 =	vadd.f32 v37, v33  }
0x392: {  	v55 =	vadd.f32 v48, v53;
	v37 =	vadd.f32 v49, v54  }
0x393: {  	v56 =	vperm.xlane v33, v2  }
0x394: {  	v34 =	vadd.f32 v42, v34;
	v37 =	vadd.f32 v37, v55  }
0x395: {  	v33 =	vadd.f32 v33, v56  }
0x396: {  	v34 =	vadd.f32 v37, v34  }
0x397: {  	v57 =	vperm.xlane v33, v3  }
0x398: {  	v58 =	vperm.xlane v34, v2  }
0x399: {  	v33 =	vadd.f32 v33, v57  }
0x39a: {  	v59 =	vmul.f32 v40, v39;
	v34 =	vadd.f32 v34, v58  }
0x39b: {  	v60 =	vperm.xlane v33, v4  }
0x39c: {  	v37 =	vmul.f32 v40, v59;
	v61 =	vperm.xlane v34, v3  }
0x39d: {  	v33 =	vadd.f32 v33, v60  }
0x39e: {  	v37 =	vsub.f32 $1.500000000e+00, v37;
	v34 =	vadd.f32 v34, v61  }
0x39f: {  	v42 =	vperm.xlane v33, v5  }
0x3a0: {  	v37 =	vmul.f32 v40, v37;
	v62 =	vperm.xlane v34, v4  }
0x3a1: {  	v33 =	vadd.f32 v33, v42  }
0x3a2: {  	v63 =	vmul.f32 v37, v39;
	v34 =	vadd.f32 v34, v62  }
0x3a3: {  	v45 =	vshra.s32 v33, $0x1;
	v33 =	vmul.f32 $5.000000000e-01, v33  }
0x3a4: {  	v39 =	vmul.f32 v63, v37;
	v46 =	vperm.xlane v34, v5;
	v40 =	vsub.s32 $0x5F3759DF, v45  }
0x3a5: {  	v12 =	vmul.f32 v27, v12;
	v48 =	vmul.f32 v40, v33  }
0x3a6: {  	v10 =	vmul.f32 v27, v10;
	v39 =	vsub.f32 $1.500000000e+00, v39;
	v34 =	vadd.f32 v34, v46  }
0x3a7: {  	v11 =	vmul.f32 v27, v11;
	[tilespmem:s25+$0x70] =	vst v38;
	v49 =	vmul.f32 v40, v48  }
0x3a8: {  	[tilespmem:s19+$0x0] =	vst v12;
	v12 =	vmul.f32 v39, v37;
	v50 =	vshra.s32 v34, $0x1;
	v34 =	vmul.f32 $5.000000000e-01, v34  }
0x3a9: {  	v9 =	vmul.f32 v27, v9;
	[tilespmem:s19+$0x10] =	vst v10;
	v37 =	vsub.s32 $0x5F3759DF, v50;
	v10 =	vsub.f32 $1.500000000e+00, v49  }
0x3aa: {  	[tilespmem:s19+$0x20] =	vst v11;
	v11 =	vmul.f32 v12, v13;
	v13 =	vmul.f32 v37, v34  }
0x3ab: {  	[tilespmem:s19+$0x30] =	vst v9;
	v9 =	vmul.f32 v12, v14;
	v10 =	vmul.f32 v40, v10  }
0x3ac: {  	[tilespmem:s19+$0xFFFFFF80] =	vst v11;
	v11 =	vmul.f32 v12, v18;
	v13 =	vmul.f32 v37, v13  }
0x3ad: {  	[tilespmem:s19+$0xFFFFFF90] =	vst v9;
	v9 =	vmul.f32 v12, v19;
	v14 =	vmul.f32 v10, v33  }
0x3ae: {  	v6 =	vmul.f32 v27, v6;
	v7 =	vmul.f32 v27, v7;
	[tilespmem:s19+$0xFFFFFFA0] =	vst v11;
	v11 =	vsub.f32 $1.500000000e+00, v13  }
0x3af: {  	[tilespmem:s19+$0xFFFFFFB0] =	vst v9;
	v9 =	vmul.f32 v12, v15;
	v13 =	vmul.f32 v14, v10  }
0x3b0: {  	[tilespmem:s19+$0x40] =	vst v6;
	v18 =	vmul.f32 v12, v20;
	v11 =	vmul.f32 v37, v11  }
0x3b1: {  	[tilespmem:s19+$0xFFFFFFD0] =	vst v9;
	v9 =	vmul.f32 v12, v16;
	v14 =	vmul.f32 v12, v17;
	v12 =	vsub.f32 $1.500000000e+00, v13  }
0x3b2: {  	v6 =	vmul.f32 v27, v8;
	[tilespmem:s19+$0x50] =	vst v7;
	v13 =	vmul.f32 v11, v34  }
0x3b3: {  	[tilespmem:s19+$0xFFFFFFF0] =	vst v9;
	v9 =	vmul.f32 v12, v10  }
0x3b4: {  	[tilespmem:s19+$0x60] =	vst v6;
	v8 =	vmul.f32 v13, v11  }
0x3b5: {  	[tilespmem:s19+$0xFFFFFFC0] =	vst v18;
	v7 =	vmul.f32 v9, v29  }
0x3b6: {  	[tilespmem:s19+$0xFFFFFFE0] =	vst v14;
	v6 =	vmul.f32 v9, v24;
	v8 =	vsub.f32 $1.500000000e+00, v8  }
0x3b7: {  	v10 =	vmul.f32 v9, v26;
	[tilespmem:s12+$0x70] =	vst v7  }
0x3b8: {  	v7 =	vmul.f32 v9, v25;
	[tilespmem:s12+$0x0] =	vst v6;
	v6 =	vmul.f32 v8, v11  }
0x3b9: {  	v8 =	vmul.f32 v9, v28;
	[tilespmem:s12+$0x20] =	vst v10  }
0x3ba: {  	[tilespmem:s12+$0x10] =	vst v7;
	v7 =	vmul.f32 v6, v30  }
0x3bb: {  	[tilespmem:s12+$0x30] =	vst v8;
	v8 =	vmul.f32 v6, v31  }
0x3bc: {  	v10 =	vmul.f32 v6, v41;
	[tilespmem:s12+$0xFFFFFF80] =	vst v7  }
0x3bd: {  	v7 =	vmul.f32 v6, v32;
	[tilespmem:s12+$0xFFFFFF90] =	vst v8  }
0x3be: {  	v8 =	vmul.f32 v6, v35;
	[tilespmem:s12+$0xFFFFFFC0] =	vst v10  }
0x3bf: {  	[tilespmem:s12+$0xFFFFFFA0] =	vst v7;
	v7 =	vmul.f32 v6, v44  }
0x3c0: {  	[tilespmem:s12+$0xFFFFFFB0] =	vst v8;
	v8 =	vmul.f32 v6, v47  }
0x3c1: {  	v6 =	vmul.f32 v6, v36;
	[tilespmem:s12+$0xFFFFFFD0] =	vst v7  }
0x3c2: {  	[tilespmem:s12+$0xFFFFFFE0] =	vst v8;
	v7 =	vmul.f32 v9, v21  }
0x3c3: {  	[tilespmem:s12+$0xFFFFFFF0] =	vst v6;
	v6 =	vmul.f32 v9, v22  }
0x3c4: {  	[tilespmem:s12+$0x40] =	vst v7;
	v7 =	vmul.f32 v9, v23  }
0x3c5: {  	[tilespmem:s12+$0x50] =	vst v6  }
0x3c6: {  	[tilespmem:s12+$0x60] =	vst v7  }
0x3c7: {  	[spmem:s4] =	stream.indirect.scatter.add.f32 [tilespmem:s28], [sflag:$0x7], $0x80, s31, s8, $0xb8;
	[tilespmem:$0x1C728] =	vst v63  }
0x3c8: {  	s29 =	simm.s32 $0x10B08  }
0x3c9: {  	[spmem:s5] =	stream.indirect.scatter.add.f32 [tilespmem:s29], [sflag:$0x7], $0x80, s31, s8, $0xb8;
	[tilespmem:$0x1C728] =	vst v63  }
0x3ca: {  	_ = 	snop  }
0x3cb: {  	[spmem:s6] =	stream.indirect.scatter.add.f32 [tilespmem:s11], [sflag:$0x7], $0x10, s31, s8, $0xb8;
	[tilespmem:$0x1C728] =	vst v63  }
0x3cc: {  	_ =	swait.ge [sflag:s30], $0x2800  }
0x3cd: {  	[sflag:s30] =	ssyncset.done $0x0  }
0x3ce: {  	[sflag:s30] =	ssyncadd.s32 $0xFFFFD800  }
0x3cf: {  	_ =	swait.ge [sflag:s30], $0x2800  }
0x3d0: {  	[sflag:s30] =	ssyncset.done $0x0  }
0x3d1: {  	[sflag:s30] =	ssyncadd.s32 $0xFFFFD800  }
0x3d2: {  	_ =	swait.ge [sflag:s30], $0x500  }
0x3d3: {  	s12 =	sld [smem:$0x7FD];
	_ =	sdelay $0x1  }
0x3d4: {  	p5 =	seq.s32 s20, $0x1E  }
0x3d5: {  	s12 =	sadd.s32 @!p5 s24, s12  }
0x3d6: {  	s18 =	sshll.u32 @!p5 s12, $0x4  }
0x3d7: {  	s25 =	simm.s32 @!p5 $0x92B8;
	[sflag:s30] =	ssyncset.done $0x0;
	s18 =	sand.u32 @!p5 $0x1FFFFF00, s18  }
0x3d8: {  	[sflag:s30] =	ssyncadd.s32 $0xFFFFFB00;
	s24 =	simm.s32 @!p5 $0x0;
	s19 =	sadd.s32 @!p5 s0, s18  }
0x3d9: {  	[tilespmem:s25], [sflag:$0x2] =	stream.linear.gather @!p5 [hbm4b:s19+s24], $0x2800, $0x38;
	[tilespmem:$0x1C728] =	vst v63  }
0x3da: {  	s12 =	sshrl.u32 @!p5 s12, $0x3;
	s18 =	sadd.s32 @!p5 s1, s18;
	s19 =	simm.s32 @!p5 $0xBAB8  }
0x3db: {  	[tilespmem:s19], [sflag:$0x2] =	stream.linear.gather @!p5 [hbm4b:s18+s24], $0x2800, $0x38;
	[tilespmem:$0x1C728] =	vst v63  }
0x3dc: {  	s12 =	sadd.s32 @!p5 s3, s12;
	s18 =	simm.s32 @!p5 $0xE2B8  }
0x3dd: {  	[tilespmem:s18], [sflag:$0x2] =	stream.linear.gather @!p5 [hbm4b:s12+s24], $0x50, $0x38;
	[tilespmem:$0x1C728] =	vst v63  }
0x3de: {  	_ =	swait.ge [sflag:s9], $0x2800  }
0x3df: {  	[sflag:s9] =	ssyncset.done $0x0  }
0x3e0: {  	[sflag:s9] =	ssyncadd.s32 $0xFFFFD800  }
0x3e1: {  	_ =	swait.ge [sflag:s9], $0x2800  }
0x3e2: {  	[sflag:s9] =	ssyncset.done $0x0  }
0x3e3: {  	[sflag:s9] =	ssyncadd.s32 $0xFFFFD800  }
0x3e4: {  	_ =	swait.ge [sflag:s9], $0x50  }
0x3e5: {  	[sflag:s9] =	ssyncset.done $0x0  }
0x3e6: {  	s25 =	simm.s32 $0x133D8;
	[sflag:s9] =	ssyncadd.s32 $0xFFFFFFB0  }
0x3e7: {  	v6 =	vld [tilespmem:s25+$0x0]  }
0x3e8: {  	v7 =	vld [tilespmem:s25+$0x10]  }
0x3e9: {  	v8 =	vld [tilespmem:s25+$0x20]  }
0x3ea: {  	v9 =	vld [tilespmem:s25+$0x30]  }
0x3eb: {  	v10 =	vld [tilespmem:s25+$0x40]  }
0x3ec: {  	v11 =	vld [tilespmem:s25+$0x50]  }
0x3ed: {  	v12 =	vld [tilespmem:s25+$0x60]  }
0x3ee: {  	v14 =	vld [tilespmem:s25+$0x70];
	_ =	sdelay $0x1  }
0x3ef: {  	v13 =	vmul.f32 v6, v6;
	v15 =	vmul.f32 v7, v7  }
0x3f0: {  	v16 =	vmul.f32 v8, v8;
	v17 =	vmul.f32 v9, v9  }
0x3f1: {  	v20 =	vld [tilespmem:s25+$0xFFFFFF90];
	v18 =	vmul.f32 v10, v10;
	v19 =	vmul.f32 v11, v11  }
0x3f2: {  	v28 =	vld [tilespmem:s25+$0xFFFFFFA0];
	v21 =	vmul.f32 v12, v12;
	v22 =	vmul.f32 v14, v14  }
0x3f3: {  	v29 =	vld [tilespmem:s25+$0xFFFFFFD0];
	v13 =	vadd.f32 v15, v13;
	v15 =	vadd.f32 v17, v16  }
0x3f4: {  	v30 =	vld [tilespmem:s25+$0xFFFFFF80];
	v17 =	vadd.f32 v19, v18;
	v18 =	vadd.f32 v22, v21  }
0x3f5: {  	v16 =	vld [tilespmem:s25+$0xFFFFFFB0]  }
0x3f6: {  	v19 =	vld [tilespmem:s25+$0xFFFFFFC0];
	v15 =	vadd.f32 v15, v13;
	v17 =	vadd.f32 v18, v17  }
0x3f7: {  	v18 =	vld [tilespmem:s25+$0xFFFFFFE0]  }
0x3f8: {  	v13 =	vld [tilespmem:s25+$0xFFFFFFF0];
	v15 =	vadd.f32 v17, v15  }
0x3f9: {  	v25 =	vmul.f32 v29, v29  }
0x3fa: {  	v27 =	vmul.f32 v30, v30;
	v22 =	vperm.xlane v15, v2  }
0x3fb: {  	v21 =	vmul.f32 v28, v28;
	v17 =	vmul.f32 v20, v20  }
0x3fc: {  	v23 =	vmul.f32 v16, v16;
	v24 =	vmul.f32 v19, v19;
	v15 =	vadd.f32 v15, v22  }
0x3fd: {  	v26 =	vmul.f32 v18, v18;
	v22 =	vmul.f32 v13, v13  }
0x3fe: {  	v21 =	vadd.f32 v23, v21;
	v23 =	vadd.f32 v25, v24;
	v24 =	vperm.xlane v15, v3  }
0x3ff: {  	v17 =	vadd.f32 v17, v27;
	v22 =	vadd.f32 v22, v26  }
0x400: {  	v15 =	vadd.f32 v15, v24  }
0x401: {  	v17 =	vadd.f32 v21, v17;
	v22 =	vadd.f32 v22, v23  }
0x402: {  	v21 =	vperm.xlane v15, v4  }
0x403: {  	v17 =	vadd.f32 v22, v17  }
0x404: {  	v15 =	vadd.f32 v15, v21  }
0x405: {  	v21 =	vperm.xlane v17, v2  }
0x406: {  	v22 =	vperm.xlane v15, v5  }
0x407: {  	v17 =	vadd.f32 v17, v21  }
0x408: {  	v15 =	vadd.f32 v15, v22  }
0x409: {  	v21 =	vperm.xlane v17, v3  }
0x40a: {  	v22 =	vshra.s32 v15, $0x1;
	v15 =	vmul.f32 $5.000000000e-01, v15  }
0x40b: {  	v17 =	vadd.f32 v17, v21;
	v21 =	vsub.s32 $0x5F3759DF, v22  }
0x40c: {  	v22 =	vmul.f32 v21, v15  }
0x40d: {  	v23 =	vperm.xlane v17, v4  }
0x40e: {  	v22 =	vmul.f32 v21, v22  }
0x40f: {  	v17 =	vadd.f32 v17, v23  }
0x410: {  	v22 =	vsub.f32 $1.500000000e+00, v22  }
0x411: {  	v23 =	vperm.xlane v17, v5  }
0x412: {  	v21 =	vmul.f32 v21, v22  }
0x413: {  	v17 =	vadd.f32 v17, v23  }
0x414: {  	v15 =	vmul.f32 v21, v15  }
0x415: {  	v22 =	vshra.s32 v17, $0x1;
	v17 =	vmul.f32 $5.000000000e-01, v17  }
0x416: {  	v22 =	vsub.s32 $0x5F3759DF, v22;
	v15 =	vmul.f32 v15, v21  }
0x417: {  	v23 =	vmul.f32 v22, v17  }
0x418: {  	v15 =	vsub.f32 $1.500000000e+00, v15  }
0x419: {  	v23 =	vmul.f32 v22, v23  }
0x41a: {  	v15 =	vmul.f32 v15, v21  }
0x41b: {  	v21 =	vsub.f32 $1.500000000e+00, v23  }
0x41c: {  	s18 =	simm.s32 $0x134D8;
	v6 =	vmul.f32 v15, v6  }
0x41d: {  	v36 =	vld [tilespmem:s18+$0x10];
	v26 =	vmul.f32 v22, v21;
	v7 =	vmul.f32 v15, v7  }
0x41e: {  	v32 =	vld [tilespmem:s18+$0xFFFFFFE0];
	[tilespmem:s25+$0x0] =	vst v6;
	v6 =	vmul.f32 v15, v8  }
0x41f: {  	v27 =	vld [tilespmem:s18+$0x0];
	v8 =	vmul.f32 v26, v17;
	[tilespmem:s25+$0x10] =	vst v7;
	v7 =	vmul.f32 v15, v9  }
0x420: {  	v25 =	vld [tilespmem:s18+$0x60];
	[tilespmem:s25+$0x20] =	vst v6;
	v6 =	vmul.f32 v15, v10  }
0x421: {  	v24 =	vld [tilespmem:s18+$0x50];
	v8 =	vmul.f32 v8, v26;
	[tilespmem:s25+$0x30] =	vst v7;
	v7 =	vmul.f32 v15, v11  }
0x422: {  	v23 =	vld [tilespmem:s18+$0x30];
	[tilespmem:s25+$0x40] =	vst v6;
	v6 =	vmul.f32 v15, v12  }
0x423: {  	v21 =	vld [tilespmem:s18+$0x20];
	v8 =	vsub.f32 $1.500000000e+00, v8;
	[tilespmem:s25+$0x50] =	vst v7;
	v7 =	vmul.f32 v15, v14  }
0x424: {  	v22 =	vld [tilespmem:s18+$0x40];
	[tilespmem:s25+$0x60] =	vst v6  }
0x425: {  	s24 =	simm.s32 $0x15BD8;
	v14 =	vmul.f32 v8, v26;
	v26 =	vld [tilespmem:s18+$0x70];
	[tilespmem:s25+$0x70] =	vst v7  }
0x426: {  	v10 =	vld [tilespmem:s24+$0x0]  }
0x427: {  	v54 =	vmul.f32 v25, v25;
	v11 =	vld [tilespmem:s24+$0x10]  }
0x428: {  	v53 =	vmul.f32 v24, v24;
	v31 =	vmul.f32 v23, v23;
	v12 =	vld [tilespmem:s24+$0x20]  }
0x429: {  	v52 =	vmul.f32 v22, v22;
	v9 =	vld [tilespmem:s24+$0x30];
	v15 =	vmul.f32 v14, v30  }
0x42a: {  	v6 =	vld [tilespmem:s24+$0x40];
	v17 =	vmul.f32 v14, v20;
	v20 =	vmul.f32 v14, v28  }
0x42b: {  	v7 =	vld [tilespmem:s24+$0x50];
	v51 =	vmul.f32 v14, v29;
	v28 =	vmul.f32 v27, v27  }
0x42c: {  	v8 =	vld [tilespmem:s24+$0x60];
	v29 =	vmul.f32 v36, v36;
	v30 =	vmul.f32 v21, v21  }
0x42d: {  	v37 =	vld [tilespmem:s24+$0x70];
	v16 =	vmul.f32 v14, v16;
	v19 =	vmul.f32 v14, v19  }
0x42e: {  	v33 =	vld [tilespmem:s18+$0xFFFFFFF0];
	v56 =	vadd.f32 v29, v28;
	v31 =	vadd.f32 v31, v30;
	v55 =	vmul.f32 v26, v26  }
0x42f: {  	v34 =	vld [tilespmem:s18+$0xFFFFFFB0];
	[tilespmem:s25+$0xFFFFFF80] =	vst v15;
	v15 =	vadd.f32 v53, v52;
	v57 =	vmul.f32 v10, v10;
	v58 =	vmul.f32 v11, v11  }
0x430: {  	v35 =	vld [tilespmem:s18+$0xFFFFFF80];
	[tilespmem:s25+$0xFFFFFF90] =	vst v17;
	v59 =	vmul.f32 v12, v12;
	v60 =	vmul.f32 v9, v9;
	v17 =	vadd.f32 v55, v54  }
0x431: {  	v28 =	vld [tilespmem:s18+$0xFFFFFF90];
	[tilespmem:s25+$0xFFFFFFA0] =	vst v20;
	v20 =	vadd.f32 v31, v56;
	v61 =	vmul.f32 v6, v6;
	v62 =	vmul.f32 v7, v7  }
0x432: {  	v30 =	vld [tilespmem:s18+$0xFFFFFFC0];
	[tilespmem:s25+$0xFFFFFFB0] =	vst v16;
	v16 =	vmul.f32 v8, v8;
	v15 =	vadd.f32 v17, v15;
	v17 =	vmul.f32 v37, v37  }
0x433: {  	v18 =	vmul.f32 v14, v18;
	[tilespmem:s25+$0xFFFFFFC0] =	vst v19;
	v31 =	vld [tilespmem:s18+$0xFFFFFFD0];
	v19 =	vadd.f32 v58, v57;
	v38 =	vadd.f32 v60, v59  }
0x434: {  	v13 =	vmul.f32 v14, v13;
	v29 =	vld [tilespmem:s18+$0xFFFFFFA0];
	[tilespmem:s25+$0xFFFFFFD0] =	vst v51;
	v14 =	vadd.f32 v62, v61;
	v16 =	vadd.f32 v17, v16  }
0x435: {  	v50 =	vmul.f32 v32, v32;
	[tilespmem:s25+$0xFFFFFFE0] =	vst v18;
	v51 =	vmul.f32 v33, v33;
	v18 =	vadd.f32 v38, v19  }
0x436: {  	[tilespmem:s25+$0xFFFFFFF0] =	vst v13;
	v52 =	vmul.f32 v34, v34;
	v15 =	vadd.f32 v15, v20;
	v16 =	vadd.f32 v16, v14  }
0x437: {  	v13 =	vld [tilespmem:s24+$0xFFFFFF80];
	v54 =	vmul.f32 v35, v35;
	v20 =	vmul.f32 v30, v30  }
0x438: {  	v19 =	vld [tilespmem:s24+$0xFFFFFFB0];
	v48 =	vmul.f32 v31, v31;
	v49 =	vperm.xlane v15, v2;
	v16 =	vadd.f32 v16, v18  }
0x439: {  	v41 =	vadd.f32 v51, v50;
	v63 =	vmul.f32 v29, v29;
	v17 =	vmul.f32 v28, v28;
	v14 =	vld [tilespmem:s24+$0xFFFFFF90]  }
0x43a: {  	v39 =	vadd.f32 v48, v20;
	v20 =	vld [tilespmem:s24+$0xFFFFFFC0];
	v40 =	vadd.f32 v15, v49;
	v53 =	vperm.xlane v16, v2  }
0x43b: {  	v38 =	vadd.f32 v52, v63;
	v45 =	vadd.f32 v17, v54;
	v17 =	vld [tilespmem:s24+$0xFFFFFFE0]  }
0x43c: {  	v18 =	vld [tilespmem:s24+$0xFFFFFFA0];
	v55 =	vperm.xlane v40, v3;
	v56 =	vadd.f32 v16, v53  }
0x43d: {  	v57 =	vmul.f32 v13, v13;
	v15 =	vld [tilespmem:s24+$0xFFFFFFD0];
	v39 =	vadd.f32 v41, v39;
	v38 =	vadd.f32 v38, v45  }
0x43e: {  	v61 =	vmul.f32 v19, v19;
	v16 =	vld [tilespmem:s24+$0xFFFFFFF0];
	v40 =	vadd.f32 v40, v55;
	v59 =	vperm.xlane v56, v3  }
0x43f: {  	v38 =	vadd.f32 v39, v38;
	v58 =	vmul.f32 v14, v14;
	v62 =	vmul.f32 v20, v20  }
0x440: {  	v53 =	vmul.f32 v17, v17;
	v63 =	vperm.xlane v40, v4;
	v42 =	vadd.f32 v56, v59  }
0x441: {  	v55 =	vperm.xlane v38, v2;
	v60 =	vmul.f32 v18, v18  }
0x442: {  	v41 =	vadd.f32 v58, v57;
	v40 =	vadd.f32 v40, v63;
	v54 =	vperm.xlane v42, v4  }
0x443: {  	v52 =	vmul.f32 v15, v15;
	v38 =	vadd.f32 v38, v55;
	v56 =	vmul.f32 v16, v16  }
0x444: {  	v45 =	vadd.f32 v61, v60;
	v57 =	vperm.xlane v40, v5;
	v42 =	vadd.f32 v42, v54  }
0x445: {  	v39 =	vadd.f32 v52, v62;
	v43 =	vadd.f32 v56, v53  }
0x446: {  	v40 =	vadd.f32 v40, v57;
	v44 =	vperm.xlane v42, v5  }
0x447: {  	v58 =	vperm.xlane v38, v3;
	v41 =	vadd.f32 v45, v41;
	v39 =	vadd.f32 v43, v39  }
0x448: {  	v59 =	vshra.s32 v40, $0x1;
	v40 =	vmul.f32 $5.000000000e-01, v40;
	v42 =	vadd.f32 v42, v44  }
0x449: {  	v38 =	vadd.f32 v38, v58;
	v43 =	vsub.s32 $0x5F3759DF, v59;
	v39 =	vadd.f32 v39, v41  }
0x44a: {  	v60 =	vmul.f32 v43, v40;
	v44 =	vshra.s32 v42, $0x1;
	v61 =	vmul.f32 $5.000000000e-01, v42  }
0x44b: {  	v62 =	vperm.xlane v38, v4;
	v63 =	vperm.xlane v39, v2;
	v44 =	vsub.s32 $0x5F3759DF, v44  }
0x44c: {  	v41 =	vmul.f32 v43, v60;
	v48 =	vmul.f32 v44, v61  }
0x44d: {  	v38 =	vadd.f32 v38, v62;
	v39 =	vadd.f32 v39, v63  }
0x44e: {  	v41 =	vsub.f32 $1.500000000e+00, v41;
	v49 =	vmul.f32 v44, v48  }
0x44f: {  	v50 =	vperm.xlane v38, v5;
	v51 =	vperm.xlane v39, v3  }
0x450: {  	v41 =	vmul.f32 v43, v41;
	v42 =	vsub.f32 $1.500000000e+00, v49  }
0x451: {  	v38 =	vadd.f32 v38, v50;
	v39 =	vadd.f32 v39, v51  }
0x452: {  	v40 =	vmul.f32 v41, v40;
	v52 =	vmul.f32 v44, v42  }
0x453: {  	v53 =	vshra.s32 v38, $0x1;
	v54 =	vperm.xlane v39, v4;
	v42 =	vmul.f32 $5.000000000e-01, v38  }
0x454: {  	v44 =	vsub.s32 $0x5F3759DF, v53;
	v40 =	vmul.f32 v40, v41;
	v45 =	vmul.f32 v52, v61  }
0x455: {  	v38 =	vadd.f32 v39, v54;
	v55 =	vmul.f32 v44, v42  }
0x456: {  	v56 =	vsub.f32 $1.500000000e+00, v40;
	v57 =	vmul.f32 v45, v52  }
0x457: {  	v59 =	vperm.xlane v38, v5;
	v58 =	vmul.f32 v44, v55  }
0x458: {  	v41 =	vmul.f32 v56, v41;
	v60 =	vsub.f32 $1.500000000e+00, v57  }
0x459: {  	v38 =	vadd.f32 v38, v59;
	v61 =	vsub.f32 $1.500000000e+00, v58  }
0x45a: {  	v62 =	vmul.f32 v41, v27;
	v27 =	vmul.f32 v60, v52  }
0x45b: {  	v63 =	vshra.s32 v38, $0x1;
	v43 =	vmul.f32 v44, v61;
	v44 =	vmul.f32 v41, v36  }
0x45c: {  	s19 =	simm.s32 $0x15BD8;
	s12 =	simm.s32 $0x135D8;
	s25 =	simm.s32 $0x2;
	v39 =	vmul.f32 $5.000000000e-01, v38;
	[tilespmem:s18+$0x0] =	vst v62;
	v40 =	vsub.s32 $0x5F3759DF, v63;
	v38 =	vmul.f32 v27, v37  }
.LBB2_20:
0x45d: {  	v36 =	vld [tilespmem:s12+$0x0];
	v42 =	vmul.f32 v43, v42;
	[tilespmem:s18+$0x10] =	vst v44;
	v44 =	vmul.f32 v41, v21  }
0x45e: {  	v45 =	vmul.f32 v41, v23;
	v37 =	vld [tilespmem:s12+$0x10];
	v46 =	vmul.f32 v40, v39;
	[tilespmem:s24+$0x70] =	vst v38  }
0x45f: {  	v21 =	vld [tilespmem:s12+$0x20];
	v38 =	vmul.f32 v42, v43;
	[tilespmem:s18+$0x20] =	vst v44;
	v42 =	vmul.f32 v41, v22  }
0x460: {  	v44 =	vmul.f32 v41, v24;
	v23 =	vld [tilespmem:s12+$0x30];
	[tilespmem:s18+$0x30] =	vst v45;
	v45 =	vmul.f32 v40, v46  }
0x461: {  	v46 =	vmul.f32 v27, v10;
	v22 =	vld [tilespmem:s12+$0x40];
	v38 =	vsub.f32 $1.500000000e+00, v38;
	[tilespmem:s18+$0x40] =	vst v42;
	v42 =	vmul.f32 v41, v25  }
0x462: {  	v10 =	vmul.f32 v41, v26;
	v24 =	vld [tilespmem:s12+$0x50];
	[tilespmem:s18+$0x50] =	vst v44;
	v41 =	vsub.f32 $1.500000000e+00, v45;
	v44 =	vmul.f32 v27, v11  }
0x463: {  	v25 =	vld [tilespmem:s12+$0x60];
	v38 =	vmul.f32 v38, v43;
	[tilespmem:s18+$0x60] =	vst v42;
	v42 =	vmul.f32 v27, v12  }
0x464: {  	s24 =	sadd.s32 $0x100, s24;
	v45 =	vmul.f32 v27, v9;
	v26 =	vld [tilespmem:s12+$0x70];
	[tilespmem:s18+$0x70] =	vst v10;
	v43 =	vmul.f32 v40, v41  }
0x465: {  	v9 =	vmul.f32 v38, v35;
	v28 =	vmul.f32 v38, v28;
	v10 =	vld [tilespmem:s24+$0x0];
	[tilespmem:s19+$0x0] =	vst v46  }
0x466: {  	v29 =	vmul.f32 v38, v29;
	v34 =	vmul.f32 v38, v34;
	v11 =	vld [tilespmem:s24+$0x10];
	[tilespmem:s19+$0x10] =	vst v44  }
0x467: {  	v30 =	vmul.f32 v38, v30;
	v31 =	vmul.f32 v38, v31;
	[tilespmem:s18+$0xFFFFFF80] =	vst v9;
	v12 =	vld [tilespmem:s24+$0x20]  }
0x468: {  	v32 =	vmul.f32 v38, v32;
	v33 =	vmul.f32 v38, v33;
	[tilespmem:s18+$0xFFFFFF90] =	vst v28;
	v9 =	vld [tilespmem:s24+$0x30]  }
0x469: {  	v35 =	vmul.f32 v36, v36;
	v44 =	vmul.f32 v43, v39;
	[tilespmem:s18+$0xFFFFFFA0] =	vst v29;
	v41 =	vld [tilespmem:s24+$0x40]  }
0x46a: {  	v46 =	vmul.f32 v21, v21;
	v29 =	vmul.f32 v37, v37;
	[tilespmem:s18+$0xFFFFFFB0] =	vst v34;
	v39 =	vld [tilespmem:s24+$0x50]  }
0x46b: {  	v47 =	vmul.f32 v22, v22;
	v34 =	vmul.f32 v23, v23;
	[tilespmem:s18+$0xFFFFFFC0] =	vst v30;
	v40 =	vld [tilespmem:s24+$0x60]  }
0x46c: {  	v48 =	vmul.f32 v25, v25;
	v30 =	vmul.f32 v24, v24;
	[tilespmem:s18+$0xFFFFFFD0] =	vst v31;
	v38 =	vld [tilespmem:s24+$0x70]  }
0x46d: {  	v35 =	vadd.f32 v29, v35;
	v31 =	vmul.f32 v26, v26;
	v46 =	vadd.f32 v34, v46;
	v28 =	vld [tilespmem:s12+$0xFFFFFF90];
	[tilespmem:s18+$0xFFFFFFE0] =	vst v32  }
0x46e: {  	v32 =	vadd.f32 v30, v47;
	v47 =	vmul.f32 v11, v11;
	v29 =	vld [tilespmem:s12+$0xFFFFFFA0];
	[tilespmem:s18+$0xFFFFFFF0] =	vst v33;
	v33 =	vmul.f32 v10, v10;
	s18 =	smov.u32 s12  }
0x46f: {  	v49 =	vmul.f32 v12, v12;
	v50 =	vmul.f32 v9, v9;
	v48 =	vadd.f32 v31, v48;
	v34 =	vld [tilespmem:s12+$0xFFFFFFB0];
	[tilespmem:s19+$0x20] =	vst v42  }
0x470: {  	v42 =	vadd.f32 v46, v35;
	v35 =	vmul.f32 v41, v41;
	v46 =	vmul.f32 v39, v39;
	v30 =	vld [tilespmem:s12+$0xFFFFFFC0];
	[tilespmem:s19+$0x30] =	vst v45  }
0x471: {  	v45 =	vadd.f32 v48, v32;
	v48 =	vmul.f32 v40, v40;
	v31 =	vld [tilespmem:s12+$0xFFFFFFD0];
	v51 =	vmul.f32 v38, v38  }
0x472: {  	v49 =	vadd.f32 v50, v49;
	v47 =	vadd.f32 v47, v33;
	v32 =	vld [tilespmem:s12+$0xFFFFFFE0];
	v52 =	vmul.f32 v28, v28  }
0x473: {  	v46 =	vadd.f32 v46, v35;
	v33 =	vld [tilespmem:s12+$0xFFFFFFF0];
	v50 =	vmul.f32 v29, v29;
	v48 =	vadd.f32 v51, v48  }
0x474: {  	v44 =	vmul.f32 v44, v43;
	v42 =	vadd.f32 v45, v42;
	v35 =	vld [tilespmem:s12+$0xFFFFFF80];
	v51 =	vmul.f32 v34, v34  }
0x475: {  	v47 =	vadd.f32 v49, v47;
	v45 =	vmul.f32 v30, v30;
	v53 =	vld [tilespmem:s24+$0xFFFFFF80];
	v46 =	vadd.f32 v48, v46  }
0x476: {  	v44 =	vsub.f32 $1.500000000e+00, v44;
	v48 =	vmul.f32 v31, v31;
	v49 =	vadd.f32 v51, v50;
	v50 =	vld [tilespmem:s24+$0xFFFFFF90]  }
0x477: {  	v54 =	vperm.xlane v42, v2;
	v51 =	vmul.f32 v32, v32;
	v55 =	vld [tilespmem:s24+$0xFFFFFFA0];
	v46 =	vadd.f32 v46, v47  }
0x478: {  	v43 =	vmul.f32 v44, v43;
	v47 =	vmul.f32 v33, v33;
	v45 =	vadd.f32 v48, v45;
	v48 =	vld [tilespmem:s24+$0xFFFFFFB0]  }
0x479: {  	s25 =	sadd.s32 $0x2, s25;
	v42 =	vadd.f32 v42, v54;
	v44 =	vmul.f32 v35, v35;
	v54 =	vld [tilespmem:s24+$0xFFFFFFC0];
	v56 =	vperm.xlane v46, v2  }
0x47a: {  	p5 =	slt.u32 s25, $0x4E;
	v58 =	vmul.f32 v43, v13;
	v47 =	vadd.f32 v47, v51;
	v51 =	vld [tilespmem:s24+$0xFFFFFFD0];
	v57 =	vmul.f32 v53, v53;
	v13 =	vmovc v53  }
0x47b: {  	v44 =	vadd.f32 v52, v44;
	v52 =	vperm.xlane v42, v3;
	v53 =	vld [tilespmem:s24+$0xFFFFFFE0];
	v46 =	vadd.f32 v46, v56  }
0x47c: {  	v56 =	vmul.f32 v50, v50;
	v45 =	vadd.f32 v47, v45;
	v47 =	vld [tilespmem:s24+$0xFFFFFFF0];
	v59 =	vmul.f32 v55, v55;
	[tilespmem:s19+$0xFFFFFF80] =	vst v58  }
0x47d: {  	v44 =	vadd.f32 v49, v44;
	v42 =	vadd.f32 v42, v52;
	v49 =	vperm.xlane v46, v3  }
0x47e: {  	v52 =	vmul.f32 v48, v48;
	v56 =	vadd.f32 v56, v57;
	v58 =	vmul.f32 v54, v54  }
0x47f: {  	v44 =	vadd.f32 v45, v44;
	v45 =	vperm.xlane v42, v4;
	v46 =	vadd.f32 v46, v49  }
0x480: {  	v49 =	vmul.f32 v51, v51;
	v52 =	vadd.f32 v52, v59;
	v57 =	vmul.f32 v53, v53  }
0x481: {  	v59 =	vperm.xlane v44, v2;
	v42 =	vadd.f32 v42, v45;
	v45 =	vperm.xlane v46, v4  }
0x482: {  	v60 =	vmul.f32 v47, v47;
	v49 =	vadd.f32 v49, v58;
	v52 =	vadd.f32 v52, v56  }
0x483: {  	v44 =	vadd.f32 v44, v59;
	v56 =	vperm.xlane v42, v5;
	v45 =	vadd.f32 v46, v45  }
0x484: {  	v58 =	vmul.f32 v43, v18;
	v46 =	vadd.f32 v60, v57;
	v57 =	vmul.f32 v43, v14;
	v14 =	vmovc v50  }
0x485: {  	v18 =	vmovc v55;
	v50 =	vperm.xlane v44, v3;
	v42 =	vadd.f32 v42, v56;
	v56 =	vperm.xlane v45, v5  }
0x486: {  	v55 =	vmul.f32 v43, v20;
	v46 =	vadd.f32 v46, v49;
	v49 =	vmul.f32 v43, v19;
	[tilespmem:s19+$0xFFFFFF90] =	vst v57  }
0x487: {  	v20 =	vmovc v54;
	v19 =	vmovc v48;
	v57 =	vshra.s32 v42, $0x1;
	v42 =	vmul.f32 $5.000000000e-01, v42;
	v45 =	vadd.f32 v45, v56;
	[tilespmem:s19+$0xFFFFFFA0] =	vst v58  }
0x488: {  	v44 =	vadd.f32 v44, v50;
	v46 =	vadd.f32 v46, v52;
	v48 =	vsub.s32 $0x5F3759DF, v57;
	[tilespmem:s19+$0xFFFFFFB0] =	vst v49  }
0x489: {  	v49 =	vmul.f32 v48, v42;
	v50 =	vshra.s32 v45, $0x1;
	v45 =	vmul.f32 $5.000000000e-01, v45;
	[tilespmem:s19+$0xFFFFFFC0] =	vst v55  }
0x48a: {  	v52 =	vperm.xlane v44, v4;
	v54 =	vperm.xlane v46, v2;
	v50 =	vsub.s32 $0x5F3759DF, v50  }
0x48b: {  	v49 =	vmul.f32 v48, v49;
	v55 =	vmul.f32 v50, v45  }
0x48c: {  	v44 =	vadd.f32 v44, v52;
	v46 =	vadd.f32 v46, v54;
	v52 =	vmul.f32 v43, v15;
	v15 =	vmovc v51  }
0x48d: {  	v54 =	vmul.f32 v43, v17;
	v17 =	vmovc v53;
	v49 =	vsub.f32 $1.500000000e+00, v49;
	v51 =	vmul.f32 v50, v55  }
0x48e: {  	v53 =	vperm.xlane v44, v5;
	v55 =	vperm.xlane v46, v3;
	[tilespmem:s19+$0xFFFFFFD0] =	vst v52  }
0x48f: {  	v43 =	vmul.f32 v43, v16;
	v16 =	vmovc v47;
	v48 =	vmul.f32 v48, v49;
	v49 =	vsub.f32 $1.500000000e+00, v51;
	[tilespmem:s19+$0xFFFFFFE0] =	vst v54  }
0x490: {  	v47 =	vmul.f32 v27, v6;
	v6 =	vmovc v41;
	v44 =	vadd.f32 v44, v53;
	v46 =	vadd.f32 v46, v55  }
0x491: {  	v41 =	vmul.f32 v48, v42;
	v49 =	vmul.f32 v50, v49;
	[tilespmem:s19+$0xFFFFFFF0] =	vst v43  }
0x492: {  	v43 =	vshra.s32 v44, $0x1;
	v42 =	vmul.f32 $5.000000000e-01, v44;
	v44 =	vperm.xlane v46, v4;
	[tilespmem:s19+$0x40] =	vst v47  }
0x493: {  	v43 =	vsub.s32 $0x5F3759DF, v43;
	v41 =	vmul.f32 v41, v48;
	v45 =	vmul.f32 v49, v45  }
0x494: {  	v47 =	vmul.f32 v43, v42;
	v44 =	vadd.f32 v46, v44;
	v46 =	vmul.f32 v27, v7;
	v7 =	vmovc v39  }
0x495: {  	v27 =	vmul.f32 v27, v8;
	v8 =	vmovc v40;
	v39 =	vsub.f32 $1.500000000e+00, v41;
	v45 =	vmul.f32 v45, v49  }
0x496: {  	v40 =	vmul.f32 v43, v47;
	v47 =	vperm.xlane v44, v5;
	[tilespmem:s19+$0x50] =	vst v46  }
.Ltmp12:
0x497: {  	v41 =	vmul.f32 v39, v48;
	v39 =	vsub.f32 $1.500000000e+00, v45;
	[tilespmem:s19+$0x60] =	vst v27;
	s19 =	smov.u32 s24;
	(pc) =	sbr.rel @p5 .LBB2_20-.Ltmp12, $4  }
0x498: {  	v40 =	vsub.f32 $1.500000000e+00, v40;
	v45 =	vadd.f32 v44, v47  }
0x499: {  	v36 =	vmul.f32 v41, v36;
	v27 =	vmul.f32 v39, v49  }
0x49a: {  	v43 =	vmul.f32 v43, v40;
	v44 =	vmul.f32 v41, v37;
	v37 =	vshra.s32 v45, $0x1  }
0x49b: {  	s12 =	sadd.s32 $0x100, s12;
	v39 =	vmul.f32 $5.000000000e-01, v45;
	v40 =	vsub.s32 $0x5F3759DF, v37;
	[tilespmem:s18+$0x0] =	vst v36;
	v38 =	vmul.f32 v27, v38  }
0x49c: {  	v36 =	vmul.f32 v43, v42;
	_ =	sdelay $0x1  }
0x49d: {  	v21 =	vmul.f32 v41, v21;
	v36 =	vmul.f32 v36, v43  }
0x49e: {  	[tilespmem:s18+$0x10] =	vst v44;
	v23 =	vmul.f32 v41, v23  }
0x49f: {  	v62 =	vmul.f32 v41, v22;
	[tilespmem:s18+$0x20] =	vst v21;
	v63 =	vsub.f32 $1.500000000e+00, v36  }
0x4a0: {  	v37 =	vmul.f32 v41, v25;
	[tilespmem:s18+$0x30] =	vst v23  }
0x4a1: {  	[tilespmem:s18+$0x40] =	vst v62;
	v36 =	vmul.f32 v41, v24;
	v22 =	vmul.f32 v63, v43  }
0x4a2: {  	[tilespmem:s18+$0x60] =	vst v37;
	v41 =	vmul.f32 v41, v26  }
0x4a3: {  	[tilespmem:s18+$0x50] =	vst v36;
	v42 =	vmul.f32 v22, v35  }
0x4a4: {  	s12 =	sadd.s32 $0x100, s24;
	[tilespmem:s18+$0x70] =	vst v41;
	v43 =	vmul.f32 v22, v28  }
0x4a5: {  	v24 =	vld [tilespmem:s12+$0x0];
	v44 =	vmul.f32 v22, v29;
	[tilespmem:s18+$0xFFFFFF80] =	vst v42  }
0x4a6: {  	v25 =	vld [tilespmem:s12+$0x10];
	v45 =	vmul.f32 v22, v34;
	[tilespmem:s18+$0xFFFFFF90] =	vst v43  }
0x4a7: {  	v26 =	vld [tilespmem:s12+$0x20];
	v46 =	vmul.f32 v22, v30;
	[tilespmem:s18+$0xFFFFFFA0] =	vst v44  }
0x4a8: {  	v21 =	vld [tilespmem:s12+$0x40];
	v47 =	vmul.f32 v22, v31;
	[tilespmem:s18+$0xFFFFFFB0] =	vst v45  }
0x4a9: {  	v23 =	vld [tilespmem:s12+$0x60];
	v48 =	vmul.f32 v22, v32;
	[tilespmem:s18+$0xFFFFFFC0] =	vst v46  }
0x4aa: {  	v28 =	vld [tilespmem:s12+$0x30];
	v49 =	vmul.f32 v22, v33;
	[tilespmem:s18+$0xFFFFFFD0] =	vst v47  }
0x4ab: {  	v22 =	vld [tilespmem:s12+$0x50];
	[tilespmem:s18+$0xFFFFFFE0] =	vst v48  }
0x4ac: {  	v29 =	vld [tilespmem:s12+$0x70];
	[tilespmem:s18+$0xFFFFFFF0] =	vst v49  }
0x4ad: {  	v30 =	vld [tilespmem:s12+$0xFFFFFF80]  }
0x4ae: {  	v31 =	vld [tilespmem:s12+$0xFFFFFF90]  }
0x4af: {  	v32 =	vld [tilespmem:s12+$0xFFFFFFA0]  }
0x4b0: {  	v35 =	vld [tilespmem:s12+$0xFFFFFFB0]  }
0x4b1: {  	v41 =	vld [tilespmem:s12+$0xFFFFFFC0];
	v50 =	vmul.f32 v24, v24;
	v51 =	vmul.f32 v25, v25  }
0x4b2: {  	v44 =	vld [tilespmem:s12+$0xFFFFFFD0];
	v52 =	vmul.f32 v26, v26;
	v53 =	vmul.f32 v21, v21  }
0x4b3: {  	v47 =	vld [tilespmem:s12+$0xFFFFFFE0];
	v37 =	vmul.f32 v28, v28;
	v54 =	vmul.f32 v22, v22  }
0x4b4: {  	v36 =	vld [tilespmem:s12+$0xFFFFFFF0];
	v45 =	vmul.f32 v23, v23;
	v46 =	vmul.f32 v29, v29;
	v33 =	vadd.f32 v51, v50  }
0x4b5: {  	v55 =	vadd.f32 v37, v52;
	v56 =	vadd.f32 v54, v53;
	v58 =	vmul.f32 v30, v30  }
0x4b6: {  	v57 =	vadd.f32 v46, v45;
	v59 =	vmul.f32 v31, v31;
	v60 =	vmul.f32 v32, v32  }
0x4b7: {  	v61 =	vmul.f32 v35, v35;
	v62 =	vmul.f32 v41, v41  }
0x4b8: {  	v48 =	vmul.f32 v44, v44;
	v33 =	vadd.f32 v55, v33;
	v37 =	vadd.f32 v57, v56  }
0x4b9: {  	v63 =	vmul.f32 v47, v47;
	v49 =	vmul.f32 v36, v36;
	v34 =	vadd.f32 v59, v58  }
0x4ba: {  	v42 =	vadd.f32 v61, v60;
	v33 =	vadd.f32 v37, v33  }
0x4bb: {  	v48 =	vadd.f32 v48, v62;
	v37 =	vadd.f32 v49, v63  }
0x4bc: {  	v50 =	vperm.xlane v33, v2  }
0x4bd: {  	v34 =	vadd.f32 v42, v34;
	v37 =	vadd.f32 v37, v48  }
0x4be: {  	v33 =	vadd.f32 v33, v50  }
0x4bf: {  	v34 =	vadd.f32 v37, v34  }
0x4c0: {  	v51 =	vperm.xlane v33, v3  }
0x4c1: {  	v52 =	vperm.xlane v34, v2  }
0x4c2: {  	v33 =	vadd.f32 v33, v51  }
0x4c3: {  	v34 =	vadd.f32 v34, v52  }
0x4c4: {  	v53 =	vmul.f32 v40, v39;
	v54 =	vperm.xlane v33, v4  }
0x4c5: {  	v55 =	vperm.xlane v34, v3  }
0x4c6: {  	v37 =	vmul.f32 v40, v53;
	v33 =	vadd.f32 v33, v54  }
0x4c7: {  	v34 =	vadd.f32 v34, v55  }
0x4c8: {  	v37 =	vsub.f32 $1.500000000e+00, v37;
	v42 =	vperm.xlane v33, v5  }
0x4c9: {  	v43 =	vperm.xlane v34, v4  }
0x4ca: {  	v37 =	vmul.f32 v40, v37;
	v33 =	vadd.f32 v33, v42  }
0x4cb: {  	v34 =	vadd.f32 v34, v43  }
0x4cc: {  	v56 =	vmul.f32 v37, v39;
	v57 =	vshra.s32 v33, $0x1;
	v33 =	vmul.f32 $5.000000000e-01, v33  }
0x4cd: {  	v10 =	vmul.f32 v27, v10;
	v58 =	vperm.xlane v34, v5;
	v40 =	vsub.s32 $0x5F3759DF, v57  }
0x4ce: {  	v39 =	vmul.f32 v56, v37;
	v59 =	vmul.f32 v40, v33  }
0x4cf: {  	v11 =	vmul.f32 v27, v11;
	v12 =	vmul.f32 v27, v12;
	v34 =	vadd.f32 v34, v58  }
0x4d0: {  	v9 =	vmul.f32 v27, v9;
	[tilespmem:s24+$0x70] =	vst v38;
	v39 =	vsub.f32 $1.500000000e+00, v39;
	v60 =	vmul.f32 v40, v59  }
0x4d1: {  	v6 =	vmul.f32 v27, v6;
	[tilespmem:s19+$0x0] =	vst v10;
	v62 =	vshra.s32 v34, $0x1;
	v34 =	vmul.f32 $5.000000000e-01, v34  }
0x4d2: {  	[tilespmem:s19+$0x10] =	vst v11;
	v61 =	vmul.f32 v39, v37;
	v37 =	vsub.s32 $0x5F3759DF, v62;
	v63 =	vsub.f32 $1.500000000e+00, v60  }
0x4d3: {  	v7 =	vmul.f32 v27, v7;
	[tilespmem:s19+$0x20] =	vst v12;
	v42 =	vmul.f32 v37, v34  }
0x4d4: {  	[tilespmem:s19+$0x40] =	vst v6;
	v6 =	vmul.f32 v27, v8;
	v11 =	vmul.f32 v40, v63  }
0x4d5: {  	[tilespmem:s19+$0x30] =	vst v9;
	v39 =	vmul.f32 v61, v13;
	v13 =	vmul.f32 v37, v42  }
0x4d6: {  	[tilespmem:s19+$0x50] =	vst v7;
	v48 =	vmul.f32 v11, v33  }
0x4d7: {  	[tilespmem:s19+$0x60] =	vst v6;
	v43 =	vmul.f32 v61, v14;
	v50 =	vsub.f32 $1.500000000e+00, v13  }
0x4d8: {  	v45 =	vmul.f32 v61, v18;
	[tilespmem:s19+$0xFFFFFF80] =	vst v39;
	v52 =	vmul.f32 v48, v11  }
0x4d9: {  	v46 =	vmul.f32 v61, v19;
	[tilespmem:s19+$0xFFFFFF90] =	vst v43;
	v12 =	vmul.f32 v37, v50  }
0x4da: {  	v49 =	vmul.f32 v61, v20;
	[tilespmem:s19+$0xFFFFFFA0] =	vst v45;
	v55 =	vsub.f32 $1.500000000e+00, v52  }
0x4db: {  	v51 =	vmul.f32 v61, v15;
	[tilespmem:s19+$0xFFFFFFB0] =	vst v46;
	v56 =	vmul.f32 v12, v34  }
0x4dc: {  	v53 =	vmul.f32 v61, v17;
	[tilespmem:s19+$0xFFFFFFC0] =	vst v49;
	v57 =	vmul.f32 v55, v11  }
0x4dd: {  	v54 =	vmul.f32 v61, v16;
	[tilespmem:s19+$0xFFFFFFD0] =	vst v51;
	v58 =	vmul.f32 v56, v12  }
0x4de: {  	[tilespmem:s19+$0xFFFFFFE0] =	vst v53;
	v7 =	vmul.f32 v57, v29  }
0x4df: {  	[tilespmem:s19+$0xFFFFFFF0] =	vst v54;
	v6 =	vmul.f32 v57, v24;
	v8 =	vsub.f32 $1.500000000e+00, v58  }
0x4e0: {  	v10 =	vmul.f32 v57, v26;
	[tilespmem:s12+$0x70] =	vst v7  }
0x4e1: {  	v7 =	vmul.f32 v57, v25;
	[tilespmem:s12+$0x0] =	vst v6;
	v6 =	vmul.f32 v8, v12  }
0x4e2: {  	v59 =	vmul.f32 v57, v28;
	[tilespmem:s12+$0x20] =	vst v10  }
0x4e3: {  	[tilespmem:s12+$0x10] =	vst v7;
	v7 =	vmul.f32 v6, v30  }
0x4e4: {  	[tilespmem:s12+$0x30] =	vst v59;
	v60 =	vmul.f32 v6, v31  }
0x4e5: {  	v61 =	vmul.f32 v6, v35;
	[tilespmem:s12+$0xFFFFFF80] =	vst v7  }
0x4e6: {  	v62 =	vmul.f32 v6, v41;
	[tilespmem:s12+$0xFFFFFF90] =	vst v60  }
0x4e7: {  	v7 =	vmul.f32 v6, v32;
	[tilespmem:s12+$0xFFFFFFB0] =	vst v61  }
0x4e8: {  	v63 =	vmul.f32 v6, v47;
	[tilespmem:s12+$0xFFFFFFC0] =	vst v62  }
0x4e9: {  	[tilespmem:s12+$0xFFFFFFA0] =	vst v7;
	v7 =	vmul.f32 v6, v44  }
0x4ea: {  	[tilespmem:s12+$0xFFFFFFE0] =	vst v63;
	v6 =	vmul.f32 v6, v36  }
0x4eb: {  	[tilespmem:s12+$0xFFFFFFD0] =	vst v7;
	v7 =	vmul.f32 v57, v21  }
0x4ec: {  	[tilespmem:s12+$0xFFFFFFF0] =	vst v6;
	v6 =	vmul.f32 v57, v22  }
0x4ed: {  	[tilespmem:s12+$0x40] =	vst v7;
	v7 =	vmul.f32 v57, v23  }
0x4ee: {  	s20 =	sadd.s32 $0x1, s20;
	[tilespmem:s12+$0x50] =	vst v6  }
0x4ef: {  	s25 =	simm.s32 $0x13358;
	p5 =	sne.s32 s20, $0x1F;
	[tilespmem:s12+$0x60] =	vst v7  }
0x4f0: {  	[spmem:s4] =	stream.indirect.scatter.add.f32 [tilespmem:s25], [sflag:$0x8], $0x80, s14, s8, $0xb8;
	[tilespmem:$0x1C728] =	vst v63  }
.Ltmp13:
0x4f1: {  	_ = 	snop;
	(pc) =	sbr.rel @p5 .LBB2_13-.Ltmp13, $4  }
0x4f2: {  	_ = 	snop  }
0x4f3: {  	[spmem:s5] =	stream.indirect.scatter.add.f32 [tilespmem:s13], [sflag:$0x8], $0x80, s14, s8, $0xb8;
	[tilespmem:$0x1C728] =	vst v63  }
0x4f4: {  	_ = 	snop  }
0x4f5: {  	[spmem:s6] =	stream.indirect.scatter.add.f32 [tilespmem:s11], [sflag:$0x8], $0x10, s14, s8, $0xb8;
	[tilespmem:$0x1C728] =	vst v63  }
0x4f6: {  	s12 =	simm.s32 $0x7  }
0x4f7: {  	_ =	swait.ge [sflag:s12], $0x2800  }
0x4f8: {  	[sflag:s12] =	ssyncset.done $0x0  }
0x4f9: {  	[sflag:s12] =	ssyncadd.s32 $0xFFFFD800  }
0x4fa: {  	_ =	swait.ge [sflag:s12], $0x2800  }
0x4fb: {  	[sflag:s12] =	ssyncset.done $0x0  }
0x4fc: {  	[sflag:s12] =	ssyncadd.s32 $0xFFFFD800  }
0x4fd: {  	_ =	swait.ge [sflag:s12], $0x500  }
0x4fe: {  	[sflag:s12] =	ssyncset.done $0x0  }
0x4ff: {  	[sflag:s12] =	ssyncadd.s32 $0xFFFFFB00  }
0x500: {  	_ =	swait.ge [sflag:s2], $0x2800  }
0x501: {  	[sflag:s2] =	ssyncset.done $0x0  }
0x502: {  	[sflag:s2] =	ssyncadd.s32 $0xFFFFD800  }
0x503: {  	_ =	swait.ge [sflag:s2], $0x2800  }
0x504: {  	[sflag:s2] =	ssyncset.done $0x0  }
0x505: {  	[sflag:s2] =	ssyncadd.s32 $0xFFFFD800  }
0x506: {  	_ =	swait.ge [sflag:s2], $0x50  }
0x507: {  	[sflag:s2] =	ssyncset.done $0x0  }
0x508: {  	s25 =	simm.s32 $0x42E8;
	[sflag:s2] =	ssyncadd.s32 $0xFFFFFFB0  }
0x509: {  	v6 =	vld [tilespmem:s25+$0x0]  }
0x50a: {  	v7 =	vld [tilespmem:s25+$0x10]  }
0x50b: {  	v8 =	vld [tilespmem:s25+$0x20]  }
0x50c: {  	v9 =	vld [tilespmem:s25+$0x30]  }
0x50d: {  	v10 =	vld [tilespmem:s25+$0x40]  }
0x50e: {  	v11 =	vld [tilespmem:s25+$0x50]  }
0x50f: {  	v12 =	vld [tilespmem:s25+$0x60]  }
0x510: {  	v14 =	vld [tilespmem:s25+$0x70];
	_ =	sdelay $0x1  }
0x511: {  	v13 =	vmul.f32 v6, v6;
	v15 =	vmul.f32 v7, v7  }
0x512: {  	v16 =	vmul.f32 v8, v8;
	v17 =	vmul.f32 v9, v9  }
0x513: {  	v20 =	vld [tilespmem:s25+$0xFFFFFF90];
	v18 =	vmul.f32 v10, v10;
	v19 =	vmul.f32 v11, v11  }
0x514: {  	v28 =	vld [tilespmem:s25+$0xFFFFFFA0];
	v21 =	vmul.f32 v12, v12;
	v22 =	vmul.f32 v14, v14  }
0x515: {  	v29 =	vld [tilespmem:s25+$0xFFFFFFD0];
	v13 =	vadd.f32 v15, v13;
	v15 =	vadd.f32 v17, v16  }
0x516: {  	v30 =	vld [tilespmem:s25+$0xFFFFFF80];
	v17 =	vadd.f32 v19, v18;
	v18 =	vadd.f32 v22, v21  }
0x517: {  	v16 =	vld [tilespmem:s25+$0xFFFFFFB0]  }
0x518: {  	v19 =	vld [tilespmem:s25+$0xFFFFFFC0];
	v15 =	vadd.f32 v15, v13;
	v17 =	vadd.f32 v18, v17  }
0x519: {  	v18 =	vld [tilespmem:s25+$0xFFFFFFE0]  }
0x51a: {  	v13 =	vld [tilespmem:s25+$0xFFFFFFF0];
	v15 =	vadd.f32 v17, v15  }
0x51b: {  	v25 =	vmul.f32 v29, v29  }
0x51c: {  	v27 =	vmul.f32 v30, v30;
	v22 =	vperm.xlane v15, v2  }
0x51d: {  	v21 =	vmul.f32 v28, v28;
	v17 =	vmul.f32 v20, v20  }
0x51e: {  	v23 =	vmul.f32 v16, v16;
	v24 =	vmul.f32 v19, v19;
	v15 =	vadd.f32 v15, v22  }
0x51f: {  	v26 =	vmul.f32 v18, v18;
	v22 =	vmul.f32 v13, v13  }
0x520: {  	v21 =	vadd.f32 v23, v21;
	v23 =	vadd.f32 v25, v24;
	v24 =	vperm.xlane v15, v3  }
0x521: {  	v17 =	vadd.f32 v17, v27;
	v22 =	vadd.f32 v22, v26  }
0x522: {  	v15 =	vadd.f32 v15, v24  }
0x523: {  	v17 =	vadd.f32 v21, v17;
	v22 =	vadd.f32 v22, v23  }
0x524: {  	v21 =	vperm.xlane v15, v4  }
0x525: {  	v17 =	vadd.f32 v22, v17  }
0x526: {  	v15 =	vadd.f32 v15, v21  }
0x527: {  	v21 =	vperm.xlane v17, v2  }
0x528: {  	v22 =	vperm.xlane v15, v5  }
0x529: {  	v17 =	vadd.f32 v17, v21  }
0x52a: {  	v15 =	vadd.f32 v15, v22  }
0x52b: {  	v21 =	vperm.xlane v17, v3  }
0x52c: {  	v22 =	vshra.s32 v15, $0x1;
	v15 =	vmul.f32 $5.000000000e-01, v15  }
0x52d: {  	v17 =	vadd.f32 v17, v21;
	v21 =	vsub.s32 $0x5F3759DF, v22  }
0x52e: {  	v22 =	vmul.f32 v21, v15  }
0x52f: {  	v23 =	vperm.xlane v17, v4  }
0x530: {  	v22 =	vmul.f32 v21, v22  }
0x531: {  	v17 =	vadd.f32 v17, v23  }
0x532: {  	v22 =	vsub.f32 $1.500000000e+00, v22  }
0x533: {  	v23 =	vperm.xlane v17, v5  }
0x534: {  	v21 =	vmul.f32 v21, v22  }
0x535: {  	v17 =	vadd.f32 v17, v23  }
0x536: {  	v15 =	vmul.f32 v21, v15  }
0x537: {  	v22 =	vshra.s32 v17, $0x1;
	v17 =	vmul.f32 $5.000000000e-01, v17  }
0x538: {  	v22 =	vsub.s32 $0x5F3759DF, v22;
	v15 =	vmul.f32 v15, v21  }
0x539: {  	v23 =	vmul.f32 v22, v17  }
0x53a: {  	v15 =	vsub.f32 $1.500000000e+00, v15  }
0x53b: {  	v23 =	vmul.f32 v22, v23  }
0x53c: {  	v15 =	vmul.f32 v15, v21  }
0x53d: {  	v21 =	vsub.f32 $1.500000000e+00, v23  }
0x53e: {  	v6 =	vmul.f32 v15, v6  }
0x53f: {  	s18 =	simm.s32 $0x43E8;
	v26 =	vmul.f32 v22, v21;
	v7 =	vmul.f32 v15, v7  }
0x540: {  	v36 =	vld [tilespmem:s18+$0x10];
	[tilespmem:s25+$0x0] =	vst v6;
	v6 =	vmul.f32 v15, v8  }
0x541: {  	v27 =	vld [tilespmem:s18+$0x0];
	v8 =	vmul.f32 v26, v17;
	[tilespmem:s25+$0x10] =	vst v7;
	v7 =	vmul.f32 v15, v9  }
0x542: {  	v25 =	vld [tilespmem:s18+$0x60];
	[tilespmem:s25+$0x20] =	vst v6;
	v6 =	vmul.f32 v15, v10  }
0x543: {  	v24 =	vld [tilespmem:s18+$0x50];
	v8 =	vmul.f32 v8, v26;
	[tilespmem:s25+$0x30] =	vst v7;
	v7 =	vmul.f32 v15, v11  }
0x544: {  	v23 =	vld [tilespmem:s18+$0x30];
	[tilespmem:s25+$0x40] =	vst v6;
	v6 =	vmul.f32 v15, v12  }
0x545: {  	v21 =	vld [tilespmem:s18+$0x20];
	v8 =	vsub.f32 $1.500000000e+00, v8;
	[tilespmem:s25+$0x50] =	vst v7;
	v7 =	vmul.f32 v15, v14  }
0x546: {  	v22 =	vld [tilespmem:s18+$0x40];
	[tilespmem:s25+$0x60] =	vst v6  }
0x547: {  	s20 =	simm.s32 $0x6AE8;
	v14 =	vmul.f32 v8, v26;
	v26 =	vld [tilespmem:s18+$0x70];
	[tilespmem:s25+$0x70] =	vst v7  }
0x548: {  	v10 =	vld [tilespmem:s20+$0x0]  }
0x549: {  	v11 =	vld [tilespmem:s20+$0x10]  }
0x54a: {  	v12 =	vld [tilespmem:s20+$0x20]  }
0x54b: {  	v35 =	vmul.f32 v25, v25;
	v34 =	vmul.f32 v24, v24;
	v9 =	vld [tilespmem:s20+$0x30]  }
0x54c: {  	v31 =	vmul.f32 v23, v23;
	v6 =	vld [tilespmem:s20+$0x40];
	v17 =	vmul.f32 v14, v20  }
0x54d: {  	v7 =	vld [tilespmem:s20+$0x50];
	v20 =	vmul.f32 v14, v28;
	v33 =	vmul.f32 v14, v29  }
0x54e: {  	v8 =	vld [tilespmem:s20+$0x60];
	v28 =	vmul.f32 v27, v27;
	v29 =	vmul.f32 v36, v36  }
0x54f: {  	v37 =	vld [tilespmem:s20+$0x70];
	v15 =	vmul.f32 v14, v30;
	v30 =	vmul.f32 v21, v21  }
0x550: {  	v32 =	vmul.f32 v22, v22;
	v16 =	vmul.f32 v14, v16;
	v39 =	vadd.f32 v29, v28;
	v28 =	vld [tilespmem:s18+$0xFFFFFF90]  }
0x551: {  	v19 =	vmul.f32 v14, v19;
	v31 =	vadd.f32 v31, v30;
	[tilespmem:s25+$0xFFFFFF80] =	vst v15;
	v29 =	vld [tilespmem:s18+$0xFFFFFFA0];
	v38 =	vmul.f32 v26, v26  }
0x552: {  	v15 =	vadd.f32 v34, v32;
	[tilespmem:s25+$0xFFFFFF90] =	vst v17;
	v30 =	vld [tilespmem:s18+$0xFFFFFFC0];
	v50 =	vmul.f32 v10, v10;
	v40 =	vmul.f32 v11, v11  }
0x553: {  	[tilespmem:s25+$0xFFFFFFA0] =	vst v20;
	v32 =	vld [tilespmem:s18+$0xFFFFFFE0];
	v51 =	vmul.f32 v12, v12;
	v52 =	vmul.f32 v9, v9;
	v17 =	vadd.f32 v38, v35  }
0x554: {  	[tilespmem:s25+$0xFFFFFFD0] =	vst v33;
	v33 =	vld [tilespmem:s18+$0xFFFFFFF0];
	v20 =	vadd.f32 v31, v39;
	v53 =	vmul.f32 v6, v6;
	v41 =	vmul.f32 v7, v7  }
0x555: {  	[tilespmem:s25+$0xFFFFFFB0] =	vst v16;
	v34 =	vld [tilespmem:s18+$0xFFFFFFB0];
	v16 =	vmul.f32 v8, v8;
	v15 =	vadd.f32 v17, v15;
	v17 =	vmul.f32 v37, v37  }
0x556: {  	v18 =	vmul.f32 v14, v18;
	[tilespmem:s25+$0xFFFFFFC0] =	vst v19;
	v31 =	vld [tilespmem:s18+$0xFFFFFFD0];
	v19 =	vadd.f32 v40, v50;
	v38 =	vadd.f32 v52, v51  }
0x557: {  	v13 =	vmul.f32 v14, v13;
	v35 =	vld [tilespmem:s18+$0xFFFFFF80];
	v14 =	vadd.f32 v41, v53;
	v16 =	vadd.f32 v17, v16  }
0x558: {  	[tilespmem:s25+$0xFFFFFFE0] =	vst v18;
	v54 =	vmul.f32 v29, v29;
	v57 =	vmul.f32 v32, v32;
	v18 =	vadd.f32 v38, v19  }
0x559: {  	[tilespmem:s25+$0xFFFFFFF0] =	vst v13;
	v42 =	vmul.f32 v33, v33;
	v15 =	vadd.f32 v15, v20;
	v16 =	vadd.f32 v16, v14  }
0x55a: {  	v13 =	vld [tilespmem:s20+$0xFFFFFF80];
	v43 =	vmul.f32 v34, v34;
	v20 =	vmul.f32 v30, v30  }
0x55b: {  	v19 =	vld [tilespmem:s20+$0xFFFFFFB0];
	v55 =	vmul.f32 v31, v31;
	v56 =	vperm.xlane v15, v2;
	v16 =	vadd.f32 v16, v18  }
0x55c: {  	v17 =	vmul.f32 v28, v28;
	v45 =	vmul.f32 v35, v35;
	v14 =	vld [tilespmem:s20+$0xFFFFFF90]  }
0x55d: {  	v39 =	vadd.f32 v55, v20;
	v20 =	vld [tilespmem:s20+$0xFFFFFFC0];
	v40 =	vadd.f32 v15, v56;
	v44 =	vperm.xlane v16, v2  }
0x55e: {  	v41 =	vadd.f32 v42, v57;
	v45 =	vadd.f32 v17, v45;
	v17 =	vld [tilespmem:s20+$0xFFFFFFE0]  }
0x55f: {  	v38 =	vadd.f32 v43, v54;
	v18 =	vld [tilespmem:s20+$0xFFFFFFA0];
	v58 =	vperm.xlane v40, v3;
	v59 =	vadd.f32 v16, v44  }
0x560: {  	v60 =	vmul.f32 v13, v13;
	v15 =	vld [tilespmem:s20+$0xFFFFFFD0];
	v39 =	vadd.f32 v41, v39;
	v63 =	vmul.f32 v19, v19  }
0x561: {  	v38 =	vadd.f32 v38, v45;
	v16 =	vld [tilespmem:s20+$0xFFFFFFF0];
	v40 =	vadd.f32 v40, v58;
	v62 =	vperm.xlane v59, v3  }
0x562: {  	v61 =	vmul.f32 v14, v14;
	v47 =	vmul.f32 v20, v20  }
0x563: {  	v38 =	vadd.f32 v39, v38;
	v48 =	vperm.xlane v40, v4;
	v42 =	vadd.f32 v59, v62  }
0x564: {  	v53 =	vmul.f32 v17, v17;
	v46 =	vmul.f32 v18, v18;
	v41 =	vadd.f32 v61, v60  }
0x565: {  	v52 =	vmul.f32 v15, v15;
	v40 =	vadd.f32 v40, v48;
	v54 =	vperm.xlane v42, v4  }
0x566: {  	v55 =	vperm.xlane v38, v2;
	v45 =	vadd.f32 v63, v46;
	v56 =	vmul.f32 v16, v16  }
0x567: {  	v39 =	vadd.f32 v52, v47;
	v57 =	vperm.xlane v40, v5;
	v42 =	vadd.f32 v42, v54  }
0x568: {  	v38 =	vadd.f32 v38, v55;
	v43 =	vadd.f32 v56, v53  }
0x569: {  	v40 =	vadd.f32 v40, v57;
	v44 =	vperm.xlane v42, v5  }
0x56a: {  	v41 =	vadd.f32 v45, v41;
	v58 =	vperm.xlane v38, v3;
	v39 =	vadd.f32 v43, v39  }
0x56b: {  	v59 =	vshra.s32 v40, $0x1;
	v40 =	vmul.f32 $5.000000000e-01, v40;
	v42 =	vadd.f32 v42, v44  }
0x56c: {  	v38 =	vadd.f32 v38, v58;
	v43 =	vsub.s32 $0x5F3759DF, v59;
	v39 =	vadd.f32 v39, v41  }
0x56d: {  	v60 =	vmul.f32 v43, v40;
	v44 =	vshra.s32 v42, $0x1;
	v61 =	vmul.f32 $5.000000000e-01, v42  }
0x56e: {  	v62 =	vperm.xlane v38, v4;
	v63 =	vperm.xlane v39, v2;
	v44 =	vsub.s32 $0x5F3759DF, v44  }
0x56f: {  	v41 =	vmul.f32 v43, v60;
	v48 =	vmul.f32 v44, v61  }
0x570: {  	v38 =	vadd.f32 v38, v62;
	v39 =	vadd.f32 v39, v63  }
0x571: {  	v41 =	vsub.f32 $1.500000000e+00, v41;
	v49 =	vmul.f32 v44, v48  }
0x572: {  	v50 =	vperm.xlane v38, v5;
	v51 =	vperm.xlane v39, v3  }
0x573: {  	v41 =	vmul.f32 v43, v41;
	v42 =	vsub.f32 $1.500000000e+00, v49  }
0x574: {  	v38 =	vadd.f32 v38, v50;
	v39 =	vadd.f32 v39, v51  }
0x575: {  	v40 =	vmul.f32 v41, v40;
	v52 =	vmul.f32 v44, v42  }
0x576: {  	v53 =	vshra.s32 v38, $0x1;
	v54 =	vperm.xlane v39, v4;
	v42 =	vmul.f32 $5.000000000e-01, v38  }
0x577: {  	v44 =	vsub.s32 $0x5F3759DF, v53;
	v40 =	vmul.f32 v40, v41;
	v45 =	vmul.f32 v52, v61  }
0x578: {  	v38 =	vadd.f32 v39, v54;
	v55 =	vmul.f32 v44, v42  }
0x579: {  	v56 =	vsub.f32 $1.500000000e+00, v40;
	v57 =	vmul.f32 v45, v52  }
0x57a: {  	v59 =	vperm.xlane v38, v5;
	v58 =	vmul.f32 v44, v55  }
0x57b: {  	v41 =	vmul.f32 v56, v41;
	v60 =	vsub.f32 $1.500000000e+00, v57  }
0x57c: {  	v38 =	vadd.f32 v38, v59;
	v61 =	vsub.f32 $1.500000000e+00, v58  }
0x57d: {  	v62 =	vmul.f32 v41, v27;
	v27 =	vmul.f32 v60, v52  }
0x57e: {  	v63 =	vshra.s32 v38, $0x1;
	v43 =	vmul.f32 v44, v61;
	v44 =	vmul.f32 v41, v36  }
0x57f: {  	s24 =	simm.s32 $0x2;
	s19 =	simm.s32 $0x6AE8;
	s12 =	simm.s32 $0x44E8;
	v39 =	vmul.f32 $5.000000000e-01, v38;
	[tilespmem:s18+$0x0] =	vst v62;
	v40 =	vsub.s32 $0x5F3759DF, v63;
	v38 =	vmul.f32 v27, v37  }
.LBB2_23:
0x580: {  	v36 =	vld [tilespmem:s12+$0x0];
	v42 =	vmul.f32 v43, v42;
	[tilespmem:s18+$0x10] =	vst v44;
	v44 =	vmul.f32 v41, v21  }
0x581: {  	v45 =	vmul.f32 v41, v23;
	v37 =	vld [tilespmem:s12+$0x10];
	v46 =	vmul.f32 v40, v39;
	[tilespmem:s20+$0x70] =	vst v38  }
0x582: {  	v21 =	vld [tilespmem:s12+$0x20];
	v38 =	vmul.f32 v42, v43;
	[tilespmem:s18+$0x20] =	vst v44;
	v42 =	vmul.f32 v41, v22  }
0x583: {  	v44 =	vmul.f32 v41, v24;
	v23 =	vld [tilespmem:s12+$0x30];
	[tilespmem:s18+$0x30] =	vst v45;
	v45 =	vmul.f32 v40, v46  }
0x584: {  	v46 =	vmul.f32 v27, v10;
	v22 =	vld [tilespmem:s12+$0x40];
	v38 =	vsub.f32 $1.500000000e+00, v38;
	[tilespmem:s18+$0x40] =	vst v42;
	v42 =	vmul.f32 v41, v25  }
0x585: {  	v10 =	vmul.f32 v41, v26;
	v24 =	vld [tilespmem:s12+$0x50];
	[tilespmem:s18+$0x50] =	vst v44;
	v41 =	vsub.f32 $1.500000000e+00, v45;
	v44 =	vmul.f32 v27, v11  }
0x586: {  	v25 =	vld [tilespmem:s12+$0x60];
	v38 =	vmul.f32 v38, v43;
	[tilespmem:s18+$0x60] =	vst v42;
	v42 =	vmul.f32 v27, v12  }
0x587: {  	s20 =	sadd.s32 $0x100, s20;
	v45 =	vmul.f32 v27, v9;
	v26 =	vld [tilespmem:s12+$0x70];
	[tilespmem:s18+$0x70] =	vst v10;
	v43 =	vmul.f32 v40, v41  }
0x588: {  	v9 =	vmul.f32 v38, v35;
	v28 =	vmul.f32 v38, v28;
	v10 =	vld [tilespmem:s20+$0x0];
	[tilespmem:s19+$0x0] =	vst v46  }
0x589: {  	v29 =	vmul.f32 v38, v29;
	v34 =	vmul.f32 v38, v34;
	v11 =	vld [tilespmem:s20+$0x10];
	[tilespmem:s19+$0x10] =	vst v44  }
0x58a: {  	v30 =	vmul.f32 v38, v30;
	v31 =	vmul.f32 v38, v31;
	[tilespmem:s18+$0xFFFFFF80] =	vst v9;
	v12 =	vld [tilespmem:s20+$0x20]  }
0x58b: {  	v32 =	vmul.f32 v38, v32;
	v33 =	vmul.f32 v38, v33;
	[tilespmem:s18+$0xFFFFFF90] =	vst v28;
	v9 =	vld [tilespmem:s20+$0x30]  }
0x58c: {  	v35 =	vmul.f32 v36, v36;
	v44 =	vmul.f32 v43, v39;
	[tilespmem:s18+$0xFFFFFFA0] =	vst v29;
	v41 =	vld [tilespmem:s20+$0x40]  }
0x58d: {  	v46 =	vmul.f32 v21, v21;
	v29 =	vmul.f32 v37, v37;
	[tilespmem:s18+$0xFFFFFFB0] =	vst v34;
	v39 =	vld [tilespmem:s20+$0x50]  }
0x58e: {  	v47 =	vmul.f32 v22, v22;
	v34 =	vmul.f32 v23, v23;
	[tilespmem:s18+$0xFFFFFFC0] =	vst v30;
	v40 =	vld [tilespmem:s20+$0x60]  }
0x58f: {  	v48 =	vmul.f32 v25, v25;
	v30 =	vmul.f32 v24, v24;
	[tilespmem:s18+$0xFFFFFFD0] =	vst v31;
	v38 =	vld [tilespmem:s20+$0x70]  }
0x590: {  	v35 =	vadd.f32 v29, v35;
	v31 =	vmul.f32 v26, v26;
	v46 =	vadd.f32 v34, v46;
	v28 =	vld [tilespmem:s12+$0xFFFFFF90];
	[tilespmem:s18+$0xFFFFFFE0] =	vst v32  }
0x591: {  	v32 =	vadd.f32 v30, v47;
	v47 =	vmul.f32 v11, v11;
	v29 =	vld [tilespmem:s12+$0xFFFFFFA0];
	[tilespmem:s18+$0xFFFFFFF0] =	vst v33;
	v33 =	vmul.f32 v10, v10;
	s18 =	smov.u32 s12  }
0x592: {  	v49 =	vmul.f32 v12, v12;
	v50 =	vmul.f32 v9, v9;
	v48 =	vadd.f32 v31, v48;
	v34 =	vld [tilespmem:s12+$0xFFFFFFB0];
	[tilespmem:s19+$0x20] =	vst v42  }
0x593: {  	v42 =	vadd.f32 v46, v35;
	v35 =	vmul.f32 v41, v41;
	v46 =	vmul.f32 v39, v39;
	v30 =	vld [tilespmem:s12+$0xFFFFFFC0];
	[tilespmem:s19+$0x30] =	vst v45  }
0x594: {  	v45 =	vadd.f32 v48, v32;
	v48 =	vmul.f32 v40, v40;
	v31 =	vld [tilespmem:s12+$0xFFFFFFD0];
	v51 =	vmul.f32 v38, v38  }
0x595: {  	v49 =	vadd.f32 v50, v49;
	v47 =	vadd.f32 v47, v33;
	v32 =	vld [tilespmem:s12+$0xFFFFFFE0];
	v52 =	vmul.f32 v28, v28  }
0x596: {  	v46 =	vadd.f32 v46, v35;
	v33 =	vld [tilespmem:s12+$0xFFFFFFF0];
	v50 =	vmul.f32 v29, v29;
	v48 =	vadd.f32 v51, v48  }
0x597: {  	v44 =	vmul.f32 v44, v43;
	v42 =	vadd.f32 v45, v42;
	v35 =	vld [tilespmem:s12+$0xFFFFFF80];
	v51 =	vmul.f32 v34, v34  }
0x598: {  	v47 =	vadd.f32 v49, v47;
	v45 =	vmul.f32 v30, v30;
	v53 =	vld [tilespmem:s20+$0xFFFFFF80];
	v46 =	vadd.f32 v48, v46  }
0x599: {  	v44 =	vsub.f32 $1.500000000e+00, v44;
	v48 =	vmul.f32 v31, v31;
	v49 =	vadd.f32 v51, v50;
	v50 =	vld [tilespmem:s20+$0xFFFFFF90]  }
0x59a: {  	v54 =	vperm.xlane v42, v2;
	v51 =	vmul.f32 v32, v32;
	v55 =	vld [tilespmem:s20+$0xFFFFFFA0];
	v46 =	vadd.f32 v46, v47  }
0x59b: {  	v43 =	vmul.f32 v44, v43;
	v47 =	vmul.f32 v33, v33;
	v45 =	vadd.f32 v48, v45;
	v48 =	vld [tilespmem:s20+$0xFFFFFFB0]  }
0x59c: {  	s24 =	sadd.s32 $0x2, s24;
	v42 =	vadd.f32 v42, v54;
	v44 =	vmul.f32 v35, v35;
	v54 =	vld [tilespmem:s20+$0xFFFFFFC0];
	v56 =	vperm.xlane v46, v2  }
0x59d: {  	p5 =	slt.u32 s24, $0x4E;
	v58 =	vmul.f32 v43, v13;
	v47 =	vadd.f32 v47, v51;
	v51 =	vld [tilespmem:s20+$0xFFFFFFD0];
	v57 =	vmul.f32 v53, v53;
	v13 =	vmovc v53  }
0x59e: {  	v44 =	vadd.f32 v52, v44;
	v52 =	vperm.xlane v42, v3;
	v53 =	vld [tilespmem:s20+$0xFFFFFFE0];
	v46 =	vadd.f32 v46, v56  }
0x59f: {  	v56 =	vmul.f32 v50, v50;
	v45 =	vadd.f32 v47, v45;
	v47 =	vld [tilespmem:s20+$0xFFFFFFF0];
	v59 =	vmul.f32 v55, v55;
	[tilespmem:s19+$0xFFFFFF80] =	vst v58  }
0x5a0: {  	v44 =	vadd.f32 v49, v44;
	v42 =	vadd.f32 v42, v52;
	v49 =	vperm.xlane v46, v3  }
0x5a1: {  	v52 =	vmul.f32 v48, v48;
	v56 =	vadd.f32 v56, v57;
	v58 =	vmul.f32 v54, v54  }
0x5a2: {  	v44 =	vadd.f32 v45, v44;
	v45 =	vperm.xlane v42, v4;
	v46 =	vadd.f32 v46, v49  }
0x5a3: {  	v49 =	vmul.f32 v51, v51;
	v52 =	vadd.f32 v52, v59;
	v57 =	vmul.f32 v53, v53  }
0x5a4: {  	v59 =	vperm.xlane v44, v2;
	v42 =	vadd.f32 v42, v45;
	v45 =	vperm.xlane v46, v4  }
0x5a5: {  	v60 =	vmul.f32 v47, v47;
	v49 =	vadd.f32 v49, v58;
	v52 =	vadd.f32 v52, v56  }
0x5a6: {  	v44 =	vadd.f32 v44, v59;
	v56 =	vperm.xlane v42, v5;
	v45 =	vadd.f32 v46, v45  }
0x5a7: {  	v58 =	vmul.f32 v43, v18;
	v46 =	vadd.f32 v60, v57;
	v57 =	vmul.f32 v43, v14;
	v14 =	vmovc v50  }
0x5a8: {  	v18 =	vmovc v55;
	v50 =	vperm.xlane v44, v3;
	v42 =	vadd.f32 v42, v56;
	v56 =	vperm.xlane v45, v5  }
0x5a9: {  	v55 =	vmul.f32 v43, v20;
	v46 =	vadd.f32 v46, v49;
	v49 =	vmul.f32 v43, v19;
	[tilespmem:s19+$0xFFFFFF90] =	vst v57  }
0x5aa: {  	v20 =	vmovc v54;
	v19 =	vmovc v48;
	v57 =	vshra.s32 v42, $0x1;
	v42 =	vmul.f32 $5.000000000e-01, v42;
	v45 =	vadd.f32 v45, v56;
	[tilespmem:s19+$0xFFFFFFA0] =	vst v58  }
0x5ab: {  	v44 =	vadd.f32 v44, v50;
	v46 =	vadd.f32 v46, v52;
	v48 =	vsub.s32 $0x5F3759DF, v57;
	[tilespmem:s19+$0xFFFFFFB0] =	vst v49  }
0x5ac: {  	v49 =	vmul.f32 v48, v42;
	v50 =	vshra.s32 v45, $0x1;
	v45 =	vmul.f32 $5.000000000e-01, v45;
	[tilespmem:s19+$0xFFFFFFC0] =	vst v55  }
0x5ad: {  	v52 =	vperm.xlane v44, v4;
	v54 =	vperm.xlane v46, v2;
	v50 =	vsub.s32 $0x5F3759DF, v50  }
0x5ae: {  	v49 =	vmul.f32 v48, v49;
	v55 =	vmul.f32 v50, v45  }
0x5af: {  	v44 =	vadd.f32 v44, v52;
	v46 =	vadd.f32 v46, v54;
	v52 =	vmul.f32 v43, v15;
	v15 =	vmovc v51  }
0x5b0: {  	v54 =	vmul.f32 v43, v17;
	v17 =	vmovc v53;
	v49 =	vsub.f32 $1.500000000e+00, v49;
	v51 =	vmul.f32 v50, v55  }
0x5b1: {  	v53 =	vperm.xlane v44, v5;
	v55 =	vperm.xlane v46, v3;
	[tilespmem:s19+$0xFFFFFFD0] =	vst v52  }
0x5b2: {  	v43 =	vmul.f32 v43, v16;
	v16 =	vmovc v47;
	v48 =	vmul.f32 v48, v49;
	v49 =	vsub.f32 $1.500000000e+00, v51;
	[tilespmem:s19+$0xFFFFFFE0] =	vst v54  }
0x5b3: {  	v47 =	vmul.f32 v27, v6;
	v6 =	vmovc v41;
	v44 =	vadd.f32 v44, v53;
	v46 =	vadd.f32 v46, v55  }
0x5b4: {  	v41 =	vmul.f32 v48, v42;
	v49 =	vmul.f32 v50, v49;
	[tilespmem:s19+$0xFFFFFFF0] =	vst v43  }
0x5b5: {  	v43 =	vshra.s32 v44, $0x1;
	v42 =	vmul.f32 $5.000000000e-01, v44;
	v44 =	vperm.xlane v46, v4;
	[tilespmem:s19+$0x40] =	vst v47  }
0x5b6: {  	v43 =	vsub.s32 $0x5F3759DF, v43;
	v41 =	vmul.f32 v41, v48;
	v45 =	vmul.f32 v49, v45  }
0x5b7: {  	v47 =	vmul.f32 v43, v42;
	v44 =	vadd.f32 v46, v44;
	v46 =	vmul.f32 v27, v7;
	v7 =	vmovc v39  }
0x5b8: {  	v27 =	vmul.f32 v27, v8;
	v8 =	vmovc v40;
	v39 =	vsub.f32 $1.500000000e+00, v41;
	v45 =	vmul.f32 v45, v49  }
0x5b9: {  	v40 =	vmul.f32 v43, v47;
	v47 =	vperm.xlane v44, v5;
	[tilespmem:s19+$0x50] =	vst v46  }
.Ltmp14:
0x5ba: {  	v41 =	vmul.f32 v39, v48;
	v39 =	vsub.f32 $1.500000000e+00, v45;
	[tilespmem:s19+$0x60] =	vst v27;
	s19 =	smov.u32 s20;
	(pc) =	sbr.rel @p5 .LBB2_23-.Ltmp14, $4  }
0x5bb: {  	v40 =	vsub.f32 $1.500000000e+00, v40;
	v45 =	vadd.f32 v44, v47  }
0x5bc: {  	v36 =	vmul.f32 v41, v36;
	v27 =	vmul.f32 v39, v49  }
0x5bd: {  	v43 =	vmul.f32 v43, v40;
	v44 =	vmul.f32 v41, v37;
	v37 =	vshra.s32 v45, $0x1  }
0x5be: {  	s12 =	sadd.s32 $0x100, s12;
	v39 =	vmul.f32 $5.000000000e-01, v45;
	v40 =	vsub.s32 $0x5F3759DF, v37;
	[tilespmem:s18+$0x0] =	vst v36;
	v38 =	vmul.f32 v27, v38  }
0x5bf: {  	v36 =	vmul.f32 v43, v42;
	_ =	sdelay $0x1  }
0x5c0: {  	v21 =	vmul.f32 v41, v21;
	v36 =	vmul.f32 v36, v43  }
0x5c1: {  	[tilespmem:s18+$0x10] =	vst v44;
	v23 =	vmul.f32 v41, v23  }
0x5c2: {  	v62 =	vmul.f32 v41, v22;
	[tilespmem:s18+$0x20] =	vst v21;
	v63 =	vsub.f32 $1.500000000e+00, v36  }
0x5c3: {  	v37 =	vmul.f32 v41, v25;
	[tilespmem:s18+$0x30] =	vst v23  }
0x5c4: {  	[tilespmem:s18+$0x40] =	vst v62;
	v36 =	vmul.f32 v41, v24;
	v22 =	vmul.f32 v63, v43  }
0x5c5: {  	[tilespmem:s18+$0x60] =	vst v37;
	v41 =	vmul.f32 v41, v26  }
0x5c6: {  	[tilespmem:s18+$0x50] =	vst v36;
	v42 =	vmul.f32 v22, v35  }
0x5c7: {  	s12 =	sadd.s32 $0x100, s20;
	[tilespmem:s18+$0x70] =	vst v41;
	v43 =	vmul.f32 v22, v28  }
0x5c8: {  	v24 =	vld [tilespmem:s12+$0x0];
	v44 =	vmul.f32 v22, v29;
	[tilespmem:s18+$0xFFFFFF80] =	vst v42  }
0x5c9: {  	v25 =	vld [tilespmem:s12+$0x10];
	v45 =	vmul.f32 v22, v34;
	[tilespmem:s18+$0xFFFFFF90] =	vst v43  }
0x5ca: {  	v26 =	vld [tilespmem:s12+$0x20];
	v46 =	vmul.f32 v22, v30;
	[tilespmem:s18+$0xFFFFFFA0] =	vst v44  }
0x5cb: {  	v21 =	vld [tilespmem:s12+$0x40];
	v47 =	vmul.f32 v22, v31;
	[tilespmem:s18+$0xFFFFFFB0] =	vst v45  }
0x5cc: {  	v23 =	vld [tilespmem:s12+$0x60];
	v48 =	vmul.f32 v22, v32;
	[tilespmem:s18+$0xFFFFFFC0] =	vst v46  }
0x5cd: {  	v28 =	vld [tilespmem:s12+$0x30];
	v49 =	vmul.f32 v22, v33;
	[tilespmem:s18+$0xFFFFFFD0] =	vst v47  }
0x5ce: {  	v22 =	vld [tilespmem:s12+$0x50];
	[tilespmem:s18+$0xFFFFFFE0] =	vst v48  }
0x5cf: {  	v29 =	vld [tilespmem:s12+$0x70];
	[tilespmem:s18+$0xFFFFFFF0] =	vst v49  }
0x5d0: {  	v30 =	vld [tilespmem:s12+$0xFFFFFF80]  }
0x5d1: {  	v31 =	vld [tilespmem:s12+$0xFFFFFF90]  }
0x5d2: {  	v32 =	vld [tilespmem:s12+$0xFFFFFFA0]  }
0x5d3: {  	v35 =	vld [tilespmem:s12+$0xFFFFFFB0]  }
0x5d4: {  	v41 =	vld [tilespmem:s12+$0xFFFFFFC0];
	v50 =	vmul.f32 v24, v24;
	v51 =	vmul.f32 v25, v25  }
0x5d5: {  	v44 =	vld [tilespmem:s12+$0xFFFFFFD0];
	v52 =	vmul.f32 v26, v26;
	v53 =	vmul.f32 v21, v21  }
0x5d6: {  	v47 =	vld [tilespmem:s12+$0xFFFFFFE0];
	v37 =	vmul.f32 v28, v28;
	v54 =	vmul.f32 v22, v22  }
0x5d7: {  	v36 =	vld [tilespmem:s12+$0xFFFFFFF0];
	v45 =	vmul.f32 v23, v23;
	v46 =	vmul.f32 v29, v29;
	v33 =	vadd.f32 v51, v50  }
0x5d8: {  	v55 =	vadd.f32 v37, v52;
	v56 =	vadd.f32 v54, v53;
	v58 =	vmul.f32 v30, v30  }
0x5d9: {  	v57 =	vadd.f32 v46, v45;
	v59 =	vmul.f32 v31, v31;
	v60 =	vmul.f32 v32, v32  }
0x5da: {  	v61 =	vmul.f32 v35, v35;
	v62 =	vmul.f32 v41, v41  }
0x5db: {  	v48 =	vmul.f32 v44, v44;
	v33 =	vadd.f32 v55, v33;
	v37 =	vadd.f32 v57, v56  }
0x5dc: {  	v63 =	vmul.f32 v47, v47;
	v49 =	vmul.f32 v36, v36;
	v34 =	vadd.f32 v59, v58  }
0x5dd: {  	v42 =	vadd.f32 v61, v60;
	v33 =	vadd.f32 v37, v33  }
0x5de: {  	v48 =	vadd.f32 v48, v62;
	v37 =	vadd.f32 v49, v63  }
0x5df: {  	v50 =	vperm.xlane v33, v2  }
0x5e0: {  	v34 =	vadd.f32 v42, v34;
	v37 =	vadd.f32 v37, v48  }
0x5e1: {  	v33 =	vadd.f32 v33, v50  }
0x5e2: {  	v34 =	vadd.f32 v37, v34  }
0x5e3: {  	v51 =	vperm.xlane v33, v3  }
0x5e4: {  	v52 =	vperm.xlane v34, v2  }
0x5e5: {  	v33 =	vadd.f32 v33, v51  }
0x5e6: {  	v34 =	vadd.f32 v34, v52  }
0x5e7: {  	v53 =	vmul.f32 v40, v39;
	v54 =	vperm.xlane v33, v4  }
0x5e8: {  	v55 =	vperm.xlane v34, v3  }
0x5e9: {  	v37 =	vmul.f32 v40, v53;
	v33 =	vadd.f32 v33, v54  }
0x5ea: {  	v34 =	vadd.f32 v34, v55  }
0x5eb: {  	v37 =	vsub.f32 $1.500000000e+00, v37;
	v42 =	vperm.xlane v33, v5  }
0x5ec: {  	v43 =	vperm.xlane v34, v4  }
0x5ed: {  	v37 =	vmul.f32 v40, v37;
	v33 =	vadd.f32 v33, v42  }
0x5ee: {  	v34 =	vadd.f32 v34, v43  }
0x5ef: {  	v56 =	vmul.f32 v37, v39;
	v57 =	vshra.s32 v33, $0x1;
	v33 =	vmul.f32 $5.000000000e-01, v33  }
0x5f0: {  	v10 =	vmul.f32 v27, v10;
	v58 =	vperm.xlane v34, v5;
	v40 =	vsub.s32 $0x5F3759DF, v57  }
0x5f1: {  	v39 =	vmul.f32 v56, v37;
	v59 =	vmul.f32 v40, v33  }
0x5f2: {  	v11 =	vmul.f32 v27, v11;
	v12 =	vmul.f32 v27, v12;
	v34 =	vadd.f32 v34, v58  }
0x5f3: {  	v9 =	vmul.f32 v27, v9;
	[tilespmem:s20+$0x70] =	vst v38;
	v39 =	vsub.f32 $1.500000000e+00, v39;
	v60 =	vmul.f32 v40, v59  }
0x5f4: {  	v6 =	vmul.f32 v27, v6;
	[tilespmem:s19+$0x0] =	vst v10;
	v62 =	vshra.s32 v34, $0x1;
	v34 =	vmul.f32 $5.000000000e-01, v34  }
0x5f5: {  	[tilespmem:s19+$0x10] =	vst v11;
	v61 =	vmul.f32 v39, v37;
	v37 =	vsub.s32 $0x5F3759DF, v62;
	v63 =	vsub.f32 $1.500000000e+00, v60  }
0x5f6: {  	v7 =	vmul.f32 v27, v7;
	[tilespmem:s19+$0x20] =	vst v12;
	v42 =	vmul.f32 v37, v34  }
0x5f7: {  	[tilespmem:s19+$0x40] =	vst v6;
	v6 =	vmul.f32 v27, v8;
	v11 =	vmul.f32 v40, v63  }
0x5f8: {  	[tilespmem:s19+$0x30] =	vst v9;
	v39 =	vmul.f32 v61, v13;
	v13 =	vmul.f32 v37, v42  }
0x5f9: {  	[tilespmem:s19+$0x50] =	vst v7;
	v48 =	vmul.f32 v11, v33  }
0x5fa: {  	[tilespmem:s19+$0x60] =	vst v6;
	v43 =	vmul.f32 v61, v14;
	v50 =	vsub.f32 $1.500000000e+00, v13  }
0x5fb: {  	v45 =	vmul.f32 v61, v18;
	[tilespmem:s19+$0xFFFFFF80] =	vst v39;
	v52 =	vmul.f32 v48, v11  }
0x5fc: {  	v46 =	vmul.f32 v61, v19;
	[tilespmem:s19+$0xFFFFFF90] =	vst v43;
	v12 =	vmul.f32 v37, v50  }
0x5fd: {  	v49 =	vmul.f32 v61, v20;
	[tilespmem:s19+$0xFFFFFFA0] =	vst v45;
	v55 =	vsub.f32 $1.500000000e+00, v52  }
0x5fe: {  	v51 =	vmul.f32 v61, v15;
	[tilespmem:s19+$0xFFFFFFB0] =	vst v46;
	v56 =	vmul.f32 v12, v34  }
0x5ff: {  	v53 =	vmul.f32 v61, v17;
	[tilespmem:s19+$0xFFFFFFC0] =	vst v49;
	v57 =	vmul.f32 v55, v11  }
0x600: {  	v54 =	vmul.f32 v61, v16;
	[tilespmem:s19+$0xFFFFFFD0] =	vst v51;
	v58 =	vmul.f32 v56, v12  }
0x601: {  	[tilespmem:s19+$0xFFFFFFE0] =	vst v53;
	v7 =	vmul.f32 v57, v29  }
0x602: {  	[tilespmem:s19+$0xFFFFFFF0] =	vst v54;
	v6 =	vmul.f32 v57, v24;
	v8 =	vsub.f32 $1.500000000e+00, v58  }
0x603: {  	v10 =	vmul.f32 v57, v26;
	[tilespmem:s12+$0x70] =	vst v7  }
0x604: {  	v7 =	vmul.f32 v57, v25;
	[tilespmem:s12+$0x0] =	vst v6;
	v6 =	vmul.f32 v8, v12  }
0x605: {  	v59 =	vmul.f32 v57, v28;
	[tilespmem:s12+$0x20] =	vst v10  }
0x606: {  	[tilespmem:s12+$0x10] =	vst v7;
	v7 =	vmul.f32 v6, v30  }
0x607: {  	[tilespmem:s12+$0x30] =	vst v59;
	v60 =	vmul.f32 v6, v31  }
0x608: {  	v61 =	vmul.f32 v6, v35;
	[tilespmem:s12+$0xFFFFFF80] =	vst v7  }
0x609: {  	v62 =	vmul.f32 v6, v41;
	[tilespmem:s12+$0xFFFFFF90] =	vst v60  }
0x60a: {  	v7 =	vmul.f32 v6, v32;
	[tilespmem:s12+$0xFFFFFFB0] =	vst v61  }
0x60b: {  	v63 =	vmul.f32 v6, v47;
	[tilespmem:s12+$0xFFFFFFC0] =	vst v62  }
0x60c: {  	[tilespmem:s12+$0xFFFFFFA0] =	vst v7;
	v7 =	vmul.f32 v6, v44  }
0x60d: {  	[tilespmem:s12+$0xFFFFFFE0] =	vst v63;
	v6 =	vmul.f32 v6, v36  }
0x60e: {  	[tilespmem:s12+$0xFFFFFFD0] =	vst v7;
	v7 =	vmul.f32 v57, v21  }
0x60f: {  	[tilespmem:s12+$0xFFFFFFF0] =	vst v6;
	v6 =	vmul.f32 v57, v22  }
0x610: {  	[tilespmem:s12+$0x40] =	vst v7;
	v7 =	vmul.f32 v57, v23  }
0x611: {  	[tilespmem:s12+$0x50] =	vst v6  }
0x612: {  	[tilespmem:s12+$0x60] =	vst v7  }
0x613: {  	[spmem:s4] =	stream.indirect.scatter.add.f32 [tilespmem:s21], [sflag:$0x5], $0x80, s23, s8, $0xb8;
	[tilespmem:$0x1C728] =	vst v63  }
0x614: {  	_ = 	snop  }
0x615: {  	[spmem:s5] =	stream.indirect.scatter.add.f32 [tilespmem:s22], [sflag:$0x5], $0x80, s23, s8, $0xb8;
	[tilespmem:$0x1C728] =	vst v63  }
0x616: {  	s25 =	simm.s32 $0x8  }
0x617: {  	[spmem:s6] =	stream.indirect.scatter.add.f32 [tilespmem:s11], [sflag:$0x5], $0x10, s23, s8, $0xb8;
	[tilespmem:$0x1C728] =	vst v63  }
0x618: {  	_ =	swait.ge [sflag:s25], $0x2800  }
0x619: {  	[sflag:s25] =	ssyncset.done $0x0  }
0x61a: {  	[sflag:s25] =	ssyncadd.s32 $0xFFFFD800  }
0x61b: {  	_ =	swait.ge [sflag:s25], $0x2800  }
0x61c: {  	[sflag:s25] =	ssyncset.done $0x0  }
0x61d: {  	[sflag:s25] =	ssyncadd.s32 $0xFFFFD800  }
0x61e: {  	_ =	swait.ge [sflag:s25], $0x500  }
0x61f: {  	[sflag:s25] =	ssyncset.done $0x0  }
0x620: {  	[sflag:s25] =	ssyncadd.s32 $0xFFFFFB00  }
0x621: {  	_ =	swait.ge [sflag:s16], $0x2800  }
0x622: {  	[sflag:s16] =	ssyncset.done $0x0  }
0x623: {  	[sflag:s16] =	ssyncadd.s32 $0xFFFFD800  }
0x624: {  	_ =	swait.ge [sflag:s16], $0x2800  }
0x625: {  	[sflag:s16] =	ssyncset.done $0x0  }
0x626: {  	[sflag:s16] =	ssyncadd.s32 $0xFFFFD800  }
0x627: {  	_ =	swait.ge [sflag:s16], $0x500  }
0x628: {  	[sflag:s16] =	ssyncset.done $0x0  }
0x629: {  	[sflag:s16] =	ssyncadd.s32 $0xFFFFFB00  }
0x62a: {  	[bflag:$0x0] =	sbarrier.arrive $0xFFFF  }
0x62b: {  	s18 =	simm.s32 @!p0 $0x1C09;
	s12 =	sshrl.u32 @!p0 s4, $0x3;
	s19 =	rddreg [dreg:$0xe]  }
0x62c: {  	[hbm:s19], [sflag:s18] =	dma.local @!p0 [spmem:s12], $0x3E80  }
0x62d: {  	s12 =	simm.s32 @!p0 $0x9  }
0x62e: {  	s18 =	stileid.u32;
	_ =	swait.ge @!p0 [sflag:s12], $0x3E80  }
0x62f: {  	s18 =	sshll.u32 @p4 s18, $0x6;
	[sflag:s12] =	ssyncset.done @!p0 $0x0;
	s19 =	rddreg [dreg:$0xf]  }
0x630: {  	[sflag:s12] =	ssyncadd.s32 @!p0 $0xFFFFC180;
	s12 =	sor.u32 @p4 $0x1C09, s18;
	s18 =	sshrl.u32 @p4 s5, $0x3  }
0x631: {  	[hbm:s19], [sflag:s12] =	dma.local @p4 [spmem:s18], $0x3E80  }
.Ltmp15:
0x632: {  	s12 =	simm.s32 @p4 $0x9;
	(pc) =	sbr.rel @!p3 .LBB2_52-.Ltmp15, $4  }
0x633: {  	_ =	swait.ge @p4 [sflag:s12], $0x3E80  }
0x634: {  	s18 =	sld [smem:$0x7FC]  }
0x635: {  	[sflag:s12] =	ssyncset.done @p4 $0x0  }
0x636: {  	s20 =	simm.s32 $0x9;
	[sflag:s12] =	ssyncadd.s32 @p4 $0xFFFFC180  }
0x637: {  	s12 =	simm.s32 $0x188A8  }
0x638: {  	[tilespmem:s12], [sflag:$0x9] =	stream.linear.gather [spmem:s6], $0x3E80, $0x38;
	[tilespmem:$0x1C728] =	vst v63  }
0x639: {  	_ =	swait.ge [sflag:s20], $0x3E80  }
0x63a: {  	[sflag:s20] =	ssyncset.done $0x0  }
0x63b: {  	s19 =	simm.s32 $0x0;
	[sflag:s20] =	ssyncadd.s32 $0xFFFFC180  }
0x63c: {  	v6 =	vld [tilespmem:s19+$0x188A8];
	_ =	sdelay $0x3  }
0x63d: {  	s18 =	simm.s32 $0x40;
	s12 =	simm.s32 $0xE308  }
.LBB2_26:
0x63e: {  	s19 =	sshra.s32 s18, $0x2;
	p3 =	sne.s32 s18, $0x13C0;
	s18 =	sadd.s32 $0x40, s18;
	[tilespmem:s12+$0x0] =	vst v6  }
.Ltmp16:
0x63f: {  	v6 =	vld [tilespmem:s19+$0x188A8];
	(pc) =	sbr.rel @p3 .LBB2_26-.Ltmp16, $2  }
0x640: {  	_ =	sdelay $0x2  }
0x641: {  	s12 =	sadd.s32 $0x80, s12  }
0x642: {  	[tilespmem:s12+$0x0] =	vst v6;
	s18 =	simm.s32 $0x0;
	s12 =	simm.s32 $0xE308;
	s19 =	rddreg [dreg:$0x10]  }
0x643: {  	[hbm4b:s19+s18] =	stream.linear.scatter [tilespmem:s12], [sflag:$0x9], $0x2800, $0x38;
	[tilespmem:$0x1C728] =	vst v63  }
0x644: {  	_ =	swait.ge [sflag:s20], $0x2800  }
0x645: {  	[sflag:s20] =	ssyncset.done $0x0  }
0x646: {  	s25 =	simm.s32 $0x0;
	[sflag:s20] =	ssyncadd.s32 $0xFFFFD800  }
0x647: {  	v6 =	vld [tilespmem:s25+$0x18DA8];
	_ =	sdelay $0x3  }
0x648: {  	s18 =	simm.s32 $0x40  }
.LBB2_28:
0x649: {  	s19 =	sshra.s32 s18, $0x2;
	p3 =	sne.s32 s18, $0x13C0;
	s18 =	sadd.s32 $0x40, s18;
	[tilespmem:s12+$0x0] =	vst v6  }
.Ltmp17:
0x64a: {  	v6 =	vld [tilespmem:s19+$0x18DA8];
	(pc) =	sbr.rel @p3 .LBB2_28-.Ltmp17, $2  }
0x64b: {  	_ =	sdelay $0x2  }
0x64c: {  	s12 =	sadd.s32 $0x80, s12  }
0x64d: {  	[tilespmem:s12+$0x0] =	vst v6;
	s18 =	simm.s32 $0x0;
	s12 =	simm.s32 $0xE308;
	s19 =	rddreg [dreg:$0x11]  }
0x64e: {  	[hbm4b:s19+s18] =	stream.linear.scatter [tilespmem:s12], [sflag:$0x9], $0x2800, $0x38;
	[tilespmem:$0x1C728] =	vst v63  }
0x64f: {  	_ =	swait.ge [sflag:s20], $0x2800  }
0x650: {  	[sflag:s20] =	ssyncset.done $0x0  }
0x651: {  	s25 =	simm.s32 $0x0;
	[sflag:s20] =	ssyncadd.s32 $0xFFFFD800  }
0x652: {  	v6 =	vld [tilespmem:s25+$0x192A8];
	_ =	sdelay $0x3  }
0x653: {  	s18 =	simm.s32 $0x40  }
.LBB2_30:
0x654: {  	s19 =	sshra.s32 s18, $0x2;
	p3 =	sne.s32 s18, $0x13C0;
	s18 =	sadd.s32 $0x40, s18;
	[tilespmem:s12+$0x0] =	vst v6  }
.Ltmp18:
0x655: {  	v6 =	vld [tilespmem:s19+$0x192A8];
	(pc) =	sbr.rel @p3 .LBB2_30-.Ltmp18, $2  }
0x656: {  	_ =	sdelay $0x2  }
0x657: {  	s12 =	sadd.s32 $0x80, s12  }
0x658: {  	[tilespmem:s12+$0x0] =	vst v6;
	s18 =	simm.s32 $0x0;
	s12 =	simm.s32 $0xE308;
	s19 =	rddreg [dreg:$0x12]  }
0x659: {  	[hbm4b:s19+s18] =	stream.linear.scatter [tilespmem:s12], [sflag:$0x9], $0x2800, $0x38;
	[tilespmem:$0x1C728] =	vst v63  }
0x65a: {  	_ =	swait.ge [sflag:s20], $0x2800  }
0x65b: {  	[sflag:s20] =	ssyncset.done $0x0  }
0x65c: {  	s25 =	simm.s32 $0x0;
	[sflag:s20] =	ssyncadd.s32 $0xFFFFD800  }
0x65d: {  	v6 =	vld [tilespmem:s25+$0x197A8];
	_ =	sdelay $0x3  }
0x65e: {  	s18 =	simm.s32 $0x40  }
.LBB2_32:
0x65f: {  	s19 =	sshra.s32 s18, $0x2;
	p3 =	sne.s32 s18, $0x13C0;
	s18 =	sadd.s32 $0x40, s18;
	[tilespmem:s12+$0x0] =	vst v6  }
.Ltmp19:
0x660: {  	v6 =	vld [tilespmem:s19+$0x197A8];
	(pc) =	sbr.rel @p3 .LBB2_32-.Ltmp19, $2  }
0x661: {  	_ =	sdelay $0x2  }
0x662: {  	s12 =	sadd.s32 $0x80, s12  }
0x663: {  	[tilespmem:s12+$0x0] =	vst v6;
	s18 =	simm.s32 $0x0;
	s12 =	simm.s32 $0xE308;
	s19 =	rddreg [dreg:$0x13]  }
0x664: {  	[hbm4b:s19+s18] =	stream.linear.scatter [tilespmem:s12], [sflag:$0x9], $0x2800, $0x38;
	[tilespmem:$0x1C728] =	vst v63  }
0x665: {  	_ =	swait.ge [sflag:s20], $0x2800  }
0x666: {  	[sflag:s20] =	ssyncset.done $0x0  }
0x667: {  	s25 =	simm.s32 $0x0;
	[sflag:s20] =	ssyncadd.s32 $0xFFFFD800  }
0x668: {  	v6 =	vld [tilespmem:s25+$0x19CA8];
	_ =	sdelay $0x3  }
0x669: {  	s18 =	simm.s32 $0x40  }
.LBB2_34:
0x66a: {  	s19 =	sshra.s32 s18, $0x2;
	p3 =	sne.s32 s18, $0x13C0;
	s18 =	sadd.s32 $0x40, s18;
	[tilespmem:s12+$0x0] =	vst v6  }
.Ltmp20:
0x66b: {  	v6 =	vld [tilespmem:s19+$0x19CA8];
	(pc) =	sbr.rel @p3 .LBB2_34-.Ltmp20, $2  }
0x66c: {  	_ =	sdelay $0x2  }
0x66d: {  	s12 =	sadd.s32 $0x80, s12  }
0x66e: {  	[tilespmem:s12+$0x0] =	vst v6;
	s18 =	simm.s32 $0x0;
	s12 =	simm.s32 $0xE308;
	s19 =	rddreg [dreg:$0x14]  }
0x66f: {  	[hbm4b:s19+s18] =	stream.linear.scatter [tilespmem:s12], [sflag:$0x9], $0x2800, $0x38;
	[tilespmem:$0x1C728] =	vst v63  }
0x670: {  	_ =	swait.ge [sflag:s20], $0x2800  }
0x671: {  	[sflag:s20] =	ssyncset.done $0x0  }
0x672: {  	s25 =	simm.s32 $0x0;
	[sflag:s20] =	ssyncadd.s32 $0xFFFFD800  }
0x673: {  	v6 =	vld [tilespmem:s25+$0x1A1A8];
	_ =	sdelay $0x3  }
0x674: {  	s18 =	simm.s32 $0x40  }
.LBB2_36:
0x675: {  	s19 =	sshra.s32 s18, $0x2;
	p3 =	sne.s32 s18, $0x13C0;
	s18 =	sadd.s32 $0x40, s18;
	[tilespmem:s12+$0x0] =	vst v6  }
.Ltmp21:
0x676: {  	v6 =	vld [tilespmem:s19+$0x1A1A8];
	(pc) =	sbr.rel @p3 .LBB2_36-.Ltmp21, $2  }
0x677: {  	_ =	sdelay $0x2  }
0x678: {  	s12 =	sadd.s32 $0x80, s12  }
0x679: {  	[tilespmem:s12+$0x0] =	vst v6;
	s18 =	simm.s32 $0x0;
	s12 =	simm.s32 $0xE308;
	s19 =	rddreg [dreg:$0x15]  }
0x67a: {  	[hbm4b:s19+s18] =	stream.linear.scatter [tilespmem:s12], [sflag:$0x9], $0x2800, $0x38;
	[tilespmem:$0x1C728] =	vst v63  }
0x67b: {  	_ =	swait.ge [sflag:s20], $0x2800  }
0x67c: {  	[sflag:s20] =	ssyncset.done $0x0  }
0x67d: {  	s25 =	simm.s32 $0x0;
	[sflag:s20] =	ssyncadd.s32 $0xFFFFD800  }
0x67e: {  	v6 =	vld [tilespmem:s25+$0x1A6A8];
	_ =	sdelay $0x3  }
0x67f: {  	s18 =	simm.s32 $0x40  }
.LBB2_38:
0x680: {  	s19 =	sshra.s32 s18, $0x2;
	p3 =	sne.s32 s18, $0x13C0;
	s18 =	sadd.s32 $0x40, s18;
	[tilespmem:s12+$0x0] =	vst v6  }
.Ltmp22:
0x681: {  	v6 =	vld [tilespmem:s19+$0x1A6A8];
	(pc) =	sbr.rel @p3 .LBB2_38-.Ltmp22, $2  }
0x682: {  	_ =	sdelay $0x2  }
0x683: {  	s12 =	sadd.s32 $0x80, s12  }
0x684: {  	[tilespmem:s12+$0x0] =	vst v6;
	s18 =	simm.s32 $0x0;
	s12 =	simm.s32 $0xE308;
	s19 =	rddreg [dreg:$0x16]  }
0x685: {  	[hbm4b:s19+s18] =	stream.linear.scatter [tilespmem:s12], [sflag:$0x9], $0x2800, $0x38;
	[tilespmem:$0x1C728] =	vst v63  }
0x686: {  	_ =	swait.ge [sflag:s20], $0x2800  }
0x687: {  	[sflag:s20] =	ssyncset.done $0x0  }
0x688: {  	s25 =	simm.s32 $0x0;
	[sflag:s20] =	ssyncadd.s32 $0xFFFFD800  }
0x689: {  	v6 =	vld [tilespmem:s25+$0x1ABA8];
	_ =	sdelay $0x3  }
0x68a: {  	s18 =	simm.s32 $0x40  }
.LBB2_40:
0x68b: {  	s19 =	sshra.s32 s18, $0x2;
	p3 =	sne.s32 s18, $0x13C0;
	s18 =	sadd.s32 $0x40, s18;
	[tilespmem:s12+$0x0] =	vst v6  }
.Ltmp23:
0x68c: {  	v6 =	vld [tilespmem:s19+$0x1ABA8];
	(pc) =	sbr.rel @p3 .LBB2_40-.Ltmp23, $2  }
0x68d: {  	_ =	sdelay $0x2  }
0x68e: {  	s12 =	sadd.s32 $0x80, s12  }
0x68f: {  	[tilespmem:s12+$0x0] =	vst v6;
	s18 =	simm.s32 $0x0;
	s12 =	simm.s32 $0xE308;
	s19 =	rddreg [dreg:$0x17]  }
0x690: {  	[hbm4b:s19+s18] =	stream.linear.scatter [tilespmem:s12], [sflag:$0x9], $0x2800, $0x38;
	[tilespmem:$0x1C728] =	vst v63  }
0x691: {  	_ =	swait.ge [sflag:s20], $0x2800  }
0x692: {  	[sflag:s20] =	ssyncset.done $0x0  }
0x693: {  	s25 =	simm.s32 $0x0;
	[sflag:s20] =	ssyncadd.s32 $0xFFFFD800  }
0x694: {  	v6 =	vld [tilespmem:s25+$0x1B0A8];
	_ =	sdelay $0x3  }
0x695: {  	s18 =	simm.s32 $0x40  }
.LBB2_42:
0x696: {  	s19 =	sshra.s32 s18, $0x2;
	p3 =	sne.s32 s18, $0x13C0;
	s18 =	sadd.s32 $0x40, s18;
	[tilespmem:s12+$0x0] =	vst v6  }
.Ltmp24:
0x697: {  	v6 =	vld [tilespmem:s19+$0x1B0A8];
	(pc) =	sbr.rel @p3 .LBB2_42-.Ltmp24, $2  }
0x698: {  	_ =	sdelay $0x2  }
0x699: {  	s12 =	sadd.s32 $0x80, s12  }
0x69a: {  	[tilespmem:s12+$0x0] =	vst v6;
	s18 =	simm.s32 $0x0;
	s12 =	simm.s32 $0xE308;
	s19 =	rddreg [dreg:$0x18]  }
0x69b: {  	[hbm4b:s19+s18] =	stream.linear.scatter [tilespmem:s12], [sflag:$0x9], $0x2800, $0x38;
	[tilespmem:$0x1C728] =	vst v63  }
0x69c: {  	_ =	swait.ge [sflag:s20], $0x2800  }
0x69d: {  	[sflag:s20] =	ssyncset.done $0x0  }
0x69e: {  	s25 =	simm.s32 $0x0;
	[sflag:s20] =	ssyncadd.s32 $0xFFFFD800  }
0x69f: {  	v6 =	vld [tilespmem:s25+$0x1B5A8];
	_ =	sdelay $0x3  }
0x6a0: {  	s18 =	simm.s32 $0x40  }
.LBB2_44:
0x6a1: {  	s19 =	sshra.s32 s18, $0x2;
	p3 =	sne.s32 s18, $0x13C0;
	s18 =	sadd.s32 $0x40, s18;
	[tilespmem:s12+$0x0] =	vst v6  }
.Ltmp25:
0x6a2: {  	v6 =	vld [tilespmem:s19+$0x1B5A8];
	(pc) =	sbr.rel @p3 .LBB2_44-.Ltmp25, $2  }
0x6a3: {  	_ =	sdelay $0x2  }
0x6a4: {  	s12 =	sadd.s32 $0x80, s12  }
0x6a5: {  	[tilespmem:s12+$0x0] =	vst v6;
	s18 =	simm.s32 $0x0;
	s12 =	simm.s32 $0xE308;
	s19 =	rddreg [dreg:$0x19]  }
0x6a6: {  	[hbm4b:s19+s18] =	stream.linear.scatter [tilespmem:s12], [sflag:$0x9], $0x2800, $0x38;
	[tilespmem:$0x1C728] =	vst v63  }
0x6a7: {  	_ =	swait.ge [sflag:s20], $0x2800  }
0x6a8: {  	[sflag:s20] =	ssyncset.done $0x0  }
0x6a9: {  	s25 =	simm.s32 $0x0;
	[sflag:s20] =	ssyncadd.s32 $0xFFFFD800  }
0x6aa: {  	v6 =	vld [tilespmem:s25+$0x1BAA8];
	_ =	sdelay $0x3  }
0x6ab: {  	s18 =	simm.s32 $0x40  }
.LBB2_46:
0x6ac: {  	s19 =	sshra.s32 s18, $0x2;
	p3 =	sne.s32 s18, $0x13C0;
	s18 =	sadd.s32 $0x40, s18;
	[tilespmem:s12+$0x0] =	vst v6  }
.Ltmp26:
0x6ad: {  	v6 =	vld [tilespmem:s19+$0x1BAA8];
	(pc) =	sbr.rel @p3 .LBB2_46-.Ltmp26, $2  }
0x6ae: {  	_ =	sdelay $0x2  }
0x6af: {  	s12 =	sadd.s32 $0x80, s12  }
0x6b0: {  	[tilespmem:s12+$0x0] =	vst v6;
	s18 =	simm.s32 $0x0;
	s12 =	simm.s32 $0xE308;
	s19 =	rddreg [dreg:$0x1a]  }
0x6b1: {  	[hbm4b:s19+s18] =	stream.linear.scatter [tilespmem:s12], [sflag:$0x9], $0x2800, $0x38;
	[tilespmem:$0x1C728] =	vst v63  }
0x6b2: {  	_ =	swait.ge [sflag:s20], $0x2800  }
0x6b3: {  	[sflag:s20] =	ssyncset.done $0x0  }
0x6b4: {  	s25 =	simm.s32 $0x0;
	[sflag:s20] =	ssyncadd.s32 $0xFFFFD800  }
0x6b5: {  	v6 =	vld [tilespmem:s25+$0x1BFA8];
	_ =	sdelay $0x3  }
0x6b6: {  	s18 =	simm.s32 $0x40  }
.LBB2_48:
0x6b7: {  	s19 =	sshra.s32 s18, $0x2;
	p3 =	sne.s32 s18, $0x13C0;
	s18 =	sadd.s32 $0x40, s18;
	[tilespmem:s12+$0x0] =	vst v6  }
.Ltmp27:
0x6b8: {  	v6 =	vld [tilespmem:s19+$0x1BFA8];
	(pc) =	sbr.rel @p3 .LBB2_48-.Ltmp27, $2  }
0x6b9: {  	_ =	sdelay $0x2  }
0x6ba: {  	s12 =	sadd.s32 $0x80, s12  }
0x6bb: {  	[tilespmem:s12+$0x0] =	vst v6;
	s18 =	simm.s32 $0x0;
	s12 =	simm.s32 $0xE308;
	s19 =	rddreg [dreg:$0x1c]  }
0x6bc: {  	[hbm4b:s19+s18] =	stream.linear.scatter [tilespmem:s12], [sflag:$0x9], $0x2800, $0x38;
	[tilespmem:$0x1C728] =	vst v63  }
0x6bd: {  	_ =	swait.ge [sflag:s20], $0x2800  }
0x6be: {  	[sflag:s20] =	ssyncset.done $0x0  }
0x6bf: {  	s25 =	simm.s32 $0x0;
	[sflag:s20] =	ssyncadd.s32 $0xFFFFD800  }
0x6c0: {  	v6 =	vld [tilespmem:s25+$0x1C4A8];
	_ =	sdelay $0x3  }
0x6c1: {  	s18 =	simm.s32 $0x40  }
.LBB2_50:
0x6c2: {  	s19 =	sshra.s32 s18, $0x2;
	p3 =	sne.s32 s18, $0x9C0;
	s18 =	sadd.s32 $0x40, s18;
	[tilespmem:s12+$0x0] =	vst v6  }
.Ltmp28:
0x6c3: {  	v6 =	vld [tilespmem:s19+$0x1C4A8];
	(pc) =	sbr.rel @p3 .LBB2_50-.Ltmp28, $2  }
0x6c4: {  	_ =	sdelay $0x2  }
0x6c5: {  	s12 =	sadd.s32 $0x80, s12  }
0x6c6: {  	[tilespmem:s12+$0x0] =	vst v6;
	s25 =	rddreg [dreg:$0x1d]  }
0x6c7: {  	[hbm4b:s25+s7] =	stream.linear.scatter [tilespmem:s28], [sflag:$0x9], $0x1400, $0x38;
	[tilespmem:$0x1C728] =	vst v63  }
.Ltmp29:
0x6c8: {  	_ = 	snop;
	(pc) =	sbr.rel .LBB2_52-.Ltmp29, $4  }
0x6c9: {  	_ =	swait.ge [sflag:s20], $0x1400  }
0x6ca: {  	s18 =	sld [smem:$0x7FC]  }
0x6cb: {  	[sflag:s20] =	ssyncset.done $0x0  }
0x6cc: {  	[sflag:s20] =	ssyncadd.s32 $0xFFFFEC00  }
.LBB2_53:
0x6cd: {  	_ =	sfence.sel $0x180000  }
0x6ce: {  	[bflag:$0x0] =	sbarrier.arrive $0xFFFF  }
0x6cf: {  	_ =	strace $0x90000047  }
0x6d0: {  	[bflag:$0x2] =	sbarrier.arrive $0xFFFF  }
0x6d1: {  	s0 =	rddreg [dreg:$0x7]  }
0x6d2: {  	s0 =	sadd.s32 @!p0 $0x100000, s0  }
0x6d3: {  	[sflag:s0] =	ssyncadd.tile.s32 @!p0 $0x1;
	_ =	shalt  }
.Lfunc_end2:
_tile_overlayer_lowered:
.L_overlay_start_2:
0x6d4: {  	(tag) =	ssettag $0x2  }
0x6d5: {  	s0 =	rddreg [dreg:$0x0];
	s2 =	stileid.u32  }
0x6d6: {  	s1 =	rddreg [dreg:$0x1];
	p0 =	sne.s32 s2, $0x0  }
0x6d7: {  	s3 =	rddreg [dreg:$0x2];
	[bflag:$0x3] =	sbarrier.arrive $0xFFFF;
	s2 =	simm.s32 @!p0 $0x1C09  }
0x6d8: {  	[timem:s3], [sflag:s2] =	dma.local @!p0 [hbm:s0], s1  }
0x6d9: {  	s0 =	simm.s32 @!p0 $0x9  }
0x6da: {  	_ =	swait.ge @!p0 [sflag:s0], s1  }
0x6db: {  	s1 =	ssub.s32 @!p0 $0x0, s1;
	[sflag:s0] =	ssyncset.done @!p0 $0x0  }
0x6dc: {  	[sflag:s0] =	ssyncadd.s32 @!p0 s1  }
0x6dd: {  	[bflag:$0x3] =	sbarrier.arrive $0xFFFF  }
0x6de: {  	_ =	shalt  }

</sc_bundles>
